<compile_context>
chip_gen: v7x
topology: tpu7x:2x2x1
jax: 0.10.2.dev20260603
libtpu: 0.0.44.dev20260713+nightly
codegen_flags: <defaults>
</compile_context>

<pallas_src>
import functools

import jax
import jax.numpy as jnp
from jax import lax
from jax.experimental import pallas as pl
from jax.experimental.pallas import tpu as pltpu
from jax.experimental.pallas import tpu_sc as plsc

_N = 20000
_C = 80
_K = 1000
_KP = 1024
_CONF = 0.05
_IOU = 0.5
_OFF = 4096.0

_NW = 32
_SEG = _N * _C // _NW
_CAP = 256
_REFINE = 3


def _scores_body(cls_ref, ctr_ref, out_ref, t0_ref, rm_ref):
    cs = jax.nn.sigmoid(ctr_ref[...])
    s = jax.nn.sigmoid(cls_ref[...])
    sc = s * cs
    masked = jnp.where(sc > _CONF, sc, 0.0)
    out_ref[...] = masked

    rm = jnp.max(masked, axis=1, keepdims=True)
    rm_ref[...] = rm
    lane = lax.broadcasted_iota(jnp.int32, (1, 128), 1).astype(jnp.float32)
    lo = jnp.float32(_CONF)
    width = (1.0 - _CONF)
    kth = jnp.float32(_K + 1)
    for _ in range(_REFINE):
        step = width / 128.0
        thr = lo + (lane + 1.0) * step
        cnt = jnp.sum((rm > thr).astype(jnp.float32), axis=0, keepdims=True)
        nup = jnp.sum((cnt >= kth).astype(jnp.float32))
        lo = lo + nup * step
        width = step
    t0_ref[0, 0] = lo


_ROWS = _N // _NW
_RMP = 648


def _compact_body(scores_hbm, rm_hbm, t0_hbm, vals_hbm, idxs_hbm,
                  buf_v, rm_v, t0_v, cv_v, ci_v, cnt_ref):
    wid = lax.axis_index("s") * 2 + lax.axis_index("c")
    base = wid * _SEG
    pltpu.sync_copy(scores_hbm.at[pl.ds(base, _SEG)], buf_v)
    pltpu.sync_copy(rm_hbm.at[wid], rm_v)
    pltpu.sync_copy(t0_hbm.at[pl.ds(0, 16)], t0_v)
    t0 = t0_v[...]
    zf = jnp.zeros((16,), jnp.float32)
    zi16 = zf
    zi = jnp.zeros((16,), jnp.int32)
    for i in range(_CAP // 16):
        cv_v[pl.ds(i * 16, 16)] = zf
        ci_v[pl.ds(i * 16, 16)] = zi
    lanes = lax.iota(jnp.int32, 16)
    t0s = t0[0]

    def rstep(r, cnt):
        cnt_ref[0] = cnt
        rmr = rm_v[pl.ds(r, 16)][0]

        @pl.when(rmr > t0s)
        def _():
            rb = r * _C

            def gstep(g, cnt2):
                v = buf_v[pl.ds(rb + g * 16, 16)]
                m = v > t0
                inc = jnp.sum(m.astype(jnp.int32))

                @pl.when((inc > 0) & (cnt2 < _CAP - 16))
                def _():
                    pos = cnt2 + plsc.cumsum(m.astype(jnp.int32)) - 1
                    gidx = lanes + (base + rb + g * 16)
                    plsc.store_scatter(cv_v, [pos], v, mask=m)
                    plsc.store_scatter(ci_v, [pos], gidx, mask=m)

                return cnt2 + jnp.where(cnt2 < _CAP - 16, inc, 0)

            cnt_ref[0] = lax.fori_loop(0, _C // 16, gstep, cnt)

        return cnt_ref[0]

    lax.fori_loop(0, _ROWS, rstep, jnp.int32(0))
    pltpu.sync_copy(cv_v, vals_hbm.at[wid])
    pltpu.sync_copy(ci_v, idxs_hbm.at[wid])


@functools.cache
def _make_compact_kernel():
    return pl.kernel(
        _compact_body,
        out_type=[
            jax.ShapeDtypeStruct((_NW, _CAP), jnp.float32),
            jax.ShapeDtypeStruct((_NW, _CAP), jnp.int32),
        ],
        mesh=plsc.VectorSubcoreMesh(core_axis_name="c", subcore_axis_name="s"),
        compiler_params=pltpu.CompilerParams(needs_layout_passes=False),
        scratch_types=[
            pltpu.VMEM((_SEG,), jnp.float32),
            pltpu.VMEM((_RMP,), jnp.float32),
            pltpu.VMEM((16,), jnp.float32),
            pltpu.VMEM((_CAP,), jnp.float32),
            pltpu.VMEM((_CAP,), jnp.int32),
            pltpu.SMEM((1,), jnp.int32),
        ],
    )


_SR = _NW * _CAP // 128


def _partner(x, d):
    if d < 128:
        lbit = lax.broadcasted_iota(jnp.int32, (_SR, 128), 1) & d
        lowv = pltpu.roll(x, 128 - d, 1)
        upv = pltpu.roll(x, d, 1)
        return jnp.where(lbit == 0, lowv, upv)
    dr = d // 128
    rbit = lax.broadcasted_iota(jnp.int32, (_SR, 128), 0) & dr
    lowv = pltpu.roll(x, _SR - dr, 0)
    upv = pltpu.roll(x, dr, 0)
    return jnp.where(rbit == 0, lowv, upv)


def _sort_body(vals_ref, idxs_ref, ts_ref, ti_ref):
    v = vals_ref[...]
    i = idxs_ref[...]
    fi = (lax.broadcasted_iota(jnp.int32, (_SR, 128), 0) * 128
          + lax.broadcasted_iota(jnp.int32, (_SR, 128), 1))
    nlev = (_SR * 128).bit_length() - 1
    for k in range(1, nlev + 1):
        up = ((fi >> k) & 1) == 0
        for j in reversed(range(k)):
            d = 1 << j
            pv = _partner(v, d)
            pi = _partner(i, d)
            lower = (fi & d) == 0
            self_first = (v > pv) | ((v == pv) & (i < pi))
            choose_self = (lower == up) == self_first
            v = jnp.where(choose_self, v, pv)
            i = jnp.where(choose_self, i, pi)
    ts_ref[...] = v[0:8, :]
    ti_ref[...] = i[0:8, :]


def _nms_body(ts_row_ref, ts_col_ref, ti_col_ref, ti_smem, bbox_ref,
              out_ref, boxes_ref, supu_ref, keep_ref):
    def gb(j, carry):
        r = ti_smem[j] // _C
        boxes_ref[pl.ds(j, 1), :] = bbox_ref[pl.ds(r, 1), :]
        return carry

    lax.fori_loop(0, _KP, gb, 0)

    lab_col = (ti_col_ref[...] % _C).astype(jnp.float32)
    offb = boxes_ref[...] + lab_col * _OFF

    ii = lax.broadcasted_iota(jnp.int32, (_KP, _KP), 0)
    jj = lax.broadcasted_iota(jnp.int32, (_KP, _KP), 1)
    ident = jnp.where(ii == jj, 1.0, 0.0)
    offr = lax.dot_general(offb, ident, (((0,), (0,)), ((), ())),
                           preferred_element_type=jnp.float32)

    x1c, y1c, x2c, y2c = (offb[:, k:k + 1] for k in range(4))
    x1r, y1r, x2r, y2r = (offr[k:k + 1, :] for k in range(4))
    area_c = jnp.maximum(x2c - x1c, 0.0) * jnp.maximum(y2c - y1c, 0.0)
    area_r = jnp.maximum(x2r - x1r, 0.0) * jnp.maximum(y2r - y1r, 0.0)
    ltx = jnp.maximum(x1c, x1r)
    lty = jnp.maximum(y1c, y1r)
    rbx = jnp.minimum(x2c, x2r)
    rby = jnp.minimum(y2c, y2r)
    inter = jnp.maximum(rbx - ltx, 0.0) * jnp.maximum(rby - lty, 0.0)
    union = area_c + area_r - inter
    iou = inter / jnp.maximum(union, 1e-9)
    supu_ref[...] = jnp.where((iou > _IOU) & (jj > ii), 1.0, 0.0)

    valid = jnp.where(ts_row_ref[...] > _CONF, 1.0, 0.0)
    kpad = jnp.where(lax.broadcasted_iota(jnp.int32, (1, _KP), 1) < _K,
                     1.0, 0.0)
    valid = valid * kpad

    def w_cond(c):
        return c[1]

    def w_body(c):
        keep, _ = c
        s = lax.dot_general(keep, supu_ref[...], (((1,), (0,)), ((), ())),
                            preferred_element_type=jnp.float32)
        nk = valid * jnp.where(s > 0.0, 0.0, 1.0)
        changed = jnp.sum(jnp.abs(nk - keep)) > 0.0
        return nk, changed

    keep, _ = lax.while_loop(w_cond, w_body, (valid, True))
    keep_ref[...] = keep

    keep_col = lax.dot_general(ident, keep_ref[...], (((1,), (1,)), ((), ())),
                               preferred_element_type=jnp.float32)

    out_ref[:, 0:4] = boxes_ref[0:_K, :]
    out_ref[:, 4:5] = ts_col_ref[0:_K, :]
    out_ref[:, 5:6] = keep_col[0:_K, :]


def kernel(cls_logits, bbox_reg, centerness, anchors):
    del anchors
    f32 = jnp.float32
    scores, t0, rm = pl.pallas_call(
        _scores_body,
        out_shape=[
            jax.ShapeDtypeStruct((_N, _C), f32),
            jax.ShapeDtypeStruct((1, 1), f32),
            jax.ShapeDtypeStruct((_N, 1), f32),
        ],
        out_specs=[
            pl.BlockSpec(memory_space=pltpu.VMEM),
            pl.BlockSpec(memory_space=pltpu.SMEM),
            pl.BlockSpec(memory_space=pltpu.VMEM),
        ],
    )(cls_logits, centerness.reshape(_N, 1))

    t16 = jnp.broadcast_to(t0.reshape(1), (16,))
    rm2 = jnp.pad(rm.reshape(_NW, _ROWS), ((0, 0), (0, _RMP - _ROWS)))
    vals, idxs = _make_compact_kernel()(scores.reshape(-1), rm2, t16)
    vals = vals.reshape(_SR, 128)
    idxs = idxs.reshape(_SR, 128)

    ts8, ti8 = pl.pallas_call(
        _sort_body,
        out_shape=[
            jax.ShapeDtypeStruct((8, 128), f32),
            jax.ShapeDtypeStruct((8, 128), jnp.int32),
        ],
    )(vals, idxs)

    ts_p = ts8.reshape(_KP)
    ti_p = ti8.reshape(_KP)

    out = pl.pallas_call(
        _nms_body,
        out_shape=jax.ShapeDtypeStruct((_K, 6), f32),
        in_specs=[
            pl.BlockSpec(memory_space=pltpu.VMEM),
            pl.BlockSpec(memory_space=pltpu.VMEM),
            pl.BlockSpec(memory_space=pltpu.VMEM),
            pl.BlockSpec(memory_space=pltpu.SMEM),
            pl.BlockSpec(memory_space=pltpu.VMEM),
        ],
        scratch_shapes=[
            pltpu.VMEM((_KP, 4), f32),
            pltpu.VMEM((_KP, _KP), f32),
            pltpu.VMEM((1, _KP), f32),
        ],
    )(ts_p.reshape(1, _KP), ts_p.reshape(_KP, 1), ti_p.reshape(_KP, 1),
      ti_p, bbox_reg)
    return out

# --- scband reference (transcript-rebuilt; emitter-appended) ---
"""Pipeline reference for scband-hybrid-detection-model-48344151884162 (READ-ONLY COPY).

The authoritative reference and input builder live on the scoring server;
editing this copy changes nothing except your own understanding.
"""

import jax, jax.numpy as jnp
import numpy as np

N = 20000
C = 80
K = 1000
CONF_TH = 0.05
IOU_TH = 0.5
CLS_OFFSET = 4096.0


def pairwise_iou(b):
    area = jnp.maximum(b[:, 2] - b[:, 0], 0.0) * jnp.maximum(b[:, 3] - b[:, 1], 0.0)
    lt = jnp.maximum(b[:, None, :2], b[None, :, :2])
    rb = jnp.minimum(b[:, None, 2:], b[None, :, 2:])
    wh = jnp.maximum(rb - lt, 0.0)
    inter = wh[..., 0] * wh[..., 1]
    union = area[:, None] + area[None, :] - inter
    return inter / jnp.maximum(union, 1e-9)


def setup_inputs(seed: int = 0) -> dict:
    key = jax.random.key(seed)
    k1, k2, k3, k4, k5 = jax.random.split(key, 5)
    cls_logits = jax.random.normal(k1, (N, C), dtype=jnp.float32)
    centerness = jax.random.normal(k2, (N,), dtype=jnp.float32)
    xy = jax.random.uniform(k3, (N, 2), dtype=jnp.float32) * 448.0
    wh = jax.random.uniform(k4, (N, 2), dtype=jnp.float32) * 60.0 + 4.0
    bbox_reg = jnp.concatenate([xy, xy + wh], axis=1)
    anchors = bbox_reg + jax.random.normal(k5, (N, 4), dtype=jnp.float32) * 2.0
    return {"cls_logits": cls_logits, "bbox_reg": bbox_reg, "centerness": centerness, "anchors": anchors}


def reference(cls_logits, bbox_reg, centerness, anchors):
    # post_process path of HybridDetectionModel (eval mode), fixed-size NMS variant.
    cls_probs = jax.nn.sigmoid(cls_logits)                       # [N, C]
    centerness_probs = jax.nn.sigmoid(centerness)                # [N]
    scores = cls_probs * centerness_probs[:, None]               # [N, C]
    # confidence-threshold mask (keep = scores > conf_threshold); zero out instead of dynamic gather
    masked = jnp.where(scores > CONF_TH, scores, 0.0)
    flat = masked.reshape(-1)                                    # [N*C]
    top_s, top_i = jax.lax.top_k(flat, K)                        # pre-NMS top-K candidates
    box_i = top_i // C
    labels = top_i % C
    boxes = bbox_reg[box_i]                                      # [K, 4]
    valid = top_s > CONF_TH
    # batched (class-aware) NMS: offset boxes per class so cross-class boxes never overlap
    off_boxes = boxes + labels[:, None].astype(boxes.dtype) * CLS_OFFSET
    iou = pairwise_iou(off_boxes)                                # [K, K]
    idx = jnp.arange(K)

    def body(i, keep):
        sup = (iou[i] > IOU_TH) & (idx > i) & keep[i]
        return keep & (~sup)

    keep = jax.lax.fori_loop(0, K, body, valid)
    out = jnp.concatenate([boxes, top_s[:, None], keep.astype(jnp.float32)[:, None]], axis=1)  # [K, 6]
    return out

if __name__ == "__main__":
    import jax
    _d = setup_inputs()
    print(jax.jit(kernel)(*tuple(_d.values())))

</pallas_src>

<mosaic_0001>
#map = affine_map<(d0, d1) -> (0)>
#map1 = affine_map<(d0, d1) -> (0, 0)>
module attributes {stable_mosaic.version = 14 : i64} {
  func.func @_compact_body(%arg0: i32, %arg1: i32, %arg2: memref<1600000xf32, #tpu.memory_space<hbm>>, %arg3: memref<32x648xf32, #tpu.memory_space<hbm>>, %arg4: memref<16xf32, #tpu.memory_space<hbm>>, %arg5: memref<32x256xf32, #tpu.memory_space<hbm>>, %arg6: memref<32x256xi32, #tpu.memory_space<hbm>>, %arg7: memref<50000xf32, #tpu.memory_space<vmem>>, %arg8: memref<648xf32, #tpu.memory_space<vmem>>, %arg9: memref<16xf32, #tpu.memory_space<vmem>>, %arg10: memref<256xf32, #tpu.memory_space<vmem>>, %arg11: memref<256xi32, #tpu.memory_space<vmem>>, %arg12: memref<1xi32, #tpu.memory_space<smem>>) attributes {dimension_semantics = [#tpu.dimension_semantics<core_parallel>, #tpu.dimension_semantics<subcore_parallel>], iteration_bounds = array<i64: 2, 16>, scalar_prefetch = 0 : i64, scratch_operands = 6 : i64, tpu.core_type = #tpu.core_type<sc_vector_subcore>, window_params = [{transform_indices = #map}, {transform_indices = #map1}, {transform_indices = #map}, {transform_indices = #map1}, {transform_indices = #map1}]} {
    %mul3A = arith.constant 2 : i32
    %mul3A_0 = arith.muli %arg1, %mul3A : i32
    %add3A = arith.addi %mul3A_0, %arg0 : i32
    %mul3A_1 = arith.constant 50000 : i32
    %mul3A_2 = arith.muli %add3A, %mul3A_1 : i32
    "tpu.region"() ({
      %run_scoped3A = tpu.sem_alloc : memref<!tpu.dma_semaphore, #tpu.memory_space<semaphore_mem>>
      %dma_start3A = tpu.memref_slice %arg2[%mul3A_2] : memref<1600000xf32, #tpu.memory_space<hbm>> -> memref<50000xf32, #tpu.memory_space<hbm>>
      %dma_start3A_76 = tpu.memref_slice %arg2[%mul3A_2] : memref<1600000xf32, #tpu.memory_space<hbm>> -> memref<50000xf32, #tpu.memory_space<hbm>>
      tpu.enqueue_dma source(%dma_start3A_76 : memref<50000xf32, #tpu.memory_space<hbm>>) target(%arg7 : memref<50000xf32, #tpu.memory_space<vmem>>) target_semaphore(%run_scoped3A : memref<!tpu.dma_semaphore, #tpu.memory_space<semaphore_mem>>)
      %dma_wait3A = tpu.memref_slice %arg2[%mul3A_2] : memref<1600000xf32, #tpu.memory_space<hbm>> -> memref<50000xf32, #tpu.memory_space<hbm>>
      %dma_wait3A_77 = tpu.memref_slice %arg2[%mul3A_2] : memref<1600000xf32, #tpu.memory_space<hbm>> -> memref<50000xf32, #tpu.memory_space<hbm>>
      tpu.wait_dma2 semaphore(%run_scoped3A : memref<!tpu.dma_semaphore, #tpu.memory_space<semaphore_mem>>) src(%dma_wait3A_77 : memref<50000xf32, #tpu.memory_space<hbm>>) dst(%arg7 : memref<50000xf32, #tpu.memory_space<vmem>>)
      tpu.yield
    }) : () -> ()
    "tpu.region"() ({
      %run_scoped3A = tpu.sem_alloc : memref<!tpu.dma_semaphore, #tpu.memory_space<semaphore_mem>>
      %dma_start3A = arith.constant 0 : i32
      %dma_start3A_76 = tpu.memref_slice %arg3[%add3A, %dma_start3A] : memref<32x648xf32, #tpu.memory_space<hbm>> -> memref<1x648xf32, #tpu.memory_space<hbm>>
      %dma_start3A_77 = tpu.memref_squeeze %dma_start3A_76 : memref<1x648xf32, #tpu.memory_space<hbm>> -> memref<648xf32, #tpu.memory_space<hbm>>
      %dma_start3A_78 = arith.constant 0 : i32
      %dma_start3A_79 = tpu.memref_slice %arg3[%add3A, %dma_start3A_78] : memref<32x648xf32, #tpu.memory_space<hbm>> -> memref<1x648xf32, #tpu.memory_space<hbm>>
      %dma_start3A_80 = tpu.memref_squeeze %dma_start3A_79 : memref<1x648xf32, #tpu.memory_space<hbm>> -> memref<648xf32, #tpu.memory_space<hbm>>
      tpu.enqueue_dma source(%dma_start3A_80 : memref<648xf32, #tpu.memory_space<hbm>>) target(%arg8 : memref<648xf32, #tpu.memory_space<vmem>>) target_semaphore(%run_scoped3A : memref<!tpu.dma_semaphore, #tpu.memory_space<semaphore_mem>>)
      %dma_wait3A = arith.constant 0 : i32
      %dma_wait3A_81 = tpu.memref_slice %arg3[%add3A, %dma_wait3A] : memref<32x648xf32, #tpu.memory_space<hbm>> -> memref<1x648xf32, #tpu.memory_space<hbm>>
      %dma_wait3A_82 = tpu.memref_squeeze %dma_wait3A_81 : memref<1x648xf32, #tpu.memory_space<hbm>> -> memref<648xf32, #tpu.memory_space<hbm>>
      %dma_wait3A_83 = arith.constant 0 : i32
      %dma_wait3A_84 = tpu.memref_slice %arg3[%add3A, %dma_wait3A_83] : memref<32x648xf32, #tpu.memory_space<hbm>> -> memref<1x648xf32, #tpu.memory_space<hbm>>
      %dma_wait3A_85 = tpu.memref_squeeze %dma_wait3A_84 : memref<1x648xf32, #tpu.memory_space<hbm>> -> memref<648xf32, #tpu.memory_space<hbm>>
      tpu.wait_dma2 semaphore(%run_scoped3A : memref<!tpu.dma_semaphore, #tpu.memory_space<semaphore_mem>>) src(%dma_wait3A_85 : memref<648xf32, #tpu.memory_space<hbm>>) dst(%arg8 : memref<648xf32, #tpu.memory_space<vmem>>)
      tpu.yield
    }) : () -> ()
    "tpu.region"() ({
      %run_scoped3A = tpu.sem_alloc : memref<!tpu.dma_semaphore, #tpu.memory_space<semaphore_mem>>
      %dma_start3A = arith.constant 0 : i32
      %dma_start3A_76 = tpu.memref_slice %arg4[%dma_start3A] : memref<16xf32, #tpu.memory_space<hbm>> -> memref<16xf32, #tpu.memory_space<hbm>>
      %dma_start3A_77 = arith.constant 0 : i32
      %dma_start3A_78 = tpu.memref_slice %arg4[%dma_start3A_77] : memref<16xf32, #tpu.memory_space<hbm>> -> memref<16xf32, #tpu.memory_space<hbm>>
      tpu.enqueue_dma source(%dma_start3A_78 : memref<16xf32, #tpu.memory_space<hbm>>) target(%arg9 : memref<16xf32, #tpu.memory_space<vmem>>) target_semaphore(%run_scoped3A : memref<!tpu.dma_semaphore, #tpu.memory_space<semaphore_mem>>)
      %dma_wait3A = arith.constant 0 : i32
      %dma_wait3A_79 = tpu.memref_slice %arg4[%dma_wait3A] : memref<16xf32, #tpu.memory_space<hbm>> -> memref<16xf32, #tpu.memory_space<hbm>>
      %dma_wait3A_80 = arith.constant 0 : i32
      %dma_wait3A_81 = tpu.memref_slice %arg4[%dma_wait3A_80] : memref<16xf32, #tpu.memory_space<hbm>> -> memref<16xf32, #tpu.memory_space<hbm>>
      tpu.wait_dma2 semaphore(%run_scoped3A : memref<!tpu.dma_semaphore, #tpu.memory_space<semaphore_mem>>) src(%dma_wait3A_81 : memref<16xf32, #tpu.memory_space<hbm>>) dst(%arg9 : memref<16xf32, #tpu.memory_space<vmem>>)
      tpu.yield
    }) : () -> ()
    %get3A = arith.constant 0 : index
    %get3A_3 = tpu.vector_load %arg9[%get3A] {strides = array<i32>} : memref<16xf32, #tpu.memory_space<vmem>>, vector<16xf32>,
    %broadcast_in_dim3A = arith.constant 0.000000e+00 : f32
    %broadcast_in_dim3A_4 = vector.broadcast %broadcast_in_dim3A : f32 to vector<16xf32>
    %broadcast_in_dim3A_5 = arith.constant 0 : i32
    %broadcast_in_dim3A_6 = vector.broadcast %broadcast_in_dim3A_5 : i32 to vector<16xi32>
    %swap3A = arith.constant 0 : index
    %swap3A_7 = tpu.vector_load %arg10[%swap3A] {strides = array<i32>} : memref<256xf32, #tpu.memory_space<vmem>>, vector<16xf32>,
    tpu.vector_store %arg10[%swap3A], %broadcast_in_dim3A_4 {strides = array<i32>} : memref<256xf32, #tpu.memory_space<vmem>>, vector<16xf32>,
    %swap3A_8 = arith.constant 0 : index
    %swap3A_9 = tpu.vector_load %arg11[%swap3A_8] {strides = array<i32>} : memref<256xi32, #tpu.memory_space<vmem>>, vector<16xi32>,
    tpu.vector_store %arg11[%swap3A_8], %broadcast_in_dim3A_6 {strides = array<i32>} : memref<256xi32, #tpu.memory_space<vmem>>, vector<16xi32>,
    %swap3A_10 = arith.constant 16 : index
    %swap3A_11 = tpu.vector_load %arg10[%swap3A_10] {strides = array<i32>} : memref<256xf32, #tpu.memory_space<vmem>>, vector<16xf32>,
    tpu.vector_store %arg10[%swap3A_10], %broadcast_in_dim3A_4 {strides = array<i32>} : memref<256xf32, #tpu.memory_space<vmem>>, vector<16xf32>,
    %swap3A_12 = arith.constant 16 : index
    %swap3A_13 = tpu.vector_load %arg11[%swap3A_12] {strides = array<i32>} : memref<256xi32, #tpu.memory_space<vmem>>, vector<16xi32>,
    tpu.vector_store %arg11[%swap3A_12], %broadcast_in_dim3A_6 {strides = array<i32>} : memref<256xi32, #tpu.memory_space<vmem>>, vector<16xi32>,
    %swap3A_14 = arith.constant 32 : index
    %swap3A_15 = tpu.vector_load %arg10[%swap3A_14] {strides = array<i32>} : memref<256xf32, #tpu.memory_space<vmem>>, vector<16xf32>,
    tpu.vector_store %arg10[%swap3A_14], %broadcast_in_dim3A_4 {strides = array<i32>} : memref<256xf32, #tpu.memory_space<vmem>>, vector<16xf32>,
    %swap3A_16 = arith.constant 32 : index
    %swap3A_17 = tpu.vector_load %arg11[%swap3A_16] {strides = array<i32>} : memref<256xi32, #tpu.memory_space<vmem>>, vector<16xi32>,
    tpu.vector_store %arg11[%swap3A_16], %broadcast_in_dim3A_6 {strides = array<i32>} : memref<256xi32, #tpu.memory_space<vmem>>, vector<16xi32>,
    %swap3A_18 = arith.constant 48 : index
    %swap3A_19 = tpu.vector_load %arg10[%swap3A_18] {strides = array<i32>} : memref<256xf32, #tpu.memory_space<vmem>>, vector<16xf32>,
    tpu.vector_store %arg10[%swap3A_18], %broadcast_in_dim3A_4 {strides = array<i32>} : memref<256xf32, #tpu.memory_space<vmem>>, vector<16xf32>,
    %swap3A_20 = arith.constant 48 : index
    %swap3A_21 = tpu.vector_load %arg11[%swap3A_20] {strides = array<i32>} : memref<256xi32, #tpu.memory_space<vmem>>, vector<16xi32>,
    tpu.vector_store %arg11[%swap3A_20], %broadcast_in_dim3A_6 {strides = array<i32>} : memref<256xi32, #tpu.memory_space<vmem>>, vector<16xi32>,
    %swap3A_22 = arith.constant 64 : index
    %swap3A_23 = tpu.vector_load %arg10[%swap3A_22] {strides = array<i32>} : memref<256xf32, #tpu.memory_space<vmem>>, vector<16xf32>,
    tpu.vector_store %arg10[%swap3A_22], %broadcast_in_dim3A_4 {strides = array<i32>} : memref<256xf32, #tpu.memory_space<vmem>>, vector<16xf32>,
    %swap3A_24 = arith.constant 64 : index
    %swap3A_25 = tpu.vector_load %arg11[%swap3A_24] {strides = array<i32>} : memref<256xi32, #tpu.memory_space<vmem>>, vector<16xi32>,
    tpu.vector_store %arg11[%swap3A_24], %broadcast_in_dim3A_6 {strides = array<i32>} : memref<256xi32, #tpu.memory_space<vmem>>, vector<16xi32>,
    %swap3A_26 = arith.constant 80 : index
    %swap3A_27 = tpu.vector_load %arg10[%swap3A_26] {strides = array<i32>} : memref<256xf32, #tpu.memory_space<vmem>>, vector<16xf32>,
    tpu.vector_store %arg10[%swap3A_26], %broadcast_in_dim3A_4 {strides = array<i32>} : memref<256xf32, #tpu.memory_space<vmem>>, vector<16xf32>,
    %swap3A_28 = arith.constant 80 : index
    %swap3A_29 = tpu.vector_load %arg11[%swap3A_28] {strides = array<i32>} : memref<256xi32, #tpu.memory_space<vmem>>, vector<16xi32>,
    tpu.vector_store %arg11[%swap3A_28], %broadcast_in_dim3A_6 {strides = array<i32>} : memref<256xi32, #tpu.memory_space<vmem>>, vector<16xi32>,
    %swap3A_30 = arith.constant 96 : index
    %swap3A_31 = tpu.vector_load %arg10[%swap3A_30] {strides = array<i32>} : memref<256xf32, #tpu.memory_space<vmem>>, vector<16xf32>,
    tpu.vector_store %arg10[%swap3A_30], %broadcast_in_dim3A_4 {strides = array<i32>} : memref<256xf32, #tpu.memory_space<vmem>>, vector<16xf32>,
    %swap3A_32 = arith.constant 96 : index
    %swap3A_33 = tpu.vector_load %arg11[%swap3A_32] {strides = array<i32>} : memref<256xi32, #tpu.memory_space<vmem>>, vector<16xi32>,
    tpu.vector_store %arg11[%swap3A_32], %broadcast_in_dim3A_6 {strides = array<i32>} : memref<256xi32, #tpu.memory_space<vmem>>, vector<16xi32>,
    %swap3A_34 = arith.constant 112 : index
    %swap3A_35 = tpu.vector_load %arg10[%swap3A_34] {strides = array<i32>} : memref<256xf32, #tpu.memory_space<vmem>>, vector<16xf32>,
    tpu.vector_store %arg10[%swap3A_34], %broadcast_in_dim3A_4 {strides = array<i32>} : memref<256xf32, #tpu.memory_space<vmem>>, vector<16xf32>,
    %swap3A_36 = arith.constant 112 : index
    %swap3A_37 = tpu.vector_load %arg11[%swap3A_36] {strides = array<i32>} : memref<256xi32, #tpu.memory_space<vmem>>, vector<16xi32>,
    tpu.vector_store %arg11[%swap3A_36], %broadcast_in_dim3A_6 {strides = array<i32>} : memref<256xi32, #tpu.memory_space<vmem>>, vector<16xi32>,
    %swap3A_38 = arith.constant 128 : index
    %swap3A_39 = tpu.vector_load %arg10[%swap3A_38] {strides = array<i32>} : memref<256xf32, #tpu.memory_space<vmem>>, vector<16xf32>,
    tpu.vector_store %arg10[%swap3A_38], %broadcast_in_dim3A_4 {strides = array<i32>} : memref<256xf32, #tpu.memory_space<vmem>>, vector<16xf32>,
    %swap3A_40 = arith.constant 128 : index
    %swap3A_41 = tpu.vector_load %arg11[%swap3A_40] {strides = array<i32>} : memref<256xi32, #tpu.memory_space<vmem>>, vector<16xi32>,
    tpu.vector_store %arg11[%swap3A_40], %broadcast_in_dim3A_6 {strides = array<i32>} : memref<256xi32, #tpu.memory_space<vmem>>, vector<16xi32>,
    %swap3A_42 = arith.constant 144 : index
    %swap3A_43 = tpu.vector_load %arg10[%swap3A_42] {strides = array<i32>} : memref<256xf32, #tpu.memory_space<vmem>>, vector<16xf32>,
    tpu.vector_store %arg10[%swap3A_42], %broadcast_in_dim3A_4 {strides = array<i32>} : memref<256xf32, #tpu.memory_space<vmem>>, vector<16xf32>,
    %swap3A_44 = arith.constant 144 : index
    %swap3A_45 = tpu.vector_load %arg11[%swap3A_44] {strides = array<i32>} : memref<256xi32, #tpu.memory_space<vmem>>, vector<16xi32>,
    tpu.vector_store %arg11[%swap3A_44], %broadcast_in_dim3A_6 {strides = array<i32>} : memref<256xi32, #tpu.memory_space<vmem>>, vector<16xi32>,
    %swap3A_46 = arith.constant 160 : index
    %swap3A_47 = tpu.vector_load %arg10[%swap3A_46] {strides = array<i32>} : memref<256xf32, #tpu.memory_space<vmem>>, vector<16xf32>,
    tpu.vector_store %arg10[%swap3A_46], %broadcast_in_dim3A_4 {strides = array<i32>} : memref<256xf32, #tpu.memory_space<vmem>>, vector<16xf32>,
    %swap3A_48 = arith.constant 160 : index
    %swap3A_49 = tpu.vector_load %arg11[%swap3A_48] {strides = array<i32>} : memref<256xi32, #tpu.memory_space<vmem>>, vector<16xi32>,
    tpu.vector_store %arg11[%swap3A_48], %broadcast_in_dim3A_6 {strides = array<i32>} : memref<256xi32, #tpu.memory_space<vmem>>, vector<16xi32>,
    %swap3A_50 = arith.constant 176 : index
    %swap3A_51 = tpu.vector_load %arg10[%swap3A_50] {strides = array<i32>} : memref<256xf32, #tpu.memory_space<vmem>>, vector<16xf32>,
    tpu.vector_store %arg10[%swap3A_50], %broadcast_in_dim3A_4 {strides = array<i32>} : memref<256xf32, #tpu.memory_space<vmem>>, vector<16xf32>,
    %swap3A_52 = arith.constant 176 : index
    %swap3A_53 = tpu.vector_load %arg11[%swap3A_52] {strides = array<i32>} : memref<256xi32, #tpu.memory_space<vmem>>, vector<16xi32>,
    tpu.vector_store %arg11[%swap3A_52], %broadcast_in_dim3A_6 {strides = array<i32>} : memref<256xi32, #tpu.memory_space<vmem>>, vector<16xi32>,
    %swap3A_54 = arith.constant 192 : index
    %swap3A_55 = tpu.vector_load %arg10[%swap3A_54] {strides = array<i32>} : memref<256xf32, #tpu.memory_space<vmem>>, vector<16xf32>,
    tpu.vector_store %arg10[%swap3A_54], %broadcast_in_dim3A_4 {strides = array<i32>} : memref<256xf32, #tpu.memory_space<vmem>>, vector<16xf32>,
    %swap3A_56 = arith.constant 192 : index
    %swap3A_57 = tpu.vector_load %arg11[%swap3A_56] {strides = array<i32>} : memref<256xi32, #tpu.memory_space<vmem>>, vector<16xi32>,
    tpu.vector_store %arg11[%swap3A_56], %broadcast_in_dim3A_6 {strides = array<i32>} : memref<256xi32, #tpu.memory_space<vmem>>, vector<16xi32>,
    %swap3A_58 = arith.constant 208 : index
    %swap3A_59 = tpu.vector_load %arg10[%swap3A_58] {strides = array<i32>} : memref<256xf32, #tpu.memory_space<vmem>>, vector<16xf32>,
    tpu.vector_store %arg10[%swap3A_58], %broadcast_in_dim3A_4 {strides = array<i32>} : memref<256xf32, #tpu.memory_space<vmem>>, vector<16xf32>,
    %swap3A_60 = arith.constant 208 : index
    %swap3A_61 = tpu.vector_load %arg11[%swap3A_60] {strides = array<i32>} : memref<256xi32, #tpu.memory_space<vmem>>, vector<16xi32>,
    tpu.vector_store %arg11[%swap3A_60], %broadcast_in_dim3A_6 {strides = array<i32>} : memref<256xi32, #tpu.memory_space<vmem>>, vector<16xi32>,
    %swap3A_62 = arith.constant 224 : index
    %swap3A_63 = tpu.vector_load %arg10[%swap3A_62] {strides = array<i32>} : memref<256xf32, #tpu.memory_space<vmem>>, vector<16xf32>,
    tpu.vector_store %arg10[%swap3A_62], %broadcast_in_dim3A_4 {strides = array<i32>} : memref<256xf32, #tpu.memory_space<vmem>>, vector<16xf32>,
    %swap3A_64 = arith.constant 224 : index
    %swap3A_65 = tpu.vector_load %arg11[%swap3A_64] {strides = array<i32>} : memref<256xi32, #tpu.memory_space<vmem>>, vector<16xi32>,
    tpu.vector_store %arg11[%swap3A_64], %broadcast_in_dim3A_6 {strides = array<i32>} : memref<256xi32, #tpu.memory_space<vmem>>, vector<16xi32>,
    %swap3A_66 = arith.constant 240 : index
    %swap3A_67 = tpu.vector_load %arg10[%swap3A_66] {strides = array<i32>} : memref<256xf32, #tpu.memory_space<vmem>>, vector<16xf32>,
    tpu.vector_store %arg10[%swap3A_66], %broadcast_in_dim3A_4 {strides = array<i32>} : memref<256xf32, #tpu.memory_space<vmem>>, vector<16xf32>,
    %swap3A_68 = arith.constant 240 : index
    %swap3A_69 = tpu.vector_load %arg11[%swap3A_68] {strides = array<i32>} : memref<256xi32, #tpu.memory_space<vmem>>, vector<16xi32>,
    tpu.vector_store %arg11[%swap3A_68], %broadcast_in_dim3A_6 {strides = array<i32>} : memref<256xi32, #tpu.memory_space<vmem>>, vector<16xi32>,
    %iota3A = tpu.iota {dimensions = array<i32: 0>} : vector<16xi32>
    %slice3A = vector.extract_strided_slice %get3A_3 {offsets = [0], sizes = [1], strides = [1]} : vector<16xf32> to vector<1xf32>
    %squeeze3A = vector.extract %slice3A[0] : f32 from vector<1xf32>
    %scan3A = arith.constant 0 : i32
    %scan3A_70 = arith.constant 0 : i32
    %scan3A_71 = arith.constant 625 : i32
    %scan3A_72 = arith.addi %scan3A_70, %scan3A_71 : i32
    %scan3A_73 = arith.constant 1 : i32
    %scan3A_74 = scf.for %scan3A_76 = %scan3A_70 to %scan3A_72 step %scan3A_73 iter_args(%scan3A_77 = %scan3A) -> (i32)  : i32 {
      %swap3A_78 = arith.constant 0 : i32
      %swap3A_79 = arith.index_cast %swap3A_78 : i32 to index
      %swap3A_80 = memref.load %arg12[%swap3A_79] : memref<1xi32, #tpu.memory_space<smem>>
      memref.store %scan3A_77, %arg12[%swap3A_79] : memref<1xi32, #tpu.memory_space<smem>>
      %get3A_81 = arith.index_cast %scan3A_76 : i32 to index
      %get3A_82 = tpu.vector_load %arg8[%get3A_81] {strides = array<i32>} : memref<648xf32, #tpu.memory_space<vmem>>, vector<16xf32>,
      %slice3A_83 = vector.extract_strided_slice %get3A_82 {offsets = [0], sizes = [1], strides = [1]} : vector<16xf32> to vector<1xf32>
      %squeeze3A_84 = vector.extract %slice3A_83[0] : f32 from vector<1xf32>
      %gt3A = arith.cmpf ogt, %squeeze3A_84, %squeeze3A : f32
      %convert_element_type3A = arith.extui %gt3A : i1 to i32
      %cond3A = arith.constant 0 : i32
      %cond3A_85 = arith.cmpi ne, %convert_element_type3A, %cond3A : i32
      scf.if %cond3A_85 {
        %mul3A_89 = arith.constant 80 : i32
        %mul3A_90 = arith.muli %scan3A_76, %mul3A_89 : i32
        %scan3A_91 = arith.constant 0 : i32
        %scan3A_92 = arith.constant 5 : i32
        %scan3A_93 = arith.addi %scan3A_91, %scan3A_92 : i32
        %scan3A_94 = arith.constant 1 : i32
        %scan3A_95 = scf.for %scan3A_100 = %scan3A_91 to %scan3A_93 step %scan3A_94 iter_args(%scan3A_101 = %scan3A_77) -> (i32)  : i32 {
          %mul3A_102 = arith.constant 16 : i32
          %mul3A_103 = arith.muli %scan3A_100, %mul3A_102 : i32
          %add3A_104 = arith.addi %mul3A_90, %mul3A_103 : i32
          %get3A_105 = arith.index_cast %add3A_104 : i32 to index
          %get3A_106 = tpu.vector_load %arg7[%get3A_105] {strides = array<i32>} : memref<50000xf32, #tpu.memory_space<vmem>>, vector<16xf32>,
          %gt3A_107 = arith.cmpf ogt, %get3A_106, %get3A_3 : vector<16xf32>
          %convert_element_type3A_108 = arith.extui %gt3A_107 : vector<16xi1> to vector<16xi32>
          %reduce_sum3A = arith.constant true
          %reduce_sum3A_109 = vector.broadcast %reduce_sum3A : i1 to vector<16xi1>
          %reduce_sum3A_110 = tpu.scan <sum>, %convert_element_type3A_108 masked %reduce_sum3A_109 : vector<16xi32>, vector<16xi1> -> vector<16xi32>
          %reduce_sum3A_111 = vector.extract %reduce_sum3A_110[15] : i32 from vector<16xi32>
          %gt3A_112 = arith.constant 0 : i32
          %gt3A_113 = arith.cmpi sgt, %reduce_sum3A_111, %gt3A_112 : i32
          %lt3A = arith.constant 240 : i32
          %lt3A_114 = arith.cmpi slt, %scan3A_101, %lt3A : i32
          %and3A = arith.andi %gt3A_113, %lt3A_114 : i1
          %convert_element_type3A_115 = arith.extui %and3A : i1 to i32
          %cond3A_116 = arith.constant 0 : i32
          %cond3A_117 = arith.cmpi ne, %convert_element_type3A_115, %cond3A_116 : i32
          scf.if %cond3A_117 {
            %convert_element_type3A_121 = arith.extui %gt3A_107 : vector<16xi1> to vector<16xi32>
            %broadcast_in_dim3A_122 = arith.constant true
            %broadcast_in_dim3A_123 = vector.broadcast %broadcast_in_dim3A_122 : i1 to vector<16xi1>
            %masked_cumsum3A = tpu.scan <sum>, %convert_element_type3A_121 masked %broadcast_in_dim3A_123 : vector<16xi32>, vector<16xi1> -> vector<16xi32>
            %add3A_124 = vector.broadcast %scan3A_101 : i32 to vector<16xi32>
            %add3A_125 = arith.addi %add3A_124, %masked_cumsum3A : vector<16xi32>
            %sub3A = arith.constant 1 : i32
            %sub3A_126 = vector.broadcast %sub3A : i32 to vector<16xi32>
            %sub3A_127 = arith.subi %add3A_125, %sub3A_126 : vector<16xi32>
            %add3A_128 = arith.addi %mul3A_2, %mul3A_90 : i32
            %mul3A_129 = arith.constant 16 : i32
            %mul3A_130 = arith.muli %scan3A_100, %mul3A_129 : i32
            %add3A_131 = arith.addi %add3A_128, %mul3A_130 : i32
            %add3A_132 = vector.broadcast %add3A_131 : i32 to vector<16xi32>
            %add3A_133 = arith.addi %iota3A, %add3A_132 : vector<16xi32>
            tpu.vector_store_idx %arg10[%sub3A_127], %get3A_106 masked %gt3A_107 : memref<256xf32, #tpu.memory_space<vmem>>[vector<16xi32>], vector<16xf32>, vector<16xi1>
            tpu.vector_store_idx %arg11[%sub3A_127], %add3A_133 masked %gt3A_107 : memref<256xi32, #tpu.memory_space<vmem>>[vector<16xi32>], vector<16xi32>, vector<16xi1>
          } else {
          }
          %lt3A_118 = arith.constant 240 : i32
          %lt3A_119 = arith.cmpi slt, %scan3A_101, %lt3A_118 : i32
          %jit3A = arith.constant 0 : i32
          %select_n3A = arith.select %lt3A_119, %reduce_sum3A_111, %jit3A : i32
          %add3A_120 = arith.addi %scan3A_101, %select_n3A : i32
          scf.yield %add3A_120 : i32
        }
        %scan3A_96 = arith.constant 5 : i32
        %swap3A_97 = arith.constant 0 : i32
        %swap3A_98 = arith.index_cast %swap3A_97 : i32 to index
        %swap3A_99 = memref.load %arg12[%swap3A_98] : memref<1xi32, #tpu.memory_space<smem>>
        memref.store %scan3A_95, %arg12[%swap3A_98] : memref<1xi32, #tpu.memory_space<smem>>
      } else {
      }
      %get3A_86 = arith.constant 0 : i32
      %get3A_87 = arith.index_cast %get3A_86 : i32 to index
      %get3A_88 = memref.load %arg12[%get3A_87] : memref<1xi32, #tpu.memory_space<smem>>
      scf.yield %get3A_88 : i32
    }
    %scan3A_75 = arith.constant 625 : i32
    "tpu.region"() ({
      %run_scoped3A = tpu.sem_alloc : memref<!tpu.dma_semaphore, #tpu.memory_space<semaphore_mem>>
      %dma_start3A = arith.constant 0 : i32
      %dma_start3A_76 = tpu.memref_slice %arg5[%add3A, %dma_start3A] : memref<32x256xf32, #tpu.memory_space<hbm>> -> memref<1x256xf32, #tpu.memory_space<hbm>>
      %dma_start3A_77 = tpu.memref_squeeze %dma_start3A_76 : memref<1x256xf32, #tpu.memory_space<hbm>> -> memref<256xf32, #tpu.memory_space<hbm>>
      %dma_start3A_78 = arith.constant 0 : i32
      %dma_start3A_79 = tpu.memref_slice %arg5[%add3A, %dma_start3A_78] : memref<32x256xf32, #tpu.memory_space<hbm>> -> memref<1x256xf32, #tpu.memory_space<hbm>>
      %dma_start3A_80 = tpu.memref_squeeze %dma_start3A_79 : memref<1x256xf32, #tpu.memory_space<hbm>> -> memref<256xf32, #tpu.memory_space<hbm>>
      tpu.enqueue_dma source(%arg10 : memref<256xf32, #tpu.memory_space<vmem>>) target(%dma_start3A_80 : memref<256xf32, #tpu.memory_space<hbm>>) target_semaphore(%run_scoped3A : memref<!tpu.dma_semaphore, #tpu.memory_space<semaphore_mem>>)
      %dma_wait3A = arith.constant 0 : i32
      %dma_wait3A_81 = tpu.memref_slice %arg5[%add3A, %dma_wait3A] : memref<32x256xf32, #tpu.memory_space<hbm>> -> memref<1x256xf32, #tpu.memory_space<hbm>>
      %dma_wait3A_82 = tpu.memref_squeeze %dma_wait3A_81 : memref<1x256xf32, #tpu.memory_space<hbm>> -> memref<256xf32, #tpu.memory_space<hbm>>
      %dma_wait3A_83 = arith.constant 0 : i32
      %dma_wait3A_84 = tpu.memref_slice %arg5[%add3A, %dma_wait3A_83] : memref<32x256xf32, #tpu.memory_space<hbm>> -> memref<1x256xf32, #tpu.memory_space<hbm>>
      %dma_wait3A_85 = tpu.memref_squeeze %dma_wait3A_84 : memref<1x256xf32, #tpu.memory_space<hbm>> -> memref<256xf32, #tpu.memory_space<hbm>>
      tpu.wait_dma2 semaphore(%run_scoped3A : memref<!tpu.dma_semaphore, #tpu.memory_space<semaphore_mem>>) src(%arg10 : memref<256xf32, #tpu.memory_space<vmem>>) dst(%dma_wait3A_85 : memref<256xf32, #tpu.memory_space<hbm>>)
      tpu.yield
    }) : () -> ()
    "tpu.region"() ({
      %run_scoped3A = tpu.sem_alloc : memref<!tpu.dma_semaphore, #tpu.memory_space<semaphore_mem>>
      %dma_start3A = arith.constant 0 : i32
      %dma_start3A_76 = tpu.memref_slice %arg6[%add3A, %dma_start3A] : memref<32x256xi32, #tpu.memory_space<hbm>> -> memref<1x256xi32, #tpu.memory_space<hbm>>
      %dma_start3A_77 = tpu.memref_squeeze %dma_start3A_76 : memref<1x256xi32, #tpu.memory_space<hbm>> -> memref<256xi32, #tpu.memory_space<hbm>>
      %dma_start3A_78 = arith.constant 0 : i32
      %dma_start3A_79 = tpu.memref_slice %arg6[%add3A, %dma_start3A_78] : memref<32x256xi32, #tpu.memory_space<hbm>> -> memref<1x256xi32, #tpu.memory_space<hbm>>
      %dma_start3A_80 = tpu.memref_squeeze %dma_start3A_79 : memref<1x256xi32, #tpu.memory_space<hbm>> -> memref<256xi32, #tpu.memory_space<hbm>>
      tpu.enqueue_dma source(%arg11 : memref<256xi32, #tpu.memory_space<vmem>>) target(%dma_start3A_80 : memref<256xi32, #tpu.memory_space<hbm>>) target_semaphore(%run_scoped3A : memref<!tpu.dma_semaphore, #tpu.memory_space<semaphore_mem>>)
      %dma_wait3A = arith.constant 0 : i32
      %dma_wait3A_81 = tpu.memref_slice %arg6[%add3A, %dma_wait3A] : memref<32x256xi32, #tpu.memory_space<hbm>> -> memref<1x256xi32, #tpu.memory_space<hbm>>
      %dma_wait3A_82 = tpu.memref_squeeze %dma_wait3A_81 : memref<1x256xi32, #tpu.memory_space<hbm>> -> memref<256xi32, #tpu.memory_space<hbm>>
      %dma_wait3A_83 = arith.constant 0 : i32
      %dma_wait3A_84 = tpu.memref_slice %arg6[%add3A, %dma_wait3A_83] : memref<32x256xi32, #tpu.memory_space<hbm>> -> memref<1x256xi32, #tpu.memory_space<hbm>>
      %dma_wait3A_85 = tpu.memref_squeeze %dma_wait3A_84 : memref<1x256xi32, #tpu.memory_space<hbm>> -> memref<256xi32, #tpu.memory_space<hbm>>
      tpu.wait_dma2 semaphore(%run_scoped3A : memref<!tpu.dma_semaphore, #tpu.memory_space<semaphore_mem>>) src(%arg11 : memref<256xi32, #tpu.memory_space<vmem>>) dst(%dma_wait3A_85 : memref<256xi32, #tpu.memory_space<hbm>>)
      tpu.yield
    }) : () -> ()
    return
  }
}

module attributes {stable_mosaic.version = 14 : i64} {
  func.func @_scores_body(%arg0: memref<20000x80xf32, #tpu.memory_space<vmem>>, %arg1: memref<20000x1xf32, #tpu.memory_space<vmem>>, %arg2: memref<20000x80xf32, #tpu.memory_space<vmem>>, %arg3: memref<1x1xf32, #tpu.memory_space<smem>>, %arg4: memref<20000x1xf32, #tpu.memory_space<vmem>>) attributes {dimension_semantics = [], scalar_prefetch = 0 : i64, scratch_operands = 0 : i64, tpu.core_type = #tpu.core_type<tc>} {
    %get3A = arith.constant 0 : index
    %get3A_0 = arith.constant 0 : index
    %get3A_1 = vector.load %arg1[%get3A, %get3A_0] : memref<20000x1xf32, #tpu.memory_space<vmem>>, vector<20000x1xf32>
    %logistic3A = arith.negf %get3A_1 : vector<20000x1xf32>
    %logistic3A_2 = math.exp %logistic3A : vector<20000x1xf32>
    %logistic3A_3 = arith.constant 1.000000e+00 : f32
    %logistic3A_4 = vector.broadcast %logistic3A_3 : f32 to vector<20000x1xf32>
    %logistic3A_5 = arith.addf %logistic3A_4, %logistic3A_2 : vector<20000x1xf32>
    %logistic3A_6 = arith.divf %logistic3A_4, %logistic3A_5 : vector<20000x1xf32>
    %get3A_7 = arith.constant 0 : index
    %get3A_8 = arith.constant 0 : index
    %get3A_9 = vector.load %arg0[%get3A_7, %get3A_8] : memref<20000x80xf32, #tpu.memory_space<vmem>>, vector<20000x80xf32>
    %logistic3A_10 = arith.negf %get3A_9 : vector<20000x80xf32>
    %logistic3A_11 = math.exp %logistic3A_10 : vector<20000x80xf32>
    %logistic3A_12 = arith.constant 1.000000e+00 : f32
    %logistic3A_13 = vector.broadcast %logistic3A_12 : f32 to vector<20000x80xf32>
    %logistic3A_14 = arith.addf %logistic3A_13, %logistic3A_11 : vector<20000x80xf32>
    %logistic3A_15 = arith.divf %logistic3A_13, %logistic3A_14 : vector<20000x80xf32>
    %mul3A = vector.broadcast %logistic3A_6 : vector<20000x1xf32> to vector<20000x80xf32>
    %mul3A_16 = arith.mulf %logistic3A_15, %mul3A : vector<20000x80xf32>
    %gt3A = arith.constant 5.000000e-02 : f32
    %gt3A_17 = vector.broadcast %gt3A : f32 to vector<20000x80xf32>
    %gt3A_18 = arith.cmpf ogt, %mul3A_16, %gt3A_17 : vector<20000x80xf32>
    %jit3A = arith.constant 0.000000e+00 : f32
    %broadcast_in_dim3A = vector.broadcast %jit3A : f32 to vector<20000x80xf32>
    %select_n3A = arith.select %gt3A_18, %mul3A_16, %broadcast_in_dim3A : vector<20000x80xi1>, vector<20000x80xf32>
    %swap3A = arith.constant 0 : index
    %swap3A_19 = arith.constant 0 : index
    %swap3A_20 = vector.load %arg2[%swap3A, %swap3A_19] : memref<20000x80xf32, #tpu.memory_space<vmem>>, vector<20000x80xf32>
    tpu.vector_store %arg2[%swap3A, %swap3A_19], %select_n3A {strides = array<i32>} : memref<20000x80xf32, #tpu.memory_space<vmem>>, vector<20000x80xf32>,
    %reduce_max3A = arith.constant dense<0xFF800000> : vector<20000xf32>
    %reduce_max3A_21 = vector.multi_reduction <maximumf>, %select_n3A, %reduce_max3A [1] : vector<20000x80xf32> to vector<20000xf32>
    %broadcast_in_dim3A_22 = vector.shape_cast %reduce_max3A_21 : vector<20000xf32> to vector<20000x1xf32>
    %swap3A_23 = arith.constant 0 : index
    %swap3A_24 = arith.constant 0 : index
    %swap3A_25 = vector.load %arg4[%swap3A_23, %swap3A_24] : memref<20000x1xf32, #tpu.memory_space<vmem>>, vector<20000x1xf32>
    tpu.vector_store %arg4[%swap3A_23, %swap3A_24], %broadcast_in_dim3A_22 {strides = array<i32>} : memref<20000x1xf32, #tpu.memory_space<vmem>>, vector<20000x1xf32>,
    %iota3A = tpu.iota {dimensions = array<i32: 1>} : vector<1x128xi32>
    %convert_element_type3A = arith.sitofp %iota3A : vector<1x128xi32> to vector<1x128xf32>
    %add3A = arith.constant 1.000000e+00 : f32
    %add3A_26 = vector.broadcast %add3A : f32 to vector<1x128xf32>
    %add3A_27 = arith.addf %convert_element_type3A, %add3A_26 : vector<1x128xf32>
    %mul3A_28 = arith.constant 0.00742187491 : f32
    %mul3A_29 = vector.broadcast %mul3A_28 : f32 to vector<1x128xf32>
    %mul3A_30 = arith.mulf %add3A_27, %mul3A_29 : vector<1x128xf32>
    %add3A_31 = arith.constant 5.000000e-02 : f32
    %add3A_32 = vector.broadcast %add3A_31 : f32 to vector<1x128xf32>
    %add3A_33 = arith.addf %add3A_32, %mul3A_30 : vector<1x128xf32>
    %gt3A_34 = vector.broadcast %broadcast_in_dim3A_22 : vector<20000x1xf32> to vector<20000x128xf32>
    %gt3A_35 = vector.broadcast %add3A_33 : vector<1x128xf32> to vector<20000x128xf32>
    %gt3A_36 = arith.cmpf ogt, %gt3A_34, %gt3A_35 : vector<20000x128xf32>
    %convert_element_type3A_37 = arith.extui %gt3A_36 : vector<20000x128xi1> to vector<20000x128xi32>
    %convert_element_type3A_38 = arith.sitofp %convert_element_type3A_37 : vector<20000x128xi32> to vector<20000x128xf32>
    %reduce_sum3A = arith.constant dense<0.000000e+00> : vector<128xf32>
    %reduce_sum3A_39 = vector.multi_reduction <add>, %convert_element_type3A_38, %reduce_sum3A [0] : vector<20000x128xf32> to vector<128xf32>
    %broadcast_in_dim3A_40 = vector.shape_cast %reduce_sum3A_39 : vector<128xf32> to vector<1x128xf32>
    %ge3A = arith.constant 1.001000e+03 : f32
    %ge3A_41 = vector.broadcast %ge3A : f32 to vector<1x128xf32>
    %ge3A_42 = arith.cmpf oge, %broadcast_in_dim3A_40, %ge3A_41 : vector<1x128xf32>
    %convert_element_type3A_43 = arith.extui %ge3A_42 : vector<1x128xi1> to vector<1x128xi32>
    %convert_element_type3A_44 = arith.sitofp %convert_element_type3A_43 : vector<1x128xi32> to vector<1x128xf32>
    %reduce_sum3A_45 = vector.shape_cast %convert_element_type3A_44 : vector<1x128xf32> to vector<1x1x128xf32>
    %reduce_sum3A_46 = arith.constant dense<0.000000e+00> : vector<1xf32>
    %reduce_sum3A_47 = vector.multi_reduction <add>, %reduce_sum3A_45, %reduce_sum3A_46 [1, 2] : vector<1x1x128xf32> to vector<1xf32>
    %reduce_sum3A_48 = vector.shape_cast %reduce_sum3A_47 : vector<1xf32> to vector<1x1x1xf32>
    %reduce_sum3A_49 = vector.extract %reduce_sum3A_48[0, 0, 0] : f32 from vector<1x1x1xf32>
    %mul3A_50 = arith.constant 0.00742187491 : f32
    %mul3A_51 = arith.mulf %reduce_sum3A_49, %mul3A_50 : f32
    %add3A_52 = arith.constant 5.000000e-02 : f32
    %add3A_53 = arith.addf %add3A_52, %mul3A_51 : f32
    %add3A_54 = arith.constant 1.000000e+00 : f32
    %add3A_55 = vector.broadcast %add3A_54 : f32 to vector<1x128xf32>
    %add3A_56 = arith.addf %convert_element_type3A, %add3A_55 : vector<1x128xf32>
    %mul3A_57 = arith.constant 5.79833977E-5 : f32
    %mul3A_58 = vector.broadcast %mul3A_57 : f32 to vector<1x128xf32>
    %mul3A_59 = arith.mulf %add3A_56, %mul3A_58 : vector<1x128xf32>
    %add3A_60 = vector.broadcast %add3A_53 : f32 to vector<1x128xf32>
    %add3A_61 = arith.addf %add3A_60, %mul3A_59 : vector<1x128xf32>
    %gt3A_62 = vector.broadcast %broadcast_in_dim3A_22 : vector<20000x1xf32> to vector<20000x128xf32>
    %gt3A_63 = vector.broadcast %add3A_61 : vector<1x128xf32> to vector<20000x128xf32>
    %gt3A_64 = arith.cmpf ogt, %gt3A_62, %gt3A_63 : vector<20000x128xf32>
    %convert_element_type3A_65 = arith.extui %gt3A_64 : vector<20000x128xi1> to vector<20000x128xi32>
    %convert_element_type3A_66 = arith.sitofp %convert_element_type3A_65 : vector<20000x128xi32> to vector<20000x128xf32>
    %reduce_sum3A_67 = arith.constant dense<0.000000e+00> : vector<128xf32>
    %reduce_sum3A_68 = vector.multi_reduction <add>, %convert_element_type3A_66, %reduce_sum3A_67 [0] : vector<20000x128xf32> to vector<128xf32>
    %broadcast_in_dim3A_69 = vector.shape_cast %reduce_sum3A_68 : vector<128xf32> to vector<1x128xf32>
    %ge3A_70 = arith.constant 1.001000e+03 : f32
    %ge3A_71 = vector.broadcast %ge3A_70 : f32 to vector<1x128xf32>
    %ge3A_72 = arith.cmpf oge, %broadcast_in_dim3A_69, %ge3A_71 : vector<1x128xf32>
    %convert_element_type3A_73 = arith.extui %ge3A_72 : vector<1x128xi1> to vector<1x128xi32>
    %convert_element_type3A_74 = arith.sitofp %convert_element_type3A_73 : vector<1x128xi32> to vector<1x128xf32>
    %reduce_sum3A_75 = vector.shape_cast %convert_element_type3A_74 : vector<1x128xf32> to vector<1x1x128xf32>
    %reduce_sum3A_76 = arith.constant dense<0.000000e+00> : vector<1xf32>
    %reduce_sum3A_77 = vector.multi_reduction <add>, %reduce_sum3A_75, %reduce_sum3A_76 [1, 2] : vector<1x1x128xf32> to vector<1xf32>
    %reduce_sum3A_78 = vector.shape_cast %reduce_sum3A_77 : vector<1xf32> to vector<1x1x1xf32>
    %reduce_sum3A_79 = vector.extract %reduce_sum3A_78[0, 0, 0] : f32 from vector<1x1x1xf32>
    %mul3A_80 = arith.constant 5.79833977E-5 : f32
    %mul3A_81 = arith.mulf %reduce_sum3A_79, %mul3A_80 : f32
    %add3A_82 = arith.addf %add3A_53, %mul3A_81 : f32
    %add3A_83 = arith.constant 1.000000e+00 : f32
    %add3A_84 = vector.broadcast %add3A_83 : f32 to vector<1x128xf32>
    %add3A_85 = arith.addf %convert_element_type3A, %add3A_84 : vector<1x128xf32>
    %mul3A_86 = arith.constant 4.52995295E-7 : f32
    %mul3A_87 = vector.broadcast %mul3A_86 : f32 to vector<1x128xf32>
    %mul3A_88 = arith.mulf %add3A_85, %mul3A_87 : vector<1x128xf32>
    %add3A_89 = vector.broadcast %add3A_82 : f32 to vector<1x128xf32>
    %add3A_90 = arith.addf %add3A_89, %mul3A_88 : vector<1x128xf32>
    %gt3A_91 = vector.broadcast %broadcast_in_dim3A_22 : vector<20000x1xf32> to vector<20000x128xf32>
    %gt3A_92 = vector.broadcast %add3A_90 : vector<1x128xf32> to vector<20000x128xf32>
    %gt3A_93 = arith.cmpf ogt, %gt3A_91, %gt3A_92 : vector<20000x128xf32>
    %convert_element_type3A_94 = arith.extui %gt3A_93 : vector<20000x128xi1> to vector<20000x128xi32>
    %convert_element_type3A_95 = arith.sitofp %convert_element_type3A_94 : vector<20000x128xi32> to vector<20000x128xf32>
    %reduce_sum3A_96 = arith.constant dense<0.000000e+00> : vector<128xf32>
    %reduce_sum3A_97 = vector.multi_reduction <add>, %convert_element_type3A_95, %reduce_sum3A_96 [0] : vector<20000x128xf32> to vector<128xf32>
    %broadcast_in_dim3A_98 = vector.shape_cast %reduce_sum3A_97 : vector<128xf32> to vector<1x128xf32>
    %ge3A_99 = arith.constant 1.001000e+03 : f32
    %ge3A_100 = vector.broadcast %ge3A_99 : f32 to vector<1x128xf32>
    %ge3A_101 = arith.cmpf oge, %broadcast_in_dim3A_98, %ge3A_100 : vector<1x128xf32>
    %convert_element_type3A_102 = arith.extui %ge3A_101 : vector<1x128xi1> to vector<1x128xi32>
    %convert_element_type3A_103 = arith.sitofp %convert_element_type3A_102 : vector<1x128xi32> to vector<1x128xf32>
    %reduce_sum3A_104 = vector.shape_cast %convert_element_type3A_103 : vector<1x128xf32> to vector<1x1x128xf32>
    %reduce_sum3A_105 = arith.constant dense<0.000000e+00> : vector<1xf32>
    %reduce_sum3A_106 = vector.multi_reduction <add>, %reduce_sum3A_104, %reduce_sum3A_105 [1, 2] : vector<1x1x128xf32> to vector<1xf32>
    %reduce_sum3A_107 = vector.shape_cast %reduce_sum3A_106 : vector<1xf32> to vector<1x1x1xf32>
    %reduce_sum3A_108 = vector.extract %reduce_sum3A_107[0, 0, 0] : f32 from vector<1x1x1xf32>
    %mul3A_109 = arith.constant 4.52995295E-7 : f32
    %mul3A_110 = arith.mulf %reduce_sum3A_108, %mul3A_109 : f32
    %add3A_111 = arith.addf %add3A_82, %mul3A_110 : f32
    %swap3A_112 = arith.constant 0 : index
    %swap3A_113 = arith.constant 0 : index
    %swap3A_114 = memref.load %arg3[%swap3A_112, %swap3A_113] : memref<1x1xf32, #tpu.memory_space<smem>>
    memref.store %add3A_111, %arg3[%swap3A_112, %swap3A_113] : memref<1x1xf32, #tpu.memory_space<smem>>
    return
  }
}

module attributes {stable_mosaic.version = 14 : i64} {
  func.func @_sort_body(%arg0: memref<64x128xf32, #tpu.memory_space<vmem>>, %arg1: memref<64x128xi32, #tpu.memory_space<vmem>>, %arg2: memref<8x128xf32, #tpu.memory_space<vmem>>, %arg3: memref<8x128xi32, #tpu.memory_space<vmem>>) attributes {dimension_semantics = [], scalar_prefetch = 0 : i64, scratch_operands = 0 : i64, tpu.core_type = #tpu.core_type<tc>} {
    %get3A = arith.constant 0 : index
    %get3A_0 = arith.constant 0 : index
    %get3A_1 = vector.load %arg0[%get3A, %get3A_0] : memref<64x128xf32, #tpu.memory_space<vmem>>, vector<64x128xf32>
    %get3A_2 = arith.constant 0 : index
    %get3A_3 = arith.constant 0 : index
    %get3A_4 = vector.load %arg1[%get3A_2, %get3A_3] : memref<64x128xi32, #tpu.memory_space<vmem>>, vector<64x128xi32>
    %iota3A = tpu.iota {dimensions = array<i32: 0>} : vector<64x128xi32>
    %mul3A = arith.constant 128 : i32
    %mul3A_5 = vector.broadcast %mul3A : i32 to vector<64x128xi32>
    %mul3A_6 = arith.muli %iota3A, %mul3A_5 : vector<64x128xi32>
    %iota3A_7 = tpu.iota {dimensions = array<i32: 1>} : vector<64x128xi32>
    %add3A = arith.addi %mul3A_6, %iota3A_7 : vector<64x128xi32>
    %shift_right_arithmetic3A = arith.constant 1 : i32
    %shift_right_arithmetic3A_8 = vector.broadcast %shift_right_arithmetic3A : i32 to vector<64x128xi32>
    %shift_right_arithmetic3A_9 = arith.shrsi %add3A, %shift_right_arithmetic3A_8 : vector<64x128xi32>
    %and3A = arith.constant 1 : i32
    %and3A_10 = vector.broadcast %and3A : i32 to vector<64x128xi32>
    %and3A_11 = arith.andi %shift_right_arithmetic3A_9, %and3A_10 : vector<64x128xi32>
    %eq3A = arith.constant 0 : i32
    %eq3A_12 = vector.broadcast %eq3A : i32 to vector<64x128xi32>
    %eq3A_13 = arith.cmpi eq, %and3A_11, %eq3A_12 : vector<64x128xi32>
    %iota3A_14 = tpu.iota {dimensions = array<i32: 1>} : vector<64x128xi32>
    %and3A_15 = arith.constant 1 : i32
    %and3A_16 = vector.broadcast %and3A_15 : i32 to vector<64x128xi32>
    %and3A_17 = arith.andi %iota3A_14, %and3A_16 : vector<64x128xi32>
    %roll3A = arith.constant 127 : i32
    %roll3A_18 = tpu.dynamic_rotate %get3A_1 by %roll3A dim 1 : vector<64x128xf32>, i32 -> vector<64x128xf32>
    %roll3A_19 = arith.constant 1 : i32
    %roll3A_20 = tpu.dynamic_rotate %get3A_1 by %roll3A_19 dim 1 : vector<64x128xf32>, i32 -> vector<64x128xf32>
    %eq3A_21 = arith.constant 0 : i32
    %eq3A_22 = vector.broadcast %eq3A_21 : i32 to vector<64x128xi32>
    %eq3A_23 = arith.cmpi eq, %and3A_17, %eq3A_22 : vector<64x128xi32>
    %select_n3A = arith.select %eq3A_23, %roll3A_18, %roll3A_20 : vector<64x128xi1>, vector<64x128xf32>
    %iota3A_24 = tpu.iota {dimensions = array<i32: 1>} : vector<64x128xi32>
    %and3A_25 = arith.constant 1 : i32
    %and3A_26 = vector.broadcast %and3A_25 : i32 to vector<64x128xi32>
    %and3A_27 = arith.andi %iota3A_24, %and3A_26 : vector<64x128xi32>
    %roll3A_28 = arith.constant 127 : i32
    %roll3A_29 = tpu.dynamic_rotate %get3A_4 by %roll3A_28 dim 1 : vector<64x128xi32>, i32 -> vector<64x128xi32>
    %roll3A_30 = arith.constant 1 : i32
    %roll3A_31 = tpu.dynamic_rotate %get3A_4 by %roll3A_30 dim 1 : vector<64x128xi32>, i32 -> vector<64x128xi32>
    %eq3A_32 = arith.constant 0 : i32
    %eq3A_33 = vector.broadcast %eq3A_32 : i32 to vector<64x128xi32>
    %eq3A_34 = arith.cmpi eq, %and3A_27, %eq3A_33 : vector<64x128xi32>
    %select_n3A_35 = arith.select %eq3A_34, %roll3A_29, %roll3A_31 : vector<64x128xi1>, vector<64x128xi32>
    %and3A_36 = arith.constant 1 : i32
    %and3A_37 = vector.broadcast %and3A_36 : i32 to vector<64x128xi32>
    %and3A_38 = arith.andi %add3A, %and3A_37 : vector<64x128xi32>
    %eq3A_39 = arith.constant 0 : i32
    %eq3A_40 = vector.broadcast %eq3A_39 : i32 to vector<64x128xi32>
    %eq3A_41 = arith.cmpi eq, %and3A_38, %eq3A_40 : vector<64x128xi32>
    %gt3A = arith.cmpf ogt, %get3A_1, %select_n3A : vector<64x128xf32>
    %eq3A_42 = arith.cmpf oeq, %get3A_1, %select_n3A : vector<64x128xf32>
    %lt3A = arith.cmpi slt, %get3A_4, %select_n3A_35 : vector<64x128xi32>
    %and3A_43 = arith.andi %eq3A_42, %lt3A : vector<64x128xi1>
    %or3A = arith.ori %gt3A, %and3A_43 : vector<64x128xi1>
    %eq3A_44 = arith.xori %eq3A_41, %eq3A_13 : vector<64x128xi1>
    %eq3A_45 = arith.constant dense<true> : vector<64x128xi1>
    %eq3A_46 = arith.xori %eq3A_44, %eq3A_45 : vector<64x128xi1>
    %eq3A_47 = arith.xori %eq3A_46, %or3A : vector<64x128xi1>
    %eq3A_48 = arith.constant dense<true> : vector<64x128xi1>
    %eq3A_49 = arith.xori %eq3A_47, %eq3A_48 : vector<64x128xi1>
    %select_n3A_50 = arith.select %eq3A_49, %get3A_1, %select_n3A : vector<64x128xi1>, vector<64x128xf32>
    %select_n3A_51 = arith.select %eq3A_49, %get3A_4, %select_n3A_35 : vector<64x128xi1>, vector<64x128xi32>
    %shift_right_arithmetic3A_52 = arith.constant 2 : i32
    %shift_right_arithmetic3A_53 = vector.broadcast %shift_right_arithmetic3A_52 : i32 to vector<64x128xi32>
    %shift_right_arithmetic3A_54 = arith.shrsi %add3A, %shift_right_arithmetic3A_53 : vector<64x128xi32>
    %and3A_55 = arith.constant 1 : i32
    %and3A_56 = vector.broadcast %and3A_55 : i32 to vector<64x128xi32>
    %and3A_57 = arith.andi %shift_right_arithmetic3A_54, %and3A_56 : vector<64x128xi32>
    %eq3A_58 = arith.constant 0 : i32
    %eq3A_59 = vector.broadcast %eq3A_58 : i32 to vector<64x128xi32>
    %eq3A_60 = arith.cmpi eq, %and3A_57, %eq3A_59 : vector<64x128xi32>
    %iota3A_61 = tpu.iota {dimensions = array<i32: 1>} : vector<64x128xi32>
    %and3A_62 = arith.constant 2 : i32
    %and3A_63 = vector.broadcast %and3A_62 : i32 to vector<64x128xi32>
    %and3A_64 = arith.andi %iota3A_61, %and3A_63 : vector<64x128xi32>
    %roll3A_65 = arith.constant 126 : i32
    %roll3A_66 = tpu.dynamic_rotate %select_n3A_50 by %roll3A_65 dim 1 : vector<64x128xf32>, i32 -> vector<64x128xf32>
    %roll3A_67 = arith.constant 2 : i32
    %roll3A_68 = tpu.dynamic_rotate %select_n3A_50 by %roll3A_67 dim 1 : vector<64x128xf32>, i32 -> vector<64x128xf32>
    %eq3A_69 = arith.constant 0 : i32
    %eq3A_70 = vector.broadcast %eq3A_69 : i32 to vector<64x128xi32>
    %eq3A_71 = arith.cmpi eq, %and3A_64, %eq3A_70 : vector<64x128xi32>
    %select_n3A_72 = arith.select %eq3A_71, %roll3A_66, %roll3A_68 : vector<64x128xi1>, vector<64x128xf32>
    %iota3A_73 = tpu.iota {dimensions = array<i32: 1>} : vector<64x128xi32>
    %and3A_74 = arith.constant 2 : i32
    %and3A_75 = vector.broadcast %and3A_74 : i32 to vector<64x128xi32>
    %and3A_76 = arith.andi %iota3A_73, %and3A_75 : vector<64x128xi32>
    %roll3A_77 = arith.constant 126 : i32
    %roll3A_78 = tpu.dynamic_rotate %select_n3A_51 by %roll3A_77 dim 1 : vector<64x128xi32>, i32 -> vector<64x128xi32>
    %roll3A_79 = arith.constant 2 : i32
    %roll3A_80 = tpu.dynamic_rotate %select_n3A_51 by %roll3A_79 dim 1 : vector<64x128xi32>, i32 -> vector<64x128xi32>
    %eq3A_81 = arith.constant 0 : i32
    %eq3A_82 = vector.broadcast %eq3A_81 : i32 to vector<64x128xi32>
    %eq3A_83 = arith.cmpi eq, %and3A_76, %eq3A_82 : vector<64x128xi32>
    %select_n3A_84 = arith.select %eq3A_83, %roll3A_78, %roll3A_80 : vector<64x128xi1>, vector<64x128xi32>
    %and3A_85 = arith.constant 2 : i32
    %and3A_86 = vector.broadcast %and3A_85 : i32 to vector<64x128xi32>
    %and3A_87 = arith.andi %add3A, %and3A_86 : vector<64x128xi32>
    %eq3A_88 = arith.constant 0 : i32
    %eq3A_89 = vector.broadcast %eq3A_88 : i32 to vector<64x128xi32>
    %eq3A_90 = arith.cmpi eq, %and3A_87, %eq3A_89 : vector<64x128xi32>
    %gt3A_91 = arith.cmpf ogt, %select_n3A_50, %select_n3A_72 : vector<64x128xf32>
    %eq3A_92 = arith.cmpf oeq, %select_n3A_50, %select_n3A_72 : vector<64x128xf32>
    %lt3A_93 = arith.cmpi slt, %select_n3A_51, %select_n3A_84 : vector<64x128xi32>
    %and3A_94 = arith.andi %eq3A_92, %lt3A_93 : vector<64x128xi1>
    %or3A_95 = arith.ori %gt3A_91, %and3A_94 : vector<64x128xi1>
    %eq3A_96 = arith.xori %eq3A_90, %eq3A_60 : vector<64x128xi1>
    %eq3A_97 = arith.constant dense<true> : vector<64x128xi1>
    %eq3A_98 = arith.xori %eq3A_96, %eq3A_97 : vector<64x128xi1>
    %eq3A_99 = arith.xori %eq3A_98, %or3A_95 : vector<64x128xi1>
    %eq3A_100 = arith.constant dense<true> : vector<64x128xi1>
    %eq3A_101 = arith.xori %eq3A_99, %eq3A_100 : vector<64x128xi1>
    %select_n3A_102 = arith.select %eq3A_101, %select_n3A_50, %select_n3A_72 : vector<64x128xi1>, vector<64x128xf32>
    %select_n3A_103 = arith.select %eq3A_101, %select_n3A_51, %select_n3A_84 : vector<64x128xi1>, vector<64x128xi32>
    %iota3A_104 = tpu.iota {dimensions = array<i32: 1>} : vector<64x128xi32>
    %and3A_105 = arith.constant 1 : i32
    %and3A_106 = vector.broadcast %and3A_105 : i32 to vector<64x128xi32>
    %and3A_107 = arith.andi %iota3A_104, %and3A_106 : vector<64x128xi32>
    %roll3A_108 = arith.constant 127 : i32
    %roll3A_109 = tpu.dynamic_rotate %select_n3A_102 by %roll3A_108 dim 1 : vector<64x128xf32>, i32 -> vector<64x128xf32>
    %roll3A_110 = arith.constant 1 : i32
    %roll3A_111 = tpu.dynamic_rotate %select_n3A_102 by %roll3A_110 dim 1 : vector<64x128xf32>, i32 -> vector<64x128xf32>
    %eq3A_112 = arith.constant 0 : i32
    %eq3A_113 = vector.broadcast %eq3A_112 : i32 to vector<64x128xi32>
    %eq3A_114 = arith.cmpi eq, %and3A_107, %eq3A_113 : vector<64x128xi32>
    %select_n3A_115 = arith.select %eq3A_114, %roll3A_109, %roll3A_111 : vector<64x128xi1>, vector<64x128xf32>
    %iota3A_116 = tpu.iota {dimensions = array<i32: 1>} : vector<64x128xi32>
    %and3A_117 = arith.constant 1 : i32
    %and3A_118 = vector.broadcast %and3A_117 : i32 to vector<64x128xi32>
    %and3A_119 = arith.andi %iota3A_116, %and3A_118 : vector<64x128xi32>
    %roll3A_120 = arith.constant 127 : i32
    %roll3A_121 = tpu.dynamic_rotate %select_n3A_103 by %roll3A_120 dim 1 : vector<64x128xi32>, i32 -> vector<64x128xi32>
    %roll3A_122 = arith.constant 1 : i32
    %roll3A_123 = tpu.dynamic_rotate %select_n3A_103 by %roll3A_122 dim 1 : vector<64x128xi32>, i32 -> vector<64x128xi32>
    %eq3A_124 = arith.constant 0 : i32
    %eq3A_125 = vector.broadcast %eq3A_124 : i32 to vector<64x128xi32>
    %eq3A_126 = arith.cmpi eq, %and3A_119, %eq3A_125 : vector<64x128xi32>
    %select_n3A_127 = arith.select %eq3A_126, %roll3A_121, %roll3A_123 : vector<64x128xi1>, vector<64x128xi32>
    %and3A_128 = arith.constant 1 : i32
    %and3A_129 = vector.broadcast %and3A_128 : i32 to vector<64x128xi32>
    %and3A_130 = arith.andi %add3A, %and3A_129 : vector<64x128xi32>
    %eq3A_131 = arith.constant 0 : i32
    %eq3A_132 = vector.broadcast %eq3A_131 : i32 to vector<64x128xi32>
    %eq3A_133 = arith.cmpi eq, %and3A_130, %eq3A_132 : vector<64x128xi32>
    %gt3A_134 = arith.cmpf ogt, %select_n3A_102, %select_n3A_115 : vector<64x128xf32>
    %eq3A_135 = arith.cmpf oeq, %select_n3A_102, %select_n3A_115 : vector<64x128xf32>
    %lt3A_136 = arith.cmpi slt, %select_n3A_103, %select_n3A_127 : vector<64x128xi32>
    %and3A_137 = arith.andi %eq3A_135, %lt3A_136 : vector<64x128xi1>
    %or3A_138 = arith.ori %gt3A_134, %and3A_137 : vector<64x128xi1>
    %eq3A_139 = arith.xori %eq3A_133, %eq3A_60 : vector<64x128xi1>
    %eq3A_140 = arith.constant dense<true> : vector<64x128xi1>
    %eq3A_141 = arith.xori %eq3A_139, %eq3A_140 : vector<64x128xi1>
    %eq3A_142 = arith.xori %eq3A_141, %or3A_138 : vector<64x128xi1>
    %eq3A_143 = arith.constant dense<true> : vector<64x128xi1>
    %eq3A_144 = arith.xori %eq3A_142, %eq3A_143 : vector<64x128xi1>
    %select_n3A_145 = arith.select %eq3A_144, %select_n3A_102, %select_n3A_115 : vector<64x128xi1>, vector<64x128xf32>
    %select_n3A_146 = arith.select %eq3A_144, %select_n3A_103, %select_n3A_127 : vector<64x128xi1>, vector<64x128xi32>
    %shift_right_arithmetic3A_147 = arith.constant 3 : i32
    %shift_right_arithmetic3A_148 = vector.broadcast %shift_right_arithmetic3A_147 : i32 to vector<64x128xi32>
    %shift_right_arithmetic3A_149 = arith.shrsi %add3A, %shift_right_arithmetic3A_148 : vector<64x128xi32>
    %and3A_150 = arith.constant 1 : i32
    %and3A_151 = vector.broadcast %and3A_150 : i32 to vector<64x128xi32>
    %and3A_152 = arith.andi %shift_right_arithmetic3A_149, %and3A_151 : vector<64x128xi32>
    %eq3A_153 = arith.constant 0 : i32
    %eq3A_154 = vector.broadcast %eq3A_153 : i32 to vector<64x128xi32>
    %eq3A_155 = arith.cmpi eq, %and3A_152, %eq3A_154 : vector<64x128xi32>
    %iota3A_156 = tpu.iota {dimensions = array<i32: 1>} : vector<64x128xi32>
    %and3A_157 = arith.constant 4 : i32
    %and3A_158 = vector.broadcast %and3A_157 : i32 to vector<64x128xi32>
    %and3A_159 = arith.andi %iota3A_156, %and3A_158 : vector<64x128xi32>
    %roll3A_160 = arith.constant 124 : i32
    %roll3A_161 = tpu.dynamic_rotate %select_n3A_145 by %roll3A_160 dim 1 : vector<64x128xf32>, i32 -> vector<64x128xf32>
    %roll3A_162 = arith.constant 4 : i32
    %roll3A_163 = tpu.dynamic_rotate %select_n3A_145 by %roll3A_162 dim 1 : vector<64x128xf32>, i32 -> vector<64x128xf32>
    %eq3A_164 = arith.constant 0 : i32
    %eq3A_165 = vector.broadcast %eq3A_164 : i32 to vector<64x128xi32>
    %eq3A_166 = arith.cmpi eq, %and3A_159, %eq3A_165 : vector<64x128xi32>
    %select_n3A_167 = arith.select %eq3A_166, %roll3A_161, %roll3A_163 : vector<64x128xi1>, vector<64x128xf32>
    %iota3A_168 = tpu.iota {dimensions = array<i32: 1>} : vector<64x128xi32>
    %and3A_169 = arith.constant 4 : i32
    %and3A_170 = vector.broadcast %and3A_169 : i32 to vector<64x128xi32>
    %and3A_171 = arith.andi %iota3A_168, %and3A_170 : vector<64x128xi32>
    %roll3A_172 = arith.constant 124 : i32
    %roll3A_173 = tpu.dynamic_rotate %select_n3A_146 by %roll3A_172 dim 1 : vector<64x128xi32>, i32 -> vector<64x128xi32>
    %roll3A_174 = arith.constant 4 : i32
    %roll3A_175 = tpu.dynamic_rotate %select_n3A_146 by %roll3A_174 dim 1 : vector<64x128xi32>, i32 -> vector<64x128xi32>
    %eq3A_176 = arith.constant 0 : i32
    %eq3A_177 = vector.broadcast %eq3A_176 : i32 to vector<64x128xi32>
    %eq3A_178 = arith.cmpi eq, %and3A_171, %eq3A_177 : vector<64x128xi32>
    %select_n3A_179 = arith.select %eq3A_178, %roll3A_173, %roll3A_175 : vector<64x128xi1>, vector<64x128xi32>
    %and3A_180 = arith.constant 4 : i32
    %and3A_181 = vector.broadcast %and3A_180 : i32 to vector<64x128xi32>
    %and3A_182 = arith.andi %add3A, %and3A_181 : vector<64x128xi32>
    %eq3A_183 = arith.constant 0 : i32
    %eq3A_184 = vector.broadcast %eq3A_183 : i32 to vector<64x128xi32>
    %eq3A_185 = arith.cmpi eq, %and3A_182, %eq3A_184 : vector<64x128xi32>
    %gt3A_186 = arith.cmpf ogt, %select_n3A_145, %select_n3A_167 : vector<64x128xf32>
    %eq3A_187 = arith.cmpf oeq, %select_n3A_145, %select_n3A_167 : vector<64x128xf32>
    %lt3A_188 = arith.cmpi slt, %select_n3A_146, %select_n3A_179 : vector<64x128xi32>
    %and3A_189 = arith.andi %eq3A_187, %lt3A_188 : vector<64x128xi1>
    %or3A_190 = arith.ori %gt3A_186, %and3A_189 : vector<64x128xi1>
    %eq3A_191 = arith.xori %eq3A_185, %eq3A_155 : vector<64x128xi1>
    %eq3A_192 = arith.constant dense<true> : vector<64x128xi1>
    %eq3A_193 = arith.xori %eq3A_191, %eq3A_192 : vector<64x128xi1>
    %eq3A_194 = arith.xori %eq3A_193, %or3A_190 : vector<64x128xi1>
    %eq3A_195 = arith.constant dense<true> : vector<64x128xi1>
    %eq3A_196 = arith.xori %eq3A_194, %eq3A_195 : vector<64x128xi1>
    %select_n3A_197 = arith.select %eq3A_196, %select_n3A_145, %select_n3A_167 : vector<64x128xi1>, vector<64x128xf32>
    %select_n3A_198 = arith.select %eq3A_196, %select_n3A_146, %select_n3A_179 : vector<64x128xi1>, vector<64x128xi32>
    %iota3A_199 = tpu.iota {dimensions = array<i32: 1>} : vector<64x128xi32>
    %and3A_200 = arith.constant 2 : i32
    %and3A_201 = vector.broadcast %and3A_200 : i32 to vector<64x128xi32>
    %and3A_202 = arith.andi %iota3A_199, %and3A_201 : vector<64x128xi32>
    %roll3A_203 = arith.constant 126 : i32
    %roll3A_204 = tpu.dynamic_rotate %select_n3A_197 by %roll3A_203 dim 1 : vector<64x128xf32>, i32 -> vector<64x128xf32>
    %roll3A_205 = arith.constant 2 : i32
    %roll3A_206 = tpu.dynamic_rotate %select_n3A_197 by %roll3A_205 dim 1 : vector<64x128xf32>, i32 -> vector<64x128xf32>
    %eq3A_207 = arith.constant 0 : i32
    %eq3A_208 = vector.broadcast %eq3A_207 : i32 to vector<64x128xi32>
    %eq3A_209 = arith.cmpi eq, %and3A_202, %eq3A_208 : vector<64x128xi32>
    %select_n3A_210 = arith.select %eq3A_209, %roll3A_204, %roll3A_206 : vector<64x128xi1>, vector<64x128xf32>
    %iota3A_211 = tpu.iota {dimensions = array<i32: 1>} : vector<64x128xi32>
    %and3A_212 = arith.constant 2 : i32
    %and3A_213 = vector.broadcast %and3A_212 : i32 to vector<64x128xi32>
    %and3A_214 = arith.andi %iota3A_211, %and3A_213 : vector<64x128xi32>
    %roll3A_215 = arith.constant 126 : i32
    %roll3A_216 = tpu.dynamic_rotate %select_n3A_198 by %roll3A_215 dim 1 : vector<64x128xi32>, i32 -> vector<64x128xi32>
    %roll3A_217 = arith.constant 2 : i32
    %roll3A_218 = tpu.dynamic_rotate %select_n3A_198 by %roll3A_217 dim 1 : vector<64x128xi32>, i32 -> vector<64x128xi32>
    %eq3A_219 = arith.constant 0 : i32
    %eq3A_220 = vector.broadcast %eq3A_219 : i32 to vector<64x128xi32>
    %eq3A_221 = arith.cmpi eq, %and3A_214, %eq3A_220 : vector<64x128xi32>
    %select_n3A_222 = arith.select %eq3A_221, %roll3A_216, %roll3A_218 : vector<64x128xi1>, vector<64x128xi32>
    %and3A_223 = arith.constant 2 : i32
    %and3A_224 = vector.broadcast %and3A_223 : i32 to vector<64x128xi32>
    %and3A_225 = arith.andi %add3A, %and3A_224 : vector<64x128xi32>
    %eq3A_226 = arith.constant 0 : i32
    %eq3A_227 = vector.broadcast %eq3A_226 : i32 to vector<64x128xi32>
    %eq3A_228 = arith.cmpi eq, %and3A_225, %eq3A_227 : vector<64x128xi32>
    %gt3A_229 = arith.cmpf ogt, %select_n3A_197, %select_n3A_210 : vector<64x128xf32>
    %eq3A_230 = arith.cmpf oeq, %select_n3A_197, %select_n3A_210 : vector<64x128xf32>
    %lt3A_231 = arith.cmpi slt, %select_n3A_198, %select_n3A_222 : vector<64x128xi32>
    %and3A_232 = arith.andi %eq3A_230, %lt3A_231 : vector<64x128xi1>
    %or3A_233 = arith.ori %gt3A_229, %and3A_232 : vector<64x128xi1>
    %eq3A_234 = arith.xori %eq3A_228, %eq3A_155 : vector<64x128xi1>
    %eq3A_235 = arith.constant dense<true> : vector<64x128xi1>
    %eq3A_236 = arith.xori %eq3A_234, %eq3A_235 : vector<64x128xi1>
    %eq3A_237 = arith.xori %eq3A_236, %or3A_233 : vector<64x128xi1>
    %eq3A_238 = arith.constant dense<true> : vector<64x128xi1>
    %eq3A_239 = arith.xori %eq3A_237, %eq3A_238 : vector<64x128xi1>
    %select_n3A_240 = arith.select %eq3A_239, %select_n3A_197, %select_n3A_210 : vector<64x128xi1>, vector<64x128xf32>
    %select_n3A_241 = arith.select %eq3A_239, %select_n3A_198, %select_n3A_222 : vector<64x128xi1>, vector<64x128xi32>
    %iota3A_242 = tpu.iota {dimensions = array<i32: 1>} : vector<64x128xi32>
    %and3A_243 = arith.constant 1 : i32
    %and3A_244 = vector.broadcast %and3A_243 : i32 to vector<64x128xi32>
    %and3A_245 = arith.andi %iota3A_242, %and3A_244 : vector<64x128xi32>
    %roll3A_246 = arith.constant 127 : i32
    %roll3A_247 = tpu.dynamic_rotate %select_n3A_240 by %roll3A_246 dim 1 : vector<64x128xf32>, i32 -> vector<64x128xf32>
    %roll3A_248 = arith.constant 1 : i32
    %roll3A_249 = tpu.dynamic_rotate %select_n3A_240 by %roll3A_248 dim 1 : vector<64x128xf32>, i32 -> vector<64x128xf32>
    %eq3A_250 = arith.constant 0 : i32
    %eq3A_251 = vector.broadcast %eq3A_250 : i32 to vector<64x128xi32>
    %eq3A_252 = arith.cmpi eq, %and3A_245, %eq3A_251 : vector<64x128xi32>
    %select_n3A_253 = arith.select %eq3A_252, %roll3A_247, %roll3A_249 : vector<64x128xi1>, vector<64x128xf32>
    %iota3A_254 = tpu.iota {dimensions = array<i32: 1>} : vector<64x128xi32>
    %and3A_255 = arith.constant 1 : i32
    %and3A_256 = vector.broadcast %and3A_255 : i32 to vector<64x128xi32>
    %and3A_257 = arith.andi %iota3A_254, %and3A_256 : vector<64x128xi32>
    %roll3A_258 = arith.constant 127 : i32
    %roll3A_259 = tpu.dynamic_rotate %select_n3A_241 by %roll3A_258 dim 1 : vector<64x128xi32>, i32 -> vector<64x128xi32>
    %roll3A_260 = arith.constant 1 : i32
    %roll3A_261 = tpu.dynamic_rotate %select_n3A_241 by %roll3A_260 dim 1 : vector<64x128xi32>, i32 -> vector<64x128xi32>
    %eq3A_262 = arith.constant 0 : i32
    %eq3A_263 = vector.broadcast %eq3A_262 : i32 to vector<64x128xi32>
    %eq3A_264 = arith.cmpi eq, %and3A_257, %eq3A_263 : vector<64x128xi32>
    %select_n3A_265 = arith.select %eq3A_264, %roll3A_259, %roll3A_261 : vector<64x128xi1>, vector<64x128xi32>
    %and3A_266 = arith.constant 1 : i32
    %and3A_267 = vector.broadcast %and3A_266 : i32 to vector<64x128xi32>
    %and3A_268 = arith.andi %add3A, %and3A_267 : vector<64x128xi32>
    %eq3A_269 = arith.constant 0 : i32
    %eq3A_270 = vector.broadcast %eq3A_269 : i32 to vector<64x128xi32>
    %eq3A_271 = arith.cmpi eq, %and3A_268, %eq3A_270 : vector<64x128xi32>
    %gt3A_272 = arith.cmpf ogt, %select_n3A_240, %select_n3A_253 : vector<64x128xf32>
    %eq3A_273 = arith.cmpf oeq, %select_n3A_240, %select_n3A_253 : vector<64x128xf32>
    %lt3A_274 = arith.cmpi slt, %select_n3A_241, %select_n3A_265 : vector<64x128xi32>
    %and3A_275 = arith.andi %eq3A_273, %lt3A_274 : vector<64x128xi1>
    %or3A_276 = arith.ori %gt3A_272, %and3A_275 : vector<64x128xi1>
    %eq3A_277 = arith.xori %eq3A_271, %eq3A_155 : vector<64x128xi1>
    %eq3A_278 = arith.constant dense<true> : vector<64x128xi1>
    %eq3A_279 = arith.xori %eq3A_277, %eq3A_278 : vector<64x128xi1>
    %eq3A_280 = arith.xori %eq3A_279, %or3A_276 : vector<64x128xi1>
    %eq3A_281 = arith.constant dense<true> : vector<64x128xi1>
    %eq3A_282 = arith.xori %eq3A_280, %eq3A_281 : vector<64x128xi1>
    %select_n3A_283 = arith.select %eq3A_282, %select_n3A_240, %select_n3A_253 : vector<64x128xi1>, vector<64x128xf32>
    %select_n3A_284 = arith.select %eq3A_282, %select_n3A_241, %select_n3A_265 : vector<64x128xi1>, vector<64x128xi32>
    %shift_right_arithmetic3A_285 = arith.constant 4 : i32
    %shift_right_arithmetic3A_286 = vector.broadcast %shift_right_arithmetic3A_285 : i32 to vector<64x128xi32>
    %shift_right_arithmetic3A_287 = arith.shrsi %add3A, %shift_right_arithmetic3A_286 : vector<64x128xi32>
    %and3A_288 = arith.constant 1 : i32
    %and3A_289 = vector.broadcast %and3A_288 : i32 to vector<64x128xi32>
    %and3A_290 = arith.andi %shift_right_arithmetic3A_287, %and3A_289 : vector<64x128xi32>
    %eq3A_291 = arith.constant 0 : i32
    %eq3A_292 = vector.broadcast %eq3A_291 : i32 to vector<64x128xi32>
    %eq3A_293 = arith.cmpi eq, %and3A_290, %eq3A_292 : vector<64x128xi32>
    %iota3A_294 = tpu.iota {dimensions = array<i32: 1>} : vector<64x128xi32>
    %and3A_295 = arith.constant 8 : i32
    %and3A_296 = vector.broadcast %and3A_295 : i32 to vector<64x128xi32>
    %and3A_297 = arith.andi %iota3A_294, %and3A_296 : vector<64x128xi32>
    %roll3A_298 = arith.constant 120 : i32
    %roll3A_299 = tpu.dynamic_rotate %select_n3A_283 by %roll3A_298 dim 1 : vector<64x128xf32>, i32 -> vector<64x128xf32>
    %roll3A_300 = arith.constant 8 : i32
    %roll3A_301 = tpu.dynamic_rotate %select_n3A_283 by %roll3A_300 dim 1 : vector<64x128xf32>, i32 -> vector<64x128xf32>
    %eq3A_302 = arith.constant 0 : i32
    %eq3A_303 = vector.broadcast %eq3A_302 : i32 to vector<64x128xi32>
    %eq3A_304 = arith.cmpi eq, %and3A_297, %eq3A_303 : vector<64x128xi32>
    %select_n3A_305 = arith.select %eq3A_304, %roll3A_299, %roll3A_301 : vector<64x128xi1>, vector<64x128xf32>
    %iota3A_306 = tpu.iota {dimensions = array<i32: 1>} : vector<64x128xi32>
    %and3A_307 = arith.constant 8 : i32
    %and3A_308 = vector.broadcast %and3A_307 : i32 to vector<64x128xi32>
    %and3A_309 = arith.andi %iota3A_306, %and3A_308 : vector<64x128xi32>
    %roll3A_310 = arith.constant 120 : i32
    %roll3A_311 = tpu.dynamic_rotate %select_n3A_284 by %roll3A_310 dim 1 : vector<64x128xi32>, i32 -> vector<64x128xi32>
    %roll3A_312 = arith.constant 8 : i32
    %roll3A_313 = tpu.dynamic_rotate %select_n3A_284 by %roll3A_312 dim 1 : vector<64x128xi32>, i32 -> vector<64x128xi32>
    %eq3A_314 = arith.constant 0 : i32
    %eq3A_315 = vector.broadcast %eq3A_314 : i32 to vector<64x128xi32>
    %eq3A_316 = arith.cmpi eq, %and3A_309, %eq3A_315 : vector<64x128xi32>
    %select_n3A_317 = arith.select %eq3A_316, %roll3A_311, %roll3A_313 : vector<64x128xi1>, vector<64x128xi32>
    %and3A_318 = arith.constant 8 : i32
    %and3A_319 = vector.broadcast %and3A_318 : i32 to vector<64x128xi32>
    %and3A_320 = arith.andi %add3A, %and3A_319 : vector<64x128xi32>
    %eq3A_321 = arith.constant 0 : i32
    %eq3A_322 = vector.broadcast %eq3A_321 : i32 to vector<64x128xi32>
    %eq3A_323 = arith.cmpi eq, %and3A_320, %eq3A_322 : vector<64x128xi32>
    %gt3A_324 = arith.cmpf ogt, %select_n3A_283, %select_n3A_305 : vector<64x128xf32>
    %eq3A_325 = arith.cmpf oeq, %select_n3A_283, %select_n3A_305 : vector<64x128xf32>
    %lt3A_326 = arith.cmpi slt, %select_n3A_284, %select_n3A_317 : vector<64x128xi32>
    %and3A_327 = arith.andi %eq3A_325, %lt3A_326 : vector<64x128xi1>
    %or3A_328 = arith.ori %gt3A_324, %and3A_327 : vector<64x128xi1>
    %eq3A_329 = arith.xori %eq3A_323, %eq3A_293 : vector<64x128xi1>
    %eq3A_330 = arith.constant dense<true> : vector<64x128xi1>
    %eq3A_331 = arith.xori %eq3A_329, %eq3A_330 : vector<64x128xi1>
    %eq3A_332 = arith.xori %eq3A_331, %or3A_328 : vector<64x128xi1>
    %eq3A_333 = arith.constant dense<true> : vector<64x128xi1>
    %eq3A_334 = arith.xori %eq3A_332, %eq3A_333 : vector<64x128xi1>
    %select_n3A_335 = arith.select %eq3A_334, %select_n3A_283, %select_n3A_305 : vector<64x128xi1>, vector<64x128xf32>
    %select_n3A_336 = arith.select %eq3A_334, %select_n3A_284, %select_n3A_317 : vector<64x128xi1>, vector<64x128xi32>
    %iota3A_337 = tpu.iota {dimensions = array<i32: 1>} : vector<64x128xi32>
    %and3A_338 = arith.constant 4 : i32
    %and3A_339 = vector.broadcast %and3A_338 : i32 to vector<64x128xi32>
    %and3A_340 = arith.andi %iota3A_337, %and3A_339 : vector<64x128xi32>
    %roll3A_341 = arith.constant 124 : i32
    %roll3A_342 = tpu.dynamic_rotate %select_n3A_335 by %roll3A_341 dim 1 : vector<64x128xf32>, i32 -> vector<64x128xf32>
    %roll3A_343 = arith.constant 4 : i32
    %roll3A_344 = tpu.dynamic_rotate %select_n3A_335 by %roll3A_343 dim 1 : vector<64x128xf32>, i32 -> vector<64x128xf32>
    %eq3A_345 = arith.constant 0 : i32
    %eq3A_346 = vector.broadcast %eq3A_345 : i32 to vector<64x128xi32>
    %eq3A_347 = arith.cmpi eq, %and3A_340, %eq3A_346 : vector<64x128xi32>
    %select_n3A_348 = arith.select %eq3A_347, %roll3A_342, %roll3A_344 : vector<64x128xi1>, vector<64x128xf32>
    %iota3A_349 = tpu.iota {dimensions = array<i32: 1>} : vector<64x128xi32>
    %and3A_350 = arith.constant 4 : i32
    %and3A_351 = vector.broadcast %and3A_350 : i32 to vector<64x128xi32>
    %and3A_352 = arith.andi %iota3A_349, %and3A_351 : vector<64x128xi32>
    %roll3A_353 = arith.constant 124 : i32
    %roll3A_354 = tpu.dynamic_rotate %select_n3A_336 by %roll3A_353 dim 1 : vector<64x128xi32>, i32 -> vector<64x128xi32>
    %roll3A_355 = arith.constant 4 : i32
    %roll3A_356 = tpu.dynamic_rotate %select_n3A_336 by %roll3A_355 dim 1 : vector<64x128xi32>, i32 -> vector<64x128xi32>
    %eq3A_357 = arith.constant 0 : i32
    %eq3A_358 = vector.broadcast %eq3A_357 : i32 to vector<64x128xi32>
    %eq3A_359 = arith.cmpi eq, %and3A_352, %eq3A_358 : vector<64x128xi32>
    %select_n3A_360 = arith.select %eq3A_359, %roll3A_354, %roll3A_356 : vector<64x128xi1>, vector<64x128xi32>
    %and3A_361 = arith.constant 4 : i32
    %and3A_362 = vector.broadcast %and3A_361 : i32 to vector<64x128xi32>
    %and3A_363 = arith.andi %add3A, %and3A_362 : vector<64x128xi32>
    %eq3A_364 = arith.constant 0 : i32
    %eq3A_365 = vector.broadcast %eq3A_364 : i32 to vector<64x128xi32>
    %eq3A_366 = arith.cmpi eq, %and3A_363, %eq3A_365 : vector<64x128xi32>
    %gt3A_367 = arith.cmpf ogt, %select_n3A_335, %select_n3A_348 : vector<64x128xf32>
    %eq3A_368 = arith.cmpf oeq, %select_n3A_335, %select_n3A_348 : vector<64x128xf32>
    %lt3A_369 = arith.cmpi slt, %select_n3A_336, %select_n3A_360 : vector<64x128xi32>
    %and3A_370 = arith.andi %eq3A_368, %lt3A_369 : vector<64x128xi1>
    %or3A_371 = arith.ori %gt3A_367, %and3A_370 : vector<64x128xi1>
    %eq3A_372 = arith.xori %eq3A_366, %eq3A_293 : vector<64x128xi1>
    %eq3A_373 = arith.constant dense<true> : vector<64x128xi1>
    %eq3A_374 = arith.xori %eq3A_372, %eq3A_373 : vector<64x128xi1>
    %eq3A_375 = arith.xori %eq3A_374, %or3A_371 : vector<64x128xi1>
    %eq3A_376 = arith.constant dense<true> : vector<64x128xi1>
    %eq3A_377 = arith.xori %eq3A_375, %eq3A_376 : vector<64x128xi1>
    %select_n3A_378 = arith.select %eq3A_377, %select_n3A_335, %select_n3A_348 : vector<64x128xi1>, vector<64x128xf32>
    %select_n3A_379 = arith.select %eq3A_377, %select_n3A_336, %select_n3A_360 : vector<64x128xi1>, vector<64x128xi32>
    %iota3A_380 = tpu.iota {dimensions = array<i32: 1>} : vector<64x128xi32>
    %and3A_381 = arith.constant 2 : i32
    %and3A_382 = vector.broadcast %and3A_381 : i32 to vector<64x128xi32>
    %and3A_383 = arith.andi %iota3A_380, %and3A_382 : vector<64x128xi32>
    %roll3A_384 = arith.constant 126 : i32
    %roll3A_385 = tpu.dynamic_rotate %select_n3A_378 by %roll3A_384 dim 1 : vector<64x128xf32>, i32 -> vector<64x128xf32>
    %roll3A_386 = arith.constant 2 : i32
    %roll3A_387 = tpu.dynamic_rotate %select_n3A_378 by %roll3A_386 dim 1 : vector<64x128xf32>, i32 -> vector<64x128xf32>
    %eq3A_388 = arith.constant 0 : i32
    %eq3A_389 = vector.broadcast %eq3A_388 : i32 to vector<64x128xi32>
    %eq3A_390 = arith.cmpi eq, %and3A_383, %eq3A_389 : vector<64x128xi32>
    %select_n3A_391 = arith.select %eq3A_390, %roll3A_385, %roll3A_387 : vector<64x128xi1>, vector<64x128xf32>
    %iota3A_392 = tpu.iota {dimensions = array<i32: 1>} : vector<64x128xi32>
    %and3A_393 = arith.constant 2 : i32
    %and3A_394 = vector.broadcast %and3A_393 : i32 to vector<64x128xi32>
    %and3A_395 = arith.andi %iota3A_392, %and3A_394 : vector<64x128xi32>
    %roll3A_396 = arith.constant 126 : i32
    %roll3A_397 = tpu.dynamic_rotate %select_n3A_379 by %roll3A_396 dim 1 : vector<64x128xi32>, i32 -> vector<64x128xi32>
    %roll3A_398 = arith.constant 2 : i32
    %roll3A_399 = tpu.dynamic_rotate %select_n3A_379 by %roll3A_398 dim 1 : vector<64x128xi32>, i32 -> vector<64x128xi32>
    %eq3A_400 = arith.constant 0 : i32
    %eq3A_401 = vector.broadcast %eq3A_400 : i32 to vector<64x128xi32>
    %eq3A_402 = arith.cmpi eq, %and3A_395, %eq3A_401 : vector<64x128xi32>
    %select_n3A_403 = arith.select %eq3A_402, %roll3A_397, %roll3A_399 : vector<64x128xi1>, vector<64x128xi32>
    %and3A_404 = arith.constant 2 : i32
    %and3A_405 = vector.broadcast %and3A_404 : i32 to vector<64x128xi32>
    %and3A_406 = arith.andi %add3A, %and3A_405 : vector<64x128xi32>
    %eq3A_407 = arith.constant 0 : i32
    %eq3A_408 = vector.broadcast %eq3A_407 : i32 to vector<64x128xi32>
    %eq3A_409 = arith.cmpi eq, %and3A_406, %eq3A_408 : vector<64x128xi32>
    %gt3A_410 = arith.cmpf ogt, %select_n3A_378, %select_n3A_391 : vector<64x128xf32>
    %eq3A_411 = arith.cmpf oeq, %select_n3A_378, %select_n3A_391 : vector<64x128xf32>
    %lt3A_412 = arith.cmpi slt, %select_n3A_379, %select_n3A_403 : vector<64x128xi32>
    %and3A_413 = arith.andi %eq3A_411, %lt3A_412 : vector<64x128xi1>
    %or3A_414 = arith.ori %gt3A_410, %and3A_413 : vector<64x128xi1>
    %eq3A_415 = arith.xori %eq3A_409, %eq3A_293 : vector<64x128xi1>
    %eq3A_416 = arith.constant dense<true> : vector<64x128xi1>
    %eq3A_417 = arith.xori %eq3A_415, %eq3A_416 : vector<64x128xi1>
    %eq3A_418 = arith.xori %eq3A_417, %or3A_414 : vector<64x128xi1>
    %eq3A_419 = arith.constant dense<true> : vector<64x128xi1>
    %eq3A_420 = arith.xori %eq3A_418, %eq3A_419 : vector<64x128xi1>
    %select_n3A_421 = arith.select %eq3A_420, %select_n3A_378, %select_n3A_391 : vector<64x128xi1>, vector<64x128xf32>
    %select_n3A_422 = arith.select %eq3A_420, %select_n3A_379, %select_n3A_403 : vector<64x128xi1>, vector<64x128xi32>
    %iota3A_423 = tpu.iota {dimensions = array<i32: 1>} : vector<64x128xi32>
    %and3A_424 = arith.constant 1 : i32
    %and3A_425 = vector.broadcast %and3A_424 : i32 to vector<64x128xi32>
    %and3A_426 = arith.andi %iota3A_423, %and3A_425 : vector<64x128xi32>
    %roll3A_427 = arith.constant 127 : i32
    %roll3A_428 = tpu.dynamic_rotate %select_n3A_421 by %roll3A_427 dim 1 : vector<64x128xf32>, i32 -> vector<64x128xf32>
    %roll3A_429 = arith.constant 1 : i32
    %roll3A_430 = tpu.dynamic_rotate %select_n3A_421 by %roll3A_429 dim 1 : vector<64x128xf32>, i32 -> vector<64x128xf32>
    %eq3A_431 = arith.constant 0 : i32
    %eq3A_432 = vector.broadcast %eq3A_431 : i32 to vector<64x128xi32>
    %eq3A_433 = arith.cmpi eq, %and3A_426, %eq3A_432 : vector<64x128xi32>
    %select_n3A_434 = arith.select %eq3A_433, %roll3A_428, %roll3A_430 : vector<64x128xi1>, vector<64x128xf32>
    %iota3A_435 = tpu.iota {dimensions = array<i32: 1>} : vector<64x128xi32>
    %and3A_436 = arith.constant 1 : i32
    %and3A_437 = vector.broadcast %and3A_436 : i32 to vector<64x128xi32>
    %and3A_438 = arith.andi %iota3A_435, %and3A_437 : vector<64x128xi32>
    %roll3A_439 = arith.constant 127 : i32
    %roll3A_440 = tpu.dynamic_rotate %select_n3A_422 by %roll3A_439 dim 1 : vector<64x128xi32>, i32 -> vector<64x128xi32>
    %roll3A_441 = arith.constant 1 : i32
    %roll3A_442 = tpu.dynamic_rotate %select_n3A_422 by %roll3A_441 dim 1 : vector<64x128xi32>, i32 -> vector<64x128xi32>
    %eq3A_443 = arith.constant 0 : i32
    %eq3A_444 = vector.broadcast %eq3A_443 : i32 to vector<64x128xi32>
    %eq3A_445 = arith.cmpi eq, %and3A_438, %eq3A_444 : vector<64x128xi32>
    %select_n3A_446 = arith.select %eq3A_445, %roll3A_440, %roll3A_442 : vector<64x128xi1>, vector<64x128xi32>
    %and3A_447 = arith.constant 1 : i32
    %and3A_448 = vector.broadcast %and3A_447 : i32 to vector<64x128xi32>
    %and3A_449 = arith.andi %add3A, %and3A_448 : vector<64x128xi32>
    %eq3A_450 = arith.constant 0 : i32
    %eq3A_451 = vector.broadcast %eq3A_450 : i32 to vector<64x128xi32>
    %eq3A_452 = arith.cmpi eq, %and3A_449, %eq3A_451 : vector<64x128xi32>
    %gt3A_453 = arith.cmpf ogt, %select_n3A_421, %select_n3A_434 : vector<64x128xf32>
    %eq3A_454 = arith.cmpf oeq, %select_n3A_421, %select_n3A_434 : vector<64x128xf32>
    %lt3A_455 = arith.cmpi slt, %select_n3A_422, %select_n3A_446 : vector<64x128xi32>
    %and3A_456 = arith.andi %eq3A_454, %lt3A_455 : vector<64x128xi1>
    %or3A_457 = arith.ori %gt3A_453, %and3A_456 : vector<64x128xi1>
    %eq3A_458 = arith.xori %eq3A_452, %eq3A_293 : vector<64x128xi1>
    %eq3A_459 = arith.constant dense<true> : vector<64x128xi1>
    %eq3A_460 = arith.xori %eq3A_458, %eq3A_459 : vector<64x128xi1>
    %eq3A_461 = arith.xori %eq3A_460, %or3A_457 : vector<64x128xi1>
    %eq3A_462 = arith.constant dense<true> : vector<64x128xi1>
    %eq3A_463 = arith.xori %eq3A_461, %eq3A_462 : vector<64x128xi1>
    %select_n3A_464 = arith.select %eq3A_463, %select_n3A_421, %select_n3A_434 : vector<64x128xi1>, vector<64x128xf32>
    %select_n3A_465 = arith.select %eq3A_463, %select_n3A_422, %select_n3A_446 : vector<64x128xi1>, vector<64x128xi32>
    %shift_right_arithmetic3A_466 = arith.constant 5 : i32
    %shift_right_arithmetic3A_467 = vector.broadcast %shift_right_arithmetic3A_466 : i32 to vector<64x128xi32>
    %shift_right_arithmetic3A_468 = arith.shrsi %add3A, %shift_right_arithmetic3A_467 : vector<64x128xi32>
    %and3A_469 = arith.constant 1 : i32
    %and3A_470 = vector.broadcast %and3A_469 : i32 to vector<64x128xi32>
    %and3A_471 = arith.andi %shift_right_arithmetic3A_468, %and3A_470 : vector<64x128xi32>
    %eq3A_472 = arith.constant 0 : i32
    %eq3A_473 = vector.broadcast %eq3A_472 : i32 to vector<64x128xi32>
    %eq3A_474 = arith.cmpi eq, %and3A_471, %eq3A_473 : vector<64x128xi32>
    %iota3A_475 = tpu.iota {dimensions = array<i32: 1>} : vector<64x128xi32>
    %and3A_476 = arith.constant 16 : i32
    %and3A_477 = vector.broadcast %and3A_476 : i32 to vector<64x128xi32>
    %and3A_478 = arith.andi %iota3A_475, %and3A_477 : vector<64x128xi32>
    %roll3A_479 = arith.constant 112 : i32
    %roll3A_480 = tpu.dynamic_rotate %select_n3A_464 by %roll3A_479 dim 1 : vector<64x128xf32>, i32 -> vector<64x128xf32>
    %roll3A_481 = arith.constant 16 : i32
    %roll3A_482 = tpu.dynamic_rotate %select_n3A_464 by %roll3A_481 dim 1 : vector<64x128xf32>, i32 -> vector<64x128xf32>
    %eq3A_483 = arith.constant 0 : i32
    %eq3A_484 = vector.broadcast %eq3A_483 : i32 to vector<64x128xi32>
    %eq3A_485 = arith.cmpi eq, %and3A_478, %eq3A_484 : vector<64x128xi32>
    %select_n3A_486 = arith.select %eq3A_485, %roll3A_480, %roll3A_482 : vector<64x128xi1>, vector<64x128xf32>
    %iota3A_487 = tpu.iota {dimensions = array<i32: 1>} : vector<64x128xi32>
    %and3A_488 = arith.constant 16 : i32
    %and3A_489 = vector.broadcast %and3A_488 : i32 to vector<64x128xi32>
    %and3A_490 = arith.andi %iota3A_487, %and3A_489 : vector<64x128xi32>
    %roll3A_491 = arith.constant 112 : i32
    %roll3A_492 = tpu.dynamic_rotate %select_n3A_465 by %roll3A_491 dim 1 : vector<64x128xi32>, i32 -> vector<64x128xi32>
    %roll3A_493 = arith.constant 16 : i32
    %roll3A_494 = tpu.dynamic_rotate %select_n3A_465 by %roll3A_493 dim 1 : vector<64x128xi32>, i32 -> vector<64x128xi32>
    %eq3A_495 = arith.constant 0 : i32
    %eq3A_496 = vector.broadcast %eq3A_495 : i32 to vector<64x128xi32>
    %eq3A_497 = arith.cmpi eq, %and3A_490, %eq3A_496 : vector<64x128xi32>
    %select_n3A_498 = arith.select %eq3A_497, %roll3A_492, %roll3A_494 : vector<64x128xi1>, vector<64x128xi32>
    %and3A_499 = arith.constant 16 : i32
    %and3A_500 = vector.broadcast %and3A_499 : i32 to vector<64x128xi32>
    %and3A_501 = arith.andi %add3A, %and3A_500 : vector<64x128xi32>
    %eq3A_502 = arith.constant 0 : i32
    %eq3A_503 = vector.broadcast %eq3A_502 : i32 to vector<64x128xi32>
    %eq3A_504 = arith.cmpi eq, %and3A_501, %eq3A_503 : vector<64x128xi32>
    %gt3A_505 = arith.cmpf ogt, %select_n3A_464, %select_n3A_486 : vector<64x128xf32>
    %eq3A_506 = arith.cmpf oeq, %select_n3A_464, %select_n3A_486 : vector<64x128xf32>
    %lt3A_507 = arith.cmpi slt, %select_n3A_465, %select_n3A_498 : vector<64x128xi32>
    %and3A_508 = arith.andi %eq3A_506, %lt3A_507 : vector<64x128xi1>
    %or3A_509 = arith.ori %gt3A_505, %and3A_508 : vector<64x128xi1>
    %eq3A_510 = arith.xori %eq3A_504, %eq3A_474 : vector<64x128xi1>
    %eq3A_511 = arith.constant dense<true> : vector<64x128xi1>
    %eq3A_512 = arith.xori %eq3A_510, %eq3A_511 : vector<64x128xi1>
    %eq3A_513 = arith.xori %eq3A_512, %or3A_509 : vector<64x128xi1>
    %eq3A_514 = arith.constant dense<true> : vector<64x128xi1>
    %eq3A_515 = arith.xori %eq3A_513, %eq3A_514 : vector<64x128xi1>
    %select_n3A_516 = arith.select %eq3A_515, %select_n3A_464, %select_n3A_486 : vector<64x128xi1>, vector<64x128xf32>
    %select_n3A_517 = arith.select %eq3A_515, %select_n3A_465, %select_n3A_498 : vector<64x128xi1>, vector<64x128xi32>
    %iota3A_518 = tpu.iota {dimensions = array<i32: 1>} : vector<64x128xi32>
    %and3A_519 = arith.constant 8 : i32
    %and3A_520 = vector.broadcast %and3A_519 : i32 to vector<64x128xi32>
    %and3A_521 = arith.andi %iota3A_518, %and3A_520 : vector<64x128xi32>
    %roll3A_522 = arith.constant 120 : i32
    %roll3A_523 = tpu.dynamic_rotate %select_n3A_516 by %roll3A_522 dim 1 : vector<64x128xf32>, i32 -> vector<64x128xf32>
    %roll3A_524 = arith.constant 8 : i32
    %roll3A_525 = tpu.dynamic_rotate %select_n3A_516 by %roll3A_524 dim 1 : vector<64x128xf32>, i32 -> vector<64x128xf32>
    %eq3A_526 = arith.constant 0 : i32
    %eq3A_527 = vector.broadcast %eq3A_526 : i32 to vector<64x128xi32>
    %eq3A_528 = arith.cmpi eq, %and3A_521, %eq3A_527 : vector<64x128xi32>
    %select_n3A_529 = arith.select %eq3A_528, %roll3A_523, %roll3A_525 : vector<64x128xi1>, vector<64x128xf32>
    %iota3A_530 = tpu.iota {dimensions = array<i32: 1>} : vector<64x128xi32>
    %and3A_531 = arith.constant 8 : i32
    %and3A_532 = vector.broadcast %and3A_531 : i32 to vector<64x128xi32>
    %and3A_533 = arith.andi %iota3A_530, %and3A_532 : vector<64x128xi32>
    %roll3A_534 = arith.constant 120 : i32
    %roll3A_535 = tpu.dynamic_rotate %select_n3A_517 by %roll3A_534 dim 1 : vector<64x128xi32>, i32 -> vector<64x128xi32>
    %roll3A_536 = arith.constant 8 : i32
    %roll3A_537 = tpu.dynamic_rotate %select_n3A_517 by %roll3A_536 dim 1 : vector<64x128xi32>, i32 -> vector<64x128xi32>
    %eq3A_538 = arith.constant 0 : i32
    %eq3A_539 = vector.broadcast %eq3A_538 : i32 to vector<64x128xi32>
    %eq3A_540 = arith.cmpi eq, %and3A_533, %eq3A_539 : vector<64x128xi32>
    %select_n3A_541 = arith.select %eq3A_540, %roll3A_535, %roll3A_537 : vector<64x128xi1>, vector<64x128xi32>
    %and3A_542 = arith.constant 8 : i32
    %and3A_543 = vector.broadcast %and3A_542 : i32 to vector<64x128xi32>
    %and3A_544 = arith.andi %add3A, %and3A_543 : vector<64x128xi32>
    %eq3A_545 = arith.constant 0 : i32
    %eq3A_546 = vector.broadcast %eq3A_545 : i32 to vector<64x128xi32>
    %eq3A_547 = arith.cmpi eq, %and3A_544, %eq3A_546 : vector<64x128xi32>
    %gt3A_548 = arith.cmpf ogt, %select_n3A_516, %select_n3A_529 : vector<64x128xf32>
    %eq3A_549 = arith.cmpf oeq, %select_n3A_516, %select_n3A_529 : vector<64x128xf32>
    %lt3A_550 = arith.cmpi slt, %select_n3A_517, %select_n3A_541 : vector<64x128xi32>
    %and3A_551 = arith.andi %eq3A_549, %lt3A_550 : vector<64x128xi1>
    %or3A_552 = arith.ori %gt3A_548, %and3A_551 : vector<64x128xi1>
    %eq3A_553 = arith.xori %eq3A_547, %eq3A_474 : vector<64x128xi1>
    %eq3A_554 = arith.constant dense<true> : vector<64x128xi1>
    %eq3A_555 = arith.xori %eq3A_553, %eq3A_554 : vector<64x128xi1>
    %eq3A_556 = arith.xori %eq3A_555, %or3A_552 : vector<64x128xi1>
    %eq3A_557 = arith.constant dense<true> : vector<64x128xi1>
    %eq3A_558 = arith.xori %eq3A_556, %eq3A_557 : vector<64x128xi1>
    %select_n3A_559 = arith.select %eq3A_558, %select_n3A_516, %select_n3A_529 : vector<64x128xi1>, vector<64x128xf32>
    %select_n3A_560 = arith.select %eq3A_558, %select_n3A_517, %select_n3A_541 : vector<64x128xi1>, vector<64x128xi32>
    %iota3A_561 = tpu.iota {dimensions = array<i32: 1>} : vector<64x128xi32>
    %and3A_562 = arith.constant 4 : i32
    %and3A_563 = vector.broadcast %and3A_562 : i32 to vector<64x128xi32>
    %and3A_564 = arith.andi %iota3A_561, %and3A_563 : vector<64x128xi32>
    %roll3A_565 = arith.constant 124 : i32
    %roll3A_566 = tpu.dynamic_rotate %select_n3A_559 by %roll3A_565 dim 1 : vector<64x128xf32>, i32 -> vector<64x128xf32>
    %roll3A_567 = arith.constant 4 : i32
    %roll3A_568 = tpu.dynamic_rotate %select_n3A_559 by %roll3A_567 dim 1 : vector<64x128xf32>, i32 -> vector<64x128xf32>
    %eq3A_569 = arith.constant 0 : i32
    %eq3A_570 = vector.broadcast %eq3A_569 : i32 to vector<64x128xi32>
    %eq3A_571 = arith.cmpi eq, %and3A_564, %eq3A_570 : vector<64x128xi32>
    %select_n3A_572 = arith.select %eq3A_571, %roll3A_566, %roll3A_568 : vector<64x128xi1>, vector<64x128xf32>
    %iota3A_573 = tpu.iota {dimensions = array<i32: 1>} : vector<64x128xi32>
    %and3A_574 = arith.constant 4 : i32
    %and3A_575 = vector.broadcast %and3A_574 : i32 to vector<64x128xi32>
    %and3A_576 = arith.andi %iota3A_573, %and3A_575 : vector<64x128xi32>
    %roll3A_577 = arith.constant 124 : i32
    %roll3A_578 = tpu.dynamic_rotate %select_n3A_560 by %roll3A_577 dim 1 : vector<64x128xi32>, i32 -> vector<64x128xi32>
    %roll3A_579 = arith.constant 4 : i32
    %roll3A_580 = tpu.dynamic_rotate %select_n3A_560 by %roll3A_579 dim 1 : vector<64x128xi32>, i32 -> vector<64x128xi32>
    %eq3A_581 = arith.constant 0 : i32
    %eq3A_582 = vector.broadcast %eq3A_581 : i32 to vector<64x128xi32>
    %eq3A_583 = arith.cmpi eq, %and3A_576, %eq3A_582 : vector<64x128xi32>
    %select_n3A_584 = arith.select %eq3A_583, %roll3A_578, %roll3A_580 : vector<64x128xi1>, vector<64x128xi32>
    %and3A_585 = arith.constant 4 : i32
    %and3A_586 = vector.broadcast %and3A_585 : i32 to vector<64x128xi32>
    %and3A_587 = arith.andi %add3A, %and3A_586 : vector<64x128xi32>
    %eq3A_588 = arith.constant 0 : i32
    %eq3A_589 = vector.broadcast %eq3A_588 : i32 to vector<64x128xi32>
    %eq3A_590 = arith.cmpi eq, %and3A_587, %eq3A_589 : vector<64x128xi32>
    %gt3A_591 = arith.cmpf ogt, %select_n3A_559, %select_n3A_572 : vector<64x128xf32>
    %eq3A_592 = arith.cmpf oeq, %select_n3A_559, %select_n3A_572 : vector<64x128xf32>
    %lt3A_593 = arith.cmpi slt, %select_n3A_560, %select_n3A_584 : vector<64x128xi32>
    %and3A_594 = arith.andi %eq3A_592, %lt3A_593 : vector<64x128xi1>
    %or3A_595 = arith.ori %gt3A_591, %and3A_594 : vector<64x128xi1>
    %eq3A_596 = arith.xori %eq3A_590, %eq3A_474 : vector<64x128xi1>
    %eq3A_597 = arith.constant dense<true> : vector<64x128xi1>
    %eq3A_598 = arith.xori %eq3A_596, %eq3A_597 : vector<64x128xi1>
    %eq3A_599 = arith.xori %eq3A_598, %or3A_595 : vector<64x128xi1>
    %eq3A_600 = arith.constant dense<true> : vector<64x128xi1>
    %eq3A_601 = arith.xori %eq3A_599, %eq3A_600 : vector<64x128xi1>
    %select_n3A_602 = arith.select %eq3A_601, %select_n3A_559, %select_n3A_572 : vector<64x128xi1>, vector<64x128xf32>
    %select_n3A_603 = arith.select %eq3A_601, %select_n3A_560, %select_n3A_584 : vector<64x128xi1>, vector<64x128xi32>
    %iota3A_604 = tpu.iota {dimensions = array<i32: 1>} : vector<64x128xi32>
    %and3A_605 = arith.constant 2 : i32
    %and3A_606 = vector.broadcast %and3A_605 : i32 to vector<64x128xi32>
    %and3A_607 = arith.andi %iota3A_604, %and3A_606 : vector<64x128xi32>
    %roll3A_608 = arith.constant 126 : i32
    %roll3A_609 = tpu.dynamic_rotate %select_n3A_602 by %roll3A_608 dim 1 : vector<64x128xf32>, i32 -> vector<64x128xf32>
    %roll3A_610 = arith.constant 2 : i32
    %roll3A_611 = tpu.dynamic_rotate %select_n3A_602 by %roll3A_610 dim 1 : vector<64x128xf32>, i32 -> vector<64x128xf32>
    %eq3A_612 = arith.constant 0 : i32
    %eq3A_613 = vector.broadcast %eq3A_612 : i32 to vector<64x128xi32>
    %eq3A_614 = arith.cmpi eq, %and3A_607, %eq3A_613 : vector<64x128xi32>
    %select_n3A_615 = arith.select %eq3A_614, %roll3A_609, %roll3A_611 : vector<64x128xi1>, vector<64x128xf32>
    %iota3A_616 = tpu.iota {dimensions = array<i32: 1>} : vector<64x128xi32>
    %and3A_617 = arith.constant 2 : i32
    %and3A_618 = vector.broadcast %and3A_617 : i32 to vector<64x128xi32>
    %and3A_619 = arith.andi %iota3A_616, %and3A_618 : vector<64x128xi32>
    %roll3A_620 = arith.constant 126 : i32
    %roll3A_621 = tpu.dynamic_rotate %select_n3A_603 by %roll3A_620 dim 1 : vector<64x128xi32>, i32 -> vector<64x128xi32>
    %roll3A_622 = arith.constant 2 : i32
    %roll3A_623 = tpu.dynamic_rotate %select_n3A_603 by %roll3A_622 dim 1 : vector<64x128xi32>, i32 -> vector<64x128xi32>
    %eq3A_624 = arith.constant 0 : i32
    %eq3A_625 = vector.broadcast %eq3A_624 : i32 to vector<64x128xi32>
    %eq3A_626 = arith.cmpi eq, %and3A_619, %eq3A_625 : vector<64x128xi32>
    %select_n3A_627 = arith.select %eq3A_626, %roll3A_621, %roll3A_623 : vector<64x128xi1>, vector<64x128xi32>
    %and3A_628 = arith.constant 2 : i32
    %and3A_629 = vector.broadcast %and3A_628 : i32 to vector<64x128xi32>
    %and3A_630 = arith.andi %add3A, %and3A_629 : vector<64x128xi32>
    %eq3A_631 = arith.constant 0 : i32
    %eq3A_632 = vector.broadcast %eq3A_631 : i32 to vector<64x128xi32>
    %eq3A_633 = arith.cmpi eq, %and3A_630, %eq3A_632 : vector<64x128xi32>
    %gt3A_634 = arith.cmpf ogt, %select_n3A_602, %select_n3A_615 : vector<64x128xf32>
    %eq3A_635 = arith.cmpf oeq, %select_n3A_602, %select_n3A_615 : vector<64x128xf32>
    %lt3A_636 = arith.cmpi slt, %select_n3A_603, %select_n3A_627 : vector<64x128xi32>
    %and3A_637 = arith.andi %eq3A_635, %lt3A_636 : vector<64x128xi1>
    %or3A_638 = arith.ori %gt3A_634, %and3A_637 : vector<64x128xi1>
    %eq3A_639 = arith.xori %eq3A_633, %eq3A_474 : vector<64x128xi1>
    %eq3A_640 = arith.constant dense<true> : vector<64x128xi1>
    %eq3A_641 = arith.xori %eq3A_639, %eq3A_640 : vector<64x128xi1>
    %eq3A_642 = arith.xori %eq3A_641, %or3A_638 : vector<64x128xi1>
    %eq3A_643 = arith.constant dense<true> : vector<64x128xi1>
    %eq3A_644 = arith.xori %eq3A_642, %eq3A_643 : vector<64x128xi1>
    %select_n3A_645 = arith.select %eq3A_644, %select_n3A_602, %select_n3A_615 : vector<64x128xi1>, vector<64x128xf32>
    %select_n3A_646 = arith.select %eq3A_644, %select_n3A_603, %select_n3A_627 : vector<64x128xi1>, vector<64x128xi32>
    %iota3A_647 = tpu.iota {dimensions = array<i32: 1>} : vector<64x128xi32>
    %and3A_648 = arith.constant 1 : i32
    %and3A_649 = vector.broadcast %and3A_648 : i32 to vector<64x128xi32>
    %and3A_650 = arith.andi %iota3A_647, %and3A_649 : vector<64x128xi32>
    %roll3A_651 = arith.constant 127 : i32
    %roll3A_652 = tpu.dynamic_rotate %select_n3A_645 by %roll3A_651 dim 1 : vector<64x128xf32>, i32 -> vector<64x128xf32>
    %roll3A_653 = arith.constant 1 : i32
    %roll3A_654 = tpu.dynamic_rotate %select_n3A_645 by %roll3A_653 dim 1 : vector<64x128xf32>, i32 -> vector<64x128xf32>
    %eq3A_655 = arith.constant 0 : i32
    %eq3A_656 = vector.broadcast %eq3A_655 : i32 to vector<64x128xi32>
    %eq3A_657 = arith.cmpi eq, %and3A_650, %eq3A_656 : vector<64x128xi32>
    %select_n3A_658 = arith.select %eq3A_657, %roll3A_652, %roll3A_654 : vector<64x128xi1>, vector<64x128xf32>
    %iota3A_659 = tpu.iota {dimensions = array<i32: 1>} : vector<64x128xi32>
    %and3A_660 = arith.constant 1 : i32
    %and3A_661 = vector.broadcast %and3A_660 : i32 to vector<64x128xi32>
    %and3A_662 = arith.andi %iota3A_659, %and3A_661 : vector<64x128xi32>
    %roll3A_663 = arith.constant 127 : i32
    %roll3A_664 = tpu.dynamic_rotate %select_n3A_646 by %roll3A_663 dim 1 : vector<64x128xi32>, i32 -> vector<64x128xi32>
    %roll3A_665 = arith.constant 1 : i32
    %roll3A_666 = tpu.dynamic_rotate %select_n3A_646 by %roll3A_665 dim 1 : vector<64x128xi32>, i32 -> vector<64x128xi32>
    %eq3A_667 = arith.constant 0 : i32
    %eq3A_668 = vector.broadcast %eq3A_667 : i32 to vector<64x128xi32>
    %eq3A_669 = arith.cmpi eq, %and3A_662, %eq3A_668 : vector<64x128xi32>
    %select_n3A_670 = arith.select %eq3A_669, %roll3A_664, %roll3A_666 : vector<64x128xi1>, vector<64x128xi32>
    %and3A_671 = arith.constant 1 : i32
    %and3A_672 = vector.broadcast %and3A_671 : i32 to vector<64x128xi32>
    %and3A_673 = arith.andi %add3A, %and3A_672 : vector<64x128xi32>
    %eq3A_674 = arith.constant 0 : i32
    %eq3A_675 = vector.broadcast %eq3A_674 : i32 to vector<64x128xi32>
    %eq3A_676 = arith.cmpi eq, %and3A_673, %eq3A_675 : vector<64x128xi32>
    %gt3A_677 = arith.cmpf ogt, %select_n3A_645, %select_n3A_658 : vector<64x128xf32>
    %eq3A_678 = arith.cmpf oeq, %select_n3A_645, %select_n3A_658 : vector<64x128xf32>
    %lt3A_679 = arith.cmpi slt, %select_n3A_646, %select_n3A_670 : vector<64x128xi32>
    %and3A_680 = arith.andi %eq3A_678, %lt3A_679 : vector<64x128xi1>
    %or3A_681 = arith.ori %gt3A_677, %and3A_680 : vector<64x128xi1>
    %eq3A_682 = arith.xori %eq3A_676, %eq3A_474 : vector<64x128xi1>
    %eq3A_683 = arith.constant dense<true> : vector<64x128xi1>
    %eq3A_684 = arith.xori %eq3A_682, %eq3A_683 : vector<64x128xi1>
    %eq3A_685 = arith.xori %eq3A_684, %or3A_681 : vector<64x128xi1>
    %eq3A_686 = arith.constant dense<true> : vector<64x128xi1>
    %eq3A_687 = arith.xori %eq3A_685, %eq3A_686 : vector<64x128xi1>
    %select_n3A_688 = arith.select %eq3A_687, %select_n3A_645, %select_n3A_658 : vector<64x128xi1>, vector<64x128xf32>
    %select_n3A_689 = arith.select %eq3A_687, %select_n3A_646, %select_n3A_670 : vector<64x128xi1>, vector<64x128xi32>
    %shift_right_arithmetic3A_690 = arith.constant 6 : i32
    %shift_right_arithmetic3A_691 = vector.broadcast %shift_right_arithmetic3A_690 : i32 to vector<64x128xi32>
    %shift_right_arithmetic3A_692 = arith.shrsi %add3A, %shift_right_arithmetic3A_691 : vector<64x128xi32>
    %and3A_693 = arith.constant 1 : i32
    %and3A_694 = vector.broadcast %and3A_693 : i32 to vector<64x128xi32>
    %and3A_695 = arith.andi %shift_right_arithmetic3A_692, %and3A_694 : vector<64x128xi32>
    %eq3A_696 = arith.constant 0 : i32
    %eq3A_697 = vector.broadcast %eq3A_696 : i32 to vector<64x128xi32>
    %eq3A_698 = arith.cmpi eq, %and3A_695, %eq3A_697 : vector<64x128xi32>
    %iota3A_699 = tpu.iota {dimensions = array<i32: 1>} : vector<64x128xi32>
    %and3A_700 = arith.constant 32 : i32
    %and3A_701 = vector.broadcast %and3A_700 : i32 to vector<64x128xi32>
    %and3A_702 = arith.andi %iota3A_699, %and3A_701 : vector<64x128xi32>
    %roll3A_703 = arith.constant 96 : i32
    %roll3A_704 = tpu.dynamic_rotate %select_n3A_688 by %roll3A_703 dim 1 : vector<64x128xf32>, i32 -> vector<64x128xf32>
    %roll3A_705 = arith.constant 32 : i32
    %roll3A_706 = tpu.dynamic_rotate %select_n3A_688 by %roll3A_705 dim 1 : vector<64x128xf32>, i32 -> vector<64x128xf32>
    %eq3A_707 = arith.constant 0 : i32
    %eq3A_708 = vector.broadcast %eq3A_707 : i32 to vector<64x128xi32>
    %eq3A_709 = arith.cmpi eq, %and3A_702, %eq3A_708 : vector<64x128xi32>
    %select_n3A_710 = arith.select %eq3A_709, %roll3A_704, %roll3A_706 : vector<64x128xi1>, vector<64x128xf32>
    %iota3A_711 = tpu.iota {dimensions = array<i32: 1>} : vector<64x128xi32>
    %and3A_712 = arith.constant 32 : i32
    %and3A_713 = vector.broadcast %and3A_712 : i32 to vector<64x128xi32>
    %and3A_714 = arith.andi %iota3A_711, %and3A_713 : vector<64x128xi32>
    %roll3A_715 = arith.constant 96 : i32
    %roll3A_716 = tpu.dynamic_rotate %select_n3A_689 by %roll3A_715 dim 1 : vector<64x128xi32>, i32 -> vector<64x128xi32>
    %roll3A_717 = arith.constant 32 : i32
    %roll3A_718 = tpu.dynamic_rotate %select_n3A_689 by %roll3A_717 dim 1 : vector<64x128xi32>, i32 -> vector<64x128xi32>
    %eq3A_719 = arith.constant 0 : i32
    %eq3A_720 = vector.broadcast %eq3A_719 : i32 to vector<64x128xi32>
    %eq3A_721 = arith.cmpi eq, %and3A_714, %eq3A_720 : vector<64x128xi32>
    %select_n3A_722 = arith.select %eq3A_721, %roll3A_716, %roll3A_718 : vector<64x128xi1>, vector<64x128xi32>
    %and3A_723 = arith.constant 32 : i32
    %and3A_724 = vector.broadcast %and3A_723 : i32 to vector<64x128xi32>
    %and3A_725 = arith.andi %add3A, %and3A_724 : vector<64x128xi32>
    %eq3A_726 = arith.constant 0 : i32
    %eq3A_727 = vector.broadcast %eq3A_726 : i32 to vector<64x128xi32>
    %eq3A_728 = arith.cmpi eq, %and3A_725, %eq3A_727 : vector<64x128xi32>
    %gt3A_729 = arith.cmpf ogt, %select_n3A_688, %select_n3A_710 : vector<64x128xf32>
    %eq3A_730 = arith.cmpf oeq, %select_n3A_688, %select_n3A_710 : vector<64x128xf32>
    %lt3A_731 = arith.cmpi slt, %select_n3A_689, %select_n3A_722 : vector<64x128xi32>
    %and3A_732 = arith.andi %eq3A_730, %lt3A_731 : vector<64x128xi1>
    %or3A_733 = arith.ori %gt3A_729, %and3A_732 : vector<64x128xi1>
    %eq3A_734 = arith.xori %eq3A_728, %eq3A_698 : vector<64x128xi1>
    %eq3A_735 = arith.constant dense<true> : vector<64x128xi1>
    %eq3A_736 = arith.xori %eq3A_734, %eq3A_735 : vector<64x128xi1>
    %eq3A_737 = arith.xori %eq3A_736, %or3A_733 : vector<64x128xi1>
    %eq3A_738 = arith.constant dense<true> : vector<64x128xi1>
    %eq3A_739 = arith.xori %eq3A_737, %eq3A_738 : vector<64x128xi1>
    %select_n3A_740 = arith.select %eq3A_739, %select_n3A_688, %select_n3A_710 : vector<64x128xi1>, vector<64x128xf32>
    %select_n3A_741 = arith.select %eq3A_739, %select_n3A_689, %select_n3A_722 : vector<64x128xi1>, vector<64x128xi32>
    %iota3A_742 = tpu.iota {dimensions = array<i32: 1>} : vector<64x128xi32>
    %and3A_743 = arith.constant 16 : i32
    %and3A_744 = vector.broadcast %and3A_743 : i32 to vector<64x128xi32>
    %and3A_745 = arith.andi %iota3A_742, %and3A_744 : vector<64x128xi32>
    %roll3A_746 = arith.constant 112 : i32
    %roll3A_747 = tpu.dynamic_rotate %select_n3A_740 by %roll3A_746 dim 1 : vector<64x128xf32>, i32 -> vector<64x128xf32>
    %roll3A_748 = arith.constant 16 : i32
    %roll3A_749 = tpu.dynamic_rotate %select_n3A_740 by %roll3A_748 dim 1 : vector<64x128xf32>, i32 -> vector<64x128xf32>
    %eq3A_750 = arith.constant 0 : i32
    %eq3A_751 = vector.broadcast %eq3A_750 : i32 to vector<64x128xi32>
    %eq3A_752 = arith.cmpi eq, %and3A_745, %eq3A_751 : vector<64x128xi32>
    %select_n3A_753 = arith.select %eq3A_752, %roll3A_747, %roll3A_749 : vector<64x128xi1>, vector<64x128xf32>
    %iota3A_754 = tpu.iota {dimensions = array<i32: 1>} : vector<64x128xi32>
    %and3A_755 = arith.constant 16 : i32
    %and3A_756 = vector.broadcast %and3A_755 : i32 to vector<64x128xi32>
    %and3A_757 = arith.andi %iota3A_754, %and3A_756 : vector<64x128xi32>
    %roll3A_758 = arith.constant 112 : i32
    %roll3A_759 = tpu.dynamic_rotate %select_n3A_741 by %roll3A_758 dim 1 : vector<64x128xi32>, i32 -> vector<64x128xi32>
    %roll3A_760 = arith.constant 16 : i32
    %roll3A_761 = tpu.dynamic_rotate %select_n3A_741 by %roll3A_760 dim 1 : vector<64x128xi32>, i32 -> vector<64x128xi32>
    %eq3A_762 = arith.constant 0 : i32
    %eq3A_763 = vector.broadcast %eq3A_762 : i32 to vector<64x128xi32>
    %eq3A_764 = arith.cmpi eq, %and3A_757, %eq3A_763 : vector<64x128xi32>
    %select_n3A_765 = arith.select %eq3A_764, %roll3A_759, %roll3A_761 : vector<64x128xi1>, vector<64x128xi32>
    %and3A_766 = arith.constant 16 : i32
    %and3A_767 = vector.broadcast %and3A_766 : i32 to vector<64x128xi32>
    %and3A_768 = arith.andi %add3A, %and3A_767 : vector<64x128xi32>
    %eq3A_769 = arith.constant 0 : i32
    %eq3A_770 = vector.broadcast %eq3A_769 : i32 to vector<64x128xi32>
    %eq3A_771 = arith.cmpi eq, %and3A_768, %eq3A_770 : vector<64x128xi32>
    %gt3A_772 = arith.cmpf ogt, %select_n3A_740, %select_n3A_753 : vector<64x128xf32>
    %eq3A_773 = arith.cmpf oeq, %select_n3A_740, %select_n3A_753 : vector<64x128xf32>
    %lt3A_774 = arith.cmpi slt, %select_n3A_741, %select_n3A_765 : vector<64x128xi32>
    %and3A_775 = arith.andi %eq3A_773, %lt3A_774 : vector<64x128xi1>
    %or3A_776 = arith.ori %gt3A_772, %and3A_775 : vector<64x128xi1>
    %eq3A_777 = arith.xori %eq3A_771, %eq3A_698 : vector<64x128xi1>
    %eq3A_778 = arith.constant dense<true> : vector<64x128xi1>
    %eq3A_779 = arith.xori %eq3A_777, %eq3A_778 : vector<64x128xi1>
    %eq3A_780 = arith.xori %eq3A_779, %or3A_776 : vector<64x128xi1>
    %eq3A_781 = arith.constant dense<true> : vector<64x128xi1>
    %eq3A_782 = arith.xori %eq3A_780, %eq3A_781 : vector<64x128xi1>
    %select_n3A_783 = arith.select %eq3A_782, %select_n3A_740, %select_n3A_753 : vector<64x128xi1>, vector<64x128xf32>
    %select_n3A_784 = arith.select %eq3A_782, %select_n3A_741, %select_n3A_765 : vector<64x128xi1>, vector<64x128xi32>
    %iota3A_785 = tpu.iota {dimensions = array<i32: 1>} : vector<64x128xi32>
    %and3A_786 = arith.constant 8 : i32
    %and3A_787 = vector.broadcast %and3A_786 : i32 to vector<64x128xi32>
    %and3A_788 = arith.andi %iota3A_785, %and3A_787 : vector<64x128xi32>
    %roll3A_789 = arith.constant 120 : i32
    %roll3A_790 = tpu.dynamic_rotate %select_n3A_783 by %roll3A_789 dim 1 : vector<64x128xf32>, i32 -> vector<64x128xf32>
    %roll3A_791 = arith.constant 8 : i32
    %roll3A_792 = tpu.dynamic_rotate %select_n3A_783 by %roll3A_791 dim 1 : vector<64x128xf32>, i32 -> vector<64x128xf32>
    %eq3A_793 = arith.constant 0 : i32
    %eq3A_794 = vector.broadcast %eq3A_793 : i32 to vector<64x128xi32>
    %eq3A_795 = arith.cmpi eq, %and3A_788, %eq3A_794 : vector<64x128xi32>
    %select_n3A_796 = arith.select %eq3A_795, %roll3A_790, %roll3A_792 : vector<64x128xi1>, vector<64x128xf32>
    %iota3A_797 = tpu.iota {dimensions = array<i32: 1>} : vector<64x128xi32>
    %and3A_798 = arith.constant 8 : i32
    %and3A_799 = vector.broadcast %and3A_798 : i32 to vector<64x128xi32>
    %and3A_800 = arith.andi %iota3A_797, %and3A_799 : vector<64x128xi32>
    %roll3A_801 = arith.constant 120 : i32
    %roll3A_802 = tpu.dynamic_rotate %select_n3A_784 by %roll3A_801 dim 1 : vector<64x128xi32>, i32 -> vector<64x128xi32>
    %roll3A_803 = arith.constant 8 : i32
    %roll3A_804 = tpu.dynamic_rotate %select_n3A_784 by %roll3A_803 dim 1 : vector<64x128xi32>, i32 -> vector<64x128xi32>
    %eq3A_805 = arith.constant 0 : i32
    %eq3A_806 = vector.broadcast %eq3A_805 : i32 to vector<64x128xi32>
    %eq3A_807 = arith.cmpi eq, %and3A_800, %eq3A_806 : vector<64x128xi32>
    %select_n3A_808 = arith.select %eq3A_807, %roll3A_802, %roll3A_804 : vector<64x128xi1>, vector<64x128xi32>
    %and3A_809 = arith.constant 8 : i32
    %and3A_810 = vector.broadcast %and3A_809 : i32 to vector<64x128xi32>
    %and3A_811 = arith.andi %add3A, %and3A_810 : vector<64x128xi32>
    %eq3A_812 = arith.constant 0 : i32
    %eq3A_813 = vector.broadcast %eq3A_812 : i32 to vector<64x128xi32>
    %eq3A_814 = arith.cmpi eq, %and3A_811, %eq3A_813 : vector<64x128xi32>
    %gt3A_815 = arith.cmpf ogt, %select_n3A_783, %select_n3A_796 : vector<64x128xf32>
    %eq3A_816 = arith.cmpf oeq, %select_n3A_783, %select_n3A_796 : vector<64x128xf32>
    %lt3A_817 = arith.cmpi slt, %select_n3A_784, %select_n3A_808 : vector<64x128xi32>
    %and3A_818 = arith.andi %eq3A_816, %lt3A_817 : vector<64x128xi1>
    %or3A_819 = arith.ori %gt3A_815, %and3A_818 : vector<64x128xi1>
    %eq3A_820 = arith.xori %eq3A_814, %eq3A_698 : vector<64x128xi1>
    %eq3A_821 = arith.constant dense<true> : vector<64x128xi1>
    %eq3A_822 = arith.xori %eq3A_820, %eq3A_821 : vector<64x128xi1>
    %eq3A_823 = arith.xori %eq3A_822, %or3A_819 : vector<64x128xi1>
    %eq3A_824 = arith.constant dense<true> : vector<64x128xi1>
    %eq3A_825 = arith.xori %eq3A_823, %eq3A_824 : vector<64x128xi1>
    %select_n3A_826 = arith.select %eq3A_825, %select_n3A_783, %select_n3A_796 : vector<64x128xi1>, vector<64x128xf32>
    %select_n3A_827 = arith.select %eq3A_825, %select_n3A_784, %select_n3A_808 : vector<64x128xi1>, vector<64x128xi32>
    %iota3A_828 = tpu.iota {dimensions = array<i32: 1>} : vector<64x128xi32>
    %and3A_829 = arith.constant 4 : i32
    %and3A_830 = vector.broadcast %and3A_829 : i32 to vector<64x128xi32>
    %and3A_831 = arith.andi %iota3A_828, %and3A_830 : vector<64x128xi32>
    %roll3A_832 = arith.constant 124 : i32
    %roll3A_833 = tpu.dynamic_rotate %select_n3A_826 by %roll3A_832 dim 1 : vector<64x128xf32>, i32 -> vector<64x128xf32>
    %roll3A_834 = arith.constant 4 : i32
    %roll3A_835 = tpu.dynamic_rotate %select_n3A_826 by %roll3A_834 dim 1 : vector<64x128xf32>, i32 -> vector<64x128xf32>
    %eq3A_836 = arith.constant 0 : i32
    %eq3A_837 = vector.broadcast %eq3A_836 : i32 to vector<64x128xi32>
    %eq3A_838 = arith.cmpi eq, %and3A_831, %eq3A_837 : vector<64x128xi32>
    %select_n3A_839 = arith.select %eq3A_838, %roll3A_833, %roll3A_835 : vector<64x128xi1>, vector<64x128xf32>
    %iota3A_840 = tpu.iota {dimensions = array<i32: 1>} : vector<64x128xi32>
    %and3A_841 = arith.constant 4 : i32
    %and3A_842 = vector.broadcast %and3A_841 : i32 to vector<64x128xi32>
    %and3A_843 = arith.andi %iota3A_840, %and3A_842 : vector<64x128xi32>
    %roll3A_844 = arith.constant 124 : i32
    %roll3A_845 = tpu.dynamic_rotate %select_n3A_827 by %roll3A_844 dim 1 : vector<64x128xi32>, i32 -> vector<64x128xi32>
    %roll3A_846 = arith.constant 4 : i32
    %roll3A_847 = tpu.dynamic_rotate %select_n3A_827 by %roll3A_846 dim 1 : vector<64x128xi32>, i32 -> vector<64x128xi32>
    %eq3A_848 = arith.constant 0 : i32
    %eq3A_849 = vector.broadcast %eq3A_848 : i32 to vector<64x128xi32>
    %eq3A_850 = arith.cmpi eq, %and3A_843, %eq3A_849 : vector<64x128xi32>
    %select_n3A_851 = arith.select %eq3A_850, %roll3A_845, %roll3A_847 : vector<64x128xi1>, vector<64x128xi32>
    %and3A_852 = arith.constant 4 : i32
    %and3A_853 = vector.broadcast %and3A_852 : i32 to vector<64x128xi32>
    %and3A_854 = arith.andi %add3A, %and3A_853 : vector<64x128xi32>
    %eq3A_855 = arith.constant 0 : i32
    %eq3A_856 = vector.broadcast %eq3A_855 : i32 to vector<64x128xi32>
    %eq3A_857 = arith.cmpi eq, %and3A_854, %eq3A_856 : vector<64x128xi32>
    %gt3A_858 = arith.cmpf ogt, %select_n3A_826, %select_n3A_839 : vector<64x128xf32>
    %eq3A_859 = arith.cmpf oeq, %select_n3A_826, %select_n3A_839 : vector<64x128xf32>
    %lt3A_860 = arith.cmpi slt, %select_n3A_827, %select_n3A_851 : vector<64x128xi32>
    %and3A_861 = arith.andi %eq3A_859, %lt3A_860 : vector<64x128xi1>
    %or3A_862 = arith.ori %gt3A_858, %and3A_861 : vector<64x128xi1>
    %eq3A_863 = arith.xori %eq3A_857, %eq3A_698 : vector<64x128xi1>
    %eq3A_864 = arith.constant dense<true> : vector<64x128xi1>
    %eq3A_865 = arith.xori %eq3A_863, %eq3A_864 : vector<64x128xi1>
    %eq3A_866 = arith.xori %eq3A_865, %or3A_862 : vector<64x128xi1>
    %eq3A_867 = arith.constant dense<true> : vector<64x128xi1>
    %eq3A_868 = arith.xori %eq3A_866, %eq3A_867 : vector<64x128xi1>
    %select_n3A_869 = arith.select %eq3A_868, %select_n3A_826, %select_n3A_839 : vector<64x128xi1>, vector<64x128xf32>
    %select_n3A_870 = arith.select %eq3A_868, %select_n3A_827, %select_n3A_851 : vector<64x128xi1>, vector<64x128xi32>
    %iota3A_871 = tpu.iota {dimensions = array<i32: 1>} : vector<64x128xi32>
    %and3A_872 = arith.constant 2 : i32
    %and3A_873 = vector.broadcast %and3A_872 : i32 to vector<64x128xi32>
    %and3A_874 = arith.andi %iota3A_871, %and3A_873 : vector<64x128xi32>
    %roll3A_875 = arith.constant 126 : i32
    %roll3A_876 = tpu.dynamic_rotate %select_n3A_869 by %roll3A_875 dim 1 : vector<64x128xf32>, i32 -> vector<64x128xf32>
    %roll3A_877 = arith.constant 2 : i32
    %roll3A_878 = tpu.dynamic_rotate %select_n3A_869 by %roll3A_877 dim 1 : vector<64x128xf32>, i32 -> vector<64x128xf32>
    %eq3A_879 = arith.constant 0 : i32
    %eq3A_880 = vector.broadcast %eq3A_879 : i32 to vector<64x128xi32>
    %eq3A_881 = arith.cmpi eq, %and3A_874, %eq3A_880 : vector<64x128xi32>
    %select_n3A_882 = arith.select %eq3A_881, %roll3A_876, %roll3A_878 : vector<64x128xi1>, vector<64x128xf32>
    %iota3A_883 = tpu.iota {dimensions = array<i32: 1>} : vector<64x128xi32>
    %and3A_884 = arith.constant 2 : i32
    %and3A_885 = vector.broadcast %and3A_884 : i32 to vector<64x128xi32>
    %and3A_886 = arith.andi %iota3A_883, %and3A_885 : vector<64x128xi32>
    %roll3A_887 = arith.constant 126 : i32
    %roll3A_888 = tpu.dynamic_rotate %select_n3A_870 by %roll3A_887 dim 1 : vector<64x128xi32>, i32 -> vector<64x128xi32>
    %roll3A_889 = arith.constant 2 : i32
    %roll3A_890 = tpu.dynamic_rotate %select_n3A_870 by %roll3A_889 dim 1 : vector<64x128xi32>, i32 -> vector<64x128xi32>
    %eq3A_891 = arith.constant 0 : i32
    %eq3A_892 = vector.broadcast %eq3A_891 : i32 to vector<64x128xi32>
    %eq3A_893 = arith.cmpi eq, %and3A_886, %eq3A_892 : vector<64x128xi32>
    %select_n3A_894 = arith.select %eq3A_893, %roll3A_888, %roll3A_890 : vector<64x128xi1>, vector<64x128xi32>
    %and3A_895 = arith.constant 2 : i32
    %and3A_896 = vector.broadcast %and3A_895 : i32 to vector<64x128xi32>
    %and3A_897 = arith.andi %add3A, %and3A_896 : vector<64x128xi32>
    %eq3A_898 = arith.constant 0 : i32
    %eq3A_899 = vector.broadcast %eq3A_898 : i32 to vector<64x128xi32>
    %eq3A_900 = arith.cmpi eq, %and3A_897, %eq3A_899 : vector<64x128xi32>
    %gt3A_901 = arith.cmpf ogt, %select_n3A_869, %select_n3A_882 : vector<64x128xf32>
    %eq3A_902 = arith.cmpf oeq, %select_n3A_869, %select_n3A_882 : vector<64x128xf32>
    %lt3A_903 = arith.cmpi slt, %select_n3A_870, %select_n3A_894 : vector<64x128xi32>
    %and3A_904 = arith.andi %eq3A_902, %lt3A_903 : vector<64x128xi1>
    %or3A_905 = arith.ori %gt3A_901, %and3A_904 : vector<64x128xi1>
    %eq3A_906 = arith.xori %eq3A_900, %eq3A_698 : vector<64x128xi1>
    %eq3A_907 = arith.constant dense<true> : vector<64x128xi1>
    %eq3A_908 = arith.xori %eq3A_906, %eq3A_907 : vector<64x128xi1>
    %eq3A_909 = arith.xori %eq3A_908, %or3A_905 : vector<64x128xi1>
    %eq3A_910 = arith.constant dense<true> : vector<64x128xi1>
    %eq3A_911 = arith.xori %eq3A_909, %eq3A_910 : vector<64x128xi1>
    %select_n3A_912 = arith.select %eq3A_911, %select_n3A_869, %select_n3A_882 : vector<64x128xi1>, vector<64x128xf32>
    %select_n3A_913 = arith.select %eq3A_911, %select_n3A_870, %select_n3A_894 : vector<64x128xi1>, vector<64x128xi32>
    %iota3A_914 = tpu.iota {dimensions = array<i32: 1>} : vector<64x128xi32>
    %and3A_915 = arith.constant 1 : i32
    %and3A_916 = vector.broadcast %and3A_915 : i32 to vector<64x128xi32>
    %and3A_917 = arith.andi %iota3A_914, %and3A_916 : vector<64x128xi32>
    %roll3A_918 = arith.constant 127 : i32
    %roll3A_919 = tpu.dynamic_rotate %select_n3A_912 by %roll3A_918 dim 1 : vector<64x128xf32>, i32 -> vector<64x128xf32>
    %roll3A_920 = arith.constant 1 : i32
    %roll3A_921 = tpu.dynamic_rotate %select_n3A_912 by %roll3A_920 dim 1 : vector<64x128xf32>, i32 -> vector<64x128xf32>
    %eq3A_922 = arith.constant 0 : i32
    %eq3A_923 = vector.broadcast %eq3A_922 : i32 to vector<64x128xi32>
    %eq3A_924 = arith.cmpi eq, %and3A_917, %eq3A_923 : vector<64x128xi32>
    %select_n3A_925 = arith.select %eq3A_924, %roll3A_919, %roll3A_921 : vector<64x128xi1>, vector<64x128xf32>
    %iota3A_926 = tpu.iota {dimensions = array<i32: 1>} : vector<64x128xi32>
    %and3A_927 = arith.constant 1 : i32
    %and3A_928 = vector.broadcast %and3A_927 : i32 to vector<64x128xi32>
    %and3A_929 = arith.andi %iota3A_926, %and3A_928 : vector<64x128xi32>
    %roll3A_930 = arith.constant 127 : i32
    %roll3A_931 = tpu.dynamic_rotate %select_n3A_913 by %roll3A_930 dim 1 : vector<64x128xi32>, i32 -> vector<64x128xi32>
    %roll3A_932 = arith.constant 1 : i32
    %roll3A_933 = tpu.dynamic_rotate %select_n3A_913 by %roll3A_932 dim 1 : vector<64x128xi32>, i32 -> vector<64x128xi32>
    %eq3A_934 = arith.constant 0 : i32
    %eq3A_935 = vector.broadcast %eq3A_934 : i32 to vector<64x128xi32>
    %eq3A_936 = arith.cmpi eq, %and3A_929, %eq3A_935 : vector<64x128xi32>
    %select_n3A_937 = arith.select %eq3A_936, %roll3A_931, %roll3A_933 : vector<64x128xi1>, vector<64x128xi32>
    %and3A_938 = arith.constant 1 : i32
    %and3A_939 = vector.broadcast %and3A_938 : i32 to vector<64x128xi32>
    %and3A_940 = arith.andi %add3A, %and3A_939 : vector<64x128xi32>
    %eq3A_941 = arith.constant 0 : i32
    %eq3A_942 = vector.broadcast %eq3A_941 : i32 to vector<64x128xi32>
    %eq3A_943 = arith.cmpi eq, %and3A_940, %eq3A_942 : vector<64x128xi32>
    %gt3A_944 = arith.cmpf ogt, %select_n3A_912, %select_n3A_925 : vector<64x128xf32>
    %eq3A_945 = arith.cmpf oeq, %select_n3A_912, %select_n3A_925 : vector<64x128xf32>
    %lt3A_946 = arith.cmpi slt, %select_n3A_913, %select_n3A_937 : vector<64x128xi32>
    %and3A_947 = arith.andi %eq3A_945, %lt3A_946 : vector<64x128xi1>
    %or3A_948 = arith.ori %gt3A_944, %and3A_947 : vector<64x128xi1>
    %eq3A_949 = arith.xori %eq3A_943, %eq3A_698 : vector<64x128xi1>
    %eq3A_950 = arith.constant dense<true> : vector<64x128xi1>
    %eq3A_951 = arith.xori %eq3A_949, %eq3A_950 : vector<64x128xi1>
    %eq3A_952 = arith.xori %eq3A_951, %or3A_948 : vector<64x128xi1>
    %eq3A_953 = arith.constant dense<true> : vector<64x128xi1>
    %eq3A_954 = arith.xori %eq3A_952, %eq3A_953 : vector<64x128xi1>
    %select_n3A_955 = arith.select %eq3A_954, %select_n3A_912, %select_n3A_925 : vector<64x128xi1>, vector<64x128xf32>
    %select_n3A_956 = arith.select %eq3A_954, %select_n3A_913, %select_n3A_937 : vector<64x128xi1>, vector<64x128xi32>
    %shift_right_arithmetic3A_957 = arith.constant 7 : i32
    %shift_right_arithmetic3A_958 = vector.broadcast %shift_right_arithmetic3A_957 : i32 to vector<64x128xi32>
    %shift_right_arithmetic3A_959 = arith.shrsi %add3A, %shift_right_arithmetic3A_958 : vector<64x128xi32>
    %and3A_960 = arith.constant 1 : i32
    %and3A_961 = vector.broadcast %and3A_960 : i32 to vector<64x128xi32>
    %and3A_962 = arith.andi %shift_right_arithmetic3A_959, %and3A_961 : vector<64x128xi32>
    %eq3A_963 = arith.constant 0 : i32
    %eq3A_964 = vector.broadcast %eq3A_963 : i32 to vector<64x128xi32>
    %eq3A_965 = arith.cmpi eq, %and3A_962, %eq3A_964 : vector<64x128xi32>
    %iota3A_966 = tpu.iota {dimensions = array<i32: 1>} : vector<64x128xi32>
    %and3A_967 = arith.constant 64 : i32
    %and3A_968 = vector.broadcast %and3A_967 : i32 to vector<64x128xi32>
    %and3A_969 = arith.andi %iota3A_966, %and3A_968 : vector<64x128xi32>
    %roll3A_970 = arith.constant 64 : i32
    %roll3A_971 = tpu.dynamic_rotate %select_n3A_955 by %roll3A_970 dim 1 : vector<64x128xf32>, i32 -> vector<64x128xf32>
    %roll3A_972 = arith.constant 64 : i32
    %roll3A_973 = tpu.dynamic_rotate %select_n3A_955 by %roll3A_972 dim 1 : vector<64x128xf32>, i32 -> vector<64x128xf32>
    %eq3A_974 = arith.constant 0 : i32
    %eq3A_975 = vector.broadcast %eq3A_974 : i32 to vector<64x128xi32>
    %eq3A_976 = arith.cmpi eq, %and3A_969, %eq3A_975 : vector<64x128xi32>
    %select_n3A_977 = arith.select %eq3A_976, %roll3A_971, %roll3A_973 : vector<64x128xi1>, vector<64x128xf32>
    %iota3A_978 = tpu.iota {dimensions = array<i32: 1>} : vector<64x128xi32>
    %and3A_979 = arith.constant 64 : i32
    %and3A_980 = vector.broadcast %and3A_979 : i32 to vector<64x128xi32>
    %and3A_981 = arith.andi %iota3A_978, %and3A_980 : vector<64x128xi32>
    %roll3A_982 = arith.constant 64 : i32
    %roll3A_983 = tpu.dynamic_rotate %select_n3A_956 by %roll3A_982 dim 1 : vector<64x128xi32>, i32 -> vector<64x128xi32>
    %roll3A_984 = arith.constant 64 : i32
    %roll3A_985 = tpu.dynamic_rotate %select_n3A_956 by %roll3A_984 dim 1 : vector<64x128xi32>, i32 -> vector<64x128xi32>
    %eq3A_986 = arith.constant 0 : i32
    %eq3A_987 = vector.broadcast %eq3A_986 : i32 to vector<64x128xi32>
    %eq3A_988 = arith.cmpi eq, %and3A_981, %eq3A_987 : vector<64x128xi32>
    %select_n3A_989 = arith.select %eq3A_988, %roll3A_983, %roll3A_985 : vector<64x128xi1>, vector<64x128xi32>
    %and3A_990 = arith.constant 64 : i32
    %and3A_991 = vector.broadcast %and3A_990 : i32 to vector<64x128xi32>
    %and3A_992 = arith.andi %add3A, %and3A_991 : vector<64x128xi32>
    %eq3A_993 = arith.constant 0 : i32
    %eq3A_994 = vector.broadcast %eq3A_993 : i32 to vector<64x128xi32>
    %eq3A_995 = arith.cmpi eq, %and3A_992, %eq3A_994 : vector<64x128xi32>
    %gt3A_996 = arith.cmpf ogt, %select_n3A_955, %select_n3A_977 : vector<64x128xf32>
    %eq3A_997 = arith.cmpf oeq, %select_n3A_955, %select_n3A_977 : vector<64x128xf32>
    %lt3A_998 = arith.cmpi slt, %select_n3A_956, %select_n3A_989 : vector<64x128xi32>
    %and3A_999 = arith.andi %eq3A_997, %lt3A_998 : vector<64x128xi1>
    %or3A_1000 = arith.ori %gt3A_996, %and3A_999 : vector<64x128xi1>
    %eq3A_1001 = arith.xori %eq3A_995, %eq3A_965 : vector<64x128xi1>
    %eq3A_1002 = arith.constant dense<true> : vector<64x128xi1>
    %eq3A_1003 = arith.xori %eq3A_1001, %eq3A_1002 : vector<64x128xi1>
    %eq3A_1004 = arith.xori %eq3A_1003, %or3A_1000 : vector<64x128xi1>
    %eq3A_1005 = arith.constant dense<true> : vector<64x128xi1>
    %eq3A_1006 = arith.xori %eq3A_1004, %eq3A_1005 : vector<64x128xi1>
    %select_n3A_1007 = arith.select %eq3A_1006, %select_n3A_955, %select_n3A_977 : vector<64x128xi1>, vector<64x128xf32>
    %select_n3A_1008 = arith.select %eq3A_1006, %select_n3A_956, %select_n3A_989 : vector<64x128xi1>, vector<64x128xi32>
    %iota3A_1009 = tpu.iota {dimensions = array<i32: 1>} : vector<64x128xi32>
    %and3A_1010 = arith.constant 32 : i32
    %and3A_1011 = vector.broadcast %and3A_1010 : i32 to vector<64x128xi32>
    %and3A_1012 = arith.andi %iota3A_1009, %and3A_1011 : vector<64x128xi32>
    %roll3A_1013 = arith.constant 96 : i32
    %roll3A_1014 = tpu.dynamic_rotate %select_n3A_1007 by %roll3A_1013 dim 1 : vector<64x128xf32>, i32 -> vector<64x128xf32>
    %roll3A_1015 = arith.constant 32 : i32
    %roll3A_1016 = tpu.dynamic_rotate %select_n3A_1007 by %roll3A_1015 dim 1 : vector<64x128xf32>, i32 -> vector<64x128xf32>
    %eq3A_1017 = arith.constant 0 : i32
    %eq3A_1018 = vector.broadcast %eq3A_1017 : i32 to vector<64x128xi32>
    %eq3A_1019 = arith.cmpi eq, %and3A_1012, %eq3A_1018 : vector<64x128xi32>
    %select_n3A_1020 = arith.select %eq3A_1019, %roll3A_1014, %roll3A_1016 : vector<64x128xi1>, vector<64x128xf32>
    %iota3A_1021 = tpu.iota {dimensions = array<i32: 1>} : vector<64x128xi32>
    %and3A_1022 = arith.constant 32 : i32
    %and3A_1023 = vector.broadcast %and3A_1022 : i32 to vector<64x128xi32>
    %and3A_1024 = arith.andi %iota3A_1021, %and3A_1023 : vector<64x128xi32>
    %roll3A_1025 = arith.constant 96 : i32
    %roll3A_1026 = tpu.dynamic_rotate %select_n3A_1008 by %roll3A_1025 dim 1 : vector<64x128xi32>, i32 -> vector<64x128xi32>
    %roll3A_1027 = arith.constant 32 : i32
    %roll3A_1028 = tpu.dynamic_rotate %select_n3A_1008 by %roll3A_1027 dim 1 : vector<64x128xi32>, i32 -> vector<64x128xi32>
    %eq3A_1029 = arith.constant 0 : i32
    %eq3A_1030 = vector.broadcast %eq3A_1029 : i32 to vector<64x128xi32>
    %eq3A_1031 = arith.cmpi eq, %and3A_1024, %eq3A_1030 : vector<64x128xi32>
    %select_n3A_1032 = arith.select %eq3A_1031, %roll3A_1026, %roll3A_1028 : vector<64x128xi1>, vector<64x128xi32>
    %and3A_1033 = arith.constant 32 : i32
    %and3A_1034 = vector.broadcast %and3A_1033 : i32 to vector<64x128xi32>
    %and3A_1035 = arith.andi %add3A, %and3A_1034 : vector<64x128xi32>
    %eq3A_1036 = arith.constant 0 : i32
    %eq3A_1037 = vector.broadcast %eq3A_1036 : i32 to vector<64x128xi32>
    %eq3A_1038 = arith.cmpi eq, %and3A_1035, %eq3A_1037 : vector<64x128xi32>
    %gt3A_1039 = arith.cmpf ogt, %select_n3A_1007, %select_n3A_1020 : vector<64x128xf32>
    %eq3A_1040 = arith.cmpf oeq, %select_n3A_1007, %select_n3A_1020 : vector<64x128xf32>
    %lt3A_1041 = arith.cmpi slt, %select_n3A_1008, %select_n3A_1032 : vector<64x128xi32>
    %and3A_1042 = arith.andi %eq3A_1040, %lt3A_1041 : vector<64x128xi1>
    %or3A_1043 = arith.ori %gt3A_1039, %and3A_1042 : vector<64x128xi1>
    %eq3A_1044 = arith.xori %eq3A_1038, %eq3A_965 : vector<64x128xi1>
    %eq3A_1045 = arith.constant dense<true> : vector<64x128xi1>
    %eq3A_1046 = arith.xori %eq3A_1044, %eq3A_1045 : vector<64x128xi1>
    %eq3A_1047 = arith.xori %eq3A_1046, %or3A_1043 : vector<64x128xi1>
    %eq3A_1048 = arith.constant dense<true> : vector<64x128xi1>
    %eq3A_1049 = arith.xori %eq3A_1047, %eq3A_1048 : vector<64x128xi1>
    %select_n3A_1050 = arith.select %eq3A_1049, %select_n3A_1007, %select_n3A_1020 : vector<64x128xi1>, vector<64x128xf32>
    %select_n3A_1051 = arith.select %eq3A_1049, %select_n3A_1008, %select_n3A_1032 : vector<64x128xi1>, vector<64x128xi32>
    %iota3A_1052 = tpu.iota {dimensions = array<i32: 1>} : vector<64x128xi32>
    %and3A_1053 = arith.constant 16 : i32
    %and3A_1054 = vector.broadcast %and3A_1053 : i32 to vector<64x128xi32>
    %and3A_1055 = arith.andi %iota3A_1052, %and3A_1054 : vector<64x128xi32>
    %roll3A_1056 = arith.constant 112 : i32
    %roll3A_1057 = tpu.dynamic_rotate %select_n3A_1050 by %roll3A_1056 dim 1 : vector<64x128xf32>, i32 -> vector<64x128xf32>
    %roll3A_1058 = arith.constant 16 : i32
    %roll3A_1059 = tpu.dynamic_rotate %select_n3A_1050 by %roll3A_1058 dim 1 : vector<64x128xf32>, i32 -> vector<64x128xf32>
    %eq3A_1060 = arith.constant 0 : i32
    %eq3A_1061 = vector.broadcast %eq3A_1060 : i32 to vector<64x128xi32>
    %eq3A_1062 = arith.cmpi eq, %and3A_1055, %eq3A_1061 : vector<64x128xi32>
    %select_n3A_1063 = arith.select %eq3A_1062, %roll3A_1057, %roll3A_1059 : vector<64x128xi1>, vector<64x128xf32>
    %iota3A_1064 = tpu.iota {dimensions = array<i32: 1>} : vector<64x128xi32>
    %and3A_1065 = arith.constant 16 : i32
    %and3A_1066 = vector.broadcast %and3A_1065 : i32 to vector<64x128xi32>
    %and3A_1067 = arith.andi %iota3A_1064, %and3A_1066 : vector<64x128xi32>
    %roll3A_1068 = arith.constant 112 : i32
    %roll3A_1069 = tpu.dynamic_rotate %select_n3A_1051 by %roll3A_1068 dim 1 : vector<64x128xi32>, i32 -> vector<64x128xi32>
    %roll3A_1070 = arith.constant 16 : i32
    %roll3A_1071 = tpu.dynamic_rotate %select_n3A_1051 by %roll3A_1070 dim 1 : vector<64x128xi32>, i32 -> vector<64x128xi32>
    %eq3A_1072 = arith.constant 0 : i32
    %eq3A_1073 = vector.broadcast %eq3A_1072 : i32 to vector<64x128xi32>
    %eq3A_1074 = arith.cmpi eq, %and3A_1067, %eq3A_1073 : vector<64x128xi32>
    %select_n3A_1075 = arith.select %eq3A_1074, %roll3A_1069, %roll3A_1071 : vector<64x128xi1>, vector<64x128xi32>
    %and3A_1076 = arith.constant 16 : i32
    %and3A_1077 = vector.broadcast %and3A_1076 : i32 to vector<64x128xi32>
    %and3A_1078 = arith.andi %add3A, %and3A_1077 : vector<64x128xi32>
    %eq3A_1079 = arith.constant 0 : i32
    %eq3A_1080 = vector.broadcast %eq3A_1079 : i32 to vector<64x128xi32>
    %eq3A_1081 = arith.cmpi eq, %and3A_1078, %eq3A_1080 : vector<64x128xi32>
    %gt3A_1082 = arith.cmpf ogt, %select_n3A_1050, %select_n3A_1063 : vector<64x128xf32>
    %eq3A_1083 = arith.cmpf oeq, %select_n3A_1050, %select_n3A_1063 : vector<64x128xf32>
    %lt3A_1084 = arith.cmpi slt, %select_n3A_1051, %select_n3A_1075 : vector<64x128xi32>
    %and3A_1085 = arith.andi %eq3A_1083, %lt3A_1084 : vector<64x128xi1>
    %or3A_1086 = arith.ori %gt3A_1082, %and3A_1085 : vector<64x128xi1>
    %eq3A_1087 = arith.xori %eq3A_1081, %eq3A_965 : vector<64x128xi1>
    %eq3A_1088 = arith.constant dense<true> : vector<64x128xi1>
    %eq3A_1089 = arith.xori %eq3A_1087, %eq3A_1088 : vector<64x128xi1>
    %eq3A_1090 = arith.xori %eq3A_1089, %or3A_1086 : vector<64x128xi1>
    %eq3A_1091 = arith.constant dense<true> : vector<64x128xi1>
    %eq3A_1092 = arith.xori %eq3A_1090, %eq3A_1091 : vector<64x128xi1>
    %select_n3A_1093 = arith.select %eq3A_1092, %select_n3A_1050, %select_n3A_1063 : vector<64x128xi1>, vector<64x128xf32>
    %select_n3A_1094 = arith.select %eq3A_1092, %select_n3A_1051, %select_n3A_1075 : vector<64x128xi1>, vector<64x128xi32>
    %iota3A_1095 = tpu.iota {dimensions = array<i32: 1>} : vector<64x128xi32>
    %and3A_1096 = arith.constant 8 : i32
    %and3A_1097 = vector.broadcast %and3A_1096 : i32 to vector<64x128xi32>
    %and3A_1098 = arith.andi %iota3A_1095, %and3A_1097 : vector<64x128xi32>
    %roll3A_1099 = arith.constant 120 : i32
    %roll3A_1100 = tpu.dynamic_rotate %select_n3A_1093 by %roll3A_1099 dim 1 : vector<64x128xf32>, i32 -> vector<64x128xf32>
    %roll3A_1101 = arith.constant 8 : i32
    %roll3A_1102 = tpu.dynamic_rotate %select_n3A_1093 by %roll3A_1101 dim 1 : vector<64x128xf32>, i32 -> vector<64x128xf32>
    %eq3A_1103 = arith.constant 0 : i32
    %eq3A_1104 = vector.broadcast %eq3A_1103 : i32 to vector<64x128xi32>
    %eq3A_1105 = arith.cmpi eq, %and3A_1098, %eq3A_1104 : vector<64x128xi32>
    %select_n3A_1106 = arith.select %eq3A_1105, %roll3A_1100, %roll3A_1102 : vector<64x128xi1>, vector<64x128xf32>
    %iota3A_1107 = tpu.iota {dimensions = array<i32: 1>} : vector<64x128xi32>
    %and3A_1108 = arith.constant 8 : i32
    %and3A_1109 = vector.broadcast %and3A_1108 : i32 to vector<64x128xi32>
    %and3A_1110 = arith.andi %iota3A_1107, %and3A_1109 : vector<64x128xi32>
    %roll3A_1111 = arith.constant 120 : i32
    %roll3A_1112 = tpu.dynamic_rotate %select_n3A_1094 by %roll3A_1111 dim 1 : vector<64x128xi32>, i32 -> vector<64x128xi32>
    %roll3A_1113 = arith.constant 8 : i32
    %roll3A_1114 = tpu.dynamic_rotate %select_n3A_1094 by %roll3A_1113 dim 1 : vector<64x128xi32>, i32 -> vector<64x128xi32>
    %eq3A_1115 = arith.constant 0 : i32
    %eq3A_1116 = vector.broadcast %eq3A_1115 : i32 to vector<64x128xi32>
    %eq3A_1117 = arith.cmpi eq, %and3A_1110, %eq3A_1116 : vector<64x128xi32>
    %select_n3A_1118 = arith.select %eq3A_1117, %roll3A_1112, %roll3A_1114 : vector<64x128xi1>, vector<64x128xi32>
    %and3A_1119 = arith.constant 8 : i32
    %and3A_1120 = vector.broadcast %and3A_1119 : i32 to vector<64x128xi32>
    %and3A_1121 = arith.andi %add3A, %and3A_1120 : vector<64x128xi32>
    %eq3A_1122 = arith.constant 0 : i32
    %eq3A_1123 = vector.broadcast %eq3A_1122 : i32 to vector<64x128xi32>
    %eq3A_1124 = arith.cmpi eq, %and3A_1121, %eq3A_1123 : vector<64x128xi32>
    %gt3A_1125 = arith.cmpf ogt, %select_n3A_1093, %select_n3A_1106 : vector<64x128xf32>
    %eq3A_1126 = arith.cmpf oeq, %select_n3A_1093, %select_n3A_1106 : vector<64x128xf32>
    %lt3A_1127 = arith.cmpi slt, %select_n3A_1094, %select_n3A_1118 : vector<64x128xi32>
    %and3A_1128 = arith.andi %eq3A_1126, %lt3A_1127 : vector<64x128xi1>
    %or3A_1129 = arith.ori %gt3A_1125, %and3A_1128 : vector<64x128xi1>
    %eq3A_1130 = arith.xori %eq3A_1124, %eq3A_965 : vector<64x128xi1>
    %eq3A_1131 = arith.constant dense<true> : vector<64x128xi1>
    %eq3A_1132 = arith.xori %eq3A_1130, %eq3A_1131 : vector<64x128xi1>
    %eq3A_1133 = arith.xori %eq3A_1132, %or3A_1129 : vector<64x128xi1>
    %eq3A_1134 = arith.constant dense<true> : vector<64x128xi1>
    %eq3A_1135 = arith.xori %eq3A_1133, %eq3A_1134 : vector<64x128xi1>
    %select_n3A_1136 = arith.select %eq3A_1135, %select_n3A_1093, %select_n3A_1106 : vector<64x128xi1>, vector<64x128xf32>
    %select_n3A_1137 = arith.select %eq3A_1135, %select_n3A_1094, %select_n3A_1118 : vector<64x128xi1>, vector<64x128xi32>
    %iota3A_1138 = tpu.iota {dimensions = array<i32: 1>} : vector<64x128xi32>
    %and3A_1139 = arith.constant 4 : i32
    %and3A_1140 = vector.broadcast %and3A_1139 : i32 to vector<64x128xi32>
    %and3A_1141 = arith.andi %iota3A_1138, %and3A_1140 : vector<64x128xi32>
    %roll3A_1142 = arith.constant 124 : i32
    %roll3A_1143 = tpu.dynamic_rotate %select_n3A_1136 by %roll3A_1142 dim 1 : vector<64x128xf32>, i32 -> vector<64x128xf32>
    %roll3A_1144 = arith.constant 4 : i32
    %roll3A_1145 = tpu.dynamic_rotate %select_n3A_1136 by %roll3A_1144 dim 1 : vector<64x128xf32>, i32 -> vector<64x128xf32>
    %eq3A_1146 = arith.constant 0 : i32
    %eq3A_1147 = vector.broadcast %eq3A_1146 : i32 to vector<64x128xi32>
    %eq3A_1148 = arith.cmpi eq, %and3A_1141, %eq3A_1147 : vector<64x128xi32>
    %select_n3A_1149 = arith.select %eq3A_1148, %roll3A_1143, %roll3A_1145 : vector<64x128xi1>, vector<64x128xf32>
    %iota3A_1150 = tpu.iota {dimensions = array<i32: 1>} : vector<64x128xi32>
    %and3A_1151 = arith.constant 4 : i32
    %and3A_1152 = vector.broadcast %and3A_1151 : i32 to vector<64x128xi32>
    %and3A_1153 = arith.andi %iota3A_1150, %and3A_1152 : vector<64x128xi32>
    %roll3A_1154 = arith.constant 124 : i32
    %roll3A_1155 = tpu.dynamic_rotate %select_n3A_1137 by %roll3A_1154 dim 1 : vector<64x128xi32>, i32 -> vector<64x128xi32>
    %roll3A_1156 = arith.constant 4 : i32
    %roll3A_1157 = tpu.dynamic_rotate %select_n3A_1137 by %roll3A_1156 dim 1 : vector<64x128xi32>, i32 -> vector<64x128xi32>
    %eq3A_1158 = arith.constant 0 : i32
    %eq3A_1159 = vector.broadcast %eq3A_1158 : i32 to vector<64x128xi32>
    %eq3A_1160 = arith.cmpi eq, %and3A_1153, %eq3A_1159 : vector<64x128xi32>
    %select_n3A_1161 = arith.select %eq3A_1160, %roll3A_1155, %roll3A_1157 : vector<64x128xi1>, vector<64x128xi32>
    %and3A_1162 = arith.constant 4 : i32
    %and3A_1163 = vector.broadcast %and3A_1162 : i32 to vector<64x128xi32>
    %and3A_1164 = arith.andi %add3A, %and3A_1163 : vector<64x128xi32>
    %eq3A_1165 = arith.constant 0 : i32
    %eq3A_1166 = vector.broadcast %eq3A_1165 : i32 to vector<64x128xi32>
    %eq3A_1167 = arith.cmpi eq, %and3A_1164, %eq3A_1166 : vector<64x128xi32>
    %gt3A_1168 = arith.cmpf ogt, %select_n3A_1136, %select_n3A_1149 : vector<64x128xf32>
    %eq3A_1169 = arith.cmpf oeq, %select_n3A_1136, %select_n3A_1149 : vector<64x128xf32>
    %lt3A_1170 = arith.cmpi slt, %select_n3A_1137, %select_n3A_1161 : vector<64x128xi32>
    %and3A_1171 = arith.andi %eq3A_1169, %lt3A_1170 : vector<64x128xi1>
    %or3A_1172 = arith.ori %gt3A_1168, %and3A_1171 : vector<64x128xi1>
    %eq3A_1173 = arith.xori %eq3A_1167, %eq3A_965 : vector<64x128xi1>
    %eq3A_1174 = arith.constant dense<true> : vector<64x128xi1>
    %eq3A_1175 = arith.xori %eq3A_1173, %eq3A_1174 : vector<64x128xi1>
    %eq3A_1176 = arith.xori %eq3A_1175, %or3A_1172 : vector<64x128xi1>
    %eq3A_1177 = arith.constant dense<true> : vector<64x128xi1>
    %eq3A_1178 = arith.xori %eq3A_1176, %eq3A_1177 : vector<64x128xi1>
    %select_n3A_1179 = arith.select %eq3A_1178, %select_n3A_1136, %select_n3A_1149 : vector<64x128xi1>, vector<64x128xf32>
    %select_n3A_1180 = arith.select %eq3A_1178, %select_n3A_1137, %select_n3A_1161 : vector<64x128xi1>, vector<64x128xi32>
    %iota3A_1181 = tpu.iota {dimensions = array<i32: 1>} : vector<64x128xi32>
    %and3A_1182 = arith.constant 2 : i32
    %and3A_1183 = vector.broadcast %and3A_1182 : i32 to vector<64x128xi32>
    %and3A_1184 = arith.andi %iota3A_1181, %and3A_1183 : vector<64x128xi32>
    %roll3A_1185 = arith.constant 126 : i32
    %roll3A_1186 = tpu.dynamic_rotate %select_n3A_1179 by %roll3A_1185 dim 1 : vector<64x128xf32>, i32 -> vector<64x128xf32>
    %roll3A_1187 = arith.constant 2 : i32
    %roll3A_1188 = tpu.dynamic_rotate %select_n3A_1179 by %roll3A_1187 dim 1 : vector<64x128xf32>, i32 -> vector<64x128xf32>
    %eq3A_1189 = arith.constant 0 : i32
    %eq3A_1190 = vector.broadcast %eq3A_1189 : i32 to vector<64x128xi32>
    %eq3A_1191 = arith.cmpi eq, %and3A_1184, %eq3A_1190 : vector<64x128xi32>
    %select_n3A_1192 = arith.select %eq3A_1191, %roll3A_1186, %roll3A_1188 : vector<64x128xi1>, vector<64x128xf32>
    %iota3A_1193 = tpu.iota {dimensions = array<i32: 1>} : vector<64x128xi32>
    %and3A_1194 = arith.constant 2 : i32
    %and3A_1195 = vector.broadcast %and3A_1194 : i32 to vector<64x128xi32>
    %and3A_1196 = arith.andi %iota3A_1193, %and3A_1195 : vector<64x128xi32>
    %roll3A_1197 = arith.constant 126 : i32
    %roll3A_1198 = tpu.dynamic_rotate %select_n3A_1180 by %roll3A_1197 dim 1 : vector<64x128xi32>, i32 -> vector<64x128xi32>
    %roll3A_1199 = arith.constant 2 : i32
    %roll3A_1200 = tpu.dynamic_rotate %select_n3A_1180 by %roll3A_1199 dim 1 : vector<64x128xi32>, i32 -> vector<64x128xi32>
    %eq3A_1201 = arith.constant 0 : i32
    %eq3A_1202 = vector.broadcast %eq3A_1201 : i32 to vector<64x128xi32>
    %eq3A_1203 = arith.cmpi eq, %and3A_1196, %eq3A_1202 : vector<64x128xi32>
    %select_n3A_1204 = arith.select %eq3A_1203, %roll3A_1198, %roll3A_1200 : vector<64x128xi1>, vector<64x128xi32>
    %and3A_1205 = arith.constant 2 : i32
    %and3A_1206 = vector.broadcast %and3A_1205 : i32 to vector<64x128xi32>
    %and3A_1207 = arith.andi %add3A, %and3A_1206 : vector<64x128xi32>
    %eq3A_1208 = arith.constant 0 : i32
    %eq3A_1209 = vector.broadcast %eq3A_1208 : i32 to vector<64x128xi32>
    %eq3A_1210 = arith.cmpi eq, %and3A_1207, %eq3A_1209 : vector<64x128xi32>
    %gt3A_1211 = arith.cmpf ogt, %select_n3A_1179, %select_n3A_1192 : vector<64x128xf32>
    %eq3A_1212 = arith.cmpf oeq, %select_n3A_1179, %select_n3A_1192 : vector<64x128xf32>
    %lt3A_1213 = arith.cmpi slt, %select_n3A_1180, %select_n3A_1204 : vector<64x128xi32>
    %and3A_1214 = arith.andi %eq3A_1212, %lt3A_1213 : vector<64x128xi1>
    %or3A_1215 = arith.ori %gt3A_1211, %and3A_1214 : vector<64x128xi1>
    %eq3A_1216 = arith.xori %eq3A_1210, %eq3A_965 : vector<64x128xi1>
    %eq3A_1217 = arith.constant dense<true> : vector<64x128xi1>
    %eq3A_1218 = arith.xori %eq3A_1216, %eq3A_1217 : vector<64x128xi1>
    %eq3A_1219 = arith.xori %eq3A_1218, %or3A_1215 : vector<64x128xi1>
    %eq3A_1220 = arith.constant dense<true> : vector<64x128xi1>
    %eq3A_1221 = arith.xori %eq3A_1219, %eq3A_1220 : vector<64x128xi1>
    %select_n3A_1222 = arith.select %eq3A_1221, %select_n3A_1179, %select_n3A_1192 : vector<64x128xi1>, vector<64x128xf32>
    %select_n3A_1223 = arith.select %eq3A_1221, %select_n3A_1180, %select_n3A_1204 : vector<64x128xi1>, vector<64x128xi32>
    %iota3A_1224 = tpu.iota {dimensions = array<i32: 1>} : vector<64x128xi32>
    %and3A_1225 = arith.constant 1 : i32
    %and3A_1226 = vector.broadcast %and3A_1225 : i32 to vector<64x128xi32>
    %and3A_1227 = arith.andi %iota3A_1224, %and3A_1226 : vector<64x128xi32>
    %roll3A_1228 = arith.constant 127 : i32
    %roll3A_1229 = tpu.dynamic_rotate %select_n3A_1222 by %roll3A_1228 dim 1 : vector<64x128xf32>, i32 -> vector<64x128xf32>
    %roll3A_1230 = arith.constant 1 : i32
    %roll3A_1231 = tpu.dynamic_rotate %select_n3A_1222 by %roll3A_1230 dim 1 : vector<64x128xf32>, i32 -> vector<64x128xf32>
    %eq3A_1232 = arith.constant 0 : i32
    %eq3A_1233 = vector.broadcast %eq3A_1232 : i32 to vector<64x128xi32>
    %eq3A_1234 = arith.cmpi eq, %and3A_1227, %eq3A_1233 : vector<64x128xi32>
    %select_n3A_1235 = arith.select %eq3A_1234, %roll3A_1229, %roll3A_1231 : vector<64x128xi1>, vector<64x128xf32>
    %iota3A_1236 = tpu.iota {dimensions = array<i32: 1>} : vector<64x128xi32>
    %and3A_1237 = arith.constant 1 : i32
    %and3A_1238 = vector.broadcast %and3A_1237 : i32 to vector<64x128xi32>
    %and3A_1239 = arith.andi %iota3A_1236, %and3A_1238 : vector<64x128xi32>
    %roll3A_1240 = arith.constant 127 : i32
    %roll3A_1241 = tpu.dynamic_rotate %select_n3A_1223 by %roll3A_1240 dim 1 : vector<64x128xi32>, i32 -> vector<64x128xi32>
    %roll3A_1242 = arith.constant 1 : i32
    %roll3A_1243 = tpu.dynamic_rotate %select_n3A_1223 by %roll3A_1242 dim 1 : vector<64x128xi32>, i32 -> vector<64x128xi32>
    %eq3A_1244 = arith.constant 0 : i32
    %eq3A_1245 = vector.broadcast %eq3A_1244 : i32 to vector<64x128xi32>
    %eq3A_1246 = arith.cmpi eq, %and3A_1239, %eq3A_1245 : vector<64x128xi32>
    %select_n3A_1247 = arith.select %eq3A_1246, %roll3A_1241, %roll3A_1243 : vector<64x128xi1>, vector<64x128xi32>
    %and3A_1248 = arith.constant 1 : i32
    %and3A_1249 = vector.broadcast %and3A_1248 : i32 to vector<64x128xi32>
    %and3A_1250 = arith.andi %add3A, %and3A_1249 : vector<64x128xi32>
    %eq3A_1251 = arith.constant 0 : i32
    %eq3A_1252 = vector.broadcast %eq3A_1251 : i32 to vector<64x128xi32>
    %eq3A_1253 = arith.cmpi eq, %and3A_1250, %eq3A_1252 : vector<64x128xi32>
    %gt3A_1254 = arith.cmpf ogt, %select_n3A_1222, %select_n3A_1235 : vector<64x128xf32>
    %eq3A_1255 = arith.cmpf oeq, %select_n3A_1222, %select_n3A_1235 : vector<64x128xf32>
    %lt3A_1256 = arith.cmpi slt, %select_n3A_1223, %select_n3A_1247 : vector<64x128xi32>
    %and3A_1257 = arith.andi %eq3A_1255, %lt3A_1256 : vector<64x128xi1>
    %or3A_1258 = arith.ori %gt3A_1254, %and3A_1257 : vector<64x128xi1>
    %eq3A_1259 = arith.xori %eq3A_1253, %eq3A_965 : vector<64x128xi1>
    %eq3A_1260 = arith.constant dense<true> : vector<64x128xi1>
    %eq3A_1261 = arith.xori %eq3A_1259, %eq3A_1260 : vector<64x128xi1>
    %eq3A_1262 = arith.xori %eq3A_1261, %or3A_1258 : vector<64x128xi1>
    %eq3A_1263 = arith.constant dense<true> : vector<64x128xi1>
    %eq3A_1264 = arith.xori %eq3A_1262, %eq3A_1263 : vector<64x128xi1>
    %select_n3A_1265 = arith.select %eq3A_1264, %select_n3A_1222, %select_n3A_1235 : vector<64x128xi1>, vector<64x128xf32>
    %select_n3A_1266 = arith.select %eq3A_1264, %select_n3A_1223, %select_n3A_1247 : vector<64x128xi1>, vector<64x128xi32>
    %shift_right_arithmetic3A_1267 = arith.constant 8 : i32
    %shift_right_arithmetic3A_1268 = vector.broadcast %shift_right_arithmetic3A_1267 : i32 to vector<64x128xi32>
    %shift_right_arithmetic3A_1269 = arith.shrsi %add3A, %shift_right_arithmetic3A_1268 : vector<64x128xi32>
    %and3A_1270 = arith.constant 1 : i32
    %and3A_1271 = vector.broadcast %and3A_1270 : i32 to vector<64x128xi32>
    %and3A_1272 = arith.andi %shift_right_arithmetic3A_1269, %and3A_1271 : vector<64x128xi32>
    %eq3A_1273 = arith.constant 0 : i32
    %eq3A_1274 = vector.broadcast %eq3A_1273 : i32 to vector<64x128xi32>
    %eq3A_1275 = arith.cmpi eq, %and3A_1272, %eq3A_1274 : vector<64x128xi32>
    %iota3A_1276 = tpu.iota {dimensions = array<i32: 0>} : vector<64x128xi32>
    %and3A_1277 = arith.constant 1 : i32
    %and3A_1278 = vector.broadcast %and3A_1277 : i32 to vector<64x128xi32>
    %and3A_1279 = arith.andi %iota3A_1276, %and3A_1278 : vector<64x128xi32>
    %roll3A_1280 = arith.constant 63 : i32
    %roll3A_1281 = tpu.dynamic_rotate %select_n3A_1265 by %roll3A_1280 dim 0 : vector<64x128xf32>, i32 -> vector<64x128xf32>
    %roll3A_1282 = arith.constant 1 : i32
    %roll3A_1283 = tpu.dynamic_rotate %select_n3A_1265 by %roll3A_1282 dim 0 : vector<64x128xf32>, i32 -> vector<64x128xf32>
    %eq3A_1284 = arith.constant 0 : i32
    %eq3A_1285 = vector.broadcast %eq3A_1284 : i32 to vector<64x128xi32>
    %eq3A_1286 = arith.cmpi eq, %and3A_1279, %eq3A_1285 : vector<64x128xi32>
    %select_n3A_1287 = arith.select %eq3A_1286, %roll3A_1281, %roll3A_1283 : vector<64x128xi1>, vector<64x128xf32>
    %iota3A_1288 = tpu.iota {dimensions = array<i32: 0>} : vector<64x128xi32>
    %and3A_1289 = arith.constant 1 : i32
    %and3A_1290 = vector.broadcast %and3A_1289 : i32 to vector<64x128xi32>
    %and3A_1291 = arith.andi %iota3A_1288, %and3A_1290 : vector<64x128xi32>
    %roll3A_1292 = arith.constant 63 : i32
    %roll3A_1293 = tpu.dynamic_rotate %select_n3A_1266 by %roll3A_1292 dim 0 : vector<64x128xi32>, i32 -> vector<64x128xi32>
    %roll3A_1294 = arith.constant 1 : i32
    %roll3A_1295 = tpu.dynamic_rotate %select_n3A_1266 by %roll3A_1294 dim 0 : vector<64x128xi32>, i32 -> vector<64x128xi32>
    %eq3A_1296 = arith.constant 0 : i32
    %eq3A_1297 = vector.broadcast %eq3A_1296 : i32 to vector<64x128xi32>
    %eq3A_1298 = arith.cmpi eq, %and3A_1291, %eq3A_1297 : vector<64x128xi32>
    %select_n3A_1299 = arith.select %eq3A_1298, %roll3A_1293, %roll3A_1295 : vector<64x128xi1>, vector<64x128xi32>
    %and3A_1300 = arith.constant 128 : i32
    %and3A_1301 = vector.broadcast %and3A_1300 : i32 to vector<64x128xi32>
    %and3A_1302 = arith.andi %add3A, %and3A_1301 : vector<64x128xi32>
    %eq3A_1303 = arith.constant 0 : i32
    %eq3A_1304 = vector.broadcast %eq3A_1303 : i32 to vector<64x128xi32>
    %eq3A_1305 = arith.cmpi eq, %and3A_1302, %eq3A_1304 : vector<64x128xi32>
    %gt3A_1306 = arith.cmpf ogt, %select_n3A_1265, %select_n3A_1287 : vector<64x128xf32>
    %eq3A_1307 = arith.cmpf oeq, %select_n3A_1265, %select_n3A_1287 : vector<64x128xf32>
    %lt3A_1308 = arith.cmpi slt, %select_n3A_1266, %select_n3A_1299 : vector<64x128xi32>
    %and3A_1309 = arith.andi %eq3A_1307, %lt3A_1308 : vector<64x128xi1>
    %or3A_1310 = arith.ori %gt3A_1306, %and3A_1309 : vector<64x128xi1>
    %eq3A_1311 = arith.xori %eq3A_1305, %eq3A_1275 : vector<64x128xi1>
    %eq3A_1312 = arith.constant dense<true> : vector<64x128xi1>
    %eq3A_1313 = arith.xori %eq3A_1311, %eq3A_1312 : vector<64x128xi1>
    %eq3A_1314 = arith.xori %eq3A_1313, %or3A_1310 : vector<64x128xi1>
    %eq3A_1315 = arith.constant dense<true> : vector<64x128xi1>
    %eq3A_1316 = arith.xori %eq3A_1314, %eq3A_1315 : vector<64x128xi1>
    %select_n3A_1317 = arith.select %eq3A_1316, %select_n3A_1265, %select_n3A_1287 : vector<64x128xi1>, vector<64x128xf32>
    %select_n3A_1318 = arith.select %eq3A_1316, %select_n3A_1266, %select_n3A_1299 : vector<64x128xi1>, vector<64x128xi32>
    %iota3A_1319 = tpu.iota {dimensions = array<i32: 1>} : vector<64x128xi32>
    %and3A_1320 = arith.constant 64 : i32
    %and3A_1321 = vector.broadcast %and3A_1320 : i32 to vector<64x128xi32>
    %and3A_1322 = arith.andi %iota3A_1319, %and3A_1321 : vector<64x128xi32>
    %roll3A_1323 = arith.constant 64 : i32
    %roll3A_1324 = tpu.dynamic_rotate %select_n3A_1317 by %roll3A_1323 dim 1 : vector<64x128xf32>, i32 -> vector<64x128xf32>
    %roll3A_1325 = arith.constant 64 : i32
    %roll3A_1326 = tpu.dynamic_rotate %select_n3A_1317 by %roll3A_1325 dim 1 : vector<64x128xf32>, i32 -> vector<64x128xf32>
    %eq3A_1327 = arith.constant 0 : i32
    %eq3A_1328 = vector.broadcast %eq3A_1327 : i32 to vector<64x128xi32>
    %eq3A_1329 = arith.cmpi eq, %and3A_1322, %eq3A_1328 : vector<64x128xi32>
    %select_n3A_1330 = arith.select %eq3A_1329, %roll3A_1324, %roll3A_1326 : vector<64x128xi1>, vector<64x128xf32>
    %iota3A_1331 = tpu.iota {dimensions = array<i32: 1>} : vector<64x128xi32>
    %and3A_1332 = arith.constant 64 : i32
    %and3A_1333 = vector.broadcast %and3A_1332 : i32 to vector<64x128xi32>
    %and3A_1334 = arith.andi %iota3A_1331, %and3A_1333 : vector<64x128xi32>
    %roll3A_1335 = arith.constant 64 : i32
    %roll3A_1336 = tpu.dynamic_rotate %select_n3A_1318 by %roll3A_1335 dim 1 : vector<64x128xi32>, i32 -> vector<64x128xi32>
    %roll3A_1337 = arith.constant 64 : i32
    %roll3A_1338 = tpu.dynamic_rotate %select_n3A_1318 by %roll3A_1337 dim 1 : vector<64x128xi32>, i32 -> vector<64x128xi32>
    %eq3A_1339 = arith.constant 0 : i32
    %eq3A_1340 = vector.broadcast %eq3A_1339 : i32 to vector<64x128xi32>
    %eq3A_1341 = arith.cmpi eq, %and3A_1334, %eq3A_1340 : vector<64x128xi32>
    %select_n3A_1342 = arith.select %eq3A_1341, %roll3A_1336, %roll3A_1338 : vector<64x128xi1>, vector<64x128xi32>
    %and3A_1343 = arith.constant 64 : i32
    %and3A_1344 = vector.broadcast %and3A_1343 : i32 to vector<64x128xi32>
    %and3A_1345 = arith.andi %add3A, %and3A_1344 : vector<64x128xi32>
    %eq3A_1346 = arith.constant 0 : i32
    %eq3A_1347 = vector.broadcast %eq3A_1346 : i32 to vector<64x128xi32>
    %eq3A_1348 = arith.cmpi eq, %and3A_1345, %eq3A_1347 : vector<64x128xi32>
    %gt3A_1349 = arith.cmpf ogt, %select_n3A_1317, %select_n3A_1330 : vector<64x128xf32>
    %eq3A_1350 = arith.cmpf oeq, %select_n3A_1317, %select_n3A_1330 : vector<64x128xf32>
    %lt3A_1351 = arith.cmpi slt, %select_n3A_1318, %select_n3A_1342 : vector<64x128xi32>
    %and3A_1352 = arith.andi %eq3A_1350, %lt3A_1351 : vector<64x128xi1>
    %or3A_1353 = arith.ori %gt3A_1349, %and3A_1352 : vector<64x128xi1>
    %eq3A_1354 = arith.xori %eq3A_1348, %eq3A_1275 : vector<64x128xi1>
    %eq3A_1355 = arith.constant dense<true> : vector<64x128xi1>
    %eq3A_1356 = arith.xori %eq3A_1354, %eq3A_1355 : vector<64x128xi1>
    %eq3A_1357 = arith.xori %eq3A_1356, %or3A_1353 : vector<64x128xi1>
    %eq3A_1358 = arith.constant dense<true> : vector<64x128xi1>
    %eq3A_1359 = arith.xori %eq3A_1357, %eq3A_1358 : vector<64x128xi1>
    %select_n3A_1360 = arith.select %eq3A_1359, %select_n3A_1317, %select_n3A_1330 : vector<64x128xi1>, vector<64x128xf32>
    %select_n3A_1361 = arith.select %eq3A_1359, %select_n3A_1318, %select_n3A_1342 : vector<64x128xi1>, vector<64x128xi32>
    %iota3A_1362 = tpu.iota {dimensions = array<i32: 1>} : vector<64x128xi32>
    %and3A_1363 = arith.constant 32 : i32
    %and3A_1364 = vector.broadcast %and3A_1363 : i32 to vector<64x128xi32>
    %and3A_1365 = arith.andi %iota3A_1362, %and3A_1364 : vector<64x128xi32>
    %roll3A_1366 = arith.constant 96 : i32
    %roll3A_1367 = tpu.dynamic_rotate %select_n3A_1360 by %roll3A_1366 dim 1 : vector<64x128xf32>, i32 -> vector<64x128xf32>
    %roll3A_1368 = arith.constant 32 : i32
    %roll3A_1369 = tpu.dynamic_rotate %select_n3A_1360 by %roll3A_1368 dim 1 : vector<64x128xf32>, i32 -> vector<64x128xf32>
    %eq3A_1370 = arith.constant 0 : i32
    %eq3A_1371 = vector.broadcast %eq3A_1370 : i32 to vector<64x128xi32>
    %eq3A_1372 = arith.cmpi eq, %and3A_1365, %eq3A_1371 : vector<64x128xi32>
    %select_n3A_1373 = arith.select %eq3A_1372, %roll3A_1367, %roll3A_1369 : vector<64x128xi1>, vector<64x128xf32>
    %iota3A_1374 = tpu.iota {dimensions = array<i32: 1>} : vector<64x128xi32>
    %and3A_1375 = arith.constant 32 : i32
    %and3A_1376 = vector.broadcast %and3A_1375 : i32 to vector<64x128xi32>
    %and3A_1377 = arith.andi %iota3A_1374, %and3A_1376 : vector<64x128xi32>
    %roll3A_1378 = arith.constant 96 : i32
    %roll3A_1379 = tpu.dynamic_rotate %select_n3A_1361 by %roll3A_1378 dim 1 : vector<64x128xi32>, i32 -> vector<64x128xi32>
    %roll3A_1380 = arith.constant 32 : i32
    %roll3A_1381 = tpu.dynamic_rotate %select_n3A_1361 by %roll3A_1380 dim 1 : vector<64x128xi32>, i32 -> vector<64x128xi32>
    %eq3A_1382 = arith.constant 0 : i32
    %eq3A_1383 = vector.broadcast %eq3A_1382 : i32 to vector<64x128xi32>
    %eq3A_1384 = arith.cmpi eq, %and3A_1377, %eq3A_1383 : vector<64x128xi32>
    %select_n3A_1385 = arith.select %eq3A_1384, %roll3A_1379, %roll3A_1381 : vector<64x128xi1>, vector<64x128xi32>
    %and3A_1386 = arith.constant 32 : i32
    %and3A_1387 = vector.broadcast %and3A_1386 : i32 to vector<64x128xi32>
    %and3A_1388 = arith.andi %add3A, %and3A_1387 : vector<64x128xi32>
    %eq3A_1389 = arith.constant 0 : i32
    %eq3A_1390 = vector.broadcast %eq3A_1389 : i32 to vector<64x128xi32>
    %eq3A_1391 = arith.cmpi eq, %and3A_1388, %eq3A_1390 : vector<64x128xi32>
    %gt3A_1392 = arith.cmpf ogt, %select_n3A_1360, %select_n3A_1373 : vector<64x128xf32>
    %eq3A_1393 = arith.cmpf oeq, %select_n3A_1360, %select_n3A_1373 : vector<64x128xf32>
    %lt3A_1394 = arith.cmpi slt, %select_n3A_1361, %select_n3A_1385 : vector<64x128xi32>
    %and3A_1395 = arith.andi %eq3A_1393, %lt3A_1394 : vector<64x128xi1>
    %or3A_1396 = arith.ori %gt3A_1392, %and3A_1395 : vector<64x128xi1>
    %eq3A_1397 = arith.xori %eq3A_1391, %eq3A_1275 : vector<64x128xi1>
    %eq3A_1398 = arith.constant dense<true> : vector<64x128xi1>
    %eq3A_1399 = arith.xori %eq3A_1397, %eq3A_1398 : vector<64x128xi1>
    %eq3A_1400 = arith.xori %eq3A_1399, %or3A_1396 : vector<64x128xi1>
    %eq3A_1401 = arith.constant dense<true> : vector<64x128xi1>
    %eq3A_1402 = arith.xori %eq3A_1400, %eq3A_1401 : vector<64x128xi1>
    %select_n3A_1403 = arith.select %eq3A_1402, %select_n3A_1360, %select_n3A_1373 : vector<64x128xi1>, vector<64x128xf32>
    %select_n3A_1404 = arith.select %eq3A_1402, %select_n3A_1361, %select_n3A_1385 : vector<64x128xi1>, vector<64x128xi32>
    %iota3A_1405 = tpu.iota {dimensions = array<i32: 1>} : vector<64x128xi32>
    %and3A_1406 = arith.constant 16 : i32
    %and3A_1407 = vector.broadcast %and3A_1406 : i32 to vector<64x128xi32>
    %and3A_1408 = arith.andi %iota3A_1405, %and3A_1407 : vector<64x128xi32>
    %roll3A_1409 = arith.constant 112 : i32
    %roll3A_1410 = tpu.dynamic_rotate %select_n3A_1403 by %roll3A_1409 dim 1 : vector<64x128xf32>, i32 -> vector<64x128xf32>
    %roll3A_1411 = arith.constant 16 : i32
    %roll3A_1412 = tpu.dynamic_rotate %select_n3A_1403 by %roll3A_1411 dim 1 : vector<64x128xf32>, i32 -> vector<64x128xf32>
    %eq3A_1413 = arith.constant 0 : i32
    %eq3A_1414 = vector.broadcast %eq3A_1413 : i32 to vector<64x128xi32>
    %eq3A_1415 = arith.cmpi eq, %and3A_1408, %eq3A_1414 : vector<64x128xi32>
    %select_n3A_1416 = arith.select %eq3A_1415, %roll3A_1410, %roll3A_1412 : vector<64x128xi1>, vector<64x128xf32>
    %iota3A_1417 = tpu.iota {dimensions = array<i32: 1>} : vector<64x128xi32>
    %and3A_1418 = arith.constant 16 : i32
    %and3A_1419 = vector.broadcast %and3A_1418 : i32 to vector<64x128xi32>
    %and3A_1420 = arith.andi %iota3A_1417, %and3A_1419 : vector<64x128xi32>
    %roll3A_1421 = arith.constant 112 : i32
    %roll3A_1422 = tpu.dynamic_rotate %select_n3A_1404 by %roll3A_1421 dim 1 : vector<64x128xi32>, i32 -> vector<64x128xi32>
    %roll3A_1423 = arith.constant 16 : i32
    %roll3A_1424 = tpu.dynamic_rotate %select_n3A_1404 by %roll3A_1423 dim 1 : vector<64x128xi32>, i32 -> vector<64x128xi32>
    %eq3A_1425 = arith.constant 0 : i32
    %eq3A_1426 = vector.broadcast %eq3A_1425 : i32 to vector<64x128xi32>
    %eq3A_1427 = arith.cmpi eq, %and3A_1420, %eq3A_1426 : vector<64x128xi32>
    %select_n3A_1428 = arith.select %eq3A_1427, %roll3A_1422, %roll3A_1424 : vector<64x128xi1>, vector<64x128xi32>
    %and3A_1429 = arith.constant 16 : i32
    %and3A_1430 = vector.broadcast %and3A_1429 : i32 to vector<64x128xi32>
    %and3A_1431 = arith.andi %add3A, %and3A_1430 : vector<64x128xi32>
    %eq3A_1432 = arith.constant 0 : i32
    %eq3A_1433 = vector.broadcast %eq3A_1432 : i32 to vector<64x128xi32>
    %eq3A_1434 = arith.cmpi eq, %and3A_1431, %eq3A_1433 : vector<64x128xi32>
    %gt3A_1435 = arith.cmpf ogt, %select_n3A_1403, %select_n3A_1416 : vector<64x128xf32>
    %eq3A_1436 = arith.cmpf oeq, %select_n3A_1403, %select_n3A_1416 : vector<64x128xf32>
    %lt3A_1437 = arith.cmpi slt, %select_n3A_1404, %select_n3A_1428 : vector<64x128xi32>
    %and3A_1438 = arith.andi %eq3A_1436, %lt3A_1437 : vector<64x128xi1>
    %or3A_1439 = arith.ori %gt3A_1435, %and3A_1438 : vector<64x128xi1>
    %eq3A_1440 = arith.xori %eq3A_1434, %eq3A_1275 : vector<64x128xi1>
    %eq3A_1441 = arith.constant dense<true> : vector<64x128xi1>
    %eq3A_1442 = arith.xori %eq3A_1440, %eq3A_1441 : vector<64x128xi1>
    %eq3A_1443 = arith.xori %eq3A_1442, %or3A_1439 : vector<64x128xi1>
    %eq3A_1444 = arith.constant dense<true> : vector<64x128xi1>
    %eq3A_1445 = arith.xori %eq3A_1443, %eq3A_1444 : vector<64x128xi1>
    %select_n3A_1446 = arith.select %eq3A_1445, %select_n3A_1403, %select_n3A_1416 : vector<64x128xi1>, vector<64x128xf32>
    %select_n3A_1447 = arith.select %eq3A_1445, %select_n3A_1404, %select_n3A_1428 : vector<64x128xi1>, vector<64x128xi32>
    %iota3A_1448 = tpu.iota {dimensions = array<i32: 1>} : vector<64x128xi32>
    %and3A_1449 = arith.constant 8 : i32
    %and3A_1450 = vector.broadcast %and3A_1449 : i32 to vector<64x128xi32>
    %and3A_1451 = arith.andi %iota3A_1448, %and3A_1450 : vector<64x128xi32>
    %roll3A_1452 = arith.constant 120 : i32
    %roll3A_1453 = tpu.dynamic_rotate %select_n3A_1446 by %roll3A_1452 dim 1 : vector<64x128xf32>, i32 -> vector<64x128xf32>
    %roll3A_1454 = arith.constant 8 : i32
    %roll3A_1455 = tpu.dynamic_rotate %select_n3A_1446 by %roll3A_1454 dim 1 : vector<64x128xf32>, i32 -> vector<64x128xf32>
    %eq3A_1456 = arith.constant 0 : i32
    %eq3A_1457 = vector.broadcast %eq3A_1456 : i32 to vector<64x128xi32>
    %eq3A_1458 = arith.cmpi eq, %and3A_1451, %eq3A_1457 : vector<64x128xi32>
    %select_n3A_1459 = arith.select %eq3A_1458, %roll3A_1453, %roll3A_1455 : vector<64x128xi1>, vector<64x128xf32>
    %iota3A_1460 = tpu.iota {dimensions = array<i32: 1>} : vector<64x128xi32>
    %and3A_1461 = arith.constant 8 : i32
    %and3A_1462 = vector.broadcast %and3A_1461 : i32 to vector<64x128xi32>
    %and3A_1463 = arith.andi %iota3A_1460, %and3A_1462 : vector<64x128xi32>
    %roll3A_1464 = arith.constant 120 : i32
    %roll3A_1465 = tpu.dynamic_rotate %select_n3A_1447 by %roll3A_1464 dim 1 : vector<64x128xi32>, i32 -> vector<64x128xi32>
    %roll3A_1466 = arith.constant 8 : i32
    %roll3A_1467 = tpu.dynamic_rotate %select_n3A_1447 by %roll3A_1466 dim 1 : vector<64x128xi32>, i32 -> vector<64x128xi32>
    %eq3A_1468 = arith.constant 0 : i32
    %eq3A_1469 = vector.broadcast %eq3A_1468 : i32 to vector<64x128xi32>
    %eq3A_1470 = arith.cmpi eq, %and3A_1463, %eq3A_1469 : vector<64x128xi32>
    %select_n3A_1471 = arith.select %eq3A_1470, %roll3A_1465, %roll3A_1467 : vector<64x128xi1>, vector<64x128xi32>
    %and3A_1472 = arith.constant 8 : i32
    %and3A_1473 = vector.broadcast %and3A_1472 : i32 to vector<64x128xi32>
    %and3A_1474 = arith.andi %add3A, %and3A_1473 : vector<64x128xi32>
    %eq3A_1475 = arith.constant 0 : i32
    %eq3A_1476 = vector.broadcast %eq3A_1475 : i32 to vector<64x128xi32>
    %eq3A_1477 = arith.cmpi eq, %and3A_1474, %eq3A_1476 : vector<64x128xi32>
    %gt3A_1478 = arith.cmpf ogt, %select_n3A_1446, %select_n3A_1459 : vector<64x128xf32>
    %eq3A_1479 = arith.cmpf oeq, %select_n3A_1446, %select_n3A_1459 : vector<64x128xf32>
    %lt3A_1480 = arith.cmpi slt, %select_n3A_1447, %select_n3A_1471 : vector<64x128xi32>
    %and3A_1481 = arith.andi %eq3A_1479, %lt3A_1480 : vector<64x128xi1>
    %or3A_1482 = arith.ori %gt3A_1478, %and3A_1481 : vector<64x128xi1>
    %eq3A_1483 = arith.xori %eq3A_1477, %eq3A_1275 : vector<64x128xi1>
    %eq3A_1484 = arith.constant dense<true> : vector<64x128xi1>
    %eq3A_1485 = arith.xori %eq3A_1483, %eq3A_1484 : vector<64x128xi1>
    %eq3A_1486 = arith.xori %eq3A_1485, %or3A_1482 : vector<64x128xi1>
    %eq3A_1487 = arith.constant dense<true> : vector<64x128xi1>
    %eq3A_1488 = arith.xori %eq3A_1486, %eq3A_1487 : vector<64x128xi1>
    %select_n3A_1489 = arith.select %eq3A_1488, %select_n3A_1446, %select_n3A_1459 : vector<64x128xi1>, vector<64x128xf32>
    %select_n3A_1490 = arith.select %eq3A_1488, %select_n3A_1447, %select_n3A_1471 : vector<64x128xi1>, vector<64x128xi32>
    %iota3A_1491 = tpu.iota {dimensions = array<i32: 1>} : vector<64x128xi32>
    %and3A_1492 = arith.constant 4 : i32
    %and3A_1493 = vector.broadcast %and3A_1492 : i32 to vector<64x128xi32>
    %and3A_1494 = arith.andi %iota3A_1491, %and3A_1493 : vector<64x128xi32>
    %roll3A_1495 = arith.constant 124 : i32
    %roll3A_1496 = tpu.dynamic_rotate %select_n3A_1489 by %roll3A_1495 dim 1 : vector<64x128xf32>, i32 -> vector<64x128xf32>
    %roll3A_1497 = arith.constant 4 : i32
    %roll3A_1498 = tpu.dynamic_rotate %select_n3A_1489 by %roll3A_1497 dim 1 : vector<64x128xf32>, i32 -> vector<64x128xf32>
    %eq3A_1499 = arith.constant 0 : i32
    %eq3A_1500 = vector.broadcast %eq3A_1499 : i32 to vector<64x128xi32>
    %eq3A_1501 = arith.cmpi eq, %and3A_1494, %eq3A_1500 : vector<64x128xi32>
    %select_n3A_1502 = arith.select %eq3A_1501, %roll3A_1496, %roll3A_1498 : vector<64x128xi1>, vector<64x128xf32>
    %iota3A_1503 = tpu.iota {dimensions = array<i32: 1>} : vector<64x128xi32>
    %and3A_1504 = arith.constant 4 : i32
    %and3A_1505 = vector.broadcast %and3A_1504 : i32 to vector<64x128xi32>
    %and3A_1506 = arith.andi %iota3A_1503, %and3A_1505 : vector<64x128xi32>
    %roll3A_1507 = arith.constant 124 : i32
    %roll3A_1508 = tpu.dynamic_rotate %select_n3A_1490 by %roll3A_1507 dim 1 : vector<64x128xi32>, i32 -> vector<64x128xi32>
    %roll3A_1509 = arith.constant 4 : i32
    %roll3A_1510 = tpu.dynamic_rotate %select_n3A_1490 by %roll3A_1509 dim 1 : vector<64x128xi32>, i32 -> vector<64x128xi32>
    %eq3A_1511 = arith.constant 0 : i32
    %eq3A_1512 = vector.broadcast %eq3A_1511 : i32 to vector<64x128xi32>
    %eq3A_1513 = arith.cmpi eq, %and3A_1506, %eq3A_1512 : vector<64x128xi32>
    %select_n3A_1514 = arith.select %eq3A_1513, %roll3A_1508, %roll3A_1510 : vector<64x128xi1>, vector<64x128xi32>
    %and3A_1515 = arith.constant 4 : i32
    %and3A_1516 = vector.broadcast %and3A_1515 : i32 to vector<64x128xi32>
    %and3A_1517 = arith.andi %add3A, %and3A_1516 : vector<64x128xi32>
    %eq3A_1518 = arith.constant 0 : i32
    %eq3A_1519 = vector.broadcast %eq3A_1518 : i32 to vector<64x128xi32>
    %eq3A_1520 = arith.cmpi eq, %and3A_1517, %eq3A_1519 : vector<64x128xi32>
    %gt3A_1521 = arith.cmpf ogt, %select_n3A_1489, %select_n3A_1502 : vector<64x128xf32>
    %eq3A_1522 = arith.cmpf oeq, %select_n3A_1489, %select_n3A_1502 : vector<64x128xf32>
    %lt3A_1523 = arith.cmpi slt, %select_n3A_1490, %select_n3A_1514 : vector<64x128xi32>
    %and3A_1524 = arith.andi %eq3A_1522, %lt3A_1523 : vector<64x128xi1>
    %or3A_1525 = arith.ori %gt3A_1521, %and3A_1524 : vector<64x128xi1>
    %eq3A_1526 = arith.xori %eq3A_1520, %eq3A_1275 : vector<64x128xi1>
    %eq3A_1527 = arith.constant dense<true> : vector<64x128xi1>
    %eq3A_1528 = arith.xori %eq3A_1526, %eq3A_1527 : vector<64x128xi1>
    %eq3A_1529 = arith.xori %eq3A_1528, %or3A_1525 : vector<64x128xi1>
    %eq3A_1530 = arith.constant dense<true> : vector<64x128xi1>
    %eq3A_1531 = arith.xori %eq3A_1529, %eq3A_1530 : vector<64x128xi1>
    %select_n3A_1532 = arith.select %eq3A_1531, %select_n3A_1489, %select_n3A_1502 : vector<64x128xi1>, vector<64x128xf32>
    %select_n3A_1533 = arith.select %eq3A_1531, %select_n3A_1490, %select_n3A_1514 : vector<64x128xi1>, vector<64x128xi32>
    %iota3A_1534 = tpu.iota {dimensions = array<i32: 1>} : vector<64x128xi32>
    %and3A_1535 = arith.constant 2 : i32
    %and3A_1536 = vector.broadcast %and3A_1535 : i32 to vector<64x128xi32>
    %and3A_1537 = arith.andi %iota3A_1534, %and3A_1536 : vector<64x128xi32>
    %roll3A_1538 = arith.constant 126 : i32
    %roll3A_1539 = tpu.dynamic_rotate %select_n3A_1532 by %roll3A_1538 dim 1 : vector<64x128xf32>, i32 -> vector<64x128xf32>
    %roll3A_1540 = arith.constant 2 : i32
    %roll3A_1541 = tpu.dynamic_rotate %select_n3A_1532 by %roll3A_1540 dim 1 : vector<64x128xf32>, i32 -> vector<64x128xf32>
    %eq3A_1542 = arith.constant 0 : i32
    %eq3A_1543 = vector.broadcast %eq3A_1542 : i32 to vector<64x128xi32>
    %eq3A_1544 = arith.cmpi eq, %and3A_1537, %eq3A_1543 : vector<64x128xi32>
    %select_n3A_1545 = arith.select %eq3A_1544, %roll3A_1539, %roll3A_1541 : vector<64x128xi1>, vector<64x128xf32>
    %iota3A_1546 = tpu.iota {dimensions = array<i32: 1>} : vector<64x128xi32>
    %and3A_1547 = arith.constant 2 : i32
    %and3A_1548 = vector.broadcast %and3A_1547 : i32 to vector<64x128xi32>
    %and3A_1549 = arith.andi %iota3A_1546, %and3A_1548 : vector<64x128xi32>
    %roll3A_1550 = arith.constant 126 : i32
    %roll3A_1551 = tpu.dynamic_rotate %select_n3A_1533 by %roll3A_1550 dim 1 : vector<64x128xi32>, i32 -> vector<64x128xi32>
    %roll3A_1552 = arith.constant 2 : i32
    %roll3A_1553 = tpu.dynamic_rotate %select_n3A_1533 by %roll3A_1552 dim 1 : vector<64x128xi32>, i32 -> vector<64x128xi32>
    %eq3A_1554 = arith.constant 0 : i32
    %eq3A_1555 = vector.broadcast %eq3A_1554 : i32 to vector<64x128xi32>
    %eq3A_1556 = arith.cmpi eq, %and3A_1549, %eq3A_1555 : vector<64x128xi32>
    %select_n3A_1557 = arith.select %eq3A_1556, %roll3A_1551, %roll3A_1553 : vector<64x128xi1>, vector<64x128xi32>
    %and3A_1558 = arith.constant 2 : i32
    %and3A_1559 = vector.broadcast %and3A_1558 : i32 to vector<64x128xi32>
    %and3A_1560 = arith.andi %add3A, %and3A_1559 : vector<64x128xi32>
    %eq3A_1561 = arith.constant 0 : i32
    %eq3A_1562 = vector.broadcast %eq3A_1561 : i32 to vector<64x128xi32>
    %eq3A_1563 = arith.cmpi eq, %and3A_1560, %eq3A_1562 : vector<64x128xi32>
    %gt3A_1564 = arith.cmpf ogt, %select_n3A_1532, %select_n3A_1545 : vector<64x128xf32>
    %eq3A_1565 = arith.cmpf oeq, %select_n3A_1532, %select_n3A_1545 : vector<64x128xf32>
    %lt3A_1566 = arith.cmpi slt, %select_n3A_1533, %select_n3A_1557 : vector<64x128xi32>
    %and3A_1567 = arith.andi %eq3A_1565, %lt3A_1566 : vector<64x128xi1>
    %or3A_1568 = arith.ori %gt3A_1564, %and3A_1567 : vector<64x128xi1>
    %eq3A_1569 = arith.xori %eq3A_1563, %eq3A_1275 : vector<64x128xi1>
    %eq3A_1570 = arith.constant dense<true> : vector<64x128xi1>
    %eq3A_1571 = arith.xori %eq3A_1569, %eq3A_1570 : vector<64x128xi1>
    %eq3A_1572 = arith.xori %eq3A_1571, %or3A_1568 : vector<64x128xi1>
    %eq3A_1573 = arith.constant dense<true> : vector<64x128xi1>
    %eq3A_1574 = arith.xori %eq3A_1572, %eq3A_1573 : vector<64x128xi1>
    %select_n3A_1575 = arith.select %eq3A_1574, %select_n3A_1532, %select_n3A_1545 : vector<64x128xi1>, vector<64x128xf32>
    %select_n3A_1576 = arith.select %eq3A_1574, %select_n3A_1533, %select_n3A_1557 : vector<64x128xi1>, vector<64x128xi32>
    %iota3A_1577 = tpu.iota {dimensions = array<i32: 1>} : vector<64x128xi32>
    %and3A_1578 = arith.constant 1 : i32
    %and3A_1579 = vector.broadcast %and3A_1578 : i32 to vector<64x128xi32>
    %and3A_1580 = arith.andi %iota3A_1577, %and3A_1579 : vector<64x128xi32>
    %roll3A_1581 = arith.constant 127 : i32
    %roll3A_1582 = tpu.dynamic_rotate %select_n3A_1575 by %roll3A_1581 dim 1 : vector<64x128xf32>, i32 -> vector<64x128xf32>
    %roll3A_1583 = arith.constant 1 : i32
    %roll3A_1584 = tpu.dynamic_rotate %select_n3A_1575 by %roll3A_1583 dim 1 : vector<64x128xf32>, i32 -> vector<64x128xf32>
    %eq3A_1585 = arith.constant 0 : i32
    %eq3A_1586 = vector.broadcast %eq3A_1585 : i32 to vector<64x128xi32>
    %eq3A_1587 = arith.cmpi eq, %and3A_1580, %eq3A_1586 : vector<64x128xi32>
    %select_n3A_1588 = arith.select %eq3A_1587, %roll3A_1582, %roll3A_1584 : vector<64x128xi1>, vector<64x128xf32>
    %iota3A_1589 = tpu.iota {dimensions = array<i32: 1>} : vector<64x128xi32>
    %and3A_1590 = arith.constant 1 : i32
    %and3A_1591 = vector.broadcast %and3A_1590 : i32 to vector<64x128xi32>
    %and3A_1592 = arith.andi %iota3A_1589, %and3A_1591 : vector<64x128xi32>
    %roll3A_1593 = arith.constant 127 : i32
    %roll3A_1594 = tpu.dynamic_rotate %select_n3A_1576 by %roll3A_1593 dim 1 : vector<64x128xi32>, i32 -> vector<64x128xi32>
    %roll3A_1595 = arith.constant 1 : i32
    %roll3A_1596 = tpu.dynamic_rotate %select_n3A_1576 by %roll3A_1595 dim 1 : vector<64x128xi32>, i32 -> vector<64x128xi32>
    %eq3A_1597 = arith.constant 0 : i32
    %eq3A_1598 = vector.broadcast %eq3A_1597 : i32 to vector<64x128xi32>
    %eq3A_1599 = arith.cmpi eq, %and3A_1592, %eq3A_1598 : vector<64x128xi32>
    %select_n3A_1600 = arith.select %eq3A_1599, %roll3A_1594, %roll3A_1596 : vector<64x128xi1>, vector<64x128xi32>
    %and3A_1601 = arith.constant 1 : i32
    %and3A_1602 = vector.broadcast %and3A_1601 : i32 to vector<64x128xi32>
    %and3A_1603 = arith.andi %add3A, %and3A_1602 : vector<64x128xi32>
    %eq3A_1604 = arith.constant 0 : i32
    %eq3A_1605 = vector.broadcast %eq3A_1604 : i32 to vector<64x128xi32>
    %eq3A_1606 = arith.cmpi eq, %and3A_1603, %eq3A_1605 : vector<64x128xi32>
    %gt3A_1607 = arith.cmpf ogt, %select_n3A_1575, %select_n3A_1588 : vector<64x128xf32>
    %eq3A_1608 = arith.cmpf oeq, %select_n3A_1575, %select_n3A_1588 : vector<64x128xf32>
    %lt3A_1609 = arith.cmpi slt, %select_n3A_1576, %select_n3A_1600 : vector<64x128xi32>
    %and3A_1610 = arith.andi %eq3A_1608, %lt3A_1609 : vector<64x128xi1>
    %or3A_1611 = arith.ori %gt3A_1607, %and3A_1610 : vector<64x128xi1>
    %eq3A_1612 = arith.xori %eq3A_1606, %eq3A_1275 : vector<64x128xi1>
    %eq3A_1613 = arith.constant dense<true> : vector<64x128xi1>
    %eq3A_1614 = arith.xori %eq3A_1612, %eq3A_1613 : vector<64x128xi1>
    %eq3A_1615 = arith.xori %eq3A_1614, %or3A_1611 : vector<64x128xi1>
    %eq3A_1616 = arith.constant dense<true> : vector<64x128xi1>
    %eq3A_1617 = arith.xori %eq3A_1615, %eq3A_1616 : vector<64x128xi1>
    %select_n3A_1618 = arith.select %eq3A_1617, %select_n3A_1575, %select_n3A_1588 : vector<64x128xi1>, vector<64x128xf32>
    %select_n3A_1619 = arith.select %eq3A_1617, %select_n3A_1576, %select_n3A_1600 : vector<64x128xi1>, vector<64x128xi32>
    %shift_right_arithmetic3A_1620 = arith.constant 9 : i32
    %shift_right_arithmetic3A_1621 = vector.broadcast %shift_right_arithmetic3A_1620 : i32 to vector<64x128xi32>
    %shift_right_arithmetic3A_1622 = arith.shrsi %add3A, %shift_right_arithmetic3A_1621 : vector<64x128xi32>
    %and3A_1623 = arith.constant 1 : i32
    %and3A_1624 = vector.broadcast %and3A_1623 : i32 to vector<64x128xi32>
    %and3A_1625 = arith.andi %shift_right_arithmetic3A_1622, %and3A_1624 : vector<64x128xi32>
    %eq3A_1626 = arith.constant 0 : i32
    %eq3A_1627 = vector.broadcast %eq3A_1626 : i32 to vector<64x128xi32>
    %eq3A_1628 = arith.cmpi eq, %and3A_1625, %eq3A_1627 : vector<64x128xi32>
    %iota3A_1629 = tpu.iota {dimensions = array<i32: 0>} : vector<64x128xi32>
    %and3A_1630 = arith.constant 2 : i32
    %and3A_1631 = vector.broadcast %and3A_1630 : i32 to vector<64x128xi32>
    %and3A_1632 = arith.andi %iota3A_1629, %and3A_1631 : vector<64x128xi32>
    %roll3A_1633 = arith.constant 62 : i32
    %roll3A_1634 = tpu.dynamic_rotate %select_n3A_1618 by %roll3A_1633 dim 0 : vector<64x128xf32>, i32 -> vector<64x128xf32>
    %roll3A_1635 = arith.constant 2 : i32
    %roll3A_1636 = tpu.dynamic_rotate %select_n3A_1618 by %roll3A_1635 dim 0 : vector<64x128xf32>, i32 -> vector<64x128xf32>
    %eq3A_1637 = arith.constant 0 : i32
    %eq3A_1638 = vector.broadcast %eq3A_1637 : i32 to vector<64x128xi32>
    %eq3A_1639 = arith.cmpi eq, %and3A_1632, %eq3A_1638 : vector<64x128xi32>
    %select_n3A_1640 = arith.select %eq3A_1639, %roll3A_1634, %roll3A_1636 : vector<64x128xi1>, vector<64x128xf32>
    %iota3A_1641 = tpu.iota {dimensions = array<i32: 0>} : vector<64x128xi32>
    %and3A_1642 = arith.constant 2 : i32
    %and3A_1643 = vector.broadcast %and3A_1642 : i32 to vector<64x128xi32>
    %and3A_1644 = arith.andi %iota3A_1641, %and3A_1643 : vector<64x128xi32>
    %roll3A_1645 = arith.constant 62 : i32
    %roll3A_1646 = tpu.dynamic_rotate %select_n3A_1619 by %roll3A_1645 dim 0 : vector<64x128xi32>, i32 -> vector<64x128xi32>
    %roll3A_1647 = arith.constant 2 : i32
    %roll3A_1648 = tpu.dynamic_rotate %select_n3A_1619 by %roll3A_1647 dim 0 : vector<64x128xi32>, i32 -> vector<64x128xi32>
    %eq3A_1649 = arith.constant 0 : i32
    %eq3A_1650 = vector.broadcast %eq3A_1649 : i32 to vector<64x128xi32>
    %eq3A_1651 = arith.cmpi eq, %and3A_1644, %eq3A_1650 : vector<64x128xi32>
    %select_n3A_1652 = arith.select %eq3A_1651, %roll3A_1646, %roll3A_1648 : vector<64x128xi1>, vector<64x128xi32>
    %and3A_1653 = arith.constant 256 : i32
    %and3A_1654 = vector.broadcast %and3A_1653 : i32 to vector<64x128xi32>
    %and3A_1655 = arith.andi %add3A, %and3A_1654 : vector<64x128xi32>
    %eq3A_1656 = arith.constant 0 : i32
    %eq3A_1657 = vector.broadcast %eq3A_1656 : i32 to vector<64x128xi32>
    %eq3A_1658 = arith.cmpi eq, %and3A_1655, %eq3A_1657 : vector<64x128xi32>
    %gt3A_1659 = arith.cmpf ogt, %select_n3A_1618, %select_n3A_1640 : vector<64x128xf32>
    %eq3A_1660 = arith.cmpf oeq, %select_n3A_1618, %select_n3A_1640 : vector<64x128xf32>
    %lt3A_1661 = arith.cmpi slt, %select_n3A_1619, %select_n3A_1652 : vector<64x128xi32>
    %and3A_1662 = arith.andi %eq3A_1660, %lt3A_1661 : vector<64x128xi1>
    %or3A_1663 = arith.ori %gt3A_1659, %and3A_1662 : vector<64x128xi1>
    %eq3A_1664 = arith.xori %eq3A_1658, %eq3A_1628 : vector<64x128xi1>
    %eq3A_1665 = arith.constant dense<true> : vector<64x128xi1>
    %eq3A_1666 = arith.xori %eq3A_1664, %eq3A_1665 : vector<64x128xi1>
    %eq3A_1667 = arith.xori %eq3A_1666, %or3A_1663 : vector<64x128xi1>
    %eq3A_1668 = arith.constant dense<true> : vector<64x128xi1>
    %eq3A_1669 = arith.xori %eq3A_1667, %eq3A_1668 : vector<64x128xi1>
    %select_n3A_1670 = arith.select %eq3A_1669, %select_n3A_1618, %select_n3A_1640 : vector<64x128xi1>, vector<64x128xf32>
    %select_n3A_1671 = arith.select %eq3A_1669, %select_n3A_1619, %select_n3A_1652 : vector<64x128xi1>, vector<64x128xi32>
    %iota3A_1672 = tpu.iota {dimensions = array<i32: 0>} : vector<64x128xi32>
    %and3A_1673 = arith.constant 1 : i32
    %and3A_1674 = vector.broadcast %and3A_1673 : i32 to vector<64x128xi32>
    %and3A_1675 = arith.andi %iota3A_1672, %and3A_1674 : vector<64x128xi32>
    %roll3A_1676 = arith.constant 63 : i32
    %roll3A_1677 = tpu.dynamic_rotate %select_n3A_1670 by %roll3A_1676 dim 0 : vector<64x128xf32>, i32 -> vector<64x128xf32>
    %roll3A_1678 = arith.constant 1 : i32
    %roll3A_1679 = tpu.dynamic_rotate %select_n3A_1670 by %roll3A_1678 dim 0 : vector<64x128xf32>, i32 -> vector<64x128xf32>
    %eq3A_1680 = arith.constant 0 : i32
    %eq3A_1681 = vector.broadcast %eq3A_1680 : i32 to vector<64x128xi32>
    %eq3A_1682 = arith.cmpi eq, %and3A_1675, %eq3A_1681 : vector<64x128xi32>
    %select_n3A_1683 = arith.select %eq3A_1682, %roll3A_1677, %roll3A_1679 : vector<64x128xi1>, vector<64x128xf32>
    %iota3A_1684 = tpu.iota {dimensions = array<i32: 0>} : vector<64x128xi32>
    %and3A_1685 = arith.constant 1 : i32
    %and3A_1686 = vector.broadcast %and3A_1685 : i32 to vector<64x128xi32>
    %and3A_1687 = arith.andi %iota3A_1684, %and3A_1686 : vector<64x128xi32>
    %roll3A_1688 = arith.constant 63 : i32
    %roll3A_1689 = tpu.dynamic_rotate %select_n3A_1671 by %roll3A_1688 dim 0 : vector<64x128xi32>, i32 -> vector<64x128xi32>
    %roll3A_1690 = arith.constant 1 : i32
    %roll3A_1691 = tpu.dynamic_rotate %select_n3A_1671 by %roll3A_1690 dim 0 : vector<64x128xi32>, i32 -> vector<64x128xi32>
    %eq3A_1692 = arith.constant 0 : i32
    %eq3A_1693 = vector.broadcast %eq3A_1692 : i32 to vector<64x128xi32>
    %eq3A_1694 = arith.cmpi eq, %and3A_1687, %eq3A_1693 : vector<64x128xi32>
    %select_n3A_1695 = arith.select %eq3A_1694, %roll3A_1689, %roll3A_1691 : vector<64x128xi1>, vector<64x128xi32>
    %and3A_1696 = arith.constant 128 : i32
    %and3A_1697 = vector.broadcast %and3A_1696 : i32 to vector<64x128xi32>
    %and3A_1698 = arith.andi %add3A, %and3A_1697 : vector<64x128xi32>
    %eq3A_1699 = arith.constant 0 : i32
    %eq3A_1700 = vector.broadcast %eq3A_1699 : i32 to vector<64x128xi32>
    %eq3A_1701 = arith.cmpi eq, %and3A_1698, %eq3A_1700 : vector<64x128xi32>
    %gt3A_1702 = arith.cmpf ogt, %select_n3A_1670, %select_n3A_1683 : vector<64x128xf32>
    %eq3A_1703 = arith.cmpf oeq, %select_n3A_1670, %select_n3A_1683 : vector<64x128xf32>
    %lt3A_1704 = arith.cmpi slt, %select_n3A_1671, %select_n3A_1695 : vector<64x128xi32>
    %and3A_1705 = arith.andi %eq3A_1703, %lt3A_1704 : vector<64x128xi1>
    %or3A_1706 = arith.ori %gt3A_1702, %and3A_1705 : vector<64x128xi1>
    %eq3A_1707 = arith.xori %eq3A_1701, %eq3A_1628 : vector<64x128xi1>
    %eq3A_1708 = arith.constant dense<true> : vector<64x128xi1>
    %eq3A_1709 = arith.xori %eq3A_1707, %eq3A_1708 : vector<64x128xi1>
    %eq3A_1710 = arith.xori %eq3A_1709, %or3A_1706 : vector<64x128xi1>
    %eq3A_1711 = arith.constant dense<true> : vector<64x128xi1>
    %eq3A_1712 = arith.xori %eq3A_1710, %eq3A_1711 : vector<64x128xi1>
    %select_n3A_1713 = arith.select %eq3A_1712, %select_n3A_1670, %select_n3A_1683 : vector<64x128xi1>, vector<64x128xf32>
    %select_n3A_1714 = arith.select %eq3A_1712, %select_n3A_1671, %select_n3A_1695 : vector<64x128xi1>, vector<64x128xi32>
    %iota3A_1715 = tpu.iota {dimensions = array<i32: 1>} : vector<64x128xi32>
    %and3A_1716 = arith.constant 64 : i32
    %and3A_1717 = vector.broadcast %and3A_1716 : i32 to vector<64x128xi32>
    %and3A_1718 = arith.andi %iota3A_1715, %and3A_1717 : vector<64x128xi32>
    %roll3A_1719 = arith.constant 64 : i32
    %roll3A_1720 = tpu.dynamic_rotate %select_n3A_1713 by %roll3A_1719 dim 1 : vector<64x128xf32>, i32 -> vector<64x128xf32>
    %roll3A_1721 = arith.constant 64 : i32
    %roll3A_1722 = tpu.dynamic_rotate %select_n3A_1713 by %roll3A_1721 dim 1 : vector<64x128xf32>, i32 -> vector<64x128xf32>
    %eq3A_1723 = arith.constant 0 : i32
    %eq3A_1724 = vector.broadcast %eq3A_1723 : i32 to vector<64x128xi32>
    %eq3A_1725 = arith.cmpi eq, %and3A_1718, %eq3A_1724 : vector<64x128xi32>
    %select_n3A_1726 = arith.select %eq3A_1725, %roll3A_1720, %roll3A_1722 : vector<64x128xi1>, vector<64x128xf32>
    %iota3A_1727 = tpu.iota {dimensions = array<i32: 1>} : vector<64x128xi32>
    %and3A_1728 = arith.constant 64 : i32
    %and3A_1729 = vector.broadcast %and3A_1728 : i32 to vector<64x128xi32>
    %and3A_1730 = arith.andi %iota3A_1727, %and3A_1729 : vector<64x128xi32>
    %roll3A_1731 = arith.constant 64 : i32
    %roll3A_1732 = tpu.dynamic_rotate %select_n3A_1714 by %roll3A_1731 dim 1 : vector<64x128xi32>, i32 -> vector<64x128xi32>
    %roll3A_1733 = arith.constant 64 : i32
    %roll3A_1734 = tpu.dynamic_rotate %select_n3A_1714 by %roll3A_1733 dim 1 : vector<64x128xi32>, i32 -> vector<64x128xi32>
    %eq3A_1735 = arith.constant 0 : i32
    %eq3A_1736 = vector.broadcast %eq3A_1735 : i32 to vector<64x128xi32>
    %eq3A_1737 = arith.cmpi eq, %and3A_1730, %eq3A_1736 : vector<64x128xi32>
    %select_n3A_1738 = arith.select %eq3A_1737, %roll3A_1732, %roll3A_1734 : vector<64x128xi1>, vector<64x128xi32>
    %and3A_1739 = arith.constant 64 : i32
    %and3A_1740 = vector.broadcast %and3A_1739 : i32 to vector<64x128xi32>
    %and3A_1741 = arith.andi %add3A, %and3A_1740 : vector<64x128xi32>
    %eq3A_1742 = arith.constant 0 : i32
    %eq3A_1743 = vector.broadcast %eq3A_1742 : i32 to vector<64x128xi32>
    %eq3A_1744 = arith.cmpi eq, %and3A_1741, %eq3A_1743 : vector<64x128xi32>
    %gt3A_1745 = arith.cmpf ogt, %select_n3A_1713, %select_n3A_1726 : vector<64x128xf32>
    %eq3A_1746 = arith.cmpf oeq, %select_n3A_1713, %select_n3A_1726 : vector<64x128xf32>
    %lt3A_1747 = arith.cmpi slt, %select_n3A_1714, %select_n3A_1738 : vector<64x128xi32>
    %and3A_1748 = arith.andi %eq3A_1746, %lt3A_1747 : vector<64x128xi1>
    %or3A_1749 = arith.ori %gt3A_1745, %and3A_1748 : vector<64x128xi1>
    %eq3A_1750 = arith.xori %eq3A_1744, %eq3A_1628 : vector<64x128xi1>
    %eq3A_1751 = arith.constant dense<true> : vector<64x128xi1>
    %eq3A_1752 = arith.xori %eq3A_1750, %eq3A_1751 : vector<64x128xi1>
    %eq3A_1753 = arith.xori %eq3A_1752, %or3A_1749 : vector<64x128xi1>
    %eq3A_1754 = arith.constant dense<true> : vector<64x128xi1>
    %eq3A_1755 = arith.xori %eq3A_1753, %eq3A_1754 : vector<64x128xi1>
    %select_n3A_1756 = arith.select %eq3A_1755, %select_n3A_1713, %select_n3A_1726 : vector<64x128xi1>, vector<64x128xf32>
    %select_n3A_1757 = arith.select %eq3A_1755, %select_n3A_1714, %select_n3A_1738 : vector<64x128xi1>, vector<64x128xi32>
    %iota3A_1758 = tpu.iota {dimensions = array<i32: 1>} : vector<64x128xi32>
    %and3A_1759 = arith.constant 32 : i32
    %and3A_1760 = vector.broadcast %and3A_1759 : i32 to vector<64x128xi32>
    %and3A_1761 = arith.andi %iota3A_1758, %and3A_1760 : vector<64x128xi32>
    %roll3A_1762 = arith.constant 96 : i32
    %roll3A_1763 = tpu.dynamic_rotate %select_n3A_1756 by %roll3A_1762 dim 1 : vector<64x128xf32>, i32 -> vector<64x128xf32>
    %roll3A_1764 = arith.constant 32 : i32
    %roll3A_1765 = tpu.dynamic_rotate %select_n3A_1756 by %roll3A_1764 dim 1 : vector<64x128xf32>, i32 -> vector<64x128xf32>
    %eq3A_1766 = arith.constant 0 : i32
    %eq3A_1767 = vector.broadcast %eq3A_1766 : i32 to vector<64x128xi32>
    %eq3A_1768 = arith.cmpi eq, %and3A_1761, %eq3A_1767 : vector<64x128xi32>
    %select_n3A_1769 = arith.select %eq3A_1768, %roll3A_1763, %roll3A_1765 : vector<64x128xi1>, vector<64x128xf32>
    %iota3A_1770 = tpu.iota {dimensions = array<i32: 1>} : vector<64x128xi32>
    %and3A_1771 = arith.constant 32 : i32
    %and3A_1772 = vector.broadcast %and3A_1771 : i32 to vector<64x128xi32>
    %and3A_1773 = arith.andi %iota3A_1770, %and3A_1772 : vector<64x128xi32>
    %roll3A_1774 = arith.constant 96 : i32
    %roll3A_1775 = tpu.dynamic_rotate %select_n3A_1757 by %roll3A_1774 dim 1 : vector<64x128xi32>, i32 -> vector<64x128xi32>
    %roll3A_1776 = arith.constant 32 : i32
    %roll3A_1777 = tpu.dynamic_rotate %select_n3A_1757 by %roll3A_1776 dim 1 : vector<64x128xi32>, i32 -> vector<64x128xi32>
    %eq3A_1778 = arith.constant 0 : i32
    %eq3A_1779 = vector.broadcast %eq3A_1778 : i32 to vector<64x128xi32>
    %eq3A_1780 = arith.cmpi eq, %and3A_1773, %eq3A_1779 : vector<64x128xi32>
    %select_n3A_1781 = arith.select %eq3A_1780, %roll3A_1775, %roll3A_1777 : vector<64x128xi1>, vector<64x128xi32>
    %and3A_1782 = arith.constant 32 : i32
    %and3A_1783 = vector.broadcast %and3A_1782 : i32 to vector<64x128xi32>
    %and3A_1784 = arith.andi %add3A, %and3A_1783 : vector<64x128xi32>
    %eq3A_1785 = arith.constant 0 : i32
    %eq3A_1786 = vector.broadcast %eq3A_1785 : i32 to vector<64x128xi32>
    %eq3A_1787 = arith.cmpi eq, %and3A_1784, %eq3A_1786 : vector<64x128xi32>
    %gt3A_1788 = arith.cmpf ogt, %select_n3A_1756, %select_n3A_1769 : vector<64x128xf32>
    %eq3A_1789 = arith.cmpf oeq, %select_n3A_1756, %select_n3A_1769 : vector<64x128xf32>
    %lt3A_1790 = arith.cmpi slt, %select_n3A_1757, %select_n3A_1781 : vector<64x128xi32>
    %and3A_1791 = arith.andi %eq3A_1789, %lt3A_1790 : vector<64x128xi1>
    %or3A_1792 = arith.ori %gt3A_1788, %and3A_1791 : vector<64x128xi1>
    %eq3A_1793 = arith.xori %eq3A_1787, %eq3A_1628 : vector<64x128xi1>
    %eq3A_1794 = arith.constant dense<true> : vector<64x128xi1>
    %eq3A_1795 = arith.xori %eq3A_1793, %eq3A_1794 : vector<64x128xi1>
    %eq3A_1796 = arith.xori %eq3A_1795, %or3A_1792 : vector<64x128xi1>
    %eq3A_1797 = arith.constant dense<true> : vector<64x128xi1>
    %eq3A_1798 = arith.xori %eq3A_1796, %eq3A_1797 : vector<64x128xi1>
    %select_n3A_1799 = arith.select %eq3A_1798, %select_n3A_1756, %select_n3A_1769 : vector<64x128xi1>, vector<64x128xf32>
    %select_n3A_1800 = arith.select %eq3A_1798, %select_n3A_1757, %select_n3A_1781 : vector<64x128xi1>, vector<64x128xi32>
    %iota3A_1801 = tpu.iota {dimensions = array<i32: 1>} : vector<64x128xi32>
    %and3A_1802 = arith.constant 16 : i32
    %and3A_1803 = vector.broadcast %and3A_1802 : i32 to vector<64x128xi32>
    %and3A_1804 = arith.andi %iota3A_1801, %and3A_1803 : vector<64x128xi32>
    %roll3A_1805 = arith.constant 112 : i32
    %roll3A_1806 = tpu.dynamic_rotate %select_n3A_1799 by %roll3A_1805 dim 1 : vector<64x128xf32>, i32 -> vector<64x128xf32>
    %roll3A_1807 = arith.constant 16 : i32
    %roll3A_1808 = tpu.dynamic_rotate %select_n3A_1799 by %roll3A_1807 dim 1 : vector<64x128xf32>, i32 -> vector<64x128xf32>
    %eq3A_1809 = arith.constant 0 : i32
    %eq3A_1810 = vector.broadcast %eq3A_1809 : i32 to vector<64x128xi32>
    %eq3A_1811 = arith.cmpi eq, %and3A_1804, %eq3A_1810 : vector<64x128xi32>
    %select_n3A_1812 = arith.select %eq3A_1811, %roll3A_1806, %roll3A_1808 : vector<64x128xi1>, vector<64x128xf32>
    %iota3A_1813 = tpu.iota {dimensions = array<i32: 1>} : vector<64x128xi32>
    %and3A_1814 = arith.constant 16 : i32
    %and3A_1815 = vector.broadcast %and3A_1814 : i32 to vector<64x128xi32>
    %and3A_1816 = arith.andi %iota3A_1813, %and3A_1815 : vector<64x128xi32>
    %roll3A_1817 = arith.constant 112 : i32
    %roll3A_1818 = tpu.dynamic_rotate %select_n3A_1800 by %roll3A_1817 dim 1 : vector<64x128xi32>, i32 -> vector<64x128xi32>
    %roll3A_1819 = arith.constant 16 : i32
    %roll3A_1820 = tpu.dynamic_rotate %select_n3A_1800 by %roll3A_1819 dim 1 : vector<64x128xi32>, i32 -> vector<64x128xi32>
    %eq3A_1821 = arith.constant 0 : i32
    %eq3A_1822 = vector.broadcast %eq3A_1821 : i32 to vector<64x128xi32>
    %eq3A_1823 = arith.cmpi eq, %and3A_1816, %eq3A_1822 : vector<64x128xi32>
    %select_n3A_1824 = arith.select %eq3A_1823, %roll3A_1818, %roll3A_1820 : vector<64x128xi1>, vector<64x128xi32>
    %and3A_1825 = arith.constant 16 : i32
    %and3A_1826 = vector.broadcast %and3A_1825 : i32 to vector<64x128xi32>
    %and3A_1827 = arith.andi %add3A, %and3A_1826 : vector<64x128xi32>
    %eq3A_1828 = arith.constant 0 : i32
    %eq3A_1829 = vector.broadcast %eq3A_1828 : i32 to vector<64x128xi32>
    %eq3A_1830 = arith.cmpi eq, %and3A_1827, %eq3A_1829 : vector<64x128xi32>
    %gt3A_1831 = arith.cmpf ogt, %select_n3A_1799, %select_n3A_1812 : vector<64x128xf32>
    %eq3A_1832 = arith.cmpf oeq, %select_n3A_1799, %select_n3A_1812 : vector<64x128xf32>
    %lt3A_1833 = arith.cmpi slt, %select_n3A_1800, %select_n3A_1824 : vector<64x128xi32>
    %and3A_1834 = arith.andi %eq3A_1832, %lt3A_1833 : vector<64x128xi1>
    %or3A_1835 = arith.ori %gt3A_1831, %and3A_1834 : vector<64x128xi1>
    %eq3A_1836 = arith.xori %eq3A_1830, %eq3A_1628 : vector<64x128xi1>
    %eq3A_1837 = arith.constant dense<true> : vector<64x128xi1>
    %eq3A_1838 = arith.xori %eq3A_1836, %eq3A_1837 : vector<64x128xi1>
    %eq3A_1839 = arith.xori %eq3A_1838, %or3A_1835 : vector<64x128xi1>
    %eq3A_1840 = arith.constant dense<true> : vector<64x128xi1>
    %eq3A_1841 = arith.xori %eq3A_1839, %eq3A_1840 : vector<64x128xi1>
    %select_n3A_1842 = arith.select %eq3A_1841, %select_n3A_1799, %select_n3A_1812 : vector<64x128xi1>, vector<64x128xf32>
    %select_n3A_1843 = arith.select %eq3A_1841, %select_n3A_1800, %select_n3A_1824 : vector<64x128xi1>, vector<64x128xi32>
    %iota3A_1844 = tpu.iota {dimensions = array<i32: 1>} : vector<64x128xi32>
    %and3A_1845 = arith.constant 8 : i32
    %and3A_1846 = vector.broadcast %and3A_1845 : i32 to vector<64x128xi32>
    %and3A_1847 = arith.andi %iota3A_1844, %and3A_1846 : vector<64x128xi32>
    %roll3A_1848 = arith.constant 120 : i32
    %roll3A_1849 = tpu.dynamic_rotate %select_n3A_1842 by %roll3A_1848 dim 1 : vector<64x128xf32>, i32 -> vector<64x128xf32>
    %roll3A_1850 = arith.constant 8 : i32
    %roll3A_1851 = tpu.dynamic_rotate %select_n3A_1842 by %roll3A_1850 dim 1 : vector<64x128xf32>, i32 -> vector<64x128xf32>
    %eq3A_1852 = arith.constant 0 : i32
    %eq3A_1853 = vector.broadcast %eq3A_1852 : i32 to vector<64x128xi32>
    %eq3A_1854 = arith.cmpi eq, %and3A_1847, %eq3A_1853 : vector<64x128xi32>
    %select_n3A_1855 = arith.select %eq3A_1854, %roll3A_1849, %roll3A_1851 : vector<64x128xi1>, vector<64x128xf32>
    %iota3A_1856 = tpu.iota {dimensions = array<i32: 1>} : vector<64x128xi32>
    %and3A_1857 = arith.constant 8 : i32
    %and3A_1858 = vector.broadcast %and3A_1857 : i32 to vector<64x128xi32>
    %and3A_1859 = arith.andi %iota3A_1856, %and3A_1858 : vector<64x128xi32>
    %roll3A_1860 = arith.constant 120 : i32
    %roll3A_1861 = tpu.dynamic_rotate %select_n3A_1843 by %roll3A_1860 dim 1 : vector<64x128xi32>, i32 -> vector<64x128xi32>
    %roll3A_1862 = arith.constant 8 : i32
    %roll3A_1863 = tpu.dynamic_rotate %select_n3A_1843 by %roll3A_1862 dim 1 : vector<64x128xi32>, i32 -> vector<64x128xi32>
    %eq3A_1864 = arith.constant 0 : i32
    %eq3A_1865 = vector.broadcast %eq3A_1864 : i32 to vector<64x128xi32>
    %eq3A_1866 = arith.cmpi eq, %and3A_1859, %eq3A_1865 : vector<64x128xi32>
    %select_n3A_1867 = arith.select %eq3A_1866, %roll3A_1861, %roll3A_1863 : vector<64x128xi1>, vector<64x128xi32>
    %and3A_1868 = arith.constant 8 : i32
    %and3A_1869 = vector.broadcast %and3A_1868 : i32 to vector<64x128xi32>
    %and3A_1870 = arith.andi %add3A, %and3A_1869 : vector<64x128xi32>
    %eq3A_1871 = arith.constant 0 : i32
    %eq3A_1872 = vector.broadcast %eq3A_1871 : i32 to vector<64x128xi32>
    %eq3A_1873 = arith.cmpi eq, %and3A_1870, %eq3A_1872 : vector<64x128xi32>
    %gt3A_1874 = arith.cmpf ogt, %select_n3A_1842, %select_n3A_1855 : vector<64x128xf32>
    %eq3A_1875 = arith.cmpf oeq, %select_n3A_1842, %select_n3A_1855 : vector<64x128xf32>
    %lt3A_1876 = arith.cmpi slt, %select_n3A_1843, %select_n3A_1867 : vector<64x128xi32>
    %and3A_1877 = arith.andi %eq3A_1875, %lt3A_1876 : vector<64x128xi1>
    %or3A_1878 = arith.ori %gt3A_1874, %and3A_1877 : vector<64x128xi1>
    %eq3A_1879 = arith.xori %eq3A_1873, %eq3A_1628 : vector<64x128xi1>
    %eq3A_1880 = arith.constant dense<true> : vector<64x128xi1>
    %eq3A_1881 = arith.xori %eq3A_1879, %eq3A_1880 : vector<64x128xi1>
    %eq3A_1882 = arith.xori %eq3A_1881, %or3A_1878 : vector<64x128xi1>
    %eq3A_1883 = arith.constant dense<true> : vector<64x128xi1>
    %eq3A_1884 = arith.xori %eq3A_1882, %eq3A_1883 : vector<64x128xi1>
    %select_n3A_1885 = arith.select %eq3A_1884, %select_n3A_1842, %select_n3A_1855 : vector<64x128xi1>, vector<64x128xf32>
    %select_n3A_1886 = arith.select %eq3A_1884, %select_n3A_1843, %select_n3A_1867 : vector<64x128xi1>, vector<64x128xi32>
    %iota3A_1887 = tpu.iota {dimensions = array<i32: 1>} : vector<64x128xi32>
    %and3A_1888 = arith.constant 4 : i32
    %and3A_1889 = vector.broadcast %and3A_1888 : i32 to vector<64x128xi32>
    %and3A_1890 = arith.andi %iota3A_1887, %and3A_1889 : vector<64x128xi32>
    %roll3A_1891 = arith.constant 124 : i32
    %roll3A_1892 = tpu.dynamic_rotate %select_n3A_1885 by %roll3A_1891 dim 1 : vector<64x128xf32>, i32 -> vector<64x128xf32>
    %roll3A_1893 = arith.constant 4 : i32
    %roll3A_1894 = tpu.dynamic_rotate %select_n3A_1885 by %roll3A_1893 dim 1 : vector<64x128xf32>, i32 -> vector<64x128xf32>
    %eq3A_1895 = arith.constant 0 : i32
    %eq3A_1896 = vector.broadcast %eq3A_1895 : i32 to vector<64x128xi32>
    %eq3A_1897 = arith.cmpi eq, %and3A_1890, %eq3A_1896 : vector<64x128xi32>
    %select_n3A_1898 = arith.select %eq3A_1897, %roll3A_1892, %roll3A_1894 : vector<64x128xi1>, vector<64x128xf32>
    %iota3A_1899 = tpu.iota {dimensions = array<i32: 1>} : vector<64x128xi32>
    %and3A_1900 = arith.constant 4 : i32
    %and3A_1901 = vector.broadcast %and3A_1900 : i32 to vector<64x128xi32>
    %and3A_1902 = arith.andi %iota3A_1899, %and3A_1901 : vector<64x128xi32>
    %roll3A_1903 = arith.constant 124 : i32
    %roll3A_1904 = tpu.dynamic_rotate %select_n3A_1886 by %roll3A_1903 dim 1 : vector<64x128xi32>, i32 -> vector<64x128xi32>
    %roll3A_1905 = arith.constant 4 : i32
    %roll3A_1906 = tpu.dynamic_rotate %select_n3A_1886 by %roll3A_1905 dim 1 : vector<64x128xi32>, i32 -> vector<64x128xi32>
    %eq3A_1907 = arith.constant 0 : i32
    %eq3A_1908 = vector.broadcast %eq3A_1907 : i32 to vector<64x128xi32>
    %eq3A_1909 = arith.cmpi eq, %and3A_1902, %eq3A_1908 : vector<64x128xi32>
    %select_n3A_1910 = arith.select %eq3A_1909, %roll3A_1904, %roll3A_1906 : vector<64x128xi1>, vector<64x128xi32>
    %and3A_1911 = arith.constant 4 : i32
    %and3A_1912 = vector.broadcast %and3A_1911 : i32 to vector<64x128xi32>
    %and3A_1913 = arith.andi %add3A, %and3A_1912 : vector<64x128xi32>
    %eq3A_1914 = arith.constant 0 : i32
    %eq3A_1915 = vector.broadcast %eq3A_1914 : i32 to vector<64x128xi32>
    %eq3A_1916 = arith.cmpi eq, %and3A_1913, %eq3A_1915 : vector<64x128xi32>
    %gt3A_1917 = arith.cmpf ogt, %select_n3A_1885, %select_n3A_1898 : vector<64x128xf32>
    %eq3A_1918 = arith.cmpf oeq, %select_n3A_1885, %select_n3A_1898 : vector<64x128xf32>
    %lt3A_1919 = arith.cmpi slt, %select_n3A_1886, %select_n3A_1910 : vector<64x128xi32>
    %and3A_1920 = arith.andi %eq3A_1918, %lt3A_1919 : vector<64x128xi1>
    %or3A_1921 = arith.ori %gt3A_1917, %and3A_1920 : vector<64x128xi1>
    %eq3A_1922 = arith.xori %eq3A_1916, %eq3A_1628 : vector<64x128xi1>
    %eq3A_1923 = arith.constant dense<true> : vector<64x128xi1>
    %eq3A_1924 = arith.xori %eq3A_1922, %eq3A_1923 : vector<64x128xi1>
    %eq3A_1925 = arith.xori %eq3A_1924, %or3A_1921 : vector<64x128xi1>
    %eq3A_1926 = arith.constant dense<true> : vector<64x128xi1>
    %eq3A_1927 = arith.xori %eq3A_1925, %eq3A_1926 : vector<64x128xi1>
    %select_n3A_1928 = arith.select %eq3A_1927, %select_n3A_1885, %select_n3A_1898 : vector<64x128xi1>, vector<64x128xf32>
    %select_n3A_1929 = arith.select %eq3A_1927, %select_n3A_1886, %select_n3A_1910 : vector<64x128xi1>, vector<64x128xi32>
    %iota3A_1930 = tpu.iota {dimensions = array<i32: 1>} : vector<64x128xi32>
    %and3A_1931 = arith.constant 2 : i32
    %and3A_1932 = vector.broadcast %and3A_1931 : i32 to vector<64x128xi32>
    %and3A_1933 = arith.andi %iota3A_1930, %and3A_1932 : vector<64x128xi32>
    %roll3A_1934 = arith.constant 126 : i32
    %roll3A_1935 = tpu.dynamic_rotate %select_n3A_1928 by %roll3A_1934 dim 1 : vector<64x128xf32>, i32 -> vector<64x128xf32>
    %roll3A_1936 = arith.constant 2 : i32
    %roll3A_1937 = tpu.dynamic_rotate %select_n3A_1928 by %roll3A_1936 dim 1 : vector<64x128xf32>, i32 -> vector<64x128xf32>
    %eq3A_1938 = arith.constant 0 : i32
    %eq3A_1939 = vector.broadcast %eq3A_1938 : i32 to vector<64x128xi32>
    %eq3A_1940 = arith.cmpi eq, %and3A_1933, %eq3A_1939 : vector<64x128xi32>
    %select_n3A_1941 = arith.select %eq3A_1940, %roll3A_1935, %roll3A_1937 : vector<64x128xi1>, vector<64x128xf32>
    %iota3A_1942 = tpu.iota {dimensions = array<i32: 1>} : vector<64x128xi32>
    %and3A_1943 = arith.constant 2 : i32
    %and3A_1944 = vector.broadcast %and3A_1943 : i32 to vector<64x128xi32>
    %and3A_1945 = arith.andi %iota3A_1942, %and3A_1944 : vector<64x128xi32>
    %roll3A_1946 = arith.constant 126 : i32
    %roll3A_1947 = tpu.dynamic_rotate %select_n3A_1929 by %roll3A_1946 dim 1 : vector<64x128xi32>, i32 -> vector<64x128xi32>
    %roll3A_1948 = arith.constant 2 : i32
    %roll3A_1949 = tpu.dynamic_rotate %select_n3A_1929 by %roll3A_1948 dim 1 : vector<64x128xi32>, i32 -> vector<64x128xi32>
    %eq3A_1950 = arith.constant 0 : i32
    %eq3A_1951 = vector.broadcast %eq3A_1950 : i32 to vector<64x128xi32>
    %eq3A_1952 = arith.cmpi eq, %and3A_1945, %eq3A_1951 : vector<64x128xi32>
    %select_n3A_1953 = arith.select %eq3A_1952, %roll3A_1947, %roll3A_1949 : vector<64x128xi1>, vector<64x128xi32>
    %and3A_1954 = arith.constant 2 : i32
    %and3A_1955 = vector.broadcast %and3A_1954 : i32 to vector<64x128xi32>
    %and3A_1956 = arith.andi %add3A, %and3A_1955 : vector<64x128xi32>
    %eq3A_1957 = arith.constant 0 : i32
    %eq3A_1958 = vector.broadcast %eq3A_1957 : i32 to vector<64x128xi32>
    %eq3A_1959 = arith.cmpi eq, %and3A_1956, %eq3A_1958 : vector<64x128xi32>
    %gt3A_1960 = arith.cmpf ogt, %select_n3A_1928, %select_n3A_1941 : vector<64x128xf32>
    %eq3A_1961 = arith.cmpf oeq, %select_n3A_1928, %select_n3A_1941 : vector<64x128xf32>
    %lt3A_1962 = arith.cmpi slt, %select_n3A_1929, %select_n3A_1953 : vector<64x128xi32>
    %and3A_1963 = arith.andi %eq3A_1961, %lt3A_1962 : vector<64x128xi1>
    %or3A_1964 = arith.ori %gt3A_1960, %and3A_1963 : vector<64x128xi1>
    %eq3A_1965 = arith.xori %eq3A_1959, %eq3A_1628 : vector<64x128xi1>
    %eq3A_1966 = arith.constant dense<true> : vector<64x128xi1>
    %eq3A_1967 = arith.xori %eq3A_1965, %eq3A_1966 : vector<64x128xi1>
    %eq3A_1968 = arith.xori %eq3A_1967, %or3A_1964 : vector<64x128xi1>
    %eq3A_1969 = arith.constant dense<true> : vector<64x128xi1>
    %eq3A_1970 = arith.xori %eq3A_1968, %eq3A_1969 : vector<64x128xi1>
    %select_n3A_1971 = arith.select %eq3A_1970, %select_n3A_1928, %select_n3A_1941 : vector<64x128xi1>, vector<64x128xf32>
    %select_n3A_1972 = arith.select %eq3A_1970, %select_n3A_1929, %select_n3A_1953 : vector<64x128xi1>, vector<64x128xi32>
    %iota3A_1973 = tpu.iota {dimensions = array<i32: 1>} : vector<64x128xi32>
    %and3A_1974 = arith.constant 1 : i32
    %and3A_1975 = vector.broadcast %and3A_1974 : i32 to vector<64x128xi32>
    %and3A_1976 = arith.andi %iota3A_1973, %and3A_1975 : vector<64x128xi32>
    %roll3A_1977 = arith.constant 127 : i32
    %roll3A_1978 = tpu.dynamic_rotate %select_n3A_1971 by %roll3A_1977 dim 1 : vector<64x128xf32>, i32 -> vector<64x128xf32>
    %roll3A_1979 = arith.constant 1 : i32
    %roll3A_1980 = tpu.dynamic_rotate %select_n3A_1971 by %roll3A_1979 dim 1 : vector<64x128xf32>, i32 -> vector<64x128xf32>
    %eq3A_1981 = arith.constant 0 : i32
    %eq3A_1982 = vector.broadcast %eq3A_1981 : i32 to vector<64x128xi32>
    %eq3A_1983 = arith.cmpi eq, %and3A_1976, %eq3A_1982 : vector<64x128xi32>
    %select_n3A_1984 = arith.select %eq3A_1983, %roll3A_1978, %roll3A_1980 : vector<64x128xi1>, vector<64x128xf32>
    %iota3A_1985 = tpu.iota {dimensions = array<i32: 1>} : vector<64x128xi32>
    %and3A_1986 = arith.constant 1 : i32
    %and3A_1987 = vector.broadcast %and3A_1986 : i32 to vector<64x128xi32>
    %and3A_1988 = arith.andi %iota3A_1985, %and3A_1987 : vector<64x128xi32>
    %roll3A_1989 = arith.constant 127 : i32
    %roll3A_1990 = tpu.dynamic_rotate %select_n3A_1972 by %roll3A_1989 dim 1 : vector<64x128xi32>, i32 -> vector<64x128xi32>
    %roll3A_1991 = arith.constant 1 : i32
    %roll3A_1992 = tpu.dynamic_rotate %select_n3A_1972 by %roll3A_1991 dim 1 : vector<64x128xi32>, i32 -> vector<64x128xi32>
    %eq3A_1993 = arith.constant 0 : i32
    %eq3A_1994 = vector.broadcast %eq3A_1993 : i32 to vector<64x128xi32>
    %eq3A_1995 = arith.cmpi eq, %and3A_1988, %eq3A_1994 : vector<64x128xi32>
    %select_n3A_1996 = arith.select %eq3A_1995, %roll3A_1990, %roll3A_1992 : vector<64x128xi1>, vector<64x128xi32>
    %and3A_1997 = arith.constant 1 : i32
    %and3A_1998 = vector.broadcast %and3A_1997 : i32 to vector<64x128xi32>
    %and3A_1999 = arith.andi %add3A, %and3A_1998 : vector<64x128xi32>
    %eq3A_2000 = arith.constant 0 : i32
    %eq3A_2001 = vector.broadcast %eq3A_2000 : i32 to vector<64x128xi32>
    %eq3A_2002 = arith.cmpi eq, %and3A_1999, %eq3A_2001 : vector<64x128xi32>
    %gt3A_2003 = arith.cmpf ogt, %select_n3A_1971, %select_n3A_1984 : vector<64x128xf32>
    %eq3A_2004 = arith.cmpf oeq, %select_n3A_1971, %select_n3A_1984 : vector<64x128xf32>
    %lt3A_2005 = arith.cmpi slt, %select_n3A_1972, %select_n3A_1996 : vector<64x128xi32>
    %and3A_2006 = arith.andi %eq3A_2004, %lt3A_2005 : vector<64x128xi1>
    %or3A_2007 = arith.ori %gt3A_2003, %and3A_2006 : vector<64x128xi1>
    %eq3A_2008 = arith.xori %eq3A_2002, %eq3A_1628 : vector<64x128xi1>
    %eq3A_2009 = arith.constant dense<true> : vector<64x128xi1>
    %eq3A_2010 = arith.xori %eq3A_2008, %eq3A_2009 : vector<64x128xi1>
    %eq3A_2011 = arith.xori %eq3A_2010, %or3A_2007 : vector<64x128xi1>
    %eq3A_2012 = arith.constant dense<true> : vector<64x128xi1>
    %eq3A_2013 = arith.xori %eq3A_2011, %eq3A_2012 : vector<64x128xi1>
    %select_n3A_2014 = arith.select %eq3A_2013, %select_n3A_1971, %select_n3A_1984 : vector<64x128xi1>, vector<64x128xf32>
    %select_n3A_2015 = arith.select %eq3A_2013, %select_n3A_1972, %select_n3A_1996 : vector<64x128xi1>, vector<64x128xi32>
    %shift_right_arithmetic3A_2016 = arith.constant 10 : i32
    %shift_right_arithmetic3A_2017 = vector.broadcast %shift_right_arithmetic3A_2016 : i32 to vector<64x128xi32>
    %shift_right_arithmetic3A_2018 = arith.shrsi %add3A, %shift_right_arithmetic3A_2017 : vector<64x128xi32>
    %and3A_2019 = arith.constant 1 : i32
    %and3A_2020 = vector.broadcast %and3A_2019 : i32 to vector<64x128xi32>
    %and3A_2021 = arith.andi %shift_right_arithmetic3A_2018, %and3A_2020 : vector<64x128xi32>
    %eq3A_2022 = arith.constant 0 : i32
    %eq3A_2023 = vector.broadcast %eq3A_2022 : i32 to vector<64x128xi32>
    %eq3A_2024 = arith.cmpi eq, %and3A_2021, %eq3A_2023 : vector<64x128xi32>
    %iota3A_2025 = tpu.iota {dimensions = array<i32: 0>} : vector<64x128xi32>
    %and3A_2026 = arith.constant 4 : i32
    %and3A_2027 = vector.broadcast %and3A_2026 : i32 to vector<64x128xi32>
    %and3A_2028 = arith.andi %iota3A_2025, %and3A_2027 : vector<64x128xi32>
    %roll3A_2029 = arith.constant 60 : i32
    %roll3A_2030 = tpu.dynamic_rotate %select_n3A_2014 by %roll3A_2029 dim 0 : vector<64x128xf32>, i32 -> vector<64x128xf32>
    %roll3A_2031 = arith.constant 4 : i32
    %roll3A_2032 = tpu.dynamic_rotate %select_n3A_2014 by %roll3A_2031 dim 0 : vector<64x128xf32>, i32 -> vector<64x128xf32>
    %eq3A_2033 = arith.constant 0 : i32
    %eq3A_2034 = vector.broadcast %eq3A_2033 : i32 to vector<64x128xi32>
    %eq3A_2035 = arith.cmpi eq, %and3A_2028, %eq3A_2034 : vector<64x128xi32>
    %select_n3A_2036 = arith.select %eq3A_2035, %roll3A_2030, %roll3A_2032 : vector<64x128xi1>, vector<64x128xf32>
    %iota3A_2037 = tpu.iota {dimensions = array<i32: 0>} : vector<64x128xi32>
    %and3A_2038 = arith.constant 4 : i32
    %and3A_2039 = vector.broadcast %and3A_2038 : i32 to vector<64x128xi32>
    %and3A_2040 = arith.andi %iota3A_2037, %and3A_2039 : vector<64x128xi32>
    %roll3A_2041 = arith.constant 60 : i32
    %roll3A_2042 = tpu.dynamic_rotate %select_n3A_2015 by %roll3A_2041 dim 0 : vector<64x128xi32>, i32 -> vector<64x128xi32>
    %roll3A_2043 = arith.constant 4 : i32
    %roll3A_2044 = tpu.dynamic_rotate %select_n3A_2015 by %roll3A_2043 dim 0 : vector<64x128xi32>, i32 -> vector<64x128xi32>
    %eq3A_2045 = arith.constant 0 : i32
    %eq3A_2046 = vector.broadcast %eq3A_2045 : i32 to vector<64x128xi32>
    %eq3A_2047 = arith.cmpi eq, %and3A_2040, %eq3A_2046 : vector<64x128xi32>
    %select_n3A_2048 = arith.select %eq3A_2047, %roll3A_2042, %roll3A_2044 : vector<64x128xi1>, vector<64x128xi32>
    %and3A_2049 = arith.constant 512 : i32
    %and3A_2050 = vector.broadcast %and3A_2049 : i32 to vector<64x128xi32>
    %and3A_2051 = arith.andi %add3A, %and3A_2050 : vector<64x128xi32>
    %eq3A_2052 = arith.constant 0 : i32
    %eq3A_2053 = vector.broadcast %eq3A_2052 : i32 to vector<64x128xi32>
    %eq3A_2054 = arith.cmpi eq, %and3A_2051, %eq3A_2053 : vector<64x128xi32>
    %gt3A_2055 = arith.cmpf ogt, %select_n3A_2014, %select_n3A_2036 : vector<64x128xf32>
    %eq3A_2056 = arith.cmpf oeq, %select_n3A_2014, %select_n3A_2036 : vector<64x128xf32>
    %lt3A_2057 = arith.cmpi slt, %select_n3A_2015, %select_n3A_2048 : vector<64x128xi32>
    %and3A_2058 = arith.andi %eq3A_2056, %lt3A_2057 : vector<64x128xi1>
    %or3A_2059 = arith.ori %gt3A_2055, %and3A_2058 : vector<64x128xi1>
    %eq3A_2060 = arith.xori %eq3A_2054, %eq3A_2024 : vector<64x128xi1>
    %eq3A_2061 = arith.constant dense<true> : vector<64x128xi1>
    %eq3A_2062 = arith.xori %eq3A_2060, %eq3A_2061 : vector<64x128xi1>
    %eq3A_2063 = arith.xori %eq3A_2062, %or3A_2059 : vector<64x128xi1>
    %eq3A_2064 = arith.constant dense<true> : vector<64x128xi1>
    %eq3A_2065 = arith.xori %eq3A_2063, %eq3A_2064 : vector<64x128xi1>
    %select_n3A_2066 = arith.select %eq3A_2065, %select_n3A_2014, %select_n3A_2036 : vector<64x128xi1>, vector<64x128xf32>
    %select_n3A_2067 = arith.select %eq3A_2065, %select_n3A_2015, %select_n3A_2048 : vector<64x128xi1>, vector<64x128xi32>
    %iota3A_2068 = tpu.iota {dimensions = array<i32: 0>} : vector<64x128xi32>
    %and3A_2069 = arith.constant 2 : i32
    %and3A_2070 = vector.broadcast %and3A_2069 : i32 to vector<64x128xi32>
    %and3A_2071 = arith.andi %iota3A_2068, %and3A_2070 : vector<64x128xi32>
    %roll3A_2072 = arith.constant 62 : i32
    %roll3A_2073 = tpu.dynamic_rotate %select_n3A_2066 by %roll3A_2072 dim 0 : vector<64x128xf32>, i32 -> vector<64x128xf32>
    %roll3A_2074 = arith.constant 2 : i32
    %roll3A_2075 = tpu.dynamic_rotate %select_n3A_2066 by %roll3A_2074 dim 0 : vector<64x128xf32>, i32 -> vector<64x128xf32>
    %eq3A_2076 = arith.constant 0 : i32
    %eq3A_2077 = vector.broadcast %eq3A_2076 : i32 to vector<64x128xi32>
    %eq3A_2078 = arith.cmpi eq, %and3A_2071, %eq3A_2077 : vector<64x128xi32>
    %select_n3A_2079 = arith.select %eq3A_2078, %roll3A_2073, %roll3A_2075 : vector<64x128xi1>, vector<64x128xf32>
    %iota3A_2080 = tpu.iota {dimensions = array<i32: 0>} : vector<64x128xi32>
    %and3A_2081 = arith.constant 2 : i32
    %and3A_2082 = vector.broadcast %and3A_2081 : i32 to vector<64x128xi32>
    %and3A_2083 = arith.andi %iota3A_2080, %and3A_2082 : vector<64x128xi32>
    %roll3A_2084 = arith.constant 62 : i32
    %roll3A_2085 = tpu.dynamic_rotate %select_n3A_2067 by %roll3A_2084 dim 0 : vector<64x128xi32>, i32 -> vector<64x128xi32>
    %roll3A_2086 = arith.constant 2 : i32
    %roll3A_2087 = tpu.dynamic_rotate %select_n3A_2067 by %roll3A_2086 dim 0 : vector<64x128xi32>, i32 -> vector<64x128xi32>
    %eq3A_2088 = arith.constant 0 : i32
    %eq3A_2089 = vector.broadcast %eq3A_2088 : i32 to vector<64x128xi32>
    %eq3A_2090 = arith.cmpi eq, %and3A_2083, %eq3A_2089 : vector<64x128xi32>
    %select_n3A_2091 = arith.select %eq3A_2090, %roll3A_2085, %roll3A_2087 : vector<64x128xi1>, vector<64x128xi32>
    %and3A_2092 = arith.constant 256 : i32
    %and3A_2093 = vector.broadcast %and3A_2092 : i32 to vector<64x128xi32>
    %and3A_2094 = arith.andi %add3A, %and3A_2093 : vector<64x128xi32>
    %eq3A_2095 = arith.constant 0 : i32
    %eq3A_2096 = vector.broadcast %eq3A_2095 : i32 to vector<64x128xi32>
    %eq3A_2097 = arith.cmpi eq, %and3A_2094, %eq3A_2096 : vector<64x128xi32>
    %gt3A_2098 = arith.cmpf ogt, %select_n3A_2066, %select_n3A_2079 : vector<64x128xf32>
    %eq3A_2099 = arith.cmpf oeq, %select_n3A_2066, %select_n3A_2079 : vector<64x128xf32>
    %lt3A_2100 = arith.cmpi slt, %select_n3A_2067, %select_n3A_2091 : vector<64x128xi32>
    %and3A_2101 = arith.andi %eq3A_2099, %lt3A_2100 : vector<64x128xi1>
    %or3A_2102 = arith.ori %gt3A_2098, %and3A_2101 : vector<64x128xi1>
    %eq3A_2103 = arith.xori %eq3A_2097, %eq3A_2024 : vector<64x128xi1>
    %eq3A_2104 = arith.constant dense<true> : vector<64x128xi1>
    %eq3A_2105 = arith.xori %eq3A_2103, %eq3A_2104 : vector<64x128xi1>
    %eq3A_2106 = arith.xori %eq3A_2105, %or3A_2102 : vector<64x128xi1>
    %eq3A_2107 = arith.constant dense<true> : vector<64x128xi1>
    %eq3A_2108 = arith.xori %eq3A_2106, %eq3A_2107 : vector<64x128xi1>
    %select_n3A_2109 = arith.select %eq3A_2108, %select_n3A_2066, %select_n3A_2079 : vector<64x128xi1>, vector<64x128xf32>
    %select_n3A_2110 = arith.select %eq3A_2108, %select_n3A_2067, %select_n3A_2091 : vector<64x128xi1>, vector<64x128xi32>
    %iota3A_2111 = tpu.iota {dimensions = array<i32: 0>} : vector<64x128xi32>
    %and3A_2112 = arith.constant 1 : i32
    %and3A_2113 = vector.broadcast %and3A_2112 : i32 to vector<64x128xi32>
    %and3A_2114 = arith.andi %iota3A_2111, %and3A_2113 : vector<64x128xi32>
    %roll3A_2115 = arith.constant 63 : i32
    %roll3A_2116 = tpu.dynamic_rotate %select_n3A_2109 by %roll3A_2115 dim 0 : vector<64x128xf32>, i32 -> vector<64x128xf32>
    %roll3A_2117 = arith.constant 1 : i32
    %roll3A_2118 = tpu.dynamic_rotate %select_n3A_2109 by %roll3A_2117 dim 0 : vector<64x128xf32>, i32 -> vector<64x128xf32>
    %eq3A_2119 = arith.constant 0 : i32
    %eq3A_2120 = vector.broadcast %eq3A_2119 : i32 to vector<64x128xi32>
    %eq3A_2121 = arith.cmpi eq, %and3A_2114, %eq3A_2120 : vector<64x128xi32>
    %select_n3A_2122 = arith.select %eq3A_2121, %roll3A_2116, %roll3A_2118 : vector<64x128xi1>, vector<64x128xf32>
    %iota3A_2123 = tpu.iota {dimensions = array<i32: 0>} : vector<64x128xi32>
    %and3A_2124 = arith.constant 1 : i32
    %and3A_2125 = vector.broadcast %and3A_2124 : i32 to vector<64x128xi32>
    %and3A_2126 = arith.andi %iota3A_2123, %and3A_2125 : vector<64x128xi32>
    %roll3A_2127 = arith.constant 63 : i32
    %roll3A_2128 = tpu.dynamic_rotate %select_n3A_2110 by %roll3A_2127 dim 0 : vector<64x128xi32>, i32 -> vector<64x128xi32>
    %roll3A_2129 = arith.constant 1 : i32
    %roll3A_2130 = tpu.dynamic_rotate %select_n3A_2110 by %roll3A_2129 dim 0 : vector<64x128xi32>, i32 -> vector<64x128xi32>
    %eq3A_2131 = arith.constant 0 : i32
    %eq3A_2132 = vector.broadcast %eq3A_2131 : i32 to vector<64x128xi32>
    %eq3A_2133 = arith.cmpi eq, %and3A_2126, %eq3A_2132 : vector<64x128xi32>
    %select_n3A_2134 = arith.select %eq3A_2133, %roll3A_2128, %roll3A_2130 : vector<64x128xi1>, vector<64x128xi32>
    %and3A_2135 = arith.constant 128 : i32
    %and3A_2136 = vector.broadcast %and3A_2135 : i32 to vector<64x128xi32>
    %and3A_2137 = arith.andi %add3A, %and3A_2136 : vector<64x128xi32>
    %eq3A_2138 = arith.constant 0 : i32
    %eq3A_2139 = vector.broadcast %eq3A_2138 : i32 to vector<64x128xi32>
    %eq3A_2140 = arith.cmpi eq, %and3A_2137, %eq3A_2139 : vector<64x128xi32>
    %gt3A_2141 = arith.cmpf ogt, %select_n3A_2109, %select_n3A_2122 : vector<64x128xf32>
    %eq3A_2142 = arith.cmpf oeq, %select_n3A_2109, %select_n3A_2122 : vector<64x128xf32>
    %lt3A_2143 = arith.cmpi slt, %select_n3A_2110, %select_n3A_2134 : vector<64x128xi32>
    %and3A_2144 = arith.andi %eq3A_2142, %lt3A_2143 : vector<64x128xi1>
    %or3A_2145 = arith.ori %gt3A_2141, %and3A_2144 : vector<64x128xi1>
    %eq3A_2146 = arith.xori %eq3A_2140, %eq3A_2024 : vector<64x128xi1>
    %eq3A_2147 = arith.constant dense<true> : vector<64x128xi1>
    %eq3A_2148 = arith.xori %eq3A_2146, %eq3A_2147 : vector<64x128xi1>
    %eq3A_2149 = arith.xori %eq3A_2148, %or3A_2145 : vector<64x128xi1>
    %eq3A_2150 = arith.constant dense<true> : vector<64x128xi1>
    %eq3A_2151 = arith.xori %eq3A_2149, %eq3A_2150 : vector<64x128xi1>
    %select_n3A_2152 = arith.select %eq3A_2151, %select_n3A_2109, %select_n3A_2122 : vector<64x128xi1>, vector<64x128xf32>
    %select_n3A_2153 = arith.select %eq3A_2151, %select_n3A_2110, %select_n3A_2134 : vector<64x128xi1>, vector<64x128xi32>
    %iota3A_2154 = tpu.iota {dimensions = array<i32: 1>} : vector<64x128xi32>
    %and3A_2155 = arith.constant 64 : i32
    %and3A_2156 = vector.broadcast %and3A_2155 : i32 to vector<64x128xi32>
    %and3A_2157 = arith.andi %iota3A_2154, %and3A_2156 : vector<64x128xi32>
    %roll3A_2158 = arith.constant 64 : i32
    %roll3A_2159 = tpu.dynamic_rotate %select_n3A_2152 by %roll3A_2158 dim 1 : vector<64x128xf32>, i32 -> vector<64x128xf32>
    %roll3A_2160 = arith.constant 64 : i32
    %roll3A_2161 = tpu.dynamic_rotate %select_n3A_2152 by %roll3A_2160 dim 1 : vector<64x128xf32>, i32 -> vector<64x128xf32>
    %eq3A_2162 = arith.constant 0 : i32
    %eq3A_2163 = vector.broadcast %eq3A_2162 : i32 to vector<64x128xi32>
    %eq3A_2164 = arith.cmpi eq, %and3A_2157, %eq3A_2163 : vector<64x128xi32>
    %select_n3A_2165 = arith.select %eq3A_2164, %roll3A_2159, %roll3A_2161 : vector<64x128xi1>, vector<64x128xf32>
    %iota3A_2166 = tpu.iota {dimensions = array<i32: 1>} : vector<64x128xi32>
    %and3A_2167 = arith.constant 64 : i32
    %and3A_2168 = vector.broadcast %and3A_2167 : i32 to vector<64x128xi32>
    %and3A_2169 = arith.andi %iota3A_2166, %and3A_2168 : vector<64x128xi32>
    %roll3A_2170 = arith.constant 64 : i32
    %roll3A_2171 = tpu.dynamic_rotate %select_n3A_2153 by %roll3A_2170 dim 1 : vector<64x128xi32>, i32 -> vector<64x128xi32>
    %roll3A_2172 = arith.constant 64 : i32
    %roll3A_2173 = tpu.dynamic_rotate %select_n3A_2153 by %roll3A_2172 dim 1 : vector<64x128xi32>, i32 -> vector<64x128xi32>
    %eq3A_2174 = arith.constant 0 : i32
    %eq3A_2175 = vector.broadcast %eq3A_2174 : i32 to vector<64x128xi32>
    %eq3A_2176 = arith.cmpi eq, %and3A_2169, %eq3A_2175 : vector<64x128xi32>
    %select_n3A_2177 = arith.select %eq3A_2176, %roll3A_2171, %roll3A_2173 : vector<64x128xi1>, vector<64x128xi32>
    %and3A_2178 = arith.constant 64 : i32
    %and3A_2179 = vector.broadcast %and3A_2178 : i32 to vector<64x128xi32>
    %and3A_2180 = arith.andi %add3A, %and3A_2179 : vector<64x128xi32>
    %eq3A_2181 = arith.constant 0 : i32
    %eq3A_2182 = vector.broadcast %eq3A_2181 : i32 to vector<64x128xi32>
    %eq3A_2183 = arith.cmpi eq, %and3A_2180, %eq3A_2182 : vector<64x128xi32>
    %gt3A_2184 = arith.cmpf ogt, %select_n3A_2152, %select_n3A_2165 : vector<64x128xf32>
    %eq3A_2185 = arith.cmpf oeq, %select_n3A_2152, %select_n3A_2165 : vector<64x128xf32>
    %lt3A_2186 = arith.cmpi slt, %select_n3A_2153, %select_n3A_2177 : vector<64x128xi32>
    %and3A_2187 = arith.andi %eq3A_2185, %lt3A_2186 : vector<64x128xi1>
    %or3A_2188 = arith.ori %gt3A_2184, %and3A_2187 : vector<64x128xi1>
    %eq3A_2189 = arith.xori %eq3A_2183, %eq3A_2024 : vector<64x128xi1>
    %eq3A_2190 = arith.constant dense<true> : vector<64x128xi1>
    %eq3A_2191 = arith.xori %eq3A_2189, %eq3A_2190 : vector<64x128xi1>
    %eq3A_2192 = arith.xori %eq3A_2191, %or3A_2188 : vector<64x128xi1>
    %eq3A_2193 = arith.constant dense<true> : vector<64x128xi1>
    %eq3A_2194 = arith.xori %eq3A_2192, %eq3A_2193 : vector<64x128xi1>
    %select_n3A_2195 = arith.select %eq3A_2194, %select_n3A_2152, %select_n3A_2165 : vector<64x128xi1>, vector<64x128xf32>
    %select_n3A_2196 = arith.select %eq3A_2194, %select_n3A_2153, %select_n3A_2177 : vector<64x128xi1>, vector<64x128xi32>
    %iota3A_2197 = tpu.iota {dimensions = array<i32: 1>} : vector<64x128xi32>
    %and3A_2198 = arith.constant 32 : i32
    %and3A_2199 = vector.broadcast %and3A_2198 : i32 to vector<64x128xi32>
    %and3A_2200 = arith.andi %iota3A_2197, %and3A_2199 : vector<64x128xi32>
    %roll3A_2201 = arith.constant 96 : i32
    %roll3A_2202 = tpu.dynamic_rotate %select_n3A_2195 by %roll3A_2201 dim 1 : vector<64x128xf32>, i32 -> vector<64x128xf32>
    %roll3A_2203 = arith.constant 32 : i32
    %roll3A_2204 = tpu.dynamic_rotate %select_n3A_2195 by %roll3A_2203 dim 1 : vector<64x128xf32>, i32 -> vector<64x128xf32>
    %eq3A_2205 = arith.constant 0 : i32
    %eq3A_2206 = vector.broadcast %eq3A_2205 : i32 to vector<64x128xi32>
    %eq3A_2207 = arith.cmpi eq, %and3A_2200, %eq3A_2206 : vector<64x128xi32>
    %select_n3A_2208 = arith.select %eq3A_2207, %roll3A_2202, %roll3A_2204 : vector<64x128xi1>, vector<64x128xf32>
    %iota3A_2209 = tpu.iota {dimensions = array<i32: 1>} : vector<64x128xi32>
    %and3A_2210 = arith.constant 32 : i32
    %and3A_2211 = vector.broadcast %and3A_2210 : i32 to vector<64x128xi32>
    %and3A_2212 = arith.andi %iota3A_2209, %and3A_2211 : vector<64x128xi32>
    %roll3A_2213 = arith.constant 96 : i32
    %roll3A_2214 = tpu.dynamic_rotate %select_n3A_2196 by %roll3A_2213 dim 1 : vector<64x128xi32>, i32 -> vector<64x128xi32>
    %roll3A_2215 = arith.constant 32 : i32
    %roll3A_2216 = tpu.dynamic_rotate %select_n3A_2196 by %roll3A_2215 dim 1 : vector<64x128xi32>, i32 -> vector<64x128xi32>
    %eq3A_2217 = arith.constant 0 : i32
    %eq3A_2218 = vector.broadcast %eq3A_2217 : i32 to vector<64x128xi32>
    %eq3A_2219 = arith.cmpi eq, %and3A_2212, %eq3A_2218 : vector<64x128xi32>
    %select_n3A_2220 = arith.select %eq3A_2219, %roll3A_2214, %roll3A_2216 : vector<64x128xi1>, vector<64x128xi32>
    %and3A_2221 = arith.constant 32 : i32
    %and3A_2222 = vector.broadcast %and3A_2221 : i32 to vector<64x128xi32>
    %and3A_2223 = arith.andi %add3A, %and3A_2222 : vector<64x128xi32>
    %eq3A_2224 = arith.constant 0 : i32
    %eq3A_2225 = vector.broadcast %eq3A_2224 : i32 to vector<64x128xi32>
    %eq3A_2226 = arith.cmpi eq, %and3A_2223, %eq3A_2225 : vector<64x128xi32>
    %gt3A_2227 = arith.cmpf ogt, %select_n3A_2195, %select_n3A_2208 : vector<64x128xf32>
    %eq3A_2228 = arith.cmpf oeq, %select_n3A_2195, %select_n3A_2208 : vector<64x128xf32>
    %lt3A_2229 = arith.cmpi slt, %select_n3A_2196, %select_n3A_2220 : vector<64x128xi32>
    %and3A_2230 = arith.andi %eq3A_2228, %lt3A_2229 : vector<64x128xi1>
    %or3A_2231 = arith.ori %gt3A_2227, %and3A_2230 : vector<64x128xi1>
    %eq3A_2232 = arith.xori %eq3A_2226, %eq3A_2024 : vector<64x128xi1>
    %eq3A_2233 = arith.constant dense<true> : vector<64x128xi1>
    %eq3A_2234 = arith.xori %eq3A_2232, %eq3A_2233 : vector<64x128xi1>
    %eq3A_2235 = arith.xori %eq3A_2234, %or3A_2231 : vector<64x128xi1>
    %eq3A_2236 = arith.constant dense<true> : vector<64x128xi1>
    %eq3A_2237 = arith.xori %eq3A_2235, %eq3A_2236 : vector<64x128xi1>
    %select_n3A_2238 = arith.select %eq3A_2237, %select_n3A_2195, %select_n3A_2208 : vector<64x128xi1>, vector<64x128xf32>
    %select_n3A_2239 = arith.select %eq3A_2237, %select_n3A_2196, %select_n3A_2220 : vector<64x128xi1>, vector<64x128xi32>
    %iota3A_2240 = tpu.iota {dimensions = array<i32: 1>} : vector<64x128xi32>
    %and3A_2241 = arith.constant 16 : i32
    %and3A_2242 = vector.broadcast %and3A_2241 : i32 to vector<64x128xi32>
    %and3A_2243 = arith.andi %iota3A_2240, %and3A_2242 : vector<64x128xi32>
    %roll3A_2244 = arith.constant 112 : i32
    %roll3A_2245 = tpu.dynamic_rotate %select_n3A_2238 by %roll3A_2244 dim 1 : vector<64x128xf32>, i32 -> vector<64x128xf32>
    %roll3A_2246 = arith.constant 16 : i32
    %roll3A_2247 = tpu.dynamic_rotate %select_n3A_2238 by %roll3A_2246 dim 1 : vector<64x128xf32>, i32 -> vector<64x128xf32>
    %eq3A_2248 = arith.constant 0 : i32
    %eq3A_2249 = vector.broadcast %eq3A_2248 : i32 to vector<64x128xi32>
    %eq3A_2250 = arith.cmpi eq, %and3A_2243, %eq3A_2249 : vector<64x128xi32>
    %select_n3A_2251 = arith.select %eq3A_2250, %roll3A_2245, %roll3A_2247 : vector<64x128xi1>, vector<64x128xf32>
    %iota3A_2252 = tpu.iota {dimensions = array<i32: 1>} : vector<64x128xi32>
    %and3A_2253 = arith.constant 16 : i32
    %and3A_2254 = vector.broadcast %and3A_2253 : i32 to vector<64x128xi32>
    %and3A_2255 = arith.andi %iota3A_2252, %and3A_2254 : vector<64x128xi32>
    %roll3A_2256 = arith.constant 112 : i32
    %roll3A_2257 = tpu.dynamic_rotate %select_n3A_2239 by %roll3A_2256 dim 1 : vector<64x128xi32>, i32 -> vector<64x128xi32>
    %roll3A_2258 = arith.constant 16 : i32
    %roll3A_2259 = tpu.dynamic_rotate %select_n3A_2239 by %roll3A_2258 dim 1 : vector<64x128xi32>, i32 -> vector<64x128xi32>
    %eq3A_2260 = arith.constant 0 : i32
    %eq3A_2261 = vector.broadcast %eq3A_2260 : i32 to vector<64x128xi32>
    %eq3A_2262 = arith.cmpi eq, %and3A_2255, %eq3A_2261 : vector<64x128xi32>
    %select_n3A_2263 = arith.select %eq3A_2262, %roll3A_2257, %roll3A_2259 : vector<64x128xi1>, vector<64x128xi32>
    %and3A_2264 = arith.constant 16 : i32
    %and3A_2265 = vector.broadcast %and3A_2264 : i32 to vector<64x128xi32>
    %and3A_2266 = arith.andi %add3A, %and3A_2265 : vector<64x128xi32>
    %eq3A_2267 = arith.constant 0 : i32
    %eq3A_2268 = vector.broadcast %eq3A_2267 : i32 to vector<64x128xi32>
    %eq3A_2269 = arith.cmpi eq, %and3A_2266, %eq3A_2268 : vector<64x128xi32>
    %gt3A_2270 = arith.cmpf ogt, %select_n3A_2238, %select_n3A_2251 : vector<64x128xf32>
    %eq3A_2271 = arith.cmpf oeq, %select_n3A_2238, %select_n3A_2251 : vector<64x128xf32>
    %lt3A_2272 = arith.cmpi slt, %select_n3A_2239, %select_n3A_2263 : vector<64x128xi32>
    %and3A_2273 = arith.andi %eq3A_2271, %lt3A_2272 : vector<64x128xi1>
    %or3A_2274 = arith.ori %gt3A_2270, %and3A_2273 : vector<64x128xi1>
    %eq3A_2275 = arith.xori %eq3A_2269, %eq3A_2024 : vector<64x128xi1>
    %eq3A_2276 = arith.constant dense<true> : vector<64x128xi1>
    %eq3A_2277 = arith.xori %eq3A_2275, %eq3A_2276 : vector<64x128xi1>
    %eq3A_2278 = arith.xori %eq3A_2277, %or3A_2274 : vector<64x128xi1>
    %eq3A_2279 = arith.constant dense<true> : vector<64x128xi1>
    %eq3A_2280 = arith.xori %eq3A_2278, %eq3A_2279 : vector<64x128xi1>
    %select_n3A_2281 = arith.select %eq3A_2280, %select_n3A_2238, %select_n3A_2251 : vector<64x128xi1>, vector<64x128xf32>
    %select_n3A_2282 = arith.select %eq3A_2280, %select_n3A_2239, %select_n3A_2263 : vector<64x128xi1>, vector<64x128xi32>
    %iota3A_2283 = tpu.iota {dimensions = array<i32: 1>} : vector<64x128xi32>
    %and3A_2284 = arith.constant 8 : i32
    %and3A_2285 = vector.broadcast %and3A_2284 : i32 to vector<64x128xi32>
    %and3A_2286 = arith.andi %iota3A_2283, %and3A_2285 : vector<64x128xi32>
    %roll3A_2287 = arith.constant 120 : i32
    %roll3A_2288 = tpu.dynamic_rotate %select_n3A_2281 by %roll3A_2287 dim 1 : vector<64x128xf32>, i32 -> vector<64x128xf32>
    %roll3A_2289 = arith.constant 8 : i32
    %roll3A_2290 = tpu.dynamic_rotate %select_n3A_2281 by %roll3A_2289 dim 1 : vector<64x128xf32>, i32 -> vector<64x128xf32>
    %eq3A_2291 = arith.constant 0 : i32
    %eq3A_2292 = vector.broadcast %eq3A_2291 : i32 to vector<64x128xi32>
    %eq3A_2293 = arith.cmpi eq, %and3A_2286, %eq3A_2292 : vector<64x128xi32>
    %select_n3A_2294 = arith.select %eq3A_2293, %roll3A_2288, %roll3A_2290 : vector<64x128xi1>, vector<64x128xf32>
    %iota3A_2295 = tpu.iota {dimensions = array<i32: 1>} : vector<64x128xi32>
    %and3A_2296 = arith.constant 8 : i32
    %and3A_2297 = vector.broadcast %and3A_2296 : i32 to vector<64x128xi32>
    %and3A_2298 = arith.andi %iota3A_2295, %and3A_2297 : vector<64x128xi32>
    %roll3A_2299 = arith.constant 120 : i32
    %roll3A_2300 = tpu.dynamic_rotate %select_n3A_2282 by %roll3A_2299 dim 1 : vector<64x128xi32>, i32 -> vector<64x128xi32>
    %roll3A_2301 = arith.constant 8 : i32
    %roll3A_2302 = tpu.dynamic_rotate %select_n3A_2282 by %roll3A_2301 dim 1 : vector<64x128xi32>, i32 -> vector<64x128xi32>
    %eq3A_2303 = arith.constant 0 : i32
    %eq3A_2304 = vector.broadcast %eq3A_2303 : i32 to vector<64x128xi32>
    %eq3A_2305 = arith.cmpi eq, %and3A_2298, %eq3A_2304 : vector<64x128xi32>
    %select_n3A_2306 = arith.select %eq3A_2305, %roll3A_2300, %roll3A_2302 : vector<64x128xi1>, vector<64x128xi32>
    %and3A_2307 = arith.constant 8 : i32
    %and3A_2308 = vector.broadcast %and3A_2307 : i32 to vector<64x128xi32>
    %and3A_2309 = arith.andi %add3A, %and3A_2308 : vector<64x128xi32>
    %eq3A_2310 = arith.constant 0 : i32
    %eq3A_2311 = vector.broadcast %eq3A_2310 : i32 to vector<64x128xi32>
    %eq3A_2312 = arith.cmpi eq, %and3A_2309, %eq3A_2311 : vector<64x128xi32>
    %gt3A_2313 = arith.cmpf ogt, %select_n3A_2281, %select_n3A_2294 : vector<64x128xf32>
    %eq3A_2314 = arith.cmpf oeq, %select_n3A_2281, %select_n3A_2294 : vector<64x128xf32>
    %lt3A_2315 = arith.cmpi slt, %select_n3A_2282, %select_n3A_2306 : vector<64x128xi32>
    %and3A_2316 = arith.andi %eq3A_2314, %lt3A_2315 : vector<64x128xi1>
    %or3A_2317 = arith.ori %gt3A_2313, %and3A_2316 : vector<64x128xi1>
    %eq3A_2318 = arith.xori %eq3A_2312, %eq3A_2024 : vector<64x128xi1>
    %eq3A_2319 = arith.constant dense<true> : vector<64x128xi1>
    %eq3A_2320 = arith.xori %eq3A_2318, %eq3A_2319 : vector<64x128xi1>
    %eq3A_2321 = arith.xori %eq3A_2320, %or3A_2317 : vector<64x128xi1>
    %eq3A_2322 = arith.constant dense<true> : vector<64x128xi1>
    %eq3A_2323 = arith.xori %eq3A_2321, %eq3A_2322 : vector<64x128xi1>
    %select_n3A_2324 = arith.select %eq3A_2323, %select_n3A_2281, %select_n3A_2294 : vector<64x128xi1>, vector<64x128xf32>
    %select_n3A_2325 = arith.select %eq3A_2323, %select_n3A_2282, %select_n3A_2306 : vector<64x128xi1>, vector<64x128xi32>
    %iota3A_2326 = tpu.iota {dimensions = array<i32: 1>} : vector<64x128xi32>
    %and3A_2327 = arith.constant 4 : i32
    %and3A_2328 = vector.broadcast %and3A_2327 : i32 to vector<64x128xi32>
    %and3A_2329 = arith.andi %iota3A_2326, %and3A_2328 : vector<64x128xi32>
    %roll3A_2330 = arith.constant 124 : i32
    %roll3A_2331 = tpu.dynamic_rotate %select_n3A_2324 by %roll3A_2330 dim 1 : vector<64x128xf32>, i32 -> vector<64x128xf32>
    %roll3A_2332 = arith.constant 4 : i32
    %roll3A_2333 = tpu.dynamic_rotate %select_n3A_2324 by %roll3A_2332 dim 1 : vector<64x128xf32>, i32 -> vector<64x128xf32>
    %eq3A_2334 = arith.constant 0 : i32
    %eq3A_2335 = vector.broadcast %eq3A_2334 : i32 to vector<64x128xi32>
    %eq3A_2336 = arith.cmpi eq, %and3A_2329, %eq3A_2335 : vector<64x128xi32>
    %select_n3A_2337 = arith.select %eq3A_2336, %roll3A_2331, %roll3A_2333 : vector<64x128xi1>, vector<64x128xf32>
    %iota3A_2338 = tpu.iota {dimensions = array<i32: 1>} : vector<64x128xi32>
    %and3A_2339 = arith.constant 4 : i32
    %and3A_2340 = vector.broadcast %and3A_2339 : i32 to vector<64x128xi32>
    %and3A_2341 = arith.andi %iota3A_2338, %and3A_2340 : vector<64x128xi32>
    %roll3A_2342 = arith.constant 124 : i32
    %roll3A_2343 = tpu.dynamic_rotate %select_n3A_2325 by %roll3A_2342 dim 1 : vector<64x128xi32>, i32 -> vector<64x128xi32>
    %roll3A_2344 = arith.constant 4 : i32
    %roll3A_2345 = tpu.dynamic_rotate %select_n3A_2325 by %roll3A_2344 dim 1 : vector<64x128xi32>, i32 -> vector<64x128xi32>
    %eq3A_2346 = arith.constant 0 : i32
    %eq3A_2347 = vector.broadcast %eq3A_2346 : i32 to vector<64x128xi32>
    %eq3A_2348 = arith.cmpi eq, %and3A_2341, %eq3A_2347 : vector<64x128xi32>
    %select_n3A_2349 = arith.select %eq3A_2348, %roll3A_2343, %roll3A_2345 : vector<64x128xi1>, vector<64x128xi32>
    %and3A_2350 = arith.constant 4 : i32
    %and3A_2351 = vector.broadcast %and3A_2350 : i32 to vector<64x128xi32>
    %and3A_2352 = arith.andi %add3A, %and3A_2351 : vector<64x128xi32>
    %eq3A_2353 = arith.constant 0 : i32
    %eq3A_2354 = vector.broadcast %eq3A_2353 : i32 to vector<64x128xi32>
    %eq3A_2355 = arith.cmpi eq, %and3A_2352, %eq3A_2354 : vector<64x128xi32>
    %gt3A_2356 = arith.cmpf ogt, %select_n3A_2324, %select_n3A_2337 : vector<64x128xf32>
    %eq3A_2357 = arith.cmpf oeq, %select_n3A_2324, %select_n3A_2337 : vector<64x128xf32>
    %lt3A_2358 = arith.cmpi slt, %select_n3A_2325, %select_n3A_2349 : vector<64x128xi32>
    %and3A_2359 = arith.andi %eq3A_2357, %lt3A_2358 : vector<64x128xi1>
    %or3A_2360 = arith.ori %gt3A_2356, %and3A_2359 : vector<64x128xi1>
    %eq3A_2361 = arith.xori %eq3A_2355, %eq3A_2024 : vector<64x128xi1>
    %eq3A_2362 = arith.constant dense<true> : vector<64x128xi1>
    %eq3A_2363 = arith.xori %eq3A_2361, %eq3A_2362 : vector<64x128xi1>
    %eq3A_2364 = arith.xori %eq3A_2363, %or3A_2360 : vector<64x128xi1>
    %eq3A_2365 = arith.constant dense<true> : vector<64x128xi1>
    %eq3A_2366 = arith.xori %eq3A_2364, %eq3A_2365 : vector<64x128xi1>
    %select_n3A_2367 = arith.select %eq3A_2366, %select_n3A_2324, %select_n3A_2337 : vector<64x128xi1>, vector<64x128xf32>
    %select_n3A_2368 = arith.select %eq3A_2366, %select_n3A_2325, %select_n3A_2349 : vector<64x128xi1>, vector<64x128xi32>
    %iota3A_2369 = tpu.iota {dimensions = array<i32: 1>} : vector<64x128xi32>
    %and3A_2370 = arith.constant 2 : i32
    %and3A_2371 = vector.broadcast %and3A_2370 : i32 to vector<64x128xi32>
    %and3A_2372 = arith.andi %iota3A_2369, %and3A_2371 : vector<64x128xi32>
    %roll3A_2373 = arith.constant 126 : i32
    %roll3A_2374 = tpu.dynamic_rotate %select_n3A_2367 by %roll3A_2373 dim 1 : vector<64x128xf32>, i32 -> vector<64x128xf32>
    %roll3A_2375 = arith.constant 2 : i32
    %roll3A_2376 = tpu.dynamic_rotate %select_n3A_2367 by %roll3A_2375 dim 1 : vector<64x128xf32>, i32 -> vector<64x128xf32>
    %eq3A_2377 = arith.constant 0 : i32
    %eq3A_2378 = vector.broadcast %eq3A_2377 : i32 to vector<64x128xi32>
    %eq3A_2379 = arith.cmpi eq, %and3A_2372, %eq3A_2378 : vector<64x128xi32>
    %select_n3A_2380 = arith.select %eq3A_2379, %roll3A_2374, %roll3A_2376 : vector<64x128xi1>, vector<64x128xf32>
    %iota3A_2381 = tpu.iota {dimensions = array<i32: 1>} : vector<64x128xi32>
    %and3A_2382 = arith.constant 2 : i32
    %and3A_2383 = vector.broadcast %and3A_2382 : i32 to vector<64x128xi32>
    %and3A_2384 = arith.andi %iota3A_2381, %and3A_2383 : vector<64x128xi32>
    %roll3A_2385 = arith.constant 126 : i32
    %roll3A_2386 = tpu.dynamic_rotate %select_n3A_2368 by %roll3A_2385 dim 1 : vector<64x128xi32>, i32 -> vector<64x128xi32>
    %roll3A_2387 = arith.constant 2 : i32
    %roll3A_2388 = tpu.dynamic_rotate %select_n3A_2368 by %roll3A_2387 dim 1 : vector<64x128xi32>, i32 -> vector<64x128xi32>
    %eq3A_2389 = arith.constant 0 : i32
    %eq3A_2390 = vector.broadcast %eq3A_2389 : i32 to vector<64x128xi32>
    %eq3A_2391 = arith.cmpi eq, %and3A_2384, %eq3A_2390 : vector<64x128xi32>
    %select_n3A_2392 = arith.select %eq3A_2391, %roll3A_2386, %roll3A_2388 : vector<64x128xi1>, vector<64x128xi32>
    %and3A_2393 = arith.constant 2 : i32
    %and3A_2394 = vector.broadcast %and3A_2393 : i32 to vector<64x128xi32>
    %and3A_2395 = arith.andi %add3A, %and3A_2394 : vector<64x128xi32>
    %eq3A_2396 = arith.constant 0 : i32
    %eq3A_2397 = vector.broadcast %eq3A_2396 : i32 to vector<64x128xi32>
    %eq3A_2398 = arith.cmpi eq, %and3A_2395, %eq3A_2397 : vector<64x128xi32>
    %gt3A_2399 = arith.cmpf ogt, %select_n3A_2367, %select_n3A_2380 : vector<64x128xf32>
    %eq3A_2400 = arith.cmpf oeq, %select_n3A_2367, %select_n3A_2380 : vector<64x128xf32>
    %lt3A_2401 = arith.cmpi slt, %select_n3A_2368, %select_n3A_2392 : vector<64x128xi32>
    %and3A_2402 = arith.andi %eq3A_2400, %lt3A_2401 : vector<64x128xi1>
    %or3A_2403 = arith.ori %gt3A_2399, %and3A_2402 : vector<64x128xi1>
    %eq3A_2404 = arith.xori %eq3A_2398, %eq3A_2024 : vector<64x128xi1>
    %eq3A_2405 = arith.constant dense<true> : vector<64x128xi1>
    %eq3A_2406 = arith.xori %eq3A_2404, %eq3A_2405 : vector<64x128xi1>
    %eq3A_2407 = arith.xori %eq3A_2406, %or3A_2403 : vector<64x128xi1>
    %eq3A_2408 = arith.constant dense<true> : vector<64x128xi1>
    %eq3A_2409 = arith.xori %eq3A_2407, %eq3A_2408 : vector<64x128xi1>
    %select_n3A_2410 = arith.select %eq3A_2409, %select_n3A_2367, %select_n3A_2380 : vector<64x128xi1>, vector<64x128xf32>
    %select_n3A_2411 = arith.select %eq3A_2409, %select_n3A_2368, %select_n3A_2392 : vector<64x128xi1>, vector<64x128xi32>
    %iota3A_2412 = tpu.iota {dimensions = array<i32: 1>} : vector<64x128xi32>
    %and3A_2413 = arith.constant 1 : i32
    %and3A_2414 = vector.broadcast %and3A_2413 : i32 to vector<64x128xi32>
    %and3A_2415 = arith.andi %iota3A_2412, %and3A_2414 : vector<64x128xi32>
    %roll3A_2416 = arith.constant 127 : i32
    %roll3A_2417 = tpu.dynamic_rotate %select_n3A_2410 by %roll3A_2416 dim 1 : vector<64x128xf32>, i32 -> vector<64x128xf32>
    %roll3A_2418 = arith.constant 1 : i32
    %roll3A_2419 = tpu.dynamic_rotate %select_n3A_2410 by %roll3A_2418 dim 1 : vector<64x128xf32>, i32 -> vector<64x128xf32>
    %eq3A_2420 = arith.constant 0 : i32
    %eq3A_2421 = vector.broadcast %eq3A_2420 : i32 to vector<64x128xi32>
    %eq3A_2422 = arith.cmpi eq, %and3A_2415, %eq3A_2421 : vector<64x128xi32>
    %select_n3A_2423 = arith.select %eq3A_2422, %roll3A_2417, %roll3A_2419 : vector<64x128xi1>, vector<64x128xf32>
    %iota3A_2424 = tpu.iota {dimensions = array<i32: 1>} : vector<64x128xi32>
    %and3A_2425 = arith.constant 1 : i32
    %and3A_2426 = vector.broadcast %and3A_2425 : i32 to vector<64x128xi32>
    %and3A_2427 = arith.andi %iota3A_2424, %and3A_2426 : vector<64x128xi32>
    %roll3A_2428 = arith.constant 127 : i32
    %roll3A_2429 = tpu.dynamic_rotate %select_n3A_2411 by %roll3A_2428 dim 1 : vector<64x128xi32>, i32 -> vector<64x128xi32>
    %roll3A_2430 = arith.constant 1 : i32
    %roll3A_2431 = tpu.dynamic_rotate %select_n3A_2411 by %roll3A_2430 dim 1 : vector<64x128xi32>, i32 -> vector<64x128xi32>
    %eq3A_2432 = arith.constant 0 : i32
    %eq3A_2433 = vector.broadcast %eq3A_2432 : i32 to vector<64x128xi32>
    %eq3A_2434 = arith.cmpi eq, %and3A_2427, %eq3A_2433 : vector<64x128xi32>
    %select_n3A_2435 = arith.select %eq3A_2434, %roll3A_2429, %roll3A_2431 : vector<64x128xi1>, vector<64x128xi32>
    %and3A_2436 = arith.constant 1 : i32
    %and3A_2437 = vector.broadcast %and3A_2436 : i32 to vector<64x128xi32>
    %and3A_2438 = arith.andi %add3A, %and3A_2437 : vector<64x128xi32>
    %eq3A_2439 = arith.constant 0 : i32
    %eq3A_2440 = vector.broadcast %eq3A_2439 : i32 to vector<64x128xi32>
    %eq3A_2441 = arith.cmpi eq, %and3A_2438, %eq3A_2440 : vector<64x128xi32>
    %gt3A_2442 = arith.cmpf ogt, %select_n3A_2410, %select_n3A_2423 : vector<64x128xf32>
    %eq3A_2443 = arith.cmpf oeq, %select_n3A_2410, %select_n3A_2423 : vector<64x128xf32>
    %lt3A_2444 = arith.cmpi slt, %select_n3A_2411, %select_n3A_2435 : vector<64x128xi32>
    %and3A_2445 = arith.andi %eq3A_2443, %lt3A_2444 : vector<64x128xi1>
    %or3A_2446 = arith.ori %gt3A_2442, %and3A_2445 : vector<64x128xi1>
    %eq3A_2447 = arith.xori %eq3A_2441, %eq3A_2024 : vector<64x128xi1>
    %eq3A_2448 = arith.constant dense<true> : vector<64x128xi1>
    %eq3A_2449 = arith.xori %eq3A_2447, %eq3A_2448 : vector<64x128xi1>
    %eq3A_2450 = arith.xori %eq3A_2449, %or3A_2446 : vector<64x128xi1>
    %eq3A_2451 = arith.constant dense<true> : vector<64x128xi1>
    %eq3A_2452 = arith.xori %eq3A_2450, %eq3A_2451 : vector<64x128xi1>
    %select_n3A_2453 = arith.select %eq3A_2452, %select_n3A_2410, %select_n3A_2423 : vector<64x128xi1>, vector<64x128xf32>
    %select_n3A_2454 = arith.select %eq3A_2452, %select_n3A_2411, %select_n3A_2435 : vector<64x128xi1>, vector<64x128xi32>
    %shift_right_arithmetic3A_2455 = arith.constant 11 : i32
    %shift_right_arithmetic3A_2456 = vector.broadcast %shift_right_arithmetic3A_2455 : i32 to vector<64x128xi32>
    %shift_right_arithmetic3A_2457 = arith.shrsi %add3A, %shift_right_arithmetic3A_2456 : vector<64x128xi32>
    %and3A_2458 = arith.constant 1 : i32
    %and3A_2459 = vector.broadcast %and3A_2458 : i32 to vector<64x128xi32>
    %and3A_2460 = arith.andi %shift_right_arithmetic3A_2457, %and3A_2459 : vector<64x128xi32>
    %eq3A_2461 = arith.constant 0 : i32
    %eq3A_2462 = vector.broadcast %eq3A_2461 : i32 to vector<64x128xi32>
    %eq3A_2463 = arith.cmpi eq, %and3A_2460, %eq3A_2462 : vector<64x128xi32>
    %iota3A_2464 = tpu.iota {dimensions = array<i32: 0>} : vector<64x128xi32>
    %and3A_2465 = arith.constant 8 : i32
    %and3A_2466 = vector.broadcast %and3A_2465 : i32 to vector<64x128xi32>
    %and3A_2467 = arith.andi %iota3A_2464, %and3A_2466 : vector<64x128xi32>
    %roll3A_2468 = arith.constant 56 : i32
    %roll3A_2469 = tpu.dynamic_rotate %select_n3A_2453 by %roll3A_2468 dim 0 : vector<64x128xf32>, i32 -> vector<64x128xf32>
    %roll3A_2470 = arith.constant 8 : i32
    %roll3A_2471 = tpu.dynamic_rotate %select_n3A_2453 by %roll3A_2470 dim 0 : vector<64x128xf32>, i32 -> vector<64x128xf32>
    %eq3A_2472 = arith.constant 0 : i32
    %eq3A_2473 = vector.broadcast %eq3A_2472 : i32 to vector<64x128xi32>
    %eq3A_2474 = arith.cmpi eq, %and3A_2467, %eq3A_2473 : vector<64x128xi32>
    %select_n3A_2475 = arith.select %eq3A_2474, %roll3A_2469, %roll3A_2471 : vector<64x128xi1>, vector<64x128xf32>
    %iota3A_2476 = tpu.iota {dimensions = array<i32: 0>} : vector<64x128xi32>
    %and3A_2477 = arith.constant 8 : i32
    %and3A_2478 = vector.broadcast %and3A_2477 : i32 to vector<64x128xi32>
    %and3A_2479 = arith.andi %iota3A_2476, %and3A_2478 : vector<64x128xi32>
    %roll3A_2480 = arith.constant 56 : i32
    %roll3A_2481 = tpu.dynamic_rotate %select_n3A_2454 by %roll3A_2480 dim 0 : vector<64x128xi32>, i32 -> vector<64x128xi32>
    %roll3A_2482 = arith.constant 8 : i32
    %roll3A_2483 = tpu.dynamic_rotate %select_n3A_2454 by %roll3A_2482 dim 0 : vector<64x128xi32>, i32 -> vector<64x128xi32>
    %eq3A_2484 = arith.constant 0 : i32
    %eq3A_2485 = vector.broadcast %eq3A_2484 : i32 to vector<64x128xi32>
    %eq3A_2486 = arith.cmpi eq, %and3A_2479, %eq3A_2485 : vector<64x128xi32>
    %select_n3A_2487 = arith.select %eq3A_2486, %roll3A_2481, %roll3A_2483 : vector<64x128xi1>, vector<64x128xi32>
    %and3A_2488 = arith.constant 1024 : i32
    %and3A_2489 = vector.broadcast %and3A_2488 : i32 to vector<64x128xi32>
    %and3A_2490 = arith.andi %add3A, %and3A_2489 : vector<64x128xi32>
    %eq3A_2491 = arith.constant 0 : i32
    %eq3A_2492 = vector.broadcast %eq3A_2491 : i32 to vector<64x128xi32>
    %eq3A_2493 = arith.cmpi eq, %and3A_2490, %eq3A_2492 : vector<64x128xi32>
    %gt3A_2494 = arith.cmpf ogt, %select_n3A_2453, %select_n3A_2475 : vector<64x128xf32>
    %eq3A_2495 = arith.cmpf oeq, %select_n3A_2453, %select_n3A_2475 : vector<64x128xf32>
    %lt3A_2496 = arith.cmpi slt, %select_n3A_2454, %select_n3A_2487 : vector<64x128xi32>
    %and3A_2497 = arith.andi %eq3A_2495, %lt3A_2496 : vector<64x128xi1>
    %or3A_2498 = arith.ori %gt3A_2494, %and3A_2497 : vector<64x128xi1>
    %eq3A_2499 = arith.xori %eq3A_2493, %eq3A_2463 : vector<64x128xi1>
    %eq3A_2500 = arith.constant dense<true> : vector<64x128xi1>
    %eq3A_2501 = arith.xori %eq3A_2499, %eq3A_2500 : vector<64x128xi1>
    %eq3A_2502 = arith.xori %eq3A_2501, %or3A_2498 : vector<64x128xi1>
    %eq3A_2503 = arith.constant dense<true> : vector<64x128xi1>
    %eq3A_2504 = arith.xori %eq3A_2502, %eq3A_2503 : vector<64x128xi1>
    %select_n3A_2505 = arith.select %eq3A_2504, %select_n3A_2453, %select_n3A_2475 : vector<64x128xi1>, vector<64x128xf32>
    %select_n3A_2506 = arith.select %eq3A_2504, %select_n3A_2454, %select_n3A_2487 : vector<64x128xi1>, vector<64x128xi32>
    %iota3A_2507 = tpu.iota {dimensions = array<i32: 0>} : vector<64x128xi32>
    %and3A_2508 = arith.constant 4 : i32
    %and3A_2509 = vector.broadcast %and3A_2508 : i32 to vector<64x128xi32>
    %and3A_2510 = arith.andi %iota3A_2507, %and3A_2509 : vector<64x128xi32>
    %roll3A_2511 = arith.constant 60 : i32
    %roll3A_2512 = tpu.dynamic_rotate %select_n3A_2505 by %roll3A_2511 dim 0 : vector<64x128xf32>, i32 -> vector<64x128xf32>
    %roll3A_2513 = arith.constant 4 : i32
    %roll3A_2514 = tpu.dynamic_rotate %select_n3A_2505 by %roll3A_2513 dim 0 : vector<64x128xf32>, i32 -> vector<64x128xf32>
    %eq3A_2515 = arith.constant 0 : i32
    %eq3A_2516 = vector.broadcast %eq3A_2515 : i32 to vector<64x128xi32>
    %eq3A_2517 = arith.cmpi eq, %and3A_2510, %eq3A_2516 : vector<64x128xi32>
    %select_n3A_2518 = arith.select %eq3A_2517, %roll3A_2512, %roll3A_2514 : vector<64x128xi1>, vector<64x128xf32>
    %iota3A_2519 = tpu.iota {dimensions = array<i32: 0>} : vector<64x128xi32>
    %and3A_2520 = arith.constant 4 : i32
    %and3A_2521 = vector.broadcast %and3A_2520 : i32 to vector<64x128xi32>
    %and3A_2522 = arith.andi %iota3A_2519, %and3A_2521 : vector<64x128xi32>
    %roll3A_2523 = arith.constant 60 : i32
    %roll3A_2524 = tpu.dynamic_rotate %select_n3A_2506 by %roll3A_2523 dim 0 : vector<64x128xi32>, i32 -> vector<64x128xi32>
    %roll3A_2525 = arith.constant 4 : i32
    %roll3A_2526 = tpu.dynamic_rotate %select_n3A_2506 by %roll3A_2525 dim 0 : vector<64x128xi32>, i32 -> vector<64x128xi32>
    %eq3A_2527 = arith.constant 0 : i32
    %eq3A_2528 = vector.broadcast %eq3A_2527 : i32 to vector<64x128xi32>
    %eq3A_2529 = arith.cmpi eq, %and3A_2522, %eq3A_2528 : vector<64x128xi32>
    %select_n3A_2530 = arith.select %eq3A_2529, %roll3A_2524, %roll3A_2526 : vector<64x128xi1>, vector<64x128xi32>
    %and3A_2531 = arith.constant 512 : i32
    %and3A_2532 = vector.broadcast %and3A_2531 : i32 to vector<64x128xi32>
    %and3A_2533 = arith.andi %add3A, %and3A_2532 : vector<64x128xi32>
    %eq3A_2534 = arith.constant 0 : i32
    %eq3A_2535 = vector.broadcast %eq3A_2534 : i32 to vector<64x128xi32>
    %eq3A_2536 = arith.cmpi eq, %and3A_2533, %eq3A_2535 : vector<64x128xi32>
    %gt3A_2537 = arith.cmpf ogt, %select_n3A_2505, %select_n3A_2518 : vector<64x128xf32>
    %eq3A_2538 = arith.cmpf oeq, %select_n3A_2505, %select_n3A_2518 : vector<64x128xf32>
    %lt3A_2539 = arith.cmpi slt, %select_n3A_2506, %select_n3A_2530 : vector<64x128xi32>
    %and3A_2540 = arith.andi %eq3A_2538, %lt3A_2539 : vector<64x128xi1>
    %or3A_2541 = arith.ori %gt3A_2537, %and3A_2540 : vector<64x128xi1>
    %eq3A_2542 = arith.xori %eq3A_2536, %eq3A_2463 : vector<64x128xi1>
    %eq3A_2543 = arith.constant dense<true> : vector<64x128xi1>
    %eq3A_2544 = arith.xori %eq3A_2542, %eq3A_2543 : vector<64x128xi1>
    %eq3A_2545 = arith.xori %eq3A_2544, %or3A_2541 : vector<64x128xi1>
    %eq3A_2546 = arith.constant dense<true> : vector<64x128xi1>
    %eq3A_2547 = arith.xori %eq3A_2545, %eq3A_2546 : vector<64x128xi1>
    %select_n3A_2548 = arith.select %eq3A_2547, %select_n3A_2505, %select_n3A_2518 : vector<64x128xi1>, vector<64x128xf32>
    %select_n3A_2549 = arith.select %eq3A_2547, %select_n3A_2506, %select_n3A_2530 : vector<64x128xi1>, vector<64x128xi32>
    %iota3A_2550 = tpu.iota {dimensions = array<i32: 0>} : vector<64x128xi32>
    %and3A_2551 = arith.constant 2 : i32
    %and3A_2552 = vector.broadcast %and3A_2551 : i32 to vector<64x128xi32>
    %and3A_2553 = arith.andi %iota3A_2550, %and3A_2552 : vector<64x128xi32>
    %roll3A_2554 = arith.constant 62 : i32
    %roll3A_2555 = tpu.dynamic_rotate %select_n3A_2548 by %roll3A_2554 dim 0 : vector<64x128xf32>, i32 -> vector<64x128xf32>
    %roll3A_2556 = arith.constant 2 : i32
    %roll3A_2557 = tpu.dynamic_rotate %select_n3A_2548 by %roll3A_2556 dim 0 : vector<64x128xf32>, i32 -> vector<64x128xf32>
    %eq3A_2558 = arith.constant 0 : i32
    %eq3A_2559 = vector.broadcast %eq3A_2558 : i32 to vector<64x128xi32>
    %eq3A_2560 = arith.cmpi eq, %and3A_2553, %eq3A_2559 : vector<64x128xi32>
    %select_n3A_2561 = arith.select %eq3A_2560, %roll3A_2555, %roll3A_2557 : vector<64x128xi1>, vector<64x128xf32>
    %iota3A_2562 = tpu.iota {dimensions = array<i32: 0>} : vector<64x128xi32>
    %and3A_2563 = arith.constant 2 : i32
    %and3A_2564 = vector.broadcast %and3A_2563 : i32 to vector<64x128xi32>
    %and3A_2565 = arith.andi %iota3A_2562, %and3A_2564 : vector<64x128xi32>
    %roll3A_2566 = arith.constant 62 : i32
    %roll3A_2567 = tpu.dynamic_rotate %select_n3A_2549 by %roll3A_2566 dim 0 : vector<64x128xi32>, i32 -> vector<64x128xi32>
    %roll3A_2568 = arith.constant 2 : i32
    %roll3A_2569 = tpu.dynamic_rotate %select_n3A_2549 by %roll3A_2568 dim 0 : vector<64x128xi32>, i32 -> vector<64x128xi32>
    %eq3A_2570 = arith.constant 0 : i32
    %eq3A_2571 = vector.broadcast %eq3A_2570 : i32 to vector<64x128xi32>
    %eq3A_2572 = arith.cmpi eq, %and3A_2565, %eq3A_2571 : vector<64x128xi32>
    %select_n3A_2573 = arith.select %eq3A_2572, %roll3A_2567, %roll3A_2569 : vector<64x128xi1>, vector<64x128xi32>
    %and3A_2574 = arith.constant 256 : i32
    %and3A_2575 = vector.broadcast %and3A_2574 : i32 to vector<64x128xi32>
    %and3A_2576 = arith.andi %add3A, %and3A_2575 : vector<64x128xi32>
    %eq3A_2577 = arith.constant 0 : i32
    %eq3A_2578 = vector.broadcast %eq3A_2577 : i32 to vector<64x128xi32>
    %eq3A_2579 = arith.cmpi eq, %and3A_2576, %eq3A_2578 : vector<64x128xi32>
    %gt3A_2580 = arith.cmpf ogt, %select_n3A_2548, %select_n3A_2561 : vector<64x128xf32>
    %eq3A_2581 = arith.cmpf oeq, %select_n3A_2548, %select_n3A_2561 : vector<64x128xf32>
    %lt3A_2582 = arith.cmpi slt, %select_n3A_2549, %select_n3A_2573 : vector<64x128xi32>
    %and3A_2583 = arith.andi %eq3A_2581, %lt3A_2582 : vector<64x128xi1>
    %or3A_2584 = arith.ori %gt3A_2580, %and3A_2583 : vector<64x128xi1>
    %eq3A_2585 = arith.xori %eq3A_2579, %eq3A_2463 : vector<64x128xi1>
    %eq3A_2586 = arith.constant dense<true> : vector<64x128xi1>
    %eq3A_2587 = arith.xori %eq3A_2585, %eq3A_2586 : vector<64x128xi1>
    %eq3A_2588 = arith.xori %eq3A_2587, %or3A_2584 : vector<64x128xi1>
    %eq3A_2589 = arith.constant dense<true> : vector<64x128xi1>
    %eq3A_2590 = arith.xori %eq3A_2588, %eq3A_2589 : vector<64x128xi1>
    %select_n3A_2591 = arith.select %eq3A_2590, %select_n3A_2548, %select_n3A_2561 : vector<64x128xi1>, vector<64x128xf32>
    %select_n3A_2592 = arith.select %eq3A_2590, %select_n3A_2549, %select_n3A_2573 : vector<64x128xi1>, vector<64x128xi32>
    %iota3A_2593 = tpu.iota {dimensions = array<i32: 0>} : vector<64x128xi32>
    %and3A_2594 = arith.constant 1 : i32
    %and3A_2595 = vector.broadcast %and3A_2594 : i32 to vector<64x128xi32>
    %and3A_2596 = arith.andi %iota3A_2593, %and3A_2595 : vector<64x128xi32>
    %roll3A_2597 = arith.constant 63 : i32
    %roll3A_2598 = tpu.dynamic_rotate %select_n3A_2591 by %roll3A_2597 dim 0 : vector<64x128xf32>, i32 -> vector<64x128xf32>
    %roll3A_2599 = arith.constant 1 : i32
    %roll3A_2600 = tpu.dynamic_rotate %select_n3A_2591 by %roll3A_2599 dim 0 : vector<64x128xf32>, i32 -> vector<64x128xf32>
    %eq3A_2601 = arith.constant 0 : i32
    %eq3A_2602 = vector.broadcast %eq3A_2601 : i32 to vector<64x128xi32>
    %eq3A_2603 = arith.cmpi eq, %and3A_2596, %eq3A_2602 : vector<64x128xi32>
    %select_n3A_2604 = arith.select %eq3A_2603, %roll3A_2598, %roll3A_2600 : vector<64x128xi1>, vector<64x128xf32>
    %iota3A_2605 = tpu.iota {dimensions = array<i32: 0>} : vector<64x128xi32>
    %and3A_2606 = arith.constant 1 : i32
    %and3A_2607 = vector.broadcast %and3A_2606 : i32 to vector<64x128xi32>
    %and3A_2608 = arith.andi %iota3A_2605, %and3A_2607 : vector<64x128xi32>
    %roll3A_2609 = arith.constant 63 : i32
    %roll3A_2610 = tpu.dynamic_rotate %select_n3A_2592 by %roll3A_2609 dim 0 : vector<64x128xi32>, i32 -> vector<64x128xi32>
    %roll3A_2611 = arith.constant 1 : i32
    %roll3A_2612 = tpu.dynamic_rotate %select_n3A_2592 by %roll3A_2611 dim 0 : vector<64x128xi32>, i32 -> vector<64x128xi32>
    %eq3A_2613 = arith.constant 0 : i32
    %eq3A_2614 = vector.broadcast %eq3A_2613 : i32 to vector<64x128xi32>
    %eq3A_2615 = arith.cmpi eq, %and3A_2608, %eq3A_2614 : vector<64x128xi32>
    %select_n3A_2616 = arith.select %eq3A_2615, %roll3A_2610, %roll3A_2612 : vector<64x128xi1>, vector<64x128xi32>
    %and3A_2617 = arith.constant 128 : i32
    %and3A_2618 = vector.broadcast %and3A_2617 : i32 to vector<64x128xi32>
    %and3A_2619 = arith.andi %add3A, %and3A_2618 : vector<64x128xi32>
    %eq3A_2620 = arith.constant 0 : i32
    %eq3A_2621 = vector.broadcast %eq3A_2620 : i32 to vector<64x128xi32>
    %eq3A_2622 = arith.cmpi eq, %and3A_2619, %eq3A_2621 : vector<64x128xi32>
    %gt3A_2623 = arith.cmpf ogt, %select_n3A_2591, %select_n3A_2604 : vector<64x128xf32>
    %eq3A_2624 = arith.cmpf oeq, %select_n3A_2591, %select_n3A_2604 : vector<64x128xf32>
    %lt3A_2625 = arith.cmpi slt, %select_n3A_2592, %select_n3A_2616 : vector<64x128xi32>
    %and3A_2626 = arith.andi %eq3A_2624, %lt3A_2625 : vector<64x128xi1>
    %or3A_2627 = arith.ori %gt3A_2623, %and3A_2626 : vector<64x128xi1>
    %eq3A_2628 = arith.xori %eq3A_2622, %eq3A_2463 : vector<64x128xi1>
    %eq3A_2629 = arith.constant dense<true> : vector<64x128xi1>
    %eq3A_2630 = arith.xori %eq3A_2628, %eq3A_2629 : vector<64x128xi1>
    %eq3A_2631 = arith.xori %eq3A_2630, %or3A_2627 : vector<64x128xi1>
    %eq3A_2632 = arith.constant dense<true> : vector<64x128xi1>
    %eq3A_2633 = arith.xori %eq3A_2631, %eq3A_2632 : vector<64x128xi1>
    %select_n3A_2634 = arith.select %eq3A_2633, %select_n3A_2591, %select_n3A_2604 : vector<64x128xi1>, vector<64x128xf32>
    %select_n3A_2635 = arith.select %eq3A_2633, %select_n3A_2592, %select_n3A_2616 : vector<64x128xi1>, vector<64x128xi32>
    %iota3A_2636 = tpu.iota {dimensions = array<i32: 1>} : vector<64x128xi32>
    %and3A_2637 = arith.constant 64 : i32
    %and3A_2638 = vector.broadcast %and3A_2637 : i32 to vector<64x128xi32>
    %and3A_2639 = arith.andi %iota3A_2636, %and3A_2638 : vector<64x128xi32>
    %roll3A_2640 = arith.constant 64 : i32
    %roll3A_2641 = tpu.dynamic_rotate %select_n3A_2634 by %roll3A_2640 dim 1 : vector<64x128xf32>, i32 -> vector<64x128xf32>
    %roll3A_2642 = arith.constant 64 : i32
    %roll3A_2643 = tpu.dynamic_rotate %select_n3A_2634 by %roll3A_2642 dim 1 : vector<64x128xf32>, i32 -> vector<64x128xf32>
    %eq3A_2644 = arith.constant 0 : i32
    %eq3A_2645 = vector.broadcast %eq3A_2644 : i32 to vector<64x128xi32>
    %eq3A_2646 = arith.cmpi eq, %and3A_2639, %eq3A_2645 : vector<64x128xi32>
    %select_n3A_2647 = arith.select %eq3A_2646, %roll3A_2641, %roll3A_2643 : vector<64x128xi1>, vector<64x128xf32>
    %iota3A_2648 = tpu.iota {dimensions = array<i32: 1>} : vector<64x128xi32>
    %and3A_2649 = arith.constant 64 : i32
    %and3A_2650 = vector.broadcast %and3A_2649 : i32 to vector<64x128xi32>
    %and3A_2651 = arith.andi %iota3A_2648, %and3A_2650 : vector<64x128xi32>
    %roll3A_2652 = arith.constant 64 : i32
    %roll3A_2653 = tpu.dynamic_rotate %select_n3A_2635 by %roll3A_2652 dim 1 : vector<64x128xi32>, i32 -> vector<64x128xi32>
    %roll3A_2654 = arith.constant 64 : i32
    %roll3A_2655 = tpu.dynamic_rotate %select_n3A_2635 by %roll3A_2654 dim 1 : vector<64x128xi32>, i32 -> vector<64x128xi32>
    %eq3A_2656 = arith.constant 0 : i32
    %eq3A_2657 = vector.broadcast %eq3A_2656 : i32 to vector<64x128xi32>
    %eq3A_2658 = arith.cmpi eq, %and3A_2651, %eq3A_2657 : vector<64x128xi32>
    %select_n3A_2659 = arith.select %eq3A_2658, %roll3A_2653, %roll3A_2655 : vector<64x128xi1>, vector<64x128xi32>
    %and3A_2660 = arith.constant 64 : i32
    %and3A_2661 = vector.broadcast %and3A_2660 : i32 to vector<64x128xi32>
    %and3A_2662 = arith.andi %add3A, %and3A_2661 : vector<64x128xi32>
    %eq3A_2663 = arith.constant 0 : i32
    %eq3A_2664 = vector.broadcast %eq3A_2663 : i32 to vector<64x128xi32>
    %eq3A_2665 = arith.cmpi eq, %and3A_2662, %eq3A_2664 : vector<64x128xi32>
    %gt3A_2666 = arith.cmpf ogt, %select_n3A_2634, %select_n3A_2647 : vector<64x128xf32>
    %eq3A_2667 = arith.cmpf oeq, %select_n3A_2634, %select_n3A_2647 : vector<64x128xf32>
    %lt3A_2668 = arith.cmpi slt, %select_n3A_2635, %select_n3A_2659 : vector<64x128xi32>
    %and3A_2669 = arith.andi %eq3A_2667, %lt3A_2668 : vector<64x128xi1>
    %or3A_2670 = arith.ori %gt3A_2666, %and3A_2669 : vector<64x128xi1>
    %eq3A_2671 = arith.xori %eq3A_2665, %eq3A_2463 : vector<64x128xi1>
    %eq3A_2672 = arith.constant dense<true> : vector<64x128xi1>
    %eq3A_2673 = arith.xori %eq3A_2671, %eq3A_2672 : vector<64x128xi1>
    %eq3A_2674 = arith.xori %eq3A_2673, %or3A_2670 : vector<64x128xi1>
    %eq3A_2675 = arith.constant dense<true> : vector<64x128xi1>
    %eq3A_2676 = arith.xori %eq3A_2674, %eq3A_2675 : vector<64x128xi1>
    %select_n3A_2677 = arith.select %eq3A_2676, %select_n3A_2634, %select_n3A_2647 : vector<64x128xi1>, vector<64x128xf32>
    %select_n3A_2678 = arith.select %eq3A_2676, %select_n3A_2635, %select_n3A_2659 : vector<64x128xi1>, vector<64x128xi32>
    %iota3A_2679 = tpu.iota {dimensions = array<i32: 1>} : vector<64x128xi32>
    %and3A_2680 = arith.constant 32 : i32
    %and3A_2681 = vector.broadcast %and3A_2680 : i32 to vector<64x128xi32>
    %and3A_2682 = arith.andi %iota3A_2679, %and3A_2681 : vector<64x128xi32>
    %roll3A_2683 = arith.constant 96 : i32
    %roll3A_2684 = tpu.dynamic_rotate %select_n3A_2677 by %roll3A_2683 dim 1 : vector<64x128xf32>, i32 -> vector<64x128xf32>
    %roll3A_2685 = arith.constant 32 : i32
    %roll3A_2686 = tpu.dynamic_rotate %select_n3A_2677 by %roll3A_2685 dim 1 : vector<64x128xf32>, i32 -> vector<64x128xf32>
    %eq3A_2687 = arith.constant 0 : i32
    %eq3A_2688 = vector.broadcast %eq3A_2687 : i32 to vector<64x128xi32>
    %eq3A_2689 = arith.cmpi eq, %and3A_2682, %eq3A_2688 : vector<64x128xi32>
    %select_n3A_2690 = arith.select %eq3A_2689, %roll3A_2684, %roll3A_2686 : vector<64x128xi1>, vector<64x128xf32>
    %iota3A_2691 = tpu.iota {dimensions = array<i32: 1>} : vector<64x128xi32>
    %and3A_2692 = arith.constant 32 : i32
    %and3A_2693 = vector.broadcast %and3A_2692 : i32 to vector<64x128xi32>
    %and3A_2694 = arith.andi %iota3A_2691, %and3A_2693 : vector<64x128xi32>
    %roll3A_2695 = arith.constant 96 : i32
    %roll3A_2696 = tpu.dynamic_rotate %select_n3A_2678 by %roll3A_2695 dim 1 : vector<64x128xi32>, i32 -> vector<64x128xi32>
    %roll3A_2697 = arith.constant 32 : i32
    %roll3A_2698 = tpu.dynamic_rotate %select_n3A_2678 by %roll3A_2697 dim 1 : vector<64x128xi32>, i32 -> vector<64x128xi32>
    %eq3A_2699 = arith.constant 0 : i32
    %eq3A_2700 = vector.broadcast %eq3A_2699 : i32 to vector<64x128xi32>
    %eq3A_2701 = arith.cmpi eq, %and3A_2694, %eq3A_2700 : vector<64x128xi32>
    %select_n3A_2702 = arith.select %eq3A_2701, %roll3A_2696, %roll3A_2698 : vector<64x128xi1>, vector<64x128xi32>
    %and3A_2703 = arith.constant 32 : i32
    %and3A_2704 = vector.broadcast %and3A_2703 : i32 to vector<64x128xi32>
    %and3A_2705 = arith.andi %add3A, %and3A_2704 : vector<64x128xi32>
    %eq3A_2706 = arith.constant 0 : i32
    %eq3A_2707 = vector.broadcast %eq3A_2706 : i32 to vector<64x128xi32>
    %eq3A_2708 = arith.cmpi eq, %and3A_2705, %eq3A_2707 : vector<64x128xi32>
    %gt3A_2709 = arith.cmpf ogt, %select_n3A_2677, %select_n3A_2690 : vector<64x128xf32>
    %eq3A_2710 = arith.cmpf oeq, %select_n3A_2677, %select_n3A_2690 : vector<64x128xf32>
    %lt3A_2711 = arith.cmpi slt, %select_n3A_2678, %select_n3A_2702 : vector<64x128xi32>
    %and3A_2712 = arith.andi %eq3A_2710, %lt3A_2711 : vector<64x128xi1>
    %or3A_2713 = arith.ori %gt3A_2709, %and3A_2712 : vector<64x128xi1>
    %eq3A_2714 = arith.xori %eq3A_2708, %eq3A_2463 : vector<64x128xi1>
    %eq3A_2715 = arith.constant dense<true> : vector<64x128xi1>
    %eq3A_2716 = arith.xori %eq3A_2714, %eq3A_2715 : vector<64x128xi1>
    %eq3A_2717 = arith.xori %eq3A_2716, %or3A_2713 : vector<64x128xi1>
    %eq3A_2718 = arith.constant dense<true> : vector<64x128xi1>
    %eq3A_2719 = arith.xori %eq3A_2717, %eq3A_2718 : vector<64x128xi1>
    %select_n3A_2720 = arith.select %eq3A_2719, %select_n3A_2677, %select_n3A_2690 : vector<64x128xi1>, vector<64x128xf32>
    %select_n3A_2721 = arith.select %eq3A_2719, %select_n3A_2678, %select_n3A_2702 : vector<64x128xi1>, vector<64x128xi32>
    %iota3A_2722 = tpu.iota {dimensions = array<i32: 1>} : vector<64x128xi32>
    %and3A_2723 = arith.constant 16 : i32
    %and3A_2724 = vector.broadcast %and3A_2723 : i32 to vector<64x128xi32>
    %and3A_2725 = arith.andi %iota3A_2722, %and3A_2724 : vector<64x128xi32>
    %roll3A_2726 = arith.constant 112 : i32
    %roll3A_2727 = tpu.dynamic_rotate %select_n3A_2720 by %roll3A_2726 dim 1 : vector<64x128xf32>, i32 -> vector<64x128xf32>
    %roll3A_2728 = arith.constant 16 : i32
    %roll3A_2729 = tpu.dynamic_rotate %select_n3A_2720 by %roll3A_2728 dim 1 : vector<64x128xf32>, i32 -> vector<64x128xf32>
    %eq3A_2730 = arith.constant 0 : i32
    %eq3A_2731 = vector.broadcast %eq3A_2730 : i32 to vector<64x128xi32>
    %eq3A_2732 = arith.cmpi eq, %and3A_2725, %eq3A_2731 : vector<64x128xi32>
    %select_n3A_2733 = arith.select %eq3A_2732, %roll3A_2727, %roll3A_2729 : vector<64x128xi1>, vector<64x128xf32>
    %iota3A_2734 = tpu.iota {dimensions = array<i32: 1>} : vector<64x128xi32>
    %and3A_2735 = arith.constant 16 : i32
    %and3A_2736 = vector.broadcast %and3A_2735 : i32 to vector<64x128xi32>
    %and3A_2737 = arith.andi %iota3A_2734, %and3A_2736 : vector<64x128xi32>
    %roll3A_2738 = arith.constant 112 : i32
    %roll3A_2739 = tpu.dynamic_rotate %select_n3A_2721 by %roll3A_2738 dim 1 : vector<64x128xi32>, i32 -> vector<64x128xi32>
    %roll3A_2740 = arith.constant 16 : i32
    %roll3A_2741 = tpu.dynamic_rotate %select_n3A_2721 by %roll3A_2740 dim 1 : vector<64x128xi32>, i32 -> vector<64x128xi32>
    %eq3A_2742 = arith.constant 0 : i32
    %eq3A_2743 = vector.broadcast %eq3A_2742 : i32 to vector<64x128xi32>
    %eq3A_2744 = arith.cmpi eq, %and3A_2737, %eq3A_2743 : vector<64x128xi32>
    %select_n3A_2745 = arith.select %eq3A_2744, %roll3A_2739, %roll3A_2741 : vector<64x128xi1>, vector<64x128xi32>
    %and3A_2746 = arith.constant 16 : i32
    %and3A_2747 = vector.broadcast %and3A_2746 : i32 to vector<64x128xi32>
    %and3A_2748 = arith.andi %add3A, %and3A_2747 : vector<64x128xi32>
    %eq3A_2749 = arith.constant 0 : i32
    %eq3A_2750 = vector.broadcast %eq3A_2749 : i32 to vector<64x128xi32>
    %eq3A_2751 = arith.cmpi eq, %and3A_2748, %eq3A_2750 : vector<64x128xi32>
    %gt3A_2752 = arith.cmpf ogt, %select_n3A_2720, %select_n3A_2733 : vector<64x128xf32>
    %eq3A_2753 = arith.cmpf oeq, %select_n3A_2720, %select_n3A_2733 : vector<64x128xf32>
    %lt3A_2754 = arith.cmpi slt, %select_n3A_2721, %select_n3A_2745 : vector<64x128xi32>
    %and3A_2755 = arith.andi %eq3A_2753, %lt3A_2754 : vector<64x128xi1>
    %or3A_2756 = arith.ori %gt3A_2752, %and3A_2755 : vector<64x128xi1>
    %eq3A_2757 = arith.xori %eq3A_2751, %eq3A_2463 : vector<64x128xi1>
    %eq3A_2758 = arith.constant dense<true> : vector<64x128xi1>
    %eq3A_2759 = arith.xori %eq3A_2757, %eq3A_2758 : vector<64x128xi1>
    %eq3A_2760 = arith.xori %eq3A_2759, %or3A_2756 : vector<64x128xi1>
    %eq3A_2761 = arith.constant dense<true> : vector<64x128xi1>
    %eq3A_2762 = arith.xori %eq3A_2760, %eq3A_2761 : vector<64x128xi1>
    %select_n3A_2763 = arith.select %eq3A_2762, %select_n3A_2720, %select_n3A_2733 : vector<64x128xi1>, vector<64x128xf32>
    %select_n3A_2764 = arith.select %eq3A_2762, %select_n3A_2721, %select_n3A_2745 : vector<64x128xi1>, vector<64x128xi32>
    %iota3A_2765 = tpu.iota {dimensions = array<i32: 1>} : vector<64x128xi32>
    %and3A_2766 = arith.constant 8 : i32
    %and3A_2767 = vector.broadcast %and3A_2766 : i32 to vector<64x128xi32>
    %and3A_2768 = arith.andi %iota3A_2765, %and3A_2767 : vector<64x128xi32>
    %roll3A_2769 = arith.constant 120 : i32
    %roll3A_2770 = tpu.dynamic_rotate %select_n3A_2763 by %roll3A_2769 dim 1 : vector<64x128xf32>, i32 -> vector<64x128xf32>
    %roll3A_2771 = arith.constant 8 : i32
    %roll3A_2772 = tpu.dynamic_rotate %select_n3A_2763 by %roll3A_2771 dim 1 : vector<64x128xf32>, i32 -> vector<64x128xf32>
    %eq3A_2773 = arith.constant 0 : i32
    %eq3A_2774 = vector.broadcast %eq3A_2773 : i32 to vector<64x128xi32>
    %eq3A_2775 = arith.cmpi eq, %and3A_2768, %eq3A_2774 : vector<64x128xi32>
    %select_n3A_2776 = arith.select %eq3A_2775, %roll3A_2770, %roll3A_2772 : vector<64x128xi1>, vector<64x128xf32>
    %iota3A_2777 = tpu.iota {dimensions = array<i32: 1>} : vector<64x128xi32>
    %and3A_2778 = arith.constant 8 : i32
    %and3A_2779 = vector.broadcast %and3A_2778 : i32 to vector<64x128xi32>
    %and3A_2780 = arith.andi %iota3A_2777, %and3A_2779 : vector<64x128xi32>
    %roll3A_2781 = arith.constant 120 : i32
    %roll3A_2782 = tpu.dynamic_rotate %select_n3A_2764 by %roll3A_2781 dim 1 : vector<64x128xi32>, i32 -> vector<64x128xi32>
    %roll3A_2783 = arith.constant 8 : i32
    %roll3A_2784 = tpu.dynamic_rotate %select_n3A_2764 by %roll3A_2783 dim 1 : vector<64x128xi32>, i32 -> vector<64x128xi32>
    %eq3A_2785 = arith.constant 0 : i32
    %eq3A_2786 = vector.broadcast %eq3A_2785 : i32 to vector<64x128xi32>
    %eq3A_2787 = arith.cmpi eq, %and3A_2780, %eq3A_2786 : vector<64x128xi32>
    %select_n3A_2788 = arith.select %eq3A_2787, %roll3A_2782, %roll3A_2784 : vector<64x128xi1>, vector<64x128xi32>
    %and3A_2789 = arith.constant 8 : i32
    %and3A_2790 = vector.broadcast %and3A_2789 : i32 to vector<64x128xi32>
    %and3A_2791 = arith.andi %add3A, %and3A_2790 : vector<64x128xi32>
    %eq3A_2792 = arith.constant 0 : i32
    %eq3A_2793 = vector.broadcast %eq3A_2792 : i32 to vector<64x128xi32>
    %eq3A_2794 = arith.cmpi eq, %and3A_2791, %eq3A_2793 : vector<64x128xi32>
    %gt3A_2795 = arith.cmpf ogt, %select_n3A_2763, %select_n3A_2776 : vector<64x128xf32>
    %eq3A_2796 = arith.cmpf oeq, %select_n3A_2763, %select_n3A_2776 : vector<64x128xf32>
    %lt3A_2797 = arith.cmpi slt, %select_n3A_2764, %select_n3A_2788 : vector<64x128xi32>
    %and3A_2798 = arith.andi %eq3A_2796, %lt3A_2797 : vector<64x128xi1>
    %or3A_2799 = arith.ori %gt3A_2795, %and3A_2798 : vector<64x128xi1>
    %eq3A_2800 = arith.xori %eq3A_2794, %eq3A_2463 : vector<64x128xi1>
    %eq3A_2801 = arith.constant dense<true> : vector<64x128xi1>
    %eq3A_2802 = arith.xori %eq3A_2800, %eq3A_2801 : vector<64x128xi1>
    %eq3A_2803 = arith.xori %eq3A_2802, %or3A_2799 : vector<64x128xi1>
    %eq3A_2804 = arith.constant dense<true> : vector<64x128xi1>
    %eq3A_2805 = arith.xori %eq3A_2803, %eq3A_2804 : vector<64x128xi1>
    %select_n3A_2806 = arith.select %eq3A_2805, %select_n3A_2763, %select_n3A_2776 : vector<64x128xi1>, vector<64x128xf32>
    %select_n3A_2807 = arith.select %eq3A_2805, %select_n3A_2764, %select_n3A_2788 : vector<64x128xi1>, vector<64x128xi32>
    %iota3A_2808 = tpu.iota {dimensions = array<i32: 1>} : vector<64x128xi32>
    %and3A_2809 = arith.constant 4 : i32
    %and3A_2810 = vector.broadcast %and3A_2809 : i32 to vector<64x128xi32>
    %and3A_2811 = arith.andi %iota3A_2808, %and3A_2810 : vector<64x128xi32>
    %roll3A_2812 = arith.constant 124 : i32
    %roll3A_2813 = tpu.dynamic_rotate %select_n3A_2806 by %roll3A_2812 dim 1 : vector<64x128xf32>, i32 -> vector<64x128xf32>
    %roll3A_2814 = arith.constant 4 : i32
    %roll3A_2815 = tpu.dynamic_rotate %select_n3A_2806 by %roll3A_2814 dim 1 : vector<64x128xf32>, i32 -> vector<64x128xf32>
    %eq3A_2816 = arith.constant 0 : i32
    %eq3A_2817 = vector.broadcast %eq3A_2816 : i32 to vector<64x128xi32>
    %eq3A_2818 = arith.cmpi eq, %and3A_2811, %eq3A_2817 : vector<64x128xi32>
    %select_n3A_2819 = arith.select %eq3A_2818, %roll3A_2813, %roll3A_2815 : vector<64x128xi1>, vector<64x128xf32>
    %iota3A_2820 = tpu.iota {dimensions = array<i32: 1>} : vector<64x128xi32>
    %and3A_2821 = arith.constant 4 : i32
    %and3A_2822 = vector.broadcast %and3A_2821 : i32 to vector<64x128xi32>
    %and3A_2823 = arith.andi %iota3A_2820, %and3A_2822 : vector<64x128xi32>
    %roll3A_2824 = arith.constant 124 : i32
    %roll3A_2825 = tpu.dynamic_rotate %select_n3A_2807 by %roll3A_2824 dim 1 : vector<64x128xi32>, i32 -> vector<64x128xi32>
    %roll3A_2826 = arith.constant 4 : i32
    %roll3A_2827 = tpu.dynamic_rotate %select_n3A_2807 by %roll3A_2826 dim 1 : vector<64x128xi32>, i32 -> vector<64x128xi32>
    %eq3A_2828 = arith.constant 0 : i32
    %eq3A_2829 = vector.broadcast %eq3A_2828 : i32 to vector<64x128xi32>
    %eq3A_2830 = arith.cmpi eq, %and3A_2823, %eq3A_2829 : vector<64x128xi32>
    %select_n3A_2831 = arith.select %eq3A_2830, %roll3A_2825, %roll3A_2827 : vector<64x128xi1>, vector<64x128xi32>
    %and3A_2832 = arith.constant 4 : i32
    %and3A_2833 = vector.broadcast %and3A_2832 : i32 to vector<64x128xi32>
    %and3A_2834 = arith.andi %add3A, %and3A_2833 : vector<64x128xi32>
    %eq3A_2835 = arith.constant 0 : i32
    %eq3A_2836 = vector.broadcast %eq3A_2835 : i32 to vector<64x128xi32>
    %eq3A_2837 = arith.cmpi eq, %and3A_2834, %eq3A_2836 : vector<64x128xi32>
    %gt3A_2838 = arith.cmpf ogt, %select_n3A_2806, %select_n3A_2819 : vector<64x128xf32>
    %eq3A_2839 = arith.cmpf oeq, %select_n3A_2806, %select_n3A_2819 : vector<64x128xf32>
    %lt3A_2840 = arith.cmpi slt, %select_n3A_2807, %select_n3A_2831 : vector<64x128xi32>
    %and3A_2841 = arith.andi %eq3A_2839, %lt3A_2840 : vector<64x128xi1>
    %or3A_2842 = arith.ori %gt3A_2838, %and3A_2841 : vector<64x128xi1>
    %eq3A_2843 = arith.xori %eq3A_2837, %eq3A_2463 : vector<64x128xi1>
    %eq3A_2844 = arith.constant dense<true> : vector<64x128xi1>
    %eq3A_2845 = arith.xori %eq3A_2843, %eq3A_2844 : vector<64x128xi1>
    %eq3A_2846 = arith.xori %eq3A_2845, %or3A_2842 : vector<64x128xi1>
    %eq3A_2847 = arith.constant dense<true> : vector<64x128xi1>
    %eq3A_2848 = arith.xori %eq3A_2846, %eq3A_2847 : vector<64x128xi1>
    %select_n3A_2849 = arith.select %eq3A_2848, %select_n3A_2806, %select_n3A_2819 : vector<64x128xi1>, vector<64x128xf32>
    %select_n3A_2850 = arith.select %eq3A_2848, %select_n3A_2807, %select_n3A_2831 : vector<64x128xi1>, vector<64x128xi32>
    %iota3A_2851 = tpu.iota {dimensions = array<i32: 1>} : vector<64x128xi32>
    %and3A_2852 = arith.constant 2 : i32
    %and3A_2853 = vector.broadcast %and3A_2852 : i32 to vector<64x128xi32>
    %and3A_2854 = arith.andi %iota3A_2851, %and3A_2853 : vector<64x128xi32>
    %roll3A_2855 = arith.constant 126 : i32
    %roll3A_2856 = tpu.dynamic_rotate %select_n3A_2849 by %roll3A_2855 dim 1 : vector<64x128xf32>, i32 -> vector<64x128xf32>
    %roll3A_2857 = arith.constant 2 : i32
    %roll3A_2858 = tpu.dynamic_rotate %select_n3A_2849 by %roll3A_2857 dim 1 : vector<64x128xf32>, i32 -> vector<64x128xf32>
    %eq3A_2859 = arith.constant 0 : i32
    %eq3A_2860 = vector.broadcast %eq3A_2859 : i32 to vector<64x128xi32>
    %eq3A_2861 = arith.cmpi eq, %and3A_2854, %eq3A_2860 : vector<64x128xi32>
    %select_n3A_2862 = arith.select %eq3A_2861, %roll3A_2856, %roll3A_2858 : vector<64x128xi1>, vector<64x128xf32>
    %iota3A_2863 = tpu.iota {dimensions = array<i32: 1>} : vector<64x128xi32>
    %and3A_2864 = arith.constant 2 : i32
    %and3A_2865 = vector.broadcast %and3A_2864 : i32 to vector<64x128xi32>
    %and3A_2866 = arith.andi %iota3A_2863, %and3A_2865 : vector<64x128xi32>
    %roll3A_2867 = arith.constant 126 : i32
    %roll3A_2868 = tpu.dynamic_rotate %select_n3A_2850 by %roll3A_2867 dim 1 : vector<64x128xi32>, i32 -> vector<64x128xi32>
    %roll3A_2869 = arith.constant 2 : i32
    %roll3A_2870 = tpu.dynamic_rotate %select_n3A_2850 by %roll3A_2869 dim 1 : vector<64x128xi32>, i32 -> vector<64x128xi32>
    %eq3A_2871 = arith.constant 0 : i32
    %eq3A_2872 = vector.broadcast %eq3A_2871 : i32 to vector<64x128xi32>
    %eq3A_2873 = arith.cmpi eq, %and3A_2866, %eq3A_2872 : vector<64x128xi32>
    %select_n3A_2874 = arith.select %eq3A_2873, %roll3A_2868, %roll3A_2870 : vector<64x128xi1>, vector<64x128xi32>
    %and3A_2875 = arith.constant 2 : i32
    %and3A_2876 = vector.broadcast %and3A_2875 : i32 to vector<64x128xi32>
    %and3A_2877 = arith.andi %add3A, %and3A_2876 : vector<64x128xi32>
    %eq3A_2878 = arith.constant 0 : i32
    %eq3A_2879 = vector.broadcast %eq3A_2878 : i32 to vector<64x128xi32>
    %eq3A_2880 = arith.cmpi eq, %and3A_2877, %eq3A_2879 : vector<64x128xi32>
    %gt3A_2881 = arith.cmpf ogt, %select_n3A_2849, %select_n3A_2862 : vector<64x128xf32>
    %eq3A_2882 = arith.cmpf oeq, %select_n3A_2849, %select_n3A_2862 : vector<64x128xf32>
    %lt3A_2883 = arith.cmpi slt, %select_n3A_2850, %select_n3A_2874 : vector<64x128xi32>
    %and3A_2884 = arith.andi %eq3A_2882, %lt3A_2883 : vector<64x128xi1>
    %or3A_2885 = arith.ori %gt3A_2881, %and3A_2884 : vector<64x128xi1>
    %eq3A_2886 = arith.xori %eq3A_2880, %eq3A_2463 : vector<64x128xi1>
    %eq3A_2887 = arith.constant dense<true> : vector<64x128xi1>
    %eq3A_2888 = arith.xori %eq3A_2886, %eq3A_2887 : vector<64x128xi1>
    %eq3A_2889 = arith.xori %eq3A_2888, %or3A_2885 : vector<64x128xi1>
    %eq3A_2890 = arith.constant dense<true> : vector<64x128xi1>
    %eq3A_2891 = arith.xori %eq3A_2889, %eq3A_2890 : vector<64x128xi1>
    %select_n3A_2892 = arith.select %eq3A_2891, %select_n3A_2849, %select_n3A_2862 : vector<64x128xi1>, vector<64x128xf32>
    %select_n3A_2893 = arith.select %eq3A_2891, %select_n3A_2850, %select_n3A_2874 : vector<64x128xi1>, vector<64x128xi32>
    %iota3A_2894 = tpu.iota {dimensions = array<i32: 1>} : vector<64x128xi32>
    %and3A_2895 = arith.constant 1 : i32
    %and3A_2896 = vector.broadcast %and3A_2895 : i32 to vector<64x128xi32>
    %and3A_2897 = arith.andi %iota3A_2894, %and3A_2896 : vector<64x128xi32>
    %roll3A_2898 = arith.constant 127 : i32
    %roll3A_2899 = tpu.dynamic_rotate %select_n3A_2892 by %roll3A_2898 dim 1 : vector<64x128xf32>, i32 -> vector<64x128xf32>
    %roll3A_2900 = arith.constant 1 : i32
    %roll3A_2901 = tpu.dynamic_rotate %select_n3A_2892 by %roll3A_2900 dim 1 : vector<64x128xf32>, i32 -> vector<64x128xf32>
    %eq3A_2902 = arith.constant 0 : i32
    %eq3A_2903 = vector.broadcast %eq3A_2902 : i32 to vector<64x128xi32>
    %eq3A_2904 = arith.cmpi eq, %and3A_2897, %eq3A_2903 : vector<64x128xi32>
    %select_n3A_2905 = arith.select %eq3A_2904, %roll3A_2899, %roll3A_2901 : vector<64x128xi1>, vector<64x128xf32>
    %iota3A_2906 = tpu.iota {dimensions = array<i32: 1>} : vector<64x128xi32>
    %and3A_2907 = arith.constant 1 : i32
    %and3A_2908 = vector.broadcast %and3A_2907 : i32 to vector<64x128xi32>
    %and3A_2909 = arith.andi %iota3A_2906, %and3A_2908 : vector<64x128xi32>
    %roll3A_2910 = arith.constant 127 : i32
    %roll3A_2911 = tpu.dynamic_rotate %select_n3A_2893 by %roll3A_2910 dim 1 : vector<64x128xi32>, i32 -> vector<64x128xi32>
    %roll3A_2912 = arith.constant 1 : i32
    %roll3A_2913 = tpu.dynamic_rotate %select_n3A_2893 by %roll3A_2912 dim 1 : vector<64x128xi32>, i32 -> vector<64x128xi32>
    %eq3A_2914 = arith.constant 0 : i32
    %eq3A_2915 = vector.broadcast %eq3A_2914 : i32 to vector<64x128xi32>
    %eq3A_2916 = arith.cmpi eq, %and3A_2909, %eq3A_2915 : vector<64x128xi32>
    %select_n3A_2917 = arith.select %eq3A_2916, %roll3A_2911, %roll3A_2913 : vector<64x128xi1>, vector<64x128xi32>
    %and3A_2918 = arith.constant 1 : i32
    %and3A_2919 = vector.broadcast %and3A_2918 : i32 to vector<64x128xi32>
    %and3A_2920 = arith.andi %add3A, %and3A_2919 : vector<64x128xi32>
    %eq3A_2921 = arith.constant 0 : i32
    %eq3A_2922 = vector.broadcast %eq3A_2921 : i32 to vector<64x128xi32>
    %eq3A_2923 = arith.cmpi eq, %and3A_2920, %eq3A_2922 : vector<64x128xi32>
    %gt3A_2924 = arith.cmpf ogt, %select_n3A_2892, %select_n3A_2905 : vector<64x128xf32>
    %eq3A_2925 = arith.cmpf oeq, %select_n3A_2892, %select_n3A_2905 : vector<64x128xf32>
    %lt3A_2926 = arith.cmpi slt, %select_n3A_2893, %select_n3A_2917 : vector<64x128xi32>
    %and3A_2927 = arith.andi %eq3A_2925, %lt3A_2926 : vector<64x128xi1>
    %or3A_2928 = arith.ori %gt3A_2924, %and3A_2927 : vector<64x128xi1>
    %eq3A_2929 = arith.xori %eq3A_2923, %eq3A_2463 : vector<64x128xi1>
    %eq3A_2930 = arith.constant dense<true> : vector<64x128xi1>
    %eq3A_2931 = arith.xori %eq3A_2929, %eq3A_2930 : vector<64x128xi1>
    %eq3A_2932 = arith.xori %eq3A_2931, %or3A_2928 : vector<64x128xi1>
    %eq3A_2933 = arith.constant dense<true> : vector<64x128xi1>
    %eq3A_2934 = arith.xori %eq3A_2932, %eq3A_2933 : vector<64x128xi1>
    %select_n3A_2935 = arith.select %eq3A_2934, %select_n3A_2892, %select_n3A_2905 : vector<64x128xi1>, vector<64x128xf32>
    %select_n3A_2936 = arith.select %eq3A_2934, %select_n3A_2893, %select_n3A_2917 : vector<64x128xi1>, vector<64x128xi32>
    %shift_right_arithmetic3A_2937 = arith.constant 12 : i32
    %shift_right_arithmetic3A_2938 = vector.broadcast %shift_right_arithmetic3A_2937 : i32 to vector<64x128xi32>
    %shift_right_arithmetic3A_2939 = arith.shrsi %add3A, %shift_right_arithmetic3A_2938 : vector<64x128xi32>
    %and3A_2940 = arith.constant 1 : i32
    %and3A_2941 = vector.broadcast %and3A_2940 : i32 to vector<64x128xi32>
    %and3A_2942 = arith.andi %shift_right_arithmetic3A_2939, %and3A_2941 : vector<64x128xi32>
    %eq3A_2943 = arith.constant 0 : i32
    %eq3A_2944 = vector.broadcast %eq3A_2943 : i32 to vector<64x128xi32>
    %eq3A_2945 = arith.cmpi eq, %and3A_2942, %eq3A_2944 : vector<64x128xi32>
    %iota3A_2946 = tpu.iota {dimensions = array<i32: 0>} : vector<64x128xi32>
    %and3A_2947 = arith.constant 16 : i32
    %and3A_2948 = vector.broadcast %and3A_2947 : i32 to vector<64x128xi32>
    %and3A_2949 = arith.andi %iota3A_2946, %and3A_2948 : vector<64x128xi32>
    %roll3A_2950 = arith.constant 48 : i32
    %roll3A_2951 = tpu.dynamic_rotate %select_n3A_2935 by %roll3A_2950 dim 0 : vector<64x128xf32>, i32 -> vector<64x128xf32>
    %roll3A_2952 = arith.constant 16 : i32
    %roll3A_2953 = tpu.dynamic_rotate %select_n3A_2935 by %roll3A_2952 dim 0 : vector<64x128xf32>, i32 -> vector<64x128xf32>
    %eq3A_2954 = arith.constant 0 : i32
    %eq3A_2955 = vector.broadcast %eq3A_2954 : i32 to vector<64x128xi32>
    %eq3A_2956 = arith.cmpi eq, %and3A_2949, %eq3A_2955 : vector<64x128xi32>
    %select_n3A_2957 = arith.select %eq3A_2956, %roll3A_2951, %roll3A_2953 : vector<64x128xi1>, vector<64x128xf32>
    %iota3A_2958 = tpu.iota {dimensions = array<i32: 0>} : vector<64x128xi32>
    %and3A_2959 = arith.constant 16 : i32
    %and3A_2960 = vector.broadcast %and3A_2959 : i32 to vector<64x128xi32>
    %and3A_2961 = arith.andi %iota3A_2958, %and3A_2960 : vector<64x128xi32>
    %roll3A_2962 = arith.constant 48 : i32
    %roll3A_2963 = tpu.dynamic_rotate %select_n3A_2936 by %roll3A_2962 dim 0 : vector<64x128xi32>, i32 -> vector<64x128xi32>
    %roll3A_2964 = arith.constant 16 : i32
    %roll3A_2965 = tpu.dynamic_rotate %select_n3A_2936 by %roll3A_2964 dim 0 : vector<64x128xi32>, i32 -> vector<64x128xi32>
    %eq3A_2966 = arith.constant 0 : i32
    %eq3A_2967 = vector.broadcast %eq3A_2966 : i32 to vector<64x128xi32>
    %eq3A_2968 = arith.cmpi eq, %and3A_2961, %eq3A_2967 : vector<64x128xi32>
    %select_n3A_2969 = arith.select %eq3A_2968, %roll3A_2963, %roll3A_2965 : vector<64x128xi1>, vector<64x128xi32>
    %and3A_2970 = arith.constant 2048 : i32
    %and3A_2971 = vector.broadcast %and3A_2970 : i32 to vector<64x128xi32>
    %and3A_2972 = arith.andi %add3A, %and3A_2971 : vector<64x128xi32>
    %eq3A_2973 = arith.constant 0 : i32
    %eq3A_2974 = vector.broadcast %eq3A_2973 : i32 to vector<64x128xi32>
    %eq3A_2975 = arith.cmpi eq, %and3A_2972, %eq3A_2974 : vector<64x128xi32>
    %gt3A_2976 = arith.cmpf ogt, %select_n3A_2935, %select_n3A_2957 : vector<64x128xf32>
    %eq3A_2977 = arith.cmpf oeq, %select_n3A_2935, %select_n3A_2957 : vector<64x128xf32>
    %lt3A_2978 = arith.cmpi slt, %select_n3A_2936, %select_n3A_2969 : vector<64x128xi32>
    %and3A_2979 = arith.andi %eq3A_2977, %lt3A_2978 : vector<64x128xi1>
    %or3A_2980 = arith.ori %gt3A_2976, %and3A_2979 : vector<64x128xi1>
    %eq3A_2981 = arith.xori %eq3A_2975, %eq3A_2945 : vector<64x128xi1>
    %eq3A_2982 = arith.constant dense<true> : vector<64x128xi1>
    %eq3A_2983 = arith.xori %eq3A_2981, %eq3A_2982 : vector<64x128xi1>
    %eq3A_2984 = arith.xori %eq3A_2983, %or3A_2980 : vector<64x128xi1>
    %eq3A_2985 = arith.constant dense<true> : vector<64x128xi1>
    %eq3A_2986 = arith.xori %eq3A_2984, %eq3A_2985 : vector<64x128xi1>
    %select_n3A_2987 = arith.select %eq3A_2986, %select_n3A_2935, %select_n3A_2957 : vector<64x128xi1>, vector<64x128xf32>
    %select_n3A_2988 = arith.select %eq3A_2986, %select_n3A_2936, %select_n3A_2969 : vector<64x128xi1>, vector<64x128xi32>
    %iota3A_2989 = tpu.iota {dimensions = array<i32: 0>} : vector<64x128xi32>
    %and3A_2990 = arith.constant 8 : i32
    %and3A_2991 = vector.broadcast %and3A_2990 : i32 to vector<64x128xi32>
    %and3A_2992 = arith.andi %iota3A_2989, %and3A_2991 : vector<64x128xi32>
    %roll3A_2993 = arith.constant 56 : i32
    %roll3A_2994 = tpu.dynamic_rotate %select_n3A_2987 by %roll3A_2993 dim 0 : vector<64x128xf32>, i32 -> vector<64x128xf32>
    %roll3A_2995 = arith.constant 8 : i32
    %roll3A_2996 = tpu.dynamic_rotate %select_n3A_2987 by %roll3A_2995 dim 0 : vector<64x128xf32>, i32 -> vector<64x128xf32>
    %eq3A_2997 = arith.constant 0 : i32
    %eq3A_2998 = vector.broadcast %eq3A_2997 : i32 to vector<64x128xi32>
    %eq3A_2999 = arith.cmpi eq, %and3A_2992, %eq3A_2998 : vector<64x128xi32>
    %select_n3A_3000 = arith.select %eq3A_2999, %roll3A_2994, %roll3A_2996 : vector<64x128xi1>, vector<64x128xf32>
    %iota3A_3001 = tpu.iota {dimensions = array<i32: 0>} : vector<64x128xi32>
    %and3A_3002 = arith.constant 8 : i32
    %and3A_3003 = vector.broadcast %and3A_3002 : i32 to vector<64x128xi32>
    %and3A_3004 = arith.andi %iota3A_3001, %and3A_3003 : vector<64x128xi32>
    %roll3A_3005 = arith.constant 56 : i32
    %roll3A_3006 = tpu.dynamic_rotate %select_n3A_2988 by %roll3A_3005 dim 0 : vector<64x128xi32>, i32 -> vector<64x128xi32>
    %roll3A_3007 = arith.constant 8 : i32
    %roll3A_3008 = tpu.dynamic_rotate %select_n3A_2988 by %roll3A_3007 dim 0 : vector<64x128xi32>, i32 -> vector<64x128xi32>
    %eq3A_3009 = arith.constant 0 : i32
    %eq3A_3010 = vector.broadcast %eq3A_3009 : i32 to vector<64x128xi32>
    %eq3A_3011 = arith.cmpi eq, %and3A_3004, %eq3A_3010 : vector<64x128xi32>
    %select_n3A_3012 = arith.select %eq3A_3011, %roll3A_3006, %roll3A_3008 : vector<64x128xi1>, vector<64x128xi32>
    %and3A_3013 = arith.constant 1024 : i32
    %and3A_3014 = vector.broadcast %and3A_3013 : i32 to vector<64x128xi32>
    %and3A_3015 = arith.andi %add3A, %and3A_3014 : vector<64x128xi32>
    %eq3A_3016 = arith.constant 0 : i32
    %eq3A_3017 = vector.broadcast %eq3A_3016 : i32 to vector<64x128xi32>
    %eq3A_3018 = arith.cmpi eq, %and3A_3015, %eq3A_3017 : vector<64x128xi32>
    %gt3A_3019 = arith.cmpf ogt, %select_n3A_2987, %select_n3A_3000 : vector<64x128xf32>
    %eq3A_3020 = arith.cmpf oeq, %select_n3A_2987, %select_n3A_3000 : vector<64x128xf32>
    %lt3A_3021 = arith.cmpi slt, %select_n3A_2988, %select_n3A_3012 : vector<64x128xi32>
    %and3A_3022 = arith.andi %eq3A_3020, %lt3A_3021 : vector<64x128xi1>
    %or3A_3023 = arith.ori %gt3A_3019, %and3A_3022 : vector<64x128xi1>
    %eq3A_3024 = arith.xori %eq3A_3018, %eq3A_2945 : vector<64x128xi1>
    %eq3A_3025 = arith.constant dense<true> : vector<64x128xi1>
    %eq3A_3026 = arith.xori %eq3A_3024, %eq3A_3025 : vector<64x128xi1>
    %eq3A_3027 = arith.xori %eq3A_3026, %or3A_3023 : vector<64x128xi1>
    %eq3A_3028 = arith.constant dense<true> : vector<64x128xi1>
    %eq3A_3029 = arith.xori %eq3A_3027, %eq3A_3028 : vector<64x128xi1>
    %select_n3A_3030 = arith.select %eq3A_3029, %select_n3A_2987, %select_n3A_3000 : vector<64x128xi1>, vector<64x128xf32>
    %select_n3A_3031 = arith.select %eq3A_3029, %select_n3A_2988, %select_n3A_3012 : vector<64x128xi1>, vector<64x128xi32>
    %iota3A_3032 = tpu.iota {dimensions = array<i32: 0>} : vector<64x128xi32>
    %and3A_3033 = arith.constant 4 : i32
    %and3A_3034 = vector.broadcast %and3A_3033 : i32 to vector<64x128xi32>
    %and3A_3035 = arith.andi %iota3A_3032, %and3A_3034 : vector<64x128xi32>
    %roll3A_3036 = arith.constant 60 : i32
    %roll3A_3037 = tpu.dynamic_rotate %select_n3A_3030 by %roll3A_3036 dim 0 : vector<64x128xf32>, i32 -> vector<64x128xf32>
    %roll3A_3038 = arith.constant 4 : i32
    %roll3A_3039 = tpu.dynamic_rotate %select_n3A_3030 by %roll3A_3038 dim 0 : vector<64x128xf32>, i32 -> vector<64x128xf32>
    %eq3A_3040 = arith.constant 0 : i32
    %eq3A_3041 = vector.broadcast %eq3A_3040 : i32 to vector<64x128xi32>
    %eq3A_3042 = arith.cmpi eq, %and3A_3035, %eq3A_3041 : vector<64x128xi32>
    %select_n3A_3043 = arith.select %eq3A_3042, %roll3A_3037, %roll3A_3039 : vector<64x128xi1>, vector<64x128xf32>
    %iota3A_3044 = tpu.iota {dimensions = array<i32: 0>} : vector<64x128xi32>
    %and3A_3045 = arith.constant 4 : i32
    %and3A_3046 = vector.broadcast %and3A_3045 : i32 to vector<64x128xi32>
    %and3A_3047 = arith.andi %iota3A_3044, %and3A_3046 : vector<64x128xi32>
    %roll3A_3048 = arith.constant 60 : i32
    %roll3A_3049 = tpu.dynamic_rotate %select_n3A_3031 by %roll3A_3048 dim 0 : vector<64x128xi32>, i32 -> vector<64x128xi32>
    %roll3A_3050 = arith.constant 4 : i32
    %roll3A_3051 = tpu.dynamic_rotate %select_n3A_3031 by %roll3A_3050 dim 0 : vector<64x128xi32>, i32 -> vector<64x128xi32>
    %eq3A_3052 = arith.constant 0 : i32
    %eq3A_3053 = vector.broadcast %eq3A_3052 : i32 to vector<64x128xi32>
    %eq3A_3054 = arith.cmpi eq, %and3A_3047, %eq3A_3053 : vector<64x128xi32>
    %select_n3A_3055 = arith.select %eq3A_3054, %roll3A_3049, %roll3A_3051 : vector<64x128xi1>, vector<64x128xi32>
    %and3A_3056 = arith.constant 512 : i32
    %and3A_3057 = vector.broadcast %and3A_3056 : i32 to vector<64x128xi32>
    %and3A_3058 = arith.andi %add3A, %and3A_3057 : vector<64x128xi32>
    %eq3A_3059 = arith.constant 0 : i32
    %eq3A_3060 = vector.broadcast %eq3A_3059 : i32 to vector<64x128xi32>
    %eq3A_3061 = arith.cmpi eq, %and3A_3058, %eq3A_3060 : vector<64x128xi32>
    %gt3A_3062 = arith.cmpf ogt, %select_n3A_3030, %select_n3A_3043 : vector<64x128xf32>
    %eq3A_3063 = arith.cmpf oeq, %select_n3A_3030, %select_n3A_3043 : vector<64x128xf32>
    %lt3A_3064 = arith.cmpi slt, %select_n3A_3031, %select_n3A_3055 : vector<64x128xi32>
    %and3A_3065 = arith.andi %eq3A_3063, %lt3A_3064 : vector<64x128xi1>
    %or3A_3066 = arith.ori %gt3A_3062, %and3A_3065 : vector<64x128xi1>
    %eq3A_3067 = arith.xori %eq3A_3061, %eq3A_2945 : vector<64x128xi1>
    %eq3A_3068 = arith.constant dense<true> : vector<64x128xi1>
    %eq3A_3069 = arith.xori %eq3A_3067, %eq3A_3068 : vector<64x128xi1>
    %eq3A_3070 = arith.xori %eq3A_3069, %or3A_3066 : vector<64x128xi1>
    %eq3A_3071 = arith.constant dense<true> : vector<64x128xi1>
    %eq3A_3072 = arith.xori %eq3A_3070, %eq3A_3071 : vector<64x128xi1>
    %select_n3A_3073 = arith.select %eq3A_3072, %select_n3A_3030, %select_n3A_3043 : vector<64x128xi1>, vector<64x128xf32>
    %select_n3A_3074 = arith.select %eq3A_3072, %select_n3A_3031, %select_n3A_3055 : vector<64x128xi1>, vector<64x128xi32>
    %iota3A_3075 = tpu.iota {dimensions = array<i32: 0>} : vector<64x128xi32>
    %and3A_3076 = arith.constant 2 : i32
    %and3A_3077 = vector.broadcast %and3A_3076 : i32 to vector<64x128xi32>
    %and3A_3078 = arith.andi %iota3A_3075, %and3A_3077 : vector<64x128xi32>
    %roll3A_3079 = arith.constant 62 : i32
    %roll3A_3080 = tpu.dynamic_rotate %select_n3A_3073 by %roll3A_3079 dim 0 : vector<64x128xf32>, i32 -> vector<64x128xf32>
    %roll3A_3081 = arith.constant 2 : i32
    %roll3A_3082 = tpu.dynamic_rotate %select_n3A_3073 by %roll3A_3081 dim 0 : vector<64x128xf32>, i32 -> vector<64x128xf32>
    %eq3A_3083 = arith.constant 0 : i32
    %eq3A_3084 = vector.broadcast %eq3A_3083 : i32 to vector<64x128xi32>
    %eq3A_3085 = arith.cmpi eq, %and3A_3078, %eq3A_3084 : vector<64x128xi32>
    %select_n3A_3086 = arith.select %eq3A_3085, %roll3A_3080, %roll3A_3082 : vector<64x128xi1>, vector<64x128xf32>
    %iota3A_3087 = tpu.iota {dimensions = array<i32: 0>} : vector<64x128xi32>
    %and3A_3088 = arith.constant 2 : i32
    %and3A_3089 = vector.broadcast %and3A_3088 : i32 to vector<64x128xi32>
    %and3A_3090 = arith.andi %iota3A_3087, %and3A_3089 : vector<64x128xi32>
    %roll3A_3091 = arith.constant 62 : i32
    %roll3A_3092 = tpu.dynamic_rotate %select_n3A_3074 by %roll3A_3091 dim 0 : vector<64x128xi32>, i32 -> vector<64x128xi32>
    %roll3A_3093 = arith.constant 2 : i32
    %roll3A_3094 = tpu.dynamic_rotate %select_n3A_3074 by %roll3A_3093 dim 0 : vector<64x128xi32>, i32 -> vector<64x128xi32>
    %eq3A_3095 = arith.constant 0 : i32
    %eq3A_3096 = vector.broadcast %eq3A_3095 : i32 to vector<64x128xi32>
    %eq3A_3097 = arith.cmpi eq, %and3A_3090, %eq3A_3096 : vector<64x128xi32>
    %select_n3A_3098 = arith.select %eq3A_3097, %roll3A_3092, %roll3A_3094 : vector<64x128xi1>, vector<64x128xi32>
    %and3A_3099 = arith.constant 256 : i32
    %and3A_3100 = vector.broadcast %and3A_3099 : i32 to vector<64x128xi32>
    %and3A_3101 = arith.andi %add3A, %and3A_3100 : vector<64x128xi32>
    %eq3A_3102 = arith.constant 0 : i32
    %eq3A_3103 = vector.broadcast %eq3A_3102 : i32 to vector<64x128xi32>
    %eq3A_3104 = arith.cmpi eq, %and3A_3101, %eq3A_3103 : vector<64x128xi32>
    %gt3A_3105 = arith.cmpf ogt, %select_n3A_3073, %select_n3A_3086 : vector<64x128xf32>
    %eq3A_3106 = arith.cmpf oeq, %select_n3A_3073, %select_n3A_3086 : vector<64x128xf32>
    %lt3A_3107 = arith.cmpi slt, %select_n3A_3074, %select_n3A_3098 : vector<64x128xi32>
    %and3A_3108 = arith.andi %eq3A_3106, %lt3A_3107 : vector<64x128xi1>
    %or3A_3109 = arith.ori %gt3A_3105, %and3A_3108 : vector<64x128xi1>
    %eq3A_3110 = arith.xori %eq3A_3104, %eq3A_2945 : vector<64x128xi1>
    %eq3A_3111 = arith.constant dense<true> : vector<64x128xi1>
    %eq3A_3112 = arith.xori %eq3A_3110, %eq3A_3111 : vector<64x128xi1>
    %eq3A_3113 = arith.xori %eq3A_3112, %or3A_3109 : vector<64x128xi1>
    %eq3A_3114 = arith.constant dense<true> : vector<64x128xi1>
    %eq3A_3115 = arith.xori %eq3A_3113, %eq3A_3114 : vector<64x128xi1>
    %select_n3A_3116 = arith.select %eq3A_3115, %select_n3A_3073, %select_n3A_3086 : vector<64x128xi1>, vector<64x128xf32>
    %select_n3A_3117 = arith.select %eq3A_3115, %select_n3A_3074, %select_n3A_3098 : vector<64x128xi1>, vector<64x128xi32>
    %iota3A_3118 = tpu.iota {dimensions = array<i32: 0>} : vector<64x128xi32>
    %and3A_3119 = arith.constant 1 : i32
    %and3A_3120 = vector.broadcast %and3A_3119 : i32 to vector<64x128xi32>
    %and3A_3121 = arith.andi %iota3A_3118, %and3A_3120 : vector<64x128xi32>
    %roll3A_3122 = arith.constant 63 : i32
    %roll3A_3123 = tpu.dynamic_rotate %select_n3A_3116 by %roll3A_3122 dim 0 : vector<64x128xf32>, i32 -> vector<64x128xf32>
    %roll3A_3124 = arith.constant 1 : i32
    %roll3A_3125 = tpu.dynamic_rotate %select_n3A_3116 by %roll3A_3124 dim 0 : vector<64x128xf32>, i32 -> vector<64x128xf32>
    %eq3A_3126 = arith.constant 0 : i32
    %eq3A_3127 = vector.broadcast %eq3A_3126 : i32 to vector<64x128xi32>
    %eq3A_3128 = arith.cmpi eq, %and3A_3121, %eq3A_3127 : vector<64x128xi32>
    %select_n3A_3129 = arith.select %eq3A_3128, %roll3A_3123, %roll3A_3125 : vector<64x128xi1>, vector<64x128xf32>
    %iota3A_3130 = tpu.iota {dimensions = array<i32: 0>} : vector<64x128xi32>
    %and3A_3131 = arith.constant 1 : i32
    %and3A_3132 = vector.broadcast %and3A_3131 : i32 to vector<64x128xi32>
    %and3A_3133 = arith.andi %iota3A_3130, %and3A_3132 : vector<64x128xi32>
    %roll3A_3134 = arith.constant 63 : i32
    %roll3A_3135 = tpu.dynamic_rotate %select_n3A_3117 by %roll3A_3134 dim 0 : vector<64x128xi32>, i32 -> vector<64x128xi32>
    %roll3A_3136 = arith.constant 1 : i32
    %roll3A_3137 = tpu.dynamic_rotate %select_n3A_3117 by %roll3A_3136 dim 0 : vector<64x128xi32>, i32 -> vector<64x128xi32>
    %eq3A_3138 = arith.constant 0 : i32
    %eq3A_3139 = vector.broadcast %eq3A_3138 : i32 to vector<64x128xi32>
    %eq3A_3140 = arith.cmpi eq, %and3A_3133, %eq3A_3139 : vector<64x128xi32>
    %select_n3A_3141 = arith.select %eq3A_3140, %roll3A_3135, %roll3A_3137 : vector<64x128xi1>, vector<64x128xi32>
    %and3A_3142 = arith.constant 128 : i32
    %and3A_3143 = vector.broadcast %and3A_3142 : i32 to vector<64x128xi32>
    %and3A_3144 = arith.andi %add3A, %and3A_3143 : vector<64x128xi32>
    %eq3A_3145 = arith.constant 0 : i32
    %eq3A_3146 = vector.broadcast %eq3A_3145 : i32 to vector<64x128xi32>
    %eq3A_3147 = arith.cmpi eq, %and3A_3144, %eq3A_3146 : vector<64x128xi32>
    %gt3A_3148 = arith.cmpf ogt, %select_n3A_3116, %select_n3A_3129 : vector<64x128xf32>
    %eq3A_3149 = arith.cmpf oeq, %select_n3A_3116, %select_n3A_3129 : vector<64x128xf32>
    %lt3A_3150 = arith.cmpi slt, %select_n3A_3117, %select_n3A_3141 : vector<64x128xi32>
    %and3A_3151 = arith.andi %eq3A_3149, %lt3A_3150 : vector<64x128xi1>
    %or3A_3152 = arith.ori %gt3A_3148, %and3A_3151 : vector<64x128xi1>
    %eq3A_3153 = arith.xori %eq3A_3147, %eq3A_2945 : vector<64x128xi1>
    %eq3A_3154 = arith.constant dense<true> : vector<64x128xi1>
    %eq3A_3155 = arith.xori %eq3A_3153, %eq3A_3154 : vector<64x128xi1>
    %eq3A_3156 = arith.xori %eq3A_3155, %or3A_3152 : vector<64x128xi1>
    %eq3A_3157 = arith.constant dense<true> : vector<64x128xi1>
    %eq3A_3158 = arith.xori %eq3A_3156, %eq3A_3157 : vector<64x128xi1>
    %select_n3A_3159 = arith.select %eq3A_3158, %select_n3A_3116, %select_n3A_3129 : vector<64x128xi1>, vector<64x128xf32>
    %select_n3A_3160 = arith.select %eq3A_3158, %select_n3A_3117, %select_n3A_3141 : vector<64x128xi1>, vector<64x128xi32>
    %iota3A_3161 = tpu.iota {dimensions = array<i32: 1>} : vector<64x128xi32>
    %and3A_3162 = arith.constant 64 : i32
    %and3A_3163 = vector.broadcast %and3A_3162 : i32 to vector<64x128xi32>
    %and3A_3164 = arith.andi %iota3A_3161, %and3A_3163 : vector<64x128xi32>
    %roll3A_3165 = arith.constant 64 : i32
    %roll3A_3166 = tpu.dynamic_rotate %select_n3A_3159 by %roll3A_3165 dim 1 : vector<64x128xf32>, i32 -> vector<64x128xf32>
    %roll3A_3167 = arith.constant 64 : i32
    %roll3A_3168 = tpu.dynamic_rotate %select_n3A_3159 by %roll3A_3167 dim 1 : vector<64x128xf32>, i32 -> vector<64x128xf32>
    %eq3A_3169 = arith.constant 0 : i32
    %eq3A_3170 = vector.broadcast %eq3A_3169 : i32 to vector<64x128xi32>
    %eq3A_3171 = arith.cmpi eq, %and3A_3164, %eq3A_3170 : vector<64x128xi32>
    %select_n3A_3172 = arith.select %eq3A_3171, %roll3A_3166, %roll3A_3168 : vector<64x128xi1>, vector<64x128xf32>
    %iota3A_3173 = tpu.iota {dimensions = array<i32: 1>} : vector<64x128xi32>
    %and3A_3174 = arith.constant 64 : i32
    %and3A_3175 = vector.broadcast %and3A_3174 : i32 to vector<64x128xi32>
    %and3A_3176 = arith.andi %iota3A_3173, %and3A_3175 : vector<64x128xi32>
    %roll3A_3177 = arith.constant 64 : i32
    %roll3A_3178 = tpu.dynamic_rotate %select_n3A_3160 by %roll3A_3177 dim 1 : vector<64x128xi32>, i32 -> vector<64x128xi32>
    %roll3A_3179 = arith.constant 64 : i32
    %roll3A_3180 = tpu.dynamic_rotate %select_n3A_3160 by %roll3A_3179 dim 1 : vector<64x128xi32>, i32 -> vector<64x128xi32>
    %eq3A_3181 = arith.constant 0 : i32
    %eq3A_3182 = vector.broadcast %eq3A_3181 : i32 to vector<64x128xi32>
    %eq3A_3183 = arith.cmpi eq, %and3A_3176, %eq3A_3182 : vector<64x128xi32>
    %select_n3A_3184 = arith.select %eq3A_3183, %roll3A_3178, %roll3A_3180 : vector<64x128xi1>, vector<64x128xi32>
    %and3A_3185 = arith.constant 64 : i32
    %and3A_3186 = vector.broadcast %and3A_3185 : i32 to vector<64x128xi32>
    %and3A_3187 = arith.andi %add3A, %and3A_3186 : vector<64x128xi32>
    %eq3A_3188 = arith.constant 0 : i32
    %eq3A_3189 = vector.broadcast %eq3A_3188 : i32 to vector<64x128xi32>
    %eq3A_3190 = arith.cmpi eq, %and3A_3187, %eq3A_3189 : vector<64x128xi32>
    %gt3A_3191 = arith.cmpf ogt, %select_n3A_3159, %select_n3A_3172 : vector<64x128xf32>
    %eq3A_3192 = arith.cmpf oeq, %select_n3A_3159, %select_n3A_3172 : vector<64x128xf32>
    %lt3A_3193 = arith.cmpi slt, %select_n3A_3160, %select_n3A_3184 : vector<64x128xi32>
    %and3A_3194 = arith.andi %eq3A_3192, %lt3A_3193 : vector<64x128xi1>
    %or3A_3195 = arith.ori %gt3A_3191, %and3A_3194 : vector<64x128xi1>
    %eq3A_3196 = arith.xori %eq3A_3190, %eq3A_2945 : vector<64x128xi1>
    %eq3A_3197 = arith.constant dense<true> : vector<64x128xi1>
    %eq3A_3198 = arith.xori %eq3A_3196, %eq3A_3197 : vector<64x128xi1>
    %eq3A_3199 = arith.xori %eq3A_3198, %or3A_3195 : vector<64x128xi1>
    %eq3A_3200 = arith.constant dense<true> : vector<64x128xi1>
    %eq3A_3201 = arith.xori %eq3A_3199, %eq3A_3200 : vector<64x128xi1>
    %select_n3A_3202 = arith.select %eq3A_3201, %select_n3A_3159, %select_n3A_3172 : vector<64x128xi1>, vector<64x128xf32>
    %select_n3A_3203 = arith.select %eq3A_3201, %select_n3A_3160, %select_n3A_3184 : vector<64x128xi1>, vector<64x128xi32>
    %iota3A_3204 = tpu.iota {dimensions = array<i32: 1>} : vector<64x128xi32>
    %and3A_3205 = arith.constant 32 : i32
    %and3A_3206 = vector.broadcast %and3A_3205 : i32 to vector<64x128xi32>
    %and3A_3207 = arith.andi %iota3A_3204, %and3A_3206 : vector<64x128xi32>
    %roll3A_3208 = arith.constant 96 : i32
    %roll3A_3209 = tpu.dynamic_rotate %select_n3A_3202 by %roll3A_3208 dim 1 : vector<64x128xf32>, i32 -> vector<64x128xf32>
    %roll3A_3210 = arith.constant 32 : i32
    %roll3A_3211 = tpu.dynamic_rotate %select_n3A_3202 by %roll3A_3210 dim 1 : vector<64x128xf32>, i32 -> vector<64x128xf32>
    %eq3A_3212 = arith.constant 0 : i32
    %eq3A_3213 = vector.broadcast %eq3A_3212 : i32 to vector<64x128xi32>
    %eq3A_3214 = arith.cmpi eq, %and3A_3207, %eq3A_3213 : vector<64x128xi32>
    %select_n3A_3215 = arith.select %eq3A_3214, %roll3A_3209, %roll3A_3211 : vector<64x128xi1>, vector<64x128xf32>
    %iota3A_3216 = tpu.iota {dimensions = array<i32: 1>} : vector<64x128xi32>
    %and3A_3217 = arith.constant 32 : i32
    %and3A_3218 = vector.broadcast %and3A_3217 : i32 to vector<64x128xi32>
    %and3A_3219 = arith.andi %iota3A_3216, %and3A_3218 : vector<64x128xi32>
    %roll3A_3220 = arith.constant 96 : i32
    %roll3A_3221 = tpu.dynamic_rotate %select_n3A_3203 by %roll3A_3220 dim 1 : vector<64x128xi32>, i32 -> vector<64x128xi32>
    %roll3A_3222 = arith.constant 32 : i32
    %roll3A_3223 = tpu.dynamic_rotate %select_n3A_3203 by %roll3A_3222 dim 1 : vector<64x128xi32>, i32 -> vector<64x128xi32>
    %eq3A_3224 = arith.constant 0 : i32
    %eq3A_3225 = vector.broadcast %eq3A_3224 : i32 to vector<64x128xi32>
    %eq3A_3226 = arith.cmpi eq, %and3A_3219, %eq3A_3225 : vector<64x128xi32>
    %select_n3A_3227 = arith.select %eq3A_3226, %roll3A_3221, %roll3A_3223 : vector<64x128xi1>, vector<64x128xi32>
    %and3A_3228 = arith.constant 32 : i32
    %and3A_3229 = vector.broadcast %and3A_3228 : i32 to vector<64x128xi32>
    %and3A_3230 = arith.andi %add3A, %and3A_3229 : vector<64x128xi32>
    %eq3A_3231 = arith.constant 0 : i32
    %eq3A_3232 = vector.broadcast %eq3A_3231 : i32 to vector<64x128xi32>
    %eq3A_3233 = arith.cmpi eq, %and3A_3230, %eq3A_3232 : vector<64x128xi32>
    %gt3A_3234 = arith.cmpf ogt, %select_n3A_3202, %select_n3A_3215 : vector<64x128xf32>
    %eq3A_3235 = arith.cmpf oeq, %select_n3A_3202, %select_n3A_3215 : vector<64x128xf32>
    %lt3A_3236 = arith.cmpi slt, %select_n3A_3203, %select_n3A_3227 : vector<64x128xi32>
    %and3A_3237 = arith.andi %eq3A_3235, %lt3A_3236 : vector<64x128xi1>
    %or3A_3238 = arith.ori %gt3A_3234, %and3A_3237 : vector<64x128xi1>
    %eq3A_3239 = arith.xori %eq3A_3233, %eq3A_2945 : vector<64x128xi1>
    %eq3A_3240 = arith.constant dense<true> : vector<64x128xi1>
    %eq3A_3241 = arith.xori %eq3A_3239, %eq3A_3240 : vector<64x128xi1>
    %eq3A_3242 = arith.xori %eq3A_3241, %or3A_3238 : vector<64x128xi1>
    %eq3A_3243 = arith.constant dense<true> : vector<64x128xi1>
    %eq3A_3244 = arith.xori %eq3A_3242, %eq3A_3243 : vector<64x128xi1>
    %select_n3A_3245 = arith.select %eq3A_3244, %select_n3A_3202, %select_n3A_3215 : vector<64x128xi1>, vector<64x128xf32>
    %select_n3A_3246 = arith.select %eq3A_3244, %select_n3A_3203, %select_n3A_3227 : vector<64x128xi1>, vector<64x128xi32>
    %iota3A_3247 = tpu.iota {dimensions = array<i32: 1>} : vector<64x128xi32>
    %and3A_3248 = arith.constant 16 : i32
    %and3A_3249 = vector.broadcast %and3A_3248 : i32 to vector<64x128xi32>
    %and3A_3250 = arith.andi %iota3A_3247, %and3A_3249 : vector<64x128xi32>
    %roll3A_3251 = arith.constant 112 : i32
    %roll3A_3252 = tpu.dynamic_rotate %select_n3A_3245 by %roll3A_3251 dim 1 : vector<64x128xf32>, i32 -> vector<64x128xf32>
    %roll3A_3253 = arith.constant 16 : i32
    %roll3A_3254 = tpu.dynamic_rotate %select_n3A_3245 by %roll3A_3253 dim 1 : vector<64x128xf32>, i32 -> vector<64x128xf32>
    %eq3A_3255 = arith.constant 0 : i32
    %eq3A_3256 = vector.broadcast %eq3A_3255 : i32 to vector<64x128xi32>
    %eq3A_3257 = arith.cmpi eq, %and3A_3250, %eq3A_3256 : vector<64x128xi32>
    %select_n3A_3258 = arith.select %eq3A_3257, %roll3A_3252, %roll3A_3254 : vector<64x128xi1>, vector<64x128xf32>
    %iota3A_3259 = tpu.iota {dimensions = array<i32: 1>} : vector<64x128xi32>
    %and3A_3260 = arith.constant 16 : i32
    %and3A_3261 = vector.broadcast %and3A_3260 : i32 to vector<64x128xi32>
    %and3A_3262 = arith.andi %iota3A_3259, %and3A_3261 : vector<64x128xi32>
    %roll3A_3263 = arith.constant 112 : i32
    %roll3A_3264 = tpu.dynamic_rotate %select_n3A_3246 by %roll3A_3263 dim 1 : vector<64x128xi32>, i32 -> vector<64x128xi32>
    %roll3A_3265 = arith.constant 16 : i32
    %roll3A_3266 = tpu.dynamic_rotate %select_n3A_3246 by %roll3A_3265 dim 1 : vector<64x128xi32>, i32 -> vector<64x128xi32>
    %eq3A_3267 = arith.constant 0 : i32
    %eq3A_3268 = vector.broadcast %eq3A_3267 : i32 to vector<64x128xi32>
    %eq3A_3269 = arith.cmpi eq, %and3A_3262, %eq3A_3268 : vector<64x128xi32>
    %select_n3A_3270 = arith.select %eq3A_3269, %roll3A_3264, %roll3A_3266 : vector<64x128xi1>, vector<64x128xi32>
    %and3A_3271 = arith.constant 16 : i32
    %and3A_3272 = vector.broadcast %and3A_3271 : i32 to vector<64x128xi32>
    %and3A_3273 = arith.andi %add3A, %and3A_3272 : vector<64x128xi32>
    %eq3A_3274 = arith.constant 0 : i32
    %eq3A_3275 = vector.broadcast %eq3A_3274 : i32 to vector<64x128xi32>
    %eq3A_3276 = arith.cmpi eq, %and3A_3273, %eq3A_3275 : vector<64x128xi32>
    %gt3A_3277 = arith.cmpf ogt, %select_n3A_3245, %select_n3A_3258 : vector<64x128xf32>
    %eq3A_3278 = arith.cmpf oeq, %select_n3A_3245, %select_n3A_3258 : vector<64x128xf32>
    %lt3A_3279 = arith.cmpi slt, %select_n3A_3246, %select_n3A_3270 : vector<64x128xi32>
    %and3A_3280 = arith.andi %eq3A_3278, %lt3A_3279 : vector<64x128xi1>
    %or3A_3281 = arith.ori %gt3A_3277, %and3A_3280 : vector<64x128xi1>
    %eq3A_3282 = arith.xori %eq3A_3276, %eq3A_2945 : vector<64x128xi1>
    %eq3A_3283 = arith.constant dense<true> : vector<64x128xi1>
    %eq3A_3284 = arith.xori %eq3A_3282, %eq3A_3283 : vector<64x128xi1>
    %eq3A_3285 = arith.xori %eq3A_3284, %or3A_3281 : vector<64x128xi1>
    %eq3A_3286 = arith.constant dense<true> : vector<64x128xi1>
    %eq3A_3287 = arith.xori %eq3A_3285, %eq3A_3286 : vector<64x128xi1>
    %select_n3A_3288 = arith.select %eq3A_3287, %select_n3A_3245, %select_n3A_3258 : vector<64x128xi1>, vector<64x128xf32>
    %select_n3A_3289 = arith.select %eq3A_3287, %select_n3A_3246, %select_n3A_3270 : vector<64x128xi1>, vector<64x128xi32>
    %iota3A_3290 = tpu.iota {dimensions = array<i32: 1>} : vector<64x128xi32>
    %and3A_3291 = arith.constant 8 : i32
    %and3A_3292 = vector.broadcast %and3A_3291 : i32 to vector<64x128xi32>
    %and3A_3293 = arith.andi %iota3A_3290, %and3A_3292 : vector<64x128xi32>
    %roll3A_3294 = arith.constant 120 : i32
    %roll3A_3295 = tpu.dynamic_rotate %select_n3A_3288 by %roll3A_3294 dim 1 : vector<64x128xf32>, i32 -> vector<64x128xf32>
    %roll3A_3296 = arith.constant 8 : i32
    %roll3A_3297 = tpu.dynamic_rotate %select_n3A_3288 by %roll3A_3296 dim 1 : vector<64x128xf32>, i32 -> vector<64x128xf32>
    %eq3A_3298 = arith.constant 0 : i32
    %eq3A_3299 = vector.broadcast %eq3A_3298 : i32 to vector<64x128xi32>
    %eq3A_3300 = arith.cmpi eq, %and3A_3293, %eq3A_3299 : vector<64x128xi32>
    %select_n3A_3301 = arith.select %eq3A_3300, %roll3A_3295, %roll3A_3297 : vector<64x128xi1>, vector<64x128xf32>
    %iota3A_3302 = tpu.iota {dimensions = array<i32: 1>} : vector<64x128xi32>
    %and3A_3303 = arith.constant 8 : i32
    %and3A_3304 = vector.broadcast %and3A_3303 : i32 to vector<64x128xi32>
    %and3A_3305 = arith.andi %iota3A_3302, %and3A_3304 : vector<64x128xi32>
    %roll3A_3306 = arith.constant 120 : i32
    %roll3A_3307 = tpu.dynamic_rotate %select_n3A_3289 by %roll3A_3306 dim 1 : vector<64x128xi32>, i32 -> vector<64x128xi32>
    %roll3A_3308 = arith.constant 8 : i32
    %roll3A_3309 = tpu.dynamic_rotate %select_n3A_3289 by %roll3A_3308 dim 1 : vector<64x128xi32>, i32 -> vector<64x128xi32>
    %eq3A_3310 = arith.constant 0 : i32
    %eq3A_3311 = vector.broadcast %eq3A_3310 : i32 to vector<64x128xi32>
    %eq3A_3312 = arith.cmpi eq, %and3A_3305, %eq3A_3311 : vector<64x128xi32>
    %select_n3A_3313 = arith.select %eq3A_3312, %roll3A_3307, %roll3A_3309 : vector<64x128xi1>, vector<64x128xi32>
    %and3A_3314 = arith.constant 8 : i32
    %and3A_3315 = vector.broadcast %and3A_3314 : i32 to vector<64x128xi32>
    %and3A_3316 = arith.andi %add3A, %and3A_3315 : vector<64x128xi32>
    %eq3A_3317 = arith.constant 0 : i32
    %eq3A_3318 = vector.broadcast %eq3A_3317 : i32 to vector<64x128xi32>
    %eq3A_3319 = arith.cmpi eq, %and3A_3316, %eq3A_3318 : vector<64x128xi32>
    %gt3A_3320 = arith.cmpf ogt, %select_n3A_3288, %select_n3A_3301 : vector<64x128xf32>
    %eq3A_3321 = arith.cmpf oeq, %select_n3A_3288, %select_n3A_3301 : vector<64x128xf32>
    %lt3A_3322 = arith.cmpi slt, %select_n3A_3289, %select_n3A_3313 : vector<64x128xi32>
    %and3A_3323 = arith.andi %eq3A_3321, %lt3A_3322 : vector<64x128xi1>
    %or3A_3324 = arith.ori %gt3A_3320, %and3A_3323 : vector<64x128xi1>
    %eq3A_3325 = arith.xori %eq3A_3319, %eq3A_2945 : vector<64x128xi1>
    %eq3A_3326 = arith.constant dense<true> : vector<64x128xi1>
    %eq3A_3327 = arith.xori %eq3A_3325, %eq3A_3326 : vector<64x128xi1>
    %eq3A_3328 = arith.xori %eq3A_3327, %or3A_3324 : vector<64x128xi1>
    %eq3A_3329 = arith.constant dense<true> : vector<64x128xi1>
    %eq3A_3330 = arith.xori %eq3A_3328, %eq3A_3329 : vector<64x128xi1>
    %select_n3A_3331 = arith.select %eq3A_3330, %select_n3A_3288, %select_n3A_3301 : vector<64x128xi1>, vector<64x128xf32>
    %select_n3A_3332 = arith.select %eq3A_3330, %select_n3A_3289, %select_n3A_3313 : vector<64x128xi1>, vector<64x128xi32>
    %iota3A_3333 = tpu.iota {dimensions = array<i32: 1>} : vector<64x128xi32>
    %and3A_3334 = arith.constant 4 : i32
    %and3A_3335 = vector.broadcast %and3A_3334 : i32 to vector<64x128xi32>
    %and3A_3336 = arith.andi %iota3A_3333, %and3A_3335 : vector<64x128xi32>
    %roll3A_3337 = arith.constant 124 : i32
    %roll3A_3338 = tpu.dynamic_rotate %select_n3A_3331 by %roll3A_3337 dim 1 : vector<64x128xf32>, i32 -> vector<64x128xf32>
    %roll3A_3339 = arith.constant 4 : i32
    %roll3A_3340 = tpu.dynamic_rotate %select_n3A_3331 by %roll3A_3339 dim 1 : vector<64x128xf32>, i32 -> vector<64x128xf32>
    %eq3A_3341 = arith.constant 0 : i32
    %eq3A_3342 = vector.broadcast %eq3A_3341 : i32 to vector<64x128xi32>
    %eq3A_3343 = arith.cmpi eq, %and3A_3336, %eq3A_3342 : vector<64x128xi32>
    %select_n3A_3344 = arith.select %eq3A_3343, %roll3A_3338, %roll3A_3340 : vector<64x128xi1>, vector<64x128xf32>
    %iota3A_3345 = tpu.iota {dimensions = array<i32: 1>} : vector<64x128xi32>
    %and3A_3346 = arith.constant 4 : i32
    %and3A_3347 = vector.broadcast %and3A_3346 : i32 to vector<64x128xi32>
    %and3A_3348 = arith.andi %iota3A_3345, %and3A_3347 : vector<64x128xi32>
    %roll3A_3349 = arith.constant 124 : i32
    %roll3A_3350 = tpu.dynamic_rotate %select_n3A_3332 by %roll3A_3349 dim 1 : vector<64x128xi32>, i32 -> vector<64x128xi32>
    %roll3A_3351 = arith.constant 4 : i32
    %roll3A_3352 = tpu.dynamic_rotate %select_n3A_3332 by %roll3A_3351 dim 1 : vector<64x128xi32>, i32 -> vector<64x128xi32>
    %eq3A_3353 = arith.constant 0 : i32
    %eq3A_3354 = vector.broadcast %eq3A_3353 : i32 to vector<64x128xi32>
    %eq3A_3355 = arith.cmpi eq, %and3A_3348, %eq3A_3354 : vector<64x128xi32>
    %select_n3A_3356 = arith.select %eq3A_3355, %roll3A_3350, %roll3A_3352 : vector<64x128xi1>, vector<64x128xi32>
    %and3A_3357 = arith.constant 4 : i32
    %and3A_3358 = vector.broadcast %and3A_3357 : i32 to vector<64x128xi32>
    %and3A_3359 = arith.andi %add3A, %and3A_3358 : vector<64x128xi32>
    %eq3A_3360 = arith.constant 0 : i32
    %eq3A_3361 = vector.broadcast %eq3A_3360 : i32 to vector<64x128xi32>
    %eq3A_3362 = arith.cmpi eq, %and3A_3359, %eq3A_3361 : vector<64x128xi32>
    %gt3A_3363 = arith.cmpf ogt, %select_n3A_3331, %select_n3A_3344 : vector<64x128xf32>
    %eq3A_3364 = arith.cmpf oeq, %select_n3A_3331, %select_n3A_3344 : vector<64x128xf32>
    %lt3A_3365 = arith.cmpi slt, %select_n3A_3332, %select_n3A_3356 : vector<64x128xi32>
    %and3A_3366 = arith.andi %eq3A_3364, %lt3A_3365 : vector<64x128xi1>
    %or3A_3367 = arith.ori %gt3A_3363, %and3A_3366 : vector<64x128xi1>
    %eq3A_3368 = arith.xori %eq3A_3362, %eq3A_2945 : vector<64x128xi1>
    %eq3A_3369 = arith.constant dense<true> : vector<64x128xi1>
    %eq3A_3370 = arith.xori %eq3A_3368, %eq3A_3369 : vector<64x128xi1>
    %eq3A_3371 = arith.xori %eq3A_3370, %or3A_3367 : vector<64x128xi1>
    %eq3A_3372 = arith.constant dense<true> : vector<64x128xi1>
    %eq3A_3373 = arith.xori %eq3A_3371, %eq3A_3372 : vector<64x128xi1>
    %select_n3A_3374 = arith.select %eq3A_3373, %select_n3A_3331, %select_n3A_3344 : vector<64x128xi1>, vector<64x128xf32>
    %select_n3A_3375 = arith.select %eq3A_3373, %select_n3A_3332, %select_n3A_3356 : vector<64x128xi1>, vector<64x128xi32>
    %iota3A_3376 = tpu.iota {dimensions = array<i32: 1>} : vector<64x128xi32>
    %and3A_3377 = arith.constant 2 : i32
    %and3A_3378 = vector.broadcast %and3A_3377 : i32 to vector<64x128xi32>
    %and3A_3379 = arith.andi %iota3A_3376, %and3A_3378 : vector<64x128xi32>
    %roll3A_3380 = arith.constant 126 : i32
    %roll3A_3381 = tpu.dynamic_rotate %select_n3A_3374 by %roll3A_3380 dim 1 : vector<64x128xf32>, i32 -> vector<64x128xf32>
    %roll3A_3382 = arith.constant 2 : i32
    %roll3A_3383 = tpu.dynamic_rotate %select_n3A_3374 by %roll3A_3382 dim 1 : vector<64x128xf32>, i32 -> vector<64x128xf32>
    %eq3A_3384 = arith.constant 0 : i32
    %eq3A_3385 = vector.broadcast %eq3A_3384 : i32 to vector<64x128xi32>
    %eq3A_3386 = arith.cmpi eq, %and3A_3379, %eq3A_3385 : vector<64x128xi32>
    %select_n3A_3387 = arith.select %eq3A_3386, %roll3A_3381, %roll3A_3383 : vector<64x128xi1>, vector<64x128xf32>
    %iota3A_3388 = tpu.iota {dimensions = array<i32: 1>} : vector<64x128xi32>
    %and3A_3389 = arith.constant 2 : i32
    %and3A_3390 = vector.broadcast %and3A_3389 : i32 to vector<64x128xi32>
    %and3A_3391 = arith.andi %iota3A_3388, %and3A_3390 : vector<64x128xi32>
    %roll3A_3392 = arith.constant 126 : i32
    %roll3A_3393 = tpu.dynamic_rotate %select_n3A_3375 by %roll3A_3392 dim 1 : vector<64x128xi32>, i32 -> vector<64x128xi32>
    %roll3A_3394 = arith.constant 2 : i32
    %roll3A_3395 = tpu.dynamic_rotate %select_n3A_3375 by %roll3A_3394 dim 1 : vector<64x128xi32>, i32 -> vector<64x128xi32>
    %eq3A_3396 = arith.constant 0 : i32
    %eq3A_3397 = vector.broadcast %eq3A_3396 : i32 to vector<64x128xi32>
    %eq3A_3398 = arith.cmpi eq, %and3A_3391, %eq3A_3397 : vector<64x128xi32>
    %select_n3A_3399 = arith.select %eq3A_3398, %roll3A_3393, %roll3A_3395 : vector<64x128xi1>, vector<64x128xi32>
    %and3A_3400 = arith.constant 2 : i32
    %and3A_3401 = vector.broadcast %and3A_3400 : i32 to vector<64x128xi32>
    %and3A_3402 = arith.andi %add3A, %and3A_3401 : vector<64x128xi32>
    %eq3A_3403 = arith.constant 0 : i32
    %eq3A_3404 = vector.broadcast %eq3A_3403 : i32 to vector<64x128xi32>
    %eq3A_3405 = arith.cmpi eq, %and3A_3402, %eq3A_3404 : vector<64x128xi32>
    %gt3A_3406 = arith.cmpf ogt, %select_n3A_3374, %select_n3A_3387 : vector<64x128xf32>
    %eq3A_3407 = arith.cmpf oeq, %select_n3A_3374, %select_n3A_3387 : vector<64x128xf32>
    %lt3A_3408 = arith.cmpi slt, %select_n3A_3375, %select_n3A_3399 : vector<64x128xi32>
    %and3A_3409 = arith.andi %eq3A_3407, %lt3A_3408 : vector<64x128xi1>
    %or3A_3410 = arith.ori %gt3A_3406, %and3A_3409 : vector<64x128xi1>
    %eq3A_3411 = arith.xori %eq3A_3405, %eq3A_2945 : vector<64x128xi1>
    %eq3A_3412 = arith.constant dense<true> : vector<64x128xi1>
    %eq3A_3413 = arith.xori %eq3A_3411, %eq3A_3412 : vector<64x128xi1>
    %eq3A_3414 = arith.xori %eq3A_3413, %or3A_3410 : vector<64x128xi1>
    %eq3A_3415 = arith.constant dense<true> : vector<64x128xi1>
    %eq3A_3416 = arith.xori %eq3A_3414, %eq3A_3415 : vector<64x128xi1>
    %select_n3A_3417 = arith.select %eq3A_3416, %select_n3A_3374, %select_n3A_3387 : vector<64x128xi1>, vector<64x128xf32>
    %select_n3A_3418 = arith.select %eq3A_3416, %select_n3A_3375, %select_n3A_3399 : vector<64x128xi1>, vector<64x128xi32>
    %iota3A_3419 = tpu.iota {dimensions = array<i32: 1>} : vector<64x128xi32>
    %and3A_3420 = arith.constant 1 : i32
    %and3A_3421 = vector.broadcast %and3A_3420 : i32 to vector<64x128xi32>
    %and3A_3422 = arith.andi %iota3A_3419, %and3A_3421 : vector<64x128xi32>
    %roll3A_3423 = arith.constant 127 : i32
    %roll3A_3424 = tpu.dynamic_rotate %select_n3A_3417 by %roll3A_3423 dim 1 : vector<64x128xf32>, i32 -> vector<64x128xf32>
    %roll3A_3425 = arith.constant 1 : i32
    %roll3A_3426 = tpu.dynamic_rotate %select_n3A_3417 by %roll3A_3425 dim 1 : vector<64x128xf32>, i32 -> vector<64x128xf32>
    %eq3A_3427 = arith.constant 0 : i32
    %eq3A_3428 = vector.broadcast %eq3A_3427 : i32 to vector<64x128xi32>
    %eq3A_3429 = arith.cmpi eq, %and3A_3422, %eq3A_3428 : vector<64x128xi32>
    %select_n3A_3430 = arith.select %eq3A_3429, %roll3A_3424, %roll3A_3426 : vector<64x128xi1>, vector<64x128xf32>
    %iota3A_3431 = tpu.iota {dimensions = array<i32: 1>} : vector<64x128xi32>
    %and3A_3432 = arith.constant 1 : i32
    %and3A_3433 = vector.broadcast %and3A_3432 : i32 to vector<64x128xi32>
    %and3A_3434 = arith.andi %iota3A_3431, %and3A_3433 : vector<64x128xi32>
    %roll3A_3435 = arith.constant 127 : i32
    %roll3A_3436 = tpu.dynamic_rotate %select_n3A_3418 by %roll3A_3435 dim 1 : vector<64x128xi32>, i32 -> vector<64x128xi32>
    %roll3A_3437 = arith.constant 1 : i32
    %roll3A_3438 = tpu.dynamic_rotate %select_n3A_3418 by %roll3A_3437 dim 1 : vector<64x128xi32>, i32 -> vector<64x128xi32>
    %eq3A_3439 = arith.constant 0 : i32
    %eq3A_3440 = vector.broadcast %eq3A_3439 : i32 to vector<64x128xi32>
    %eq3A_3441 = arith.cmpi eq, %and3A_3434, %eq3A_3440 : vector<64x128xi32>
    %select_n3A_3442 = arith.select %eq3A_3441, %roll3A_3436, %roll3A_3438 : vector<64x128xi1>, vector<64x128xi32>
    %and3A_3443 = arith.constant 1 : i32
    %and3A_3444 = vector.broadcast %and3A_3443 : i32 to vector<64x128xi32>
    %and3A_3445 = arith.andi %add3A, %and3A_3444 : vector<64x128xi32>
    %eq3A_3446 = arith.constant 0 : i32
    %eq3A_3447 = vector.broadcast %eq3A_3446 : i32 to vector<64x128xi32>
    %eq3A_3448 = arith.cmpi eq, %and3A_3445, %eq3A_3447 : vector<64x128xi32>
    %gt3A_3449 = arith.cmpf ogt, %select_n3A_3417, %select_n3A_3430 : vector<64x128xf32>
    %eq3A_3450 = arith.cmpf oeq, %select_n3A_3417, %select_n3A_3430 : vector<64x128xf32>
    %lt3A_3451 = arith.cmpi slt, %select_n3A_3418, %select_n3A_3442 : vector<64x128xi32>
    %and3A_3452 = arith.andi %eq3A_3450, %lt3A_3451 : vector<64x128xi1>
    %or3A_3453 = arith.ori %gt3A_3449, %and3A_3452 : vector<64x128xi1>
    %eq3A_3454 = arith.xori %eq3A_3448, %eq3A_2945 : vector<64x128xi1>
    %eq3A_3455 = arith.constant dense<true> : vector<64x128xi1>
    %eq3A_3456 = arith.xori %eq3A_3454, %eq3A_3455 : vector<64x128xi1>
    %eq3A_3457 = arith.xori %eq3A_3456, %or3A_3453 : vector<64x128xi1>
    %eq3A_3458 = arith.constant dense<true> : vector<64x128xi1>
    %eq3A_3459 = arith.xori %eq3A_3457, %eq3A_3458 : vector<64x128xi1>
    %select_n3A_3460 = arith.select %eq3A_3459, %select_n3A_3417, %select_n3A_3430 : vector<64x128xi1>, vector<64x128xf32>
    %select_n3A_3461 = arith.select %eq3A_3459, %select_n3A_3418, %select_n3A_3442 : vector<64x128xi1>, vector<64x128xi32>
    %shift_right_arithmetic3A_3462 = arith.constant 13 : i32
    %shift_right_arithmetic3A_3463 = vector.broadcast %shift_right_arithmetic3A_3462 : i32 to vector<64x128xi32>
    %shift_right_arithmetic3A_3464 = arith.shrsi %add3A, %shift_right_arithmetic3A_3463 : vector<64x128xi32>
    %and3A_3465 = arith.constant 1 : i32
    %and3A_3466 = vector.broadcast %and3A_3465 : i32 to vector<64x128xi32>
    %and3A_3467 = arith.andi %shift_right_arithmetic3A_3464, %and3A_3466 : vector<64x128xi32>
    %eq3A_3468 = arith.constant 0 : i32
    %eq3A_3469 = vector.broadcast %eq3A_3468 : i32 to vector<64x128xi32>
    %eq3A_3470 = arith.cmpi eq, %and3A_3467, %eq3A_3469 : vector<64x128xi32>
    %iota3A_3471 = tpu.iota {dimensions = array<i32: 0>} : vector<64x128xi32>
    %and3A_3472 = arith.constant 32 : i32
    %and3A_3473 = vector.broadcast %and3A_3472 : i32 to vector<64x128xi32>
    %and3A_3474 = arith.andi %iota3A_3471, %and3A_3473 : vector<64x128xi32>
    %roll3A_3475 = arith.constant 32 : i32
    %roll3A_3476 = tpu.dynamic_rotate %select_n3A_3460 by %roll3A_3475 dim 0 : vector<64x128xf32>, i32 -> vector<64x128xf32>
    %roll3A_3477 = arith.constant 32 : i32
    %roll3A_3478 = tpu.dynamic_rotate %select_n3A_3460 by %roll3A_3477 dim 0 : vector<64x128xf32>, i32 -> vector<64x128xf32>
    %eq3A_3479 = arith.constant 0 : i32
    %eq3A_3480 = vector.broadcast %eq3A_3479 : i32 to vector<64x128xi32>
    %eq3A_3481 = arith.cmpi eq, %and3A_3474, %eq3A_3480 : vector<64x128xi32>
    %select_n3A_3482 = arith.select %eq3A_3481, %roll3A_3476, %roll3A_3478 : vector<64x128xi1>, vector<64x128xf32>
    %iota3A_3483 = tpu.iota {dimensions = array<i32: 0>} : vector<64x128xi32>
    %and3A_3484 = arith.constant 32 : i32
    %and3A_3485 = vector.broadcast %and3A_3484 : i32 to vector<64x128xi32>
    %and3A_3486 = arith.andi %iota3A_3483, %and3A_3485 : vector<64x128xi32>
    %roll3A_3487 = arith.constant 32 : i32
    %roll3A_3488 = tpu.dynamic_rotate %select_n3A_3461 by %roll3A_3487 dim 0 : vector<64x128xi32>, i32 -> vector<64x128xi32>
    %roll3A_3489 = arith.constant 32 : i32
    %roll3A_3490 = tpu.dynamic_rotate %select_n3A_3461 by %roll3A_3489 dim 0 : vector<64x128xi32>, i32 -> vector<64x128xi32>
    %eq3A_3491 = arith.constant 0 : i32
    %eq3A_3492 = vector.broadcast %eq3A_3491 : i32 to vector<64x128xi32>
    %eq3A_3493 = arith.cmpi eq, %and3A_3486, %eq3A_3492 : vector<64x128xi32>
    %select_n3A_3494 = arith.select %eq3A_3493, %roll3A_3488, %roll3A_3490 : vector<64x128xi1>, vector<64x128xi32>
    %and3A_3495 = arith.constant 4096 : i32
    %and3A_3496 = vector.broadcast %and3A_3495 : i32 to vector<64x128xi32>
    %and3A_3497 = arith.andi %add3A, %and3A_3496 : vector<64x128xi32>
    %eq3A_3498 = arith.constant 0 : i32
    %eq3A_3499 = vector.broadcast %eq3A_3498 : i32 to vector<64x128xi32>
    %eq3A_3500 = arith.cmpi eq, %and3A_3497, %eq3A_3499 : vector<64x128xi32>
    %gt3A_3501 = arith.cmpf ogt, %select_n3A_3460, %select_n3A_3482 : vector<64x128xf32>
    %eq3A_3502 = arith.cmpf oeq, %select_n3A_3460, %select_n3A_3482 : vector<64x128xf32>
    %lt3A_3503 = arith.cmpi slt, %select_n3A_3461, %select_n3A_3494 : vector<64x128xi32>
    %and3A_3504 = arith.andi %eq3A_3502, %lt3A_3503 : vector<64x128xi1>
    %or3A_3505 = arith.ori %gt3A_3501, %and3A_3504 : vector<64x128xi1>
    %eq3A_3506 = arith.xori %eq3A_3500, %eq3A_3470 : vector<64x128xi1>
    %eq3A_3507 = arith.constant dense<true> : vector<64x128xi1>
    %eq3A_3508 = arith.xori %eq3A_3506, %eq3A_3507 : vector<64x128xi1>
    %eq3A_3509 = arith.xori %eq3A_3508, %or3A_3505 : vector<64x128xi1>
    %eq3A_3510 = arith.constant dense<true> : vector<64x128xi1>
    %eq3A_3511 = arith.xori %eq3A_3509, %eq3A_3510 : vector<64x128xi1>
    %select_n3A_3512 = arith.select %eq3A_3511, %select_n3A_3460, %select_n3A_3482 : vector<64x128xi1>, vector<64x128xf32>
    %select_n3A_3513 = arith.select %eq3A_3511, %select_n3A_3461, %select_n3A_3494 : vector<64x128xi1>, vector<64x128xi32>
    %iota3A_3514 = tpu.iota {dimensions = array<i32: 0>} : vector<64x128xi32>
    %and3A_3515 = arith.constant 16 : i32
    %and3A_3516 = vector.broadcast %and3A_3515 : i32 to vector<64x128xi32>
    %and3A_3517 = arith.andi %iota3A_3514, %and3A_3516 : vector<64x128xi32>
    %roll3A_3518 = arith.constant 48 : i32
    %roll3A_3519 = tpu.dynamic_rotate %select_n3A_3512 by %roll3A_3518 dim 0 : vector<64x128xf32>, i32 -> vector<64x128xf32>
    %roll3A_3520 = arith.constant 16 : i32
    %roll3A_3521 = tpu.dynamic_rotate %select_n3A_3512 by %roll3A_3520 dim 0 : vector<64x128xf32>, i32 -> vector<64x128xf32>
    %eq3A_3522 = arith.constant 0 : i32
    %eq3A_3523 = vector.broadcast %eq3A_3522 : i32 to vector<64x128xi32>
    %eq3A_3524 = arith.cmpi eq, %and3A_3517, %eq3A_3523 : vector<64x128xi32>
    %select_n3A_3525 = arith.select %eq3A_3524, %roll3A_3519, %roll3A_3521 : vector<64x128xi1>, vector<64x128xf32>
    %iota3A_3526 = tpu.iota {dimensions = array<i32: 0>} : vector<64x128xi32>
    %and3A_3527 = arith.constant 16 : i32
    %and3A_3528 = vector.broadcast %and3A_3527 : i32 to vector<64x128xi32>
    %and3A_3529 = arith.andi %iota3A_3526, %and3A_3528 : vector<64x128xi32>
    %roll3A_3530 = arith.constant 48 : i32
    %roll3A_3531 = tpu.dynamic_rotate %select_n3A_3513 by %roll3A_3530 dim 0 : vector<64x128xi32>, i32 -> vector<64x128xi32>
    %roll3A_3532 = arith.constant 16 : i32
    %roll3A_3533 = tpu.dynamic_rotate %select_n3A_3513 by %roll3A_3532 dim 0 : vector<64x128xi32>, i32 -> vector<64x128xi32>
    %eq3A_3534 = arith.constant 0 : i32
    %eq3A_3535 = vector.broadcast %eq3A_3534 : i32 to vector<64x128xi32>
    %eq3A_3536 = arith.cmpi eq, %and3A_3529, %eq3A_3535 : vector<64x128xi32>
    %select_n3A_3537 = arith.select %eq3A_3536, %roll3A_3531, %roll3A_3533 : vector<64x128xi1>, vector<64x128xi32>
    %and3A_3538 = arith.constant 2048 : i32
    %and3A_3539 = vector.broadcast %and3A_3538 : i32 to vector<64x128xi32>
    %and3A_3540 = arith.andi %add3A, %and3A_3539 : vector<64x128xi32>
    %eq3A_3541 = arith.constant 0 : i32
    %eq3A_3542 = vector.broadcast %eq3A_3541 : i32 to vector<64x128xi32>
    %eq3A_3543 = arith.cmpi eq, %and3A_3540, %eq3A_3542 : vector<64x128xi32>
    %gt3A_3544 = arith.cmpf ogt, %select_n3A_3512, %select_n3A_3525 : vector<64x128xf32>
    %eq3A_3545 = arith.cmpf oeq, %select_n3A_3512, %select_n3A_3525 : vector<64x128xf32>
    %lt3A_3546 = arith.cmpi slt, %select_n3A_3513, %select_n3A_3537 : vector<64x128xi32>
    %and3A_3547 = arith.andi %eq3A_3545, %lt3A_3546 : vector<64x128xi1>
    %or3A_3548 = arith.ori %gt3A_3544, %and3A_3547 : vector<64x128xi1>
    %eq3A_3549 = arith.xori %eq3A_3543, %eq3A_3470 : vector<64x128xi1>
    %eq3A_3550 = arith.constant dense<true> : vector<64x128xi1>
    %eq3A_3551 = arith.xori %eq3A_3549, %eq3A_3550 : vector<64x128xi1>
    %eq3A_3552 = arith.xori %eq3A_3551, %or3A_3548 : vector<64x128xi1>
    %eq3A_3553 = arith.constant dense<true> : vector<64x128xi1>
    %eq3A_3554 = arith.xori %eq3A_3552, %eq3A_3553 : vector<64x128xi1>
    %select_n3A_3555 = arith.select %eq3A_3554, %select_n3A_3512, %select_n3A_3525 : vector<64x128xi1>, vector<64x128xf32>
    %select_n3A_3556 = arith.select %eq3A_3554, %select_n3A_3513, %select_n3A_3537 : vector<64x128xi1>, vector<64x128xi32>
    %iota3A_3557 = tpu.iota {dimensions = array<i32: 0>} : vector<64x128xi32>
    %and3A_3558 = arith.constant 8 : i32
    %and3A_3559 = vector.broadcast %and3A_3558 : i32 to vector<64x128xi32>
    %and3A_3560 = arith.andi %iota3A_3557, %and3A_3559 : vector<64x128xi32>
    %roll3A_3561 = arith.constant 56 : i32
    %roll3A_3562 = tpu.dynamic_rotate %select_n3A_3555 by %roll3A_3561 dim 0 : vector<64x128xf32>, i32 -> vector<64x128xf32>
    %roll3A_3563 = arith.constant 8 : i32
    %roll3A_3564 = tpu.dynamic_rotate %select_n3A_3555 by %roll3A_3563 dim 0 : vector<64x128xf32>, i32 -> vector<64x128xf32>
    %eq3A_3565 = arith.constant 0 : i32
    %eq3A_3566 = vector.broadcast %eq3A_3565 : i32 to vector<64x128xi32>
    %eq3A_3567 = arith.cmpi eq, %and3A_3560, %eq3A_3566 : vector<64x128xi32>
    %select_n3A_3568 = arith.select %eq3A_3567, %roll3A_3562, %roll3A_3564 : vector<64x128xi1>, vector<64x128xf32>
    %iota3A_3569 = tpu.iota {dimensions = array<i32: 0>} : vector<64x128xi32>
    %and3A_3570 = arith.constant 8 : i32
    %and3A_3571 = vector.broadcast %and3A_3570 : i32 to vector<64x128xi32>
    %and3A_3572 = arith.andi %iota3A_3569, %and3A_3571 : vector<64x128xi32>
    %roll3A_3573 = arith.constant 56 : i32
    %roll3A_3574 = tpu.dynamic_rotate %select_n3A_3556 by %roll3A_3573 dim 0 : vector<64x128xi32>, i32 -> vector<64x128xi32>
    %roll3A_3575 = arith.constant 8 : i32
    %roll3A_3576 = tpu.dynamic_rotate %select_n3A_3556 by %roll3A_3575 dim 0 : vector<64x128xi32>, i32 -> vector<64x128xi32>
    %eq3A_3577 = arith.constant 0 : i32
    %eq3A_3578 = vector.broadcast %eq3A_3577 : i32 to vector<64x128xi32>
    %eq3A_3579 = arith.cmpi eq, %and3A_3572, %eq3A_3578 : vector<64x128xi32>
    %select_n3A_3580 = arith.select %eq3A_3579, %roll3A_3574, %roll3A_3576 : vector<64x128xi1>, vector<64x128xi32>
    %and3A_3581 = arith.constant 1024 : i32
    %and3A_3582 = vector.broadcast %and3A_3581 : i32 to vector<64x128xi32>
    %and3A_3583 = arith.andi %add3A, %and3A_3582 : vector<64x128xi32>
    %eq3A_3584 = arith.constant 0 : i32
    %eq3A_3585 = vector.broadcast %eq3A_3584 : i32 to vector<64x128xi32>
    %eq3A_3586 = arith.cmpi eq, %and3A_3583, %eq3A_3585 : vector<64x128xi32>
    %gt3A_3587 = arith.cmpf ogt, %select_n3A_3555, %select_n3A_3568 : vector<64x128xf32>
    %eq3A_3588 = arith.cmpf oeq, %select_n3A_3555, %select_n3A_3568 : vector<64x128xf32>
    %lt3A_3589 = arith.cmpi slt, %select_n3A_3556, %select_n3A_3580 : vector<64x128xi32>
    %and3A_3590 = arith.andi %eq3A_3588, %lt3A_3589 : vector<64x128xi1>
    %or3A_3591 = arith.ori %gt3A_3587, %and3A_3590 : vector<64x128xi1>
    %eq3A_3592 = arith.xori %eq3A_3586, %eq3A_3470 : vector<64x128xi1>
    %eq3A_3593 = arith.constant dense<true> : vector<64x128xi1>
    %eq3A_3594 = arith.xori %eq3A_3592, %eq3A_3593 : vector<64x128xi1>
    %eq3A_3595 = arith.xori %eq3A_3594, %or3A_3591 : vector<64x128xi1>
    %eq3A_3596 = arith.constant dense<true> : vector<64x128xi1>
    %eq3A_3597 = arith.xori %eq3A_3595, %eq3A_3596 : vector<64x128xi1>
    %select_n3A_3598 = arith.select %eq3A_3597, %select_n3A_3555, %select_n3A_3568 : vector<64x128xi1>, vector<64x128xf32>
    %select_n3A_3599 = arith.select %eq3A_3597, %select_n3A_3556, %select_n3A_3580 : vector<64x128xi1>, vector<64x128xi32>
    %iota3A_3600 = tpu.iota {dimensions = array<i32: 0>} : vector<64x128xi32>
    %and3A_3601 = arith.constant 4 : i32
    %and3A_3602 = vector.broadcast %and3A_3601 : i32 to vector<64x128xi32>
    %and3A_3603 = arith.andi %iota3A_3600, %and3A_3602 : vector<64x128xi32>
    %roll3A_3604 = arith.constant 60 : i32
    %roll3A_3605 = tpu.dynamic_rotate %select_n3A_3598 by %roll3A_3604 dim 0 : vector<64x128xf32>, i32 -> vector<64x128xf32>
    %roll3A_3606 = arith.constant 4 : i32
    %roll3A_3607 = tpu.dynamic_rotate %select_n3A_3598 by %roll3A_3606 dim 0 : vector<64x128xf32>, i32 -> vector<64x128xf32>
    %eq3A_3608 = arith.constant 0 : i32
    %eq3A_3609 = vector.broadcast %eq3A_3608 : i32 to vector<64x128xi32>
    %eq3A_3610 = arith.cmpi eq, %and3A_3603, %eq3A_3609 : vector<64x128xi32>
    %select_n3A_3611 = arith.select %eq3A_3610, %roll3A_3605, %roll3A_3607 : vector<64x128xi1>, vector<64x128xf32>
    %iota3A_3612 = tpu.iota {dimensions = array<i32: 0>} : vector<64x128xi32>
    %and3A_3613 = arith.constant 4 : i32
    %and3A_3614 = vector.broadcast %and3A_3613 : i32 to vector<64x128xi32>
    %and3A_3615 = arith.andi %iota3A_3612, %and3A_3614 : vector<64x128xi32>
    %roll3A_3616 = arith.constant 60 : i32
    %roll3A_3617 = tpu.dynamic_rotate %select_n3A_3599 by %roll3A_3616 dim 0 : vector<64x128xi32>, i32 -> vector<64x128xi32>
    %roll3A_3618 = arith.constant 4 : i32
    %roll3A_3619 = tpu.dynamic_rotate %select_n3A_3599 by %roll3A_3618 dim 0 : vector<64x128xi32>, i32 -> vector<64x128xi32>
    %eq3A_3620 = arith.constant 0 : i32
    %eq3A_3621 = vector.broadcast %eq3A_3620 : i32 to vector<64x128xi32>
    %eq3A_3622 = arith.cmpi eq, %and3A_3615, %eq3A_3621 : vector<64x128xi32>
    %select_n3A_3623 = arith.select %eq3A_3622, %roll3A_3617, %roll3A_3619 : vector<64x128xi1>, vector<64x128xi32>
    %and3A_3624 = arith.constant 512 : i32
    %and3A_3625 = vector.broadcast %and3A_3624 : i32 to vector<64x128xi32>
    %and3A_3626 = arith.andi %add3A, %and3A_3625 : vector<64x128xi32>
    %eq3A_3627 = arith.constant 0 : i32
    %eq3A_3628 = vector.broadcast %eq3A_3627 : i32 to vector<64x128xi32>
    %eq3A_3629 = arith.cmpi eq, %and3A_3626, %eq3A_3628 : vector<64x128xi32>
    %gt3A_3630 = arith.cmpf ogt, %select_n3A_3598, %select_n3A_3611 : vector<64x128xf32>
    %eq3A_3631 = arith.cmpf oeq, %select_n3A_3598, %select_n3A_3611 : vector<64x128xf32>
    %lt3A_3632 = arith.cmpi slt, %select_n3A_3599, %select_n3A_3623 : vector<64x128xi32>
    %and3A_3633 = arith.andi %eq3A_3631, %lt3A_3632 : vector<64x128xi1>
    %or3A_3634 = arith.ori %gt3A_3630, %and3A_3633 : vector<64x128xi1>
    %eq3A_3635 = arith.xori %eq3A_3629, %eq3A_3470 : vector<64x128xi1>
    %eq3A_3636 = arith.constant dense<true> : vector<64x128xi1>
    %eq3A_3637 = arith.xori %eq3A_3635, %eq3A_3636 : vector<64x128xi1>
    %eq3A_3638 = arith.xori %eq3A_3637, %or3A_3634 : vector<64x128xi1>
    %eq3A_3639 = arith.constant dense<true> : vector<64x128xi1>
    %eq3A_3640 = arith.xori %eq3A_3638, %eq3A_3639 : vector<64x128xi1>
    %select_n3A_3641 = arith.select %eq3A_3640, %select_n3A_3598, %select_n3A_3611 : vector<64x128xi1>, vector<64x128xf32>
    %select_n3A_3642 = arith.select %eq3A_3640, %select_n3A_3599, %select_n3A_3623 : vector<64x128xi1>, vector<64x128xi32>
    %iota3A_3643 = tpu.iota {dimensions = array<i32: 0>} : vector<64x128xi32>
    %and3A_3644 = arith.constant 2 : i32
    %and3A_3645 = vector.broadcast %and3A_3644 : i32 to vector<64x128xi32>
    %and3A_3646 = arith.andi %iota3A_3643, %and3A_3645 : vector<64x128xi32>
    %roll3A_3647 = arith.constant 62 : i32
    %roll3A_3648 = tpu.dynamic_rotate %select_n3A_3641 by %roll3A_3647 dim 0 : vector<64x128xf32>, i32 -> vector<64x128xf32>
    %roll3A_3649 = arith.constant 2 : i32
    %roll3A_3650 = tpu.dynamic_rotate %select_n3A_3641 by %roll3A_3649 dim 0 : vector<64x128xf32>, i32 -> vector<64x128xf32>
    %eq3A_3651 = arith.constant 0 : i32
    %eq3A_3652 = vector.broadcast %eq3A_3651 : i32 to vector<64x128xi32>
    %eq3A_3653 = arith.cmpi eq, %and3A_3646, %eq3A_3652 : vector<64x128xi32>
    %select_n3A_3654 = arith.select %eq3A_3653, %roll3A_3648, %roll3A_3650 : vector<64x128xi1>, vector<64x128xf32>
    %iota3A_3655 = tpu.iota {dimensions = array<i32: 0>} : vector<64x128xi32>
    %and3A_3656 = arith.constant 2 : i32
    %and3A_3657 = vector.broadcast %and3A_3656 : i32 to vector<64x128xi32>
    %and3A_3658 = arith.andi %iota3A_3655, %and3A_3657 : vector<64x128xi32>
    %roll3A_3659 = arith.constant 62 : i32
    %roll3A_3660 = tpu.dynamic_rotate %select_n3A_3642 by %roll3A_3659 dim 0 : vector<64x128xi32>, i32 -> vector<64x128xi32>
    %roll3A_3661 = arith.constant 2 : i32
    %roll3A_3662 = tpu.dynamic_rotate %select_n3A_3642 by %roll3A_3661 dim 0 : vector<64x128xi32>, i32 -> vector<64x128xi32>
    %eq3A_3663 = arith.constant 0 : i32
    %eq3A_3664 = vector.broadcast %eq3A_3663 : i32 to vector<64x128xi32>
    %eq3A_3665 = arith.cmpi eq, %and3A_3658, %eq3A_3664 : vector<64x128xi32>
    %select_n3A_3666 = arith.select %eq3A_3665, %roll3A_3660, %roll3A_3662 : vector<64x128xi1>, vector<64x128xi32>
    %and3A_3667 = arith.constant 256 : i32
    %and3A_3668 = vector.broadcast %and3A_3667 : i32 to vector<64x128xi32>
    %and3A_3669 = arith.andi %add3A, %and3A_3668 : vector<64x128xi32>
    %eq3A_3670 = arith.constant 0 : i32
    %eq3A_3671 = vector.broadcast %eq3A_3670 : i32 to vector<64x128xi32>
    %eq3A_3672 = arith.cmpi eq, %and3A_3669, %eq3A_3671 : vector<64x128xi32>
    %gt3A_3673 = arith.cmpf ogt, %select_n3A_3641, %select_n3A_3654 : vector<64x128xf32>
    %eq3A_3674 = arith.cmpf oeq, %select_n3A_3641, %select_n3A_3654 : vector<64x128xf32>
    %lt3A_3675 = arith.cmpi slt, %select_n3A_3642, %select_n3A_3666 : vector<64x128xi32>
    %and3A_3676 = arith.andi %eq3A_3674, %lt3A_3675 : vector<64x128xi1>
    %or3A_3677 = arith.ori %gt3A_3673, %and3A_3676 : vector<64x128xi1>
    %eq3A_3678 = arith.xori %eq3A_3672, %eq3A_3470 : vector<64x128xi1>
    %eq3A_3679 = arith.constant dense<true> : vector<64x128xi1>
    %eq3A_3680 = arith.xori %eq3A_3678, %eq3A_3679 : vector<64x128xi1>
    %eq3A_3681 = arith.xori %eq3A_3680, %or3A_3677 : vector<64x128xi1>
    %eq3A_3682 = arith.constant dense<true> : vector<64x128xi1>
    %eq3A_3683 = arith.xori %eq3A_3681, %eq3A_3682 : vector<64x128xi1>
    %select_n3A_3684 = arith.select %eq3A_3683, %select_n3A_3641, %select_n3A_3654 : vector<64x128xi1>, vector<64x128xf32>
    %select_n3A_3685 = arith.select %eq3A_3683, %select_n3A_3642, %select_n3A_3666 : vector<64x128xi1>, vector<64x128xi32>
    %iota3A_3686 = tpu.iota {dimensions = array<i32: 0>} : vector<64x128xi32>
    %and3A_3687 = arith.constant 1 : i32
    %and3A_3688 = vector.broadcast %and3A_3687 : i32 to vector<64x128xi32>
    %and3A_3689 = arith.andi %iota3A_3686, %and3A_3688 : vector<64x128xi32>
    %roll3A_3690 = arith.constant 63 : i32
    %roll3A_3691 = tpu.dynamic_rotate %select_n3A_3684 by %roll3A_3690 dim 0 : vector<64x128xf32>, i32 -> vector<64x128xf32>
    %roll3A_3692 = arith.constant 1 : i32
    %roll3A_3693 = tpu.dynamic_rotate %select_n3A_3684 by %roll3A_3692 dim 0 : vector<64x128xf32>, i32 -> vector<64x128xf32>
    %eq3A_3694 = arith.constant 0 : i32
    %eq3A_3695 = vector.broadcast %eq3A_3694 : i32 to vector<64x128xi32>
    %eq3A_3696 = arith.cmpi eq, %and3A_3689, %eq3A_3695 : vector<64x128xi32>
    %select_n3A_3697 = arith.select %eq3A_3696, %roll3A_3691, %roll3A_3693 : vector<64x128xi1>, vector<64x128xf32>
    %iota3A_3698 = tpu.iota {dimensions = array<i32: 0>} : vector<64x128xi32>
    %and3A_3699 = arith.constant 1 : i32
    %and3A_3700 = vector.broadcast %and3A_3699 : i32 to vector<64x128xi32>
    %and3A_3701 = arith.andi %iota3A_3698, %and3A_3700 : vector<64x128xi32>
    %roll3A_3702 = arith.constant 63 : i32
    %roll3A_3703 = tpu.dynamic_rotate %select_n3A_3685 by %roll3A_3702 dim 0 : vector<64x128xi32>, i32 -> vector<64x128xi32>
    %roll3A_3704 = arith.constant 1 : i32
    %roll3A_3705 = tpu.dynamic_rotate %select_n3A_3685 by %roll3A_3704 dim 0 : vector<64x128xi32>, i32 -> vector<64x128xi32>
    %eq3A_3706 = arith.constant 0 : i32
    %eq3A_3707 = vector.broadcast %eq3A_3706 : i32 to vector<64x128xi32>
    %eq3A_3708 = arith.cmpi eq, %and3A_3701, %eq3A_3707 : vector<64x128xi32>
    %select_n3A_3709 = arith.select %eq3A_3708, %roll3A_3703, %roll3A_3705 : vector<64x128xi1>, vector<64x128xi32>
    %and3A_3710 = arith.constant 128 : i32
    %and3A_3711 = vector.broadcast %and3A_3710 : i32 to vector<64x128xi32>
    %and3A_3712 = arith.andi %add3A, %and3A_3711 : vector<64x128xi32>
    %eq3A_3713 = arith.constant 0 : i32
    %eq3A_3714 = vector.broadcast %eq3A_3713 : i32 to vector<64x128xi32>
    %eq3A_3715 = arith.cmpi eq, %and3A_3712, %eq3A_3714 : vector<64x128xi32>
    %gt3A_3716 = arith.cmpf ogt, %select_n3A_3684, %select_n3A_3697 : vector<64x128xf32>
    %eq3A_3717 = arith.cmpf oeq, %select_n3A_3684, %select_n3A_3697 : vector<64x128xf32>
    %lt3A_3718 = arith.cmpi slt, %select_n3A_3685, %select_n3A_3709 : vector<64x128xi32>
    %and3A_3719 = arith.andi %eq3A_3717, %lt3A_3718 : vector<64x128xi1>
    %or3A_3720 = arith.ori %gt3A_3716, %and3A_3719 : vector<64x128xi1>
    %eq3A_3721 = arith.xori %eq3A_3715, %eq3A_3470 : vector<64x128xi1>
    %eq3A_3722 = arith.constant dense<true> : vector<64x128xi1>
    %eq3A_3723 = arith.xori %eq3A_3721, %eq3A_3722 : vector<64x128xi1>
    %eq3A_3724 = arith.xori %eq3A_3723, %or3A_3720 : vector<64x128xi1>
    %eq3A_3725 = arith.constant dense<true> : vector<64x128xi1>
    %eq3A_3726 = arith.xori %eq3A_3724, %eq3A_3725 : vector<64x128xi1>
    %select_n3A_3727 = arith.select %eq3A_3726, %select_n3A_3684, %select_n3A_3697 : vector<64x128xi1>, vector<64x128xf32>
    %select_n3A_3728 = arith.select %eq3A_3726, %select_n3A_3685, %select_n3A_3709 : vector<64x128xi1>, vector<64x128xi32>
    %iota3A_3729 = tpu.iota {dimensions = array<i32: 1>} : vector<64x128xi32>
    %and3A_3730 = arith.constant 64 : i32
    %and3A_3731 = vector.broadcast %and3A_3730 : i32 to vector<64x128xi32>
    %and3A_3732 = arith.andi %iota3A_3729, %and3A_3731 : vector<64x128xi32>
    %roll3A_3733 = arith.constant 64 : i32
    %roll3A_3734 = tpu.dynamic_rotate %select_n3A_3727 by %roll3A_3733 dim 1 : vector<64x128xf32>, i32 -> vector<64x128xf32>
    %roll3A_3735 = arith.constant 64 : i32
    %roll3A_3736 = tpu.dynamic_rotate %select_n3A_3727 by %roll3A_3735 dim 1 : vector<64x128xf32>, i32 -> vector<64x128xf32>
    %eq3A_3737 = arith.constant 0 : i32
    %eq3A_3738 = vector.broadcast %eq3A_3737 : i32 to vector<64x128xi32>
    %eq3A_3739 = arith.cmpi eq, %and3A_3732, %eq3A_3738 : vector<64x128xi32>
    %select_n3A_3740 = arith.select %eq3A_3739, %roll3A_3734, %roll3A_3736 : vector<64x128xi1>, vector<64x128xf32>
    %iota3A_3741 = tpu.iota {dimensions = array<i32: 1>} : vector<64x128xi32>
    %and3A_3742 = arith.constant 64 : i32
    %and3A_3743 = vector.broadcast %and3A_3742 : i32 to vector<64x128xi32>
    %and3A_3744 = arith.andi %iota3A_3741, %and3A_3743 : vector<64x128xi32>
    %roll3A_3745 = arith.constant 64 : i32
    %roll3A_3746 = tpu.dynamic_rotate %select_n3A_3728 by %roll3A_3745 dim 1 : vector<64x128xi32>, i32 -> vector<64x128xi32>
    %roll3A_3747 = arith.constant 64 : i32
    %roll3A_3748 = tpu.dynamic_rotate %select_n3A_3728 by %roll3A_3747 dim 1 : vector<64x128xi32>, i32 -> vector<64x128xi32>
    %eq3A_3749 = arith.constant 0 : i32
    %eq3A_3750 = vector.broadcast %eq3A_3749 : i32 to vector<64x128xi32>
    %eq3A_3751 = arith.cmpi eq, %and3A_3744, %eq3A_3750 : vector<64x128xi32>
    %select_n3A_3752 = arith.select %eq3A_3751, %roll3A_3746, %roll3A_3748 : vector<64x128xi1>, vector<64x128xi32>
    %and3A_3753 = arith.constant 64 : i32
    %and3A_3754 = vector.broadcast %and3A_3753 : i32 to vector<64x128xi32>
    %and3A_3755 = arith.andi %add3A, %and3A_3754 : vector<64x128xi32>
    %eq3A_3756 = arith.constant 0 : i32
    %eq3A_3757 = vector.broadcast %eq3A_3756 : i32 to vector<64x128xi32>
    %eq3A_3758 = arith.cmpi eq, %and3A_3755, %eq3A_3757 : vector<64x128xi32>
    %gt3A_3759 = arith.cmpf ogt, %select_n3A_3727, %select_n3A_3740 : vector<64x128xf32>
    %eq3A_3760 = arith.cmpf oeq, %select_n3A_3727, %select_n3A_3740 : vector<64x128xf32>
    %lt3A_3761 = arith.cmpi slt, %select_n3A_3728, %select_n3A_3752 : vector<64x128xi32>
    %and3A_3762 = arith.andi %eq3A_3760, %lt3A_3761 : vector<64x128xi1>
    %or3A_3763 = arith.ori %gt3A_3759, %and3A_3762 : vector<64x128xi1>
    %eq3A_3764 = arith.xori %eq3A_3758, %eq3A_3470 : vector<64x128xi1>
    %eq3A_3765 = arith.constant dense<true> : vector<64x128xi1>
    %eq3A_3766 = arith.xori %eq3A_3764, %eq3A_3765 : vector<64x128xi1>
    %eq3A_3767 = arith.xori %eq3A_3766, %or3A_3763 : vector<64x128xi1>
    %eq3A_3768 = arith.constant dense<true> : vector<64x128xi1>
    %eq3A_3769 = arith.xori %eq3A_3767, %eq3A_3768 : vector<64x128xi1>
    %select_n3A_3770 = arith.select %eq3A_3769, %select_n3A_3727, %select_n3A_3740 : vector<64x128xi1>, vector<64x128xf32>
    %select_n3A_3771 = arith.select %eq3A_3769, %select_n3A_3728, %select_n3A_3752 : vector<64x128xi1>, vector<64x128xi32>
    %iota3A_3772 = tpu.iota {dimensions = array<i32: 1>} : vector<64x128xi32>
    %and3A_3773 = arith.constant 32 : i32
    %and3A_3774 = vector.broadcast %and3A_3773 : i32 to vector<64x128xi32>
    %and3A_3775 = arith.andi %iota3A_3772, %and3A_3774 : vector<64x128xi32>
    %roll3A_3776 = arith.constant 96 : i32
    %roll3A_3777 = tpu.dynamic_rotate %select_n3A_3770 by %roll3A_3776 dim 1 : vector<64x128xf32>, i32 -> vector<64x128xf32>
    %roll3A_3778 = arith.constant 32 : i32
    %roll3A_3779 = tpu.dynamic_rotate %select_n3A_3770 by %roll3A_3778 dim 1 : vector<64x128xf32>, i32 -> vector<64x128xf32>
    %eq3A_3780 = arith.constant 0 : i32
    %eq3A_3781 = vector.broadcast %eq3A_3780 : i32 to vector<64x128xi32>
    %eq3A_3782 = arith.cmpi eq, %and3A_3775, %eq3A_3781 : vector<64x128xi32>
    %select_n3A_3783 = arith.select %eq3A_3782, %roll3A_3777, %roll3A_3779 : vector<64x128xi1>, vector<64x128xf32>
    %iota3A_3784 = tpu.iota {dimensions = array<i32: 1>} : vector<64x128xi32>
    %and3A_3785 = arith.constant 32 : i32
    %and3A_3786 = vector.broadcast %and3A_3785 : i32 to vector<64x128xi32>
    %and3A_3787 = arith.andi %iota3A_3784, %and3A_3786 : vector<64x128xi32>
    %roll3A_3788 = arith.constant 96 : i32
    %roll3A_3789 = tpu.dynamic_rotate %select_n3A_3771 by %roll3A_3788 dim 1 : vector<64x128xi32>, i32 -> vector<64x128xi32>
    %roll3A_3790 = arith.constant 32 : i32
    %roll3A_3791 = tpu.dynamic_rotate %select_n3A_3771 by %roll3A_3790 dim 1 : vector<64x128xi32>, i32 -> vector<64x128xi32>
    %eq3A_3792 = arith.constant 0 : i32
    %eq3A_3793 = vector.broadcast %eq3A_3792 : i32 to vector<64x128xi32>
    %eq3A_3794 = arith.cmpi eq, %and3A_3787, %eq3A_3793 : vector<64x128xi32>
    %select_n3A_3795 = arith.select %eq3A_3794, %roll3A_3789, %roll3A_3791 : vector<64x128xi1>, vector<64x128xi32>
    %and3A_3796 = arith.constant 32 : i32
    %and3A_3797 = vector.broadcast %and3A_3796 : i32 to vector<64x128xi32>
    %and3A_3798 = arith.andi %add3A, %and3A_3797 : vector<64x128xi32>
    %eq3A_3799 = arith.constant 0 : i32
    %eq3A_3800 = vector.broadcast %eq3A_3799 : i32 to vector<64x128xi32>
    %eq3A_3801 = arith.cmpi eq, %and3A_3798, %eq3A_3800 : vector<64x128xi32>
    %gt3A_3802 = arith.cmpf ogt, %select_n3A_3770, %select_n3A_3783 : vector<64x128xf32>
    %eq3A_3803 = arith.cmpf oeq, %select_n3A_3770, %select_n3A_3783 : vector<64x128xf32>
    %lt3A_3804 = arith.cmpi slt, %select_n3A_3771, %select_n3A_3795 : vector<64x128xi32>
    %and3A_3805 = arith.andi %eq3A_3803, %lt3A_3804 : vector<64x128xi1>
    %or3A_3806 = arith.ori %gt3A_3802, %and3A_3805 : vector<64x128xi1>
    %eq3A_3807 = arith.xori %eq3A_3801, %eq3A_3470 : vector<64x128xi1>
    %eq3A_3808 = arith.constant dense<true> : vector<64x128xi1>
    %eq3A_3809 = arith.xori %eq3A_3807, %eq3A_3808 : vector<64x128xi1>
    %eq3A_3810 = arith.xori %eq3A_3809, %or3A_3806 : vector<64x128xi1>
    %eq3A_3811 = arith.constant dense<true> : vector<64x128xi1>
    %eq3A_3812 = arith.xori %eq3A_3810, %eq3A_3811 : vector<64x128xi1>
    %select_n3A_3813 = arith.select %eq3A_3812, %select_n3A_3770, %select_n3A_3783 : vector<64x128xi1>, vector<64x128xf32>
    %select_n3A_3814 = arith.select %eq3A_3812, %select_n3A_3771, %select_n3A_3795 : vector<64x128xi1>, vector<64x128xi32>
    %iota3A_3815 = tpu.iota {dimensions = array<i32: 1>} : vector<64x128xi32>
    %and3A_3816 = arith.constant 16 : i32
    %and3A_3817 = vector.broadcast %and3A_3816 : i32 to vector<64x128xi32>
    %and3A_3818 = arith.andi %iota3A_3815, %and3A_3817 : vector<64x128xi32>
    %roll3A_3819 = arith.constant 112 : i32
    %roll3A_3820 = tpu.dynamic_rotate %select_n3A_3813 by %roll3A_3819 dim 1 : vector<64x128xf32>, i32 -> vector<64x128xf32>
    %roll3A_3821 = arith.constant 16 : i32
    %roll3A_3822 = tpu.dynamic_rotate %select_n3A_3813 by %roll3A_3821 dim 1 : vector<64x128xf32>, i32 -> vector<64x128xf32>
    %eq3A_3823 = arith.constant 0 : i32
    %eq3A_3824 = vector.broadcast %eq3A_3823 : i32 to vector<64x128xi32>
    %eq3A_3825 = arith.cmpi eq, %and3A_3818, %eq3A_3824 : vector<64x128xi32>
    %select_n3A_3826 = arith.select %eq3A_3825, %roll3A_3820, %roll3A_3822 : vector<64x128xi1>, vector<64x128xf32>
    %iota3A_3827 = tpu.iota {dimensions = array<i32: 1>} : vector<64x128xi32>
    %and3A_3828 = arith.constant 16 : i32
    %and3A_3829 = vector.broadcast %and3A_3828 : i32 to vector<64x128xi32>
    %and3A_3830 = arith.andi %iota3A_3827, %and3A_3829 : vector<64x128xi32>
    %roll3A_3831 = arith.constant 112 : i32
    %roll3A_3832 = tpu.dynamic_rotate %select_n3A_3814 by %roll3A_3831 dim 1 : vector<64x128xi32>, i32 -> vector<64x128xi32>
    %roll3A_3833 = arith.constant 16 : i32
    %roll3A_3834 = tpu.dynamic_rotate %select_n3A_3814 by %roll3A_3833 dim 1 : vector<64x128xi32>, i32 -> vector<64x128xi32>
    %eq3A_3835 = arith.constant 0 : i32
    %eq3A_3836 = vector.broadcast %eq3A_3835 : i32 to vector<64x128xi32>
    %eq3A_3837 = arith.cmpi eq, %and3A_3830, %eq3A_3836 : vector<64x128xi32>
    %select_n3A_3838 = arith.select %eq3A_3837, %roll3A_3832, %roll3A_3834 : vector<64x128xi1>, vector<64x128xi32>
    %and3A_3839 = arith.constant 16 : i32
    %and3A_3840 = vector.broadcast %and3A_3839 : i32 to vector<64x128xi32>
    %and3A_3841 = arith.andi %add3A, %and3A_3840 : vector<64x128xi32>
    %eq3A_3842 = arith.constant 0 : i32
    %eq3A_3843 = vector.broadcast %eq3A_3842 : i32 to vector<64x128xi32>
    %eq3A_3844 = arith.cmpi eq, %and3A_3841, %eq3A_3843 : vector<64x128xi32>
    %gt3A_3845 = arith.cmpf ogt, %select_n3A_3813, %select_n3A_3826 : vector<64x128xf32>
    %eq3A_3846 = arith.cmpf oeq, %select_n3A_3813, %select_n3A_3826 : vector<64x128xf32>
    %lt3A_3847 = arith.cmpi slt, %select_n3A_3814, %select_n3A_3838 : vector<64x128xi32>
    %and3A_3848 = arith.andi %eq3A_3846, %lt3A_3847 : vector<64x128xi1>
    %or3A_3849 = arith.ori %gt3A_3845, %and3A_3848 : vector<64x128xi1>
    %eq3A_3850 = arith.xori %eq3A_3844, %eq3A_3470 : vector<64x128xi1>
    %eq3A_3851 = arith.constant dense<true> : vector<64x128xi1>
    %eq3A_3852 = arith.xori %eq3A_3850, %eq3A_3851 : vector<64x128xi1>
    %eq3A_3853 = arith.xori %eq3A_3852, %or3A_3849 : vector<64x128xi1>
    %eq3A_3854 = arith.constant dense<true> : vector<64x128xi1>
    %eq3A_3855 = arith.xori %eq3A_3853, %eq3A_3854 : vector<64x128xi1>
    %select_n3A_3856 = arith.select %eq3A_3855, %select_n3A_3813, %select_n3A_3826 : vector<64x128xi1>, vector<64x128xf32>
    %select_n3A_3857 = arith.select %eq3A_3855, %select_n3A_3814, %select_n3A_3838 : vector<64x128xi1>, vector<64x128xi32>
    %iota3A_3858 = tpu.iota {dimensions = array<i32: 1>} : vector<64x128xi32>
    %and3A_3859 = arith.constant 8 : i32
    %and3A_3860 = vector.broadcast %and3A_3859 : i32 to vector<64x128xi32>
    %and3A_3861 = arith.andi %iota3A_3858, %and3A_3860 : vector<64x128xi32>
    %roll3A_3862 = arith.constant 120 : i32
    %roll3A_3863 = tpu.dynamic_rotate %select_n3A_3856 by %roll3A_3862 dim 1 : vector<64x128xf32>, i32 -> vector<64x128xf32>
    %roll3A_3864 = arith.constant 8 : i32
    %roll3A_3865 = tpu.dynamic_rotate %select_n3A_3856 by %roll3A_3864 dim 1 : vector<64x128xf32>, i32 -> vector<64x128xf32>
    %eq3A_3866 = arith.constant 0 : i32
    %eq3A_3867 = vector.broadcast %eq3A_3866 : i32 to vector<64x128xi32>
    %eq3A_3868 = arith.cmpi eq, %and3A_3861, %eq3A_3867 : vector<64x128xi32>
    %select_n3A_3869 = arith.select %eq3A_3868, %roll3A_3863, %roll3A_3865 : vector<64x128xi1>, vector<64x128xf32>
    %iota3A_3870 = tpu.iota {dimensions = array<i32: 1>} : vector<64x128xi32>
    %and3A_3871 = arith.constant 8 : i32
    %and3A_3872 = vector.broadcast %and3A_3871 : i32 to vector<64x128xi32>
    %and3A_3873 = arith.andi %iota3A_3870, %and3A_3872 : vector<64x128xi32>
    %roll3A_3874 = arith.constant 120 : i32
    %roll3A_3875 = tpu.dynamic_rotate %select_n3A_3857 by %roll3A_3874 dim 1 : vector<64x128xi32>, i32 -> vector<64x128xi32>
    %roll3A_3876 = arith.constant 8 : i32
    %roll3A_3877 = tpu.dynamic_rotate %select_n3A_3857 by %roll3A_3876 dim 1 : vector<64x128xi32>, i32 -> vector<64x128xi32>
    %eq3A_3878 = arith.constant 0 : i32
    %eq3A_3879 = vector.broadcast %eq3A_3878 : i32 to vector<64x128xi32>
    %eq3A_3880 = arith.cmpi eq, %and3A_3873, %eq3A_3879 : vector<64x128xi32>
    %select_n3A_3881 = arith.select %eq3A_3880, %roll3A_3875, %roll3A_3877 : vector<64x128xi1>, vector<64x128xi32>
    %and3A_3882 = arith.constant 8 : i32
    %and3A_3883 = vector.broadcast %and3A_3882 : i32 to vector<64x128xi32>
    %and3A_3884 = arith.andi %add3A, %and3A_3883 : vector<64x128xi32>
    %eq3A_3885 = arith.constant 0 : i32
    %eq3A_3886 = vector.broadcast %eq3A_3885 : i32 to vector<64x128xi32>
    %eq3A_3887 = arith.cmpi eq, %and3A_3884, %eq3A_3886 : vector<64x128xi32>
    %gt3A_3888 = arith.cmpf ogt, %select_n3A_3856, %select_n3A_3869 : vector<64x128xf32>
    %eq3A_3889 = arith.cmpf oeq, %select_n3A_3856, %select_n3A_3869 : vector<64x128xf32>
    %lt3A_3890 = arith.cmpi slt, %select_n3A_3857, %select_n3A_3881 : vector<64x128xi32>
    %and3A_3891 = arith.andi %eq3A_3889, %lt3A_3890 : vector<64x128xi1>
    %or3A_3892 = arith.ori %gt3A_3888, %and3A_3891 : vector<64x128xi1>
    %eq3A_3893 = arith.xori %eq3A_3887, %eq3A_3470 : vector<64x128xi1>
    %eq3A_3894 = arith.constant dense<true> : vector<64x128xi1>
    %eq3A_3895 = arith.xori %eq3A_3893, %eq3A_3894 : vector<64x128xi1>
    %eq3A_3896 = arith.xori %eq3A_3895, %or3A_3892 : vector<64x128xi1>
    %eq3A_3897 = arith.constant dense<true> : vector<64x128xi1>
    %eq3A_3898 = arith.xori %eq3A_3896, %eq3A_3897 : vector<64x128xi1>
    %select_n3A_3899 = arith.select %eq3A_3898, %select_n3A_3856, %select_n3A_3869 : vector<64x128xi1>, vector<64x128xf32>
    %select_n3A_3900 = arith.select %eq3A_3898, %select_n3A_3857, %select_n3A_3881 : vector<64x128xi1>, vector<64x128xi32>
    %iota3A_3901 = tpu.iota {dimensions = array<i32: 1>} : vector<64x128xi32>
    %and3A_3902 = arith.constant 4 : i32
    %and3A_3903 = vector.broadcast %and3A_3902 : i32 to vector<64x128xi32>
    %and3A_3904 = arith.andi %iota3A_3901, %and3A_3903 : vector<64x128xi32>
    %roll3A_3905 = arith.constant 124 : i32
    %roll3A_3906 = tpu.dynamic_rotate %select_n3A_3899 by %roll3A_3905 dim 1 : vector<64x128xf32>, i32 -> vector<64x128xf32>
    %roll3A_3907 = arith.constant 4 : i32
    %roll3A_3908 = tpu.dynamic_rotate %select_n3A_3899 by %roll3A_3907 dim 1 : vector<64x128xf32>, i32 -> vector<64x128xf32>
    %eq3A_3909 = arith.constant 0 : i32
    %eq3A_3910 = vector.broadcast %eq3A_3909 : i32 to vector<64x128xi32>
    %eq3A_3911 = arith.cmpi eq, %and3A_3904, %eq3A_3910 : vector<64x128xi32>
    %select_n3A_3912 = arith.select %eq3A_3911, %roll3A_3906, %roll3A_3908 : vector<64x128xi1>, vector<64x128xf32>
    %iota3A_3913 = tpu.iota {dimensions = array<i32: 1>} : vector<64x128xi32>
    %and3A_3914 = arith.constant 4 : i32
    %and3A_3915 = vector.broadcast %and3A_3914 : i32 to vector<64x128xi32>
    %and3A_3916 = arith.andi %iota3A_3913, %and3A_3915 : vector<64x128xi32>
    %roll3A_3917 = arith.constant 124 : i32
    %roll3A_3918 = tpu.dynamic_rotate %select_n3A_3900 by %roll3A_3917 dim 1 : vector<64x128xi32>, i32 -> vector<64x128xi32>
    %roll3A_3919 = arith.constant 4 : i32
    %roll3A_3920 = tpu.dynamic_rotate %select_n3A_3900 by %roll3A_3919 dim 1 : vector<64x128xi32>, i32 -> vector<64x128xi32>
    %eq3A_3921 = arith.constant 0 : i32
    %eq3A_3922 = vector.broadcast %eq3A_3921 : i32 to vector<64x128xi32>
    %eq3A_3923 = arith.cmpi eq, %and3A_3916, %eq3A_3922 : vector<64x128xi32>
    %select_n3A_3924 = arith.select %eq3A_3923, %roll3A_3918, %roll3A_3920 : vector<64x128xi1>, vector<64x128xi32>
    %and3A_3925 = arith.constant 4 : i32
    %and3A_3926 = vector.broadcast %and3A_3925 : i32 to vector<64x128xi32>
    %and3A_3927 = arith.andi %add3A, %and3A_3926 : vector<64x128xi32>
    %eq3A_3928 = arith.constant 0 : i32
    %eq3A_3929 = vector.broadcast %eq3A_3928 : i32 to vector<64x128xi32>
    %eq3A_3930 = arith.cmpi eq, %and3A_3927, %eq3A_3929 : vector<64x128xi32>
    %gt3A_3931 = arith.cmpf ogt, %select_n3A_3899, %select_n3A_3912 : vector<64x128xf32>
    %eq3A_3932 = arith.cmpf oeq, %select_n3A_3899, %select_n3A_3912 : vector<64x128xf32>
    %lt3A_3933 = arith.cmpi slt, %select_n3A_3900, %select_n3A_3924 : vector<64x128xi32>
    %and3A_3934 = arith.andi %eq3A_3932, %lt3A_3933 : vector<64x128xi1>
    %or3A_3935 = arith.ori %gt3A_3931, %and3A_3934 : vector<64x128xi1>
    %eq3A_3936 = arith.xori %eq3A_3930, %eq3A_3470 : vector<64x128xi1>
    %eq3A_3937 = arith.constant dense<true> : vector<64x128xi1>
    %eq3A_3938 = arith.xori %eq3A_3936, %eq3A_3937 : vector<64x128xi1>
    %eq3A_3939 = arith.xori %eq3A_3938, %or3A_3935 : vector<64x128xi1>
    %eq3A_3940 = arith.constant dense<true> : vector<64x128xi1>
    %eq3A_3941 = arith.xori %eq3A_3939, %eq3A_3940 : vector<64x128xi1>
    %select_n3A_3942 = arith.select %eq3A_3941, %select_n3A_3899, %select_n3A_3912 : vector<64x128xi1>, vector<64x128xf32>
    %select_n3A_3943 = arith.select %eq3A_3941, %select_n3A_3900, %select_n3A_3924 : vector<64x128xi1>, vector<64x128xi32>
    %iota3A_3944 = tpu.iota {dimensions = array<i32: 1>} : vector<64x128xi32>
    %and3A_3945 = arith.constant 2 : i32
    %and3A_3946 = vector.broadcast %and3A_3945 : i32 to vector<64x128xi32>
    %and3A_3947 = arith.andi %iota3A_3944, %and3A_3946 : vector<64x128xi32>
    %roll3A_3948 = arith.constant 126 : i32
    %roll3A_3949 = tpu.dynamic_rotate %select_n3A_3942 by %roll3A_3948 dim 1 : vector<64x128xf32>, i32 -> vector<64x128xf32>
    %roll3A_3950 = arith.constant 2 : i32
    %roll3A_3951 = tpu.dynamic_rotate %select_n3A_3942 by %roll3A_3950 dim 1 : vector<64x128xf32>, i32 -> vector<64x128xf32>
    %eq3A_3952 = arith.constant 0 : i32
    %eq3A_3953 = vector.broadcast %eq3A_3952 : i32 to vector<64x128xi32>
    %eq3A_3954 = arith.cmpi eq, %and3A_3947, %eq3A_3953 : vector<64x128xi32>
    %select_n3A_3955 = arith.select %eq3A_3954, %roll3A_3949, %roll3A_3951 : vector<64x128xi1>, vector<64x128xf32>
    %iota3A_3956 = tpu.iota {dimensions = array<i32: 1>} : vector<64x128xi32>
    %and3A_3957 = arith.constant 2 : i32
    %and3A_3958 = vector.broadcast %and3A_3957 : i32 to vector<64x128xi32>
    %and3A_3959 = arith.andi %iota3A_3956, %and3A_3958 : vector<64x128xi32>
    %roll3A_3960 = arith.constant 126 : i32
    %roll3A_3961 = tpu.dynamic_rotate %select_n3A_3943 by %roll3A_3960 dim 1 : vector<64x128xi32>, i32 -> vector<64x128xi32>
    %roll3A_3962 = arith.constant 2 : i32
    %roll3A_3963 = tpu.dynamic_rotate %select_n3A_3943 by %roll3A_3962 dim 1 : vector<64x128xi32>, i32 -> vector<64x128xi32>
    %eq3A_3964 = arith.constant 0 : i32
    %eq3A_3965 = vector.broadcast %eq3A_3964 : i32 to vector<64x128xi32>
    %eq3A_3966 = arith.cmpi eq, %and3A_3959, %eq3A_3965 : vector<64x128xi32>
    %select_n3A_3967 = arith.select %eq3A_3966, %roll3A_3961, %roll3A_3963 : vector<64x128xi1>, vector<64x128xi32>
    %and3A_3968 = arith.constant 2 : i32
    %and3A_3969 = vector.broadcast %and3A_3968 : i32 to vector<64x128xi32>
    %and3A_3970 = arith.andi %add3A, %and3A_3969 : vector<64x128xi32>
    %eq3A_3971 = arith.constant 0 : i32
    %eq3A_3972 = vector.broadcast %eq3A_3971 : i32 to vector<64x128xi32>
    %eq3A_3973 = arith.cmpi eq, %and3A_3970, %eq3A_3972 : vector<64x128xi32>
    %gt3A_3974 = arith.cmpf ogt, %select_n3A_3942, %select_n3A_3955 : vector<64x128xf32>
    %eq3A_3975 = arith.cmpf oeq, %select_n3A_3942, %select_n3A_3955 : vector<64x128xf32>
    %lt3A_3976 = arith.cmpi slt, %select_n3A_3943, %select_n3A_3967 : vector<64x128xi32>
    %and3A_3977 = arith.andi %eq3A_3975, %lt3A_3976 : vector<64x128xi1>
    %or3A_3978 = arith.ori %gt3A_3974, %and3A_3977 : vector<64x128xi1>
    %eq3A_3979 = arith.xori %eq3A_3973, %eq3A_3470 : vector<64x128xi1>
    %eq3A_3980 = arith.constant dense<true> : vector<64x128xi1>
    %eq3A_3981 = arith.xori %eq3A_3979, %eq3A_3980 : vector<64x128xi1>
    %eq3A_3982 = arith.xori %eq3A_3981, %or3A_3978 : vector<64x128xi1>
    %eq3A_3983 = arith.constant dense<true> : vector<64x128xi1>
    %eq3A_3984 = arith.xori %eq3A_3982, %eq3A_3983 : vector<64x128xi1>
    %select_n3A_3985 = arith.select %eq3A_3984, %select_n3A_3942, %select_n3A_3955 : vector<64x128xi1>, vector<64x128xf32>
    %select_n3A_3986 = arith.select %eq3A_3984, %select_n3A_3943, %select_n3A_3967 : vector<64x128xi1>, vector<64x128xi32>
    %iota3A_3987 = tpu.iota {dimensions = array<i32: 1>} : vector<64x128xi32>
    %and3A_3988 = arith.constant 1 : i32
    %and3A_3989 = vector.broadcast %and3A_3988 : i32 to vector<64x128xi32>
    %and3A_3990 = arith.andi %iota3A_3987, %and3A_3989 : vector<64x128xi32>
    %roll3A_3991 = arith.constant 127 : i32
    %roll3A_3992 = tpu.dynamic_rotate %select_n3A_3985 by %roll3A_3991 dim 1 : vector<64x128xf32>, i32 -> vector<64x128xf32>
    %roll3A_3993 = arith.constant 1 : i32
    %roll3A_3994 = tpu.dynamic_rotate %select_n3A_3985 by %roll3A_3993 dim 1 : vector<64x128xf32>, i32 -> vector<64x128xf32>
    %eq3A_3995 = arith.constant 0 : i32
    %eq3A_3996 = vector.broadcast %eq3A_3995 : i32 to vector<64x128xi32>
    %eq3A_3997 = arith.cmpi eq, %and3A_3990, %eq3A_3996 : vector<64x128xi32>
    %select_n3A_3998 = arith.select %eq3A_3997, %roll3A_3992, %roll3A_3994 : vector<64x128xi1>, vector<64x128xf32>
    %iota3A_3999 = tpu.iota {dimensions = array<i32: 1>} : vector<64x128xi32>
    %and3A_4000 = arith.constant 1 : i32
    %and3A_4001 = vector.broadcast %and3A_4000 : i32 to vector<64x128xi32>
    %and3A_4002 = arith.andi %iota3A_3999, %and3A_4001 : vector<64x128xi32>
    %roll3A_4003 = arith.constant 127 : i32
    %roll3A_4004 = tpu.dynamic_rotate %select_n3A_3986 by %roll3A_4003 dim 1 : vector<64x128xi32>, i32 -> vector<64x128xi32>
    %roll3A_4005 = arith.constant 1 : i32
    %roll3A_4006 = tpu.dynamic_rotate %select_n3A_3986 by %roll3A_4005 dim 1 : vector<64x128xi32>, i32 -> vector<64x128xi32>
    %eq3A_4007 = arith.constant 0 : i32
    %eq3A_4008 = vector.broadcast %eq3A_4007 : i32 to vector<64x128xi32>
    %eq3A_4009 = arith.cmpi eq, %and3A_4002, %eq3A_4008 : vector<64x128xi32>
    %select_n3A_4010 = arith.select %eq3A_4009, %roll3A_4004, %roll3A_4006 : vector<64x128xi1>, vector<64x128xi32>
    %and3A_4011 = arith.constant 1 : i32
    %and3A_4012 = vector.broadcast %and3A_4011 : i32 to vector<64x128xi32>
    %and3A_4013 = arith.andi %add3A, %and3A_4012 : vector<64x128xi32>
    %eq3A_4014 = arith.constant 0 : i32
    %eq3A_4015 = vector.broadcast %eq3A_4014 : i32 to vector<64x128xi32>
    %eq3A_4016 = arith.cmpi eq, %and3A_4013, %eq3A_4015 : vector<64x128xi32>
    %gt3A_4017 = arith.cmpf ogt, %select_n3A_3985, %select_n3A_3998 : vector<64x128xf32>
    %eq3A_4018 = arith.cmpf oeq, %select_n3A_3985, %select_n3A_3998 : vector<64x128xf32>
    %lt3A_4019 = arith.cmpi slt, %select_n3A_3986, %select_n3A_4010 : vector<64x128xi32>
    %and3A_4020 = arith.andi %eq3A_4018, %lt3A_4019 : vector<64x128xi1>
    %or3A_4021 = arith.ori %gt3A_4017, %and3A_4020 : vector<64x128xi1>
    %eq3A_4022 = arith.xori %eq3A_4016, %eq3A_3470 : vector<64x128xi1>
    %eq3A_4023 = arith.constant dense<true> : vector<64x128xi1>
    %eq3A_4024 = arith.xori %eq3A_4022, %eq3A_4023 : vector<64x128xi1>
    %eq3A_4025 = arith.xori %eq3A_4024, %or3A_4021 : vector<64x128xi1>
    %eq3A_4026 = arith.constant dense<true> : vector<64x128xi1>
    %eq3A_4027 = arith.xori %eq3A_4025, %eq3A_4026 : vector<64x128xi1>
    %select_n3A_4028 = arith.select %eq3A_4027, %select_n3A_3985, %select_n3A_3998 : vector<64x128xi1>, vector<64x128xf32>
    %select_n3A_4029 = arith.select %eq3A_4027, %select_n3A_3986, %select_n3A_4010 : vector<64x128xi1>, vector<64x128xi32>
    %slice3A = vector.extract_strided_slice %select_n3A_4028 {offsets = [0, 0], sizes = [8, 128], strides = [1, 1]} : vector<64x128xf32> to vector<8x128xf32>
    %swap3A = arith.constant 0 : index
    %swap3A_4030 = arith.constant 0 : index
    %swap3A_4031 = vector.load %arg2[%swap3A, %swap3A_4030] : memref<8x128xf32, #tpu.memory_space<vmem>>, vector<8x128xf32>
    tpu.vector_store %arg2[%swap3A, %swap3A_4030], %slice3A {strides = array<i32>} : memref<8x128xf32, #tpu.memory_space<vmem>>, vector<8x128xf32>,
    %slice3A_4032 = vector.extract_strided_slice %select_n3A_4029 {offsets = [0, 0], sizes = [8, 128], strides = [1, 1]} : vector<64x128xi32> to vector<8x128xi32>
    %swap3A_4033 = arith.constant 0 : index
    %swap3A_4034 = arith.constant 0 : index
    %swap3A_4035 = vector.load %arg3[%swap3A_4033, %swap3A_4034] : memref<8x128xi32, #tpu.memory_space<vmem>>, vector<8x128xi32>
    tpu.vector_store %arg3[%swap3A_4033, %swap3A_4034], %slice3A_4032 {strides = array<i32>} : memref<8x128xi32, #tpu.memory_space<vmem>>, vector<8x128xi32>,
    return
  }
}

module attributes {stable_mosaic.version = 14 : i64} {
  func.func @_nms_body(%arg0: memref<1x1024xf32, #tpu.memory_space<vmem>>, %arg1: memref<1024x1xf32, #tpu.memory_space<vmem>>, %arg2: memref<1024x1xi32, #tpu.memory_space<vmem>>, %arg3: memref<1024xi32, #tpu.memory_space<smem>>, %arg4: memref<20000x4xf32, #tpu.memory_space<vmem>>, %arg5: memref<1000x6xf32, #tpu.memory_space<vmem>>, %arg6: memref<1024x4xf32, #tpu.memory_space<vmem>>, %arg7: memref<1024x1024xf32, #tpu.memory_space<vmem>>, %arg8: memref<1x1024xf32, #tpu.memory_space<vmem>>) attributes {dimension_semantics = [], scalar_prefetch = 0 : i64, scratch_operands = 3 : i64, tpu.core_type = #tpu.core_type<tc>} {
    %scan3A = arith.constant 0 : i32
    %scan3A_0 = arith.constant 1024 : i32
    %scan3A_1 = arith.addi %scan3A, %scan3A_0 : i32
    %scan3A_2 = arith.constant 1 : i32
    scf.for %scan3A_141 = %scan3A to %scan3A_1 step %scan3A_2  : i32 {
      %get3A_142 = arith.index_cast %scan3A_141 : i32 to index
      %get3A_143 = memref.load %arg3[%get3A_142] : memref<1024xi32, #tpu.memory_space<smem>>
      %jit3A_144 = arith.constant 80 : i32
      %div3A_145 = arith.divsi %get3A_143, %jit3A_144 : i32
      %sign3A = arith.constant 0 : i32
      %sign3A_146 = arith.cmpi sgt, %get3A_143, %sign3A : i32
      %sign3A_147 = arith.extui %sign3A_146 : i1 to i32
      %sign3A_148 = arith.constant 0 : i32
      %sign3A_149 = arith.cmpi slt, %get3A_143, %sign3A_148 : i32
      %sign3A_150 = arith.extui %sign3A_149 : i1 to i32
      %sign3A_151 = arith.subi %sign3A_147, %sign3A_150 : i32
      %sign3A_152 = arith.constant 0 : i32
      %sign3A_153 = arith.cmpi sgt, %jit3A_144, %sign3A_152 : i32
      %sign3A_154 = arith.extui %sign3A_153 : i1 to i32
      %sign3A_155 = arith.constant 0 : i32
      %sign3A_156 = arith.cmpi slt, %jit3A_144, %sign3A_155 : i32
      %sign3A_157 = arith.extui %sign3A_156 : i1 to i32
      %sign3A_158 = arith.subi %sign3A_154, %sign3A_157 : i32
      %ne3A_159 = arith.cmpi ne, %sign3A_151, %sign3A_158 : i32
      %rem3A_160 = arith.remsi %get3A_143, %jit3A_144 : i32
      %ne3A_161 = arith.constant 0 : i32
      %ne3A_162 = arith.cmpi ne, %rem3A_160, %ne3A_161 : i32
      %and3A_163 = arith.andi %ne3A_159, %ne3A_162 : i1
      %sub3A_164 = arith.constant 1 : i32
      %sub3A_165 = arith.subi %div3A_145, %sub3A_164 : i32
      %select_n3A_166 = arith.select %and3A_163, %sub3A_165, %div3A_145 : i32
      %get3A_167 = arith.index_cast %select_n3A_166 : i32 to index
      %get3A_168 = arith.constant 0 : index
      %get3A_169 = vector.load %arg4[%get3A_167, %get3A_168] : memref<20000x4xf32, #tpu.memory_space<vmem>>, vector<1x4xf32>
      %swap3A_170 = arith.index_cast %scan3A_141 : i32 to index
      %swap3A_171 = arith.constant 0 : index
      %swap3A_172 = vector.load %arg6[%swap3A_170, %swap3A_171] : memref<1024x4xf32, #tpu.memory_space<vmem>>, vector<1x4xf32>
      tpu.vector_store %arg6[%swap3A_170, %swap3A_171], %get3A_169 {strides = array<i32>} : memref<1024x4xf32, #tpu.memory_space<vmem>>, vector<1x4xf32>,
    }
    %scan3A_3 = arith.constant 1024 : i32
    %get3A = arith.constant 0 : index
    %get3A_4 = arith.constant 0 : index
    %get3A_5 = vector.load %arg2[%get3A, %get3A_4] : memref<1024x1xi32, #tpu.memory_space<vmem>>, vector<1024x1xi32>
    %jit3A = arith.constant 80 : i32
    %eq3A = arith.constant 0 : i32
    %eq3A_6 = arith.cmpi eq, %jit3A, %eq3A : i32
    %jit3A_7 = arith.constant 1 : i32
    %select_n3A = arith.select %eq3A_6, %jit3A_7, %jit3A : i32
    %rem3A = vector.broadcast %select_n3A : i32 to vector<1024x1xi32>
    %rem3A_8 = arith.remsi %get3A_5, %rem3A : vector<1024x1xi32>
    %ne3A = arith.constant 0 : i32
    %ne3A_9 = vector.broadcast %ne3A : i32 to vector<1024x1xi32>
    %ne3A_10 = arith.cmpi ne, %rem3A_8, %ne3A_9 : vector<1024x1xi32>
    %lt3A = arith.constant 0 : i32
    %lt3A_11 = vector.broadcast %lt3A : i32 to vector<1024x1xi32>
    %lt3A_12 = arith.cmpi slt, %rem3A_8, %lt3A_11 : vector<1024x1xi32>
    %lt3A_13 = arith.constant 0 : i32
    %lt3A_14 = arith.cmpi slt, %select_n3A, %lt3A_13 : i32
    %ne3A_15 = vector.broadcast %lt3A_14 : i1 to vector<1024x1xi1>
    %ne3A_16 = vector.broadcast %ne3A_15 : vector<1024x1xi1> to vector<1024x1xi1>
    %ne3A_17 = arith.xori %lt3A_12, %ne3A_16 : vector<1024x1xi1>
    %and3A = arith.andi %ne3A_17, %ne3A_10 : vector<1024x1xi1>
    %add3A = vector.broadcast %select_n3A : i32 to vector<1024x1xi32>
    %add3A_18 = arith.addi %rem3A_8, %add3A : vector<1024x1xi32>
    %select_n3A_19 = arith.select %and3A, %add3A_18, %rem3A_8 : vector<1024x1xi1>, vector<1024x1xi32>
    %convert_element_type3A = arith.sitofp %select_n3A_19 : vector<1024x1xi32> to vector<1024x1xf32>
    %get3A_20 = arith.constant 0 : index
    %get3A_21 = arith.constant 0 : index
    %get3A_22 = vector.load %arg6[%get3A_20, %get3A_21] : memref<1024x4xf32, #tpu.memory_space<vmem>>, vector<1024x4xf32>
    %mul3A = arith.constant 4.096000e+03 : f32
    %mul3A_23 = vector.broadcast %mul3A : f32 to vector<1024x1xf32>
    %mul3A_24 = arith.mulf %convert_element_type3A, %mul3A_23 : vector<1024x1xf32>
    %add3A_25 = vector.broadcast %mul3A_24 : vector<1024x1xf32> to vector<1024x4xf32>
    %add3A_26 = arith.addf %get3A_22, %add3A_25 : vector<1024x4xf32>
    %iota3A = tpu.iota {dimensions = array<i32: 0>} : vector<1024x1024xi32>
    %iota3A_27 = tpu.iota {dimensions = array<i32: 1>} : vector<1024x1024xi32>
    %eq3A_28 = arith.cmpi eq, %iota3A, %iota3A_27 : vector<1024x1024xi32>
    %jit3A_29 = arith.constant 1.000000e+00 : f32
    %jit3A_30 = arith.constant 0.000000e+00 : f32
    %broadcast_in_dim3A = vector.broadcast %jit3A_29 : f32 to vector<1024x1024xf32>
    %broadcast_in_dim3A_31 = vector.broadcast %jit3A_30 : f32 to vector<1024x1024xf32>
    %select_n3A_32 = arith.select %eq3A_28, %broadcast_in_dim3A, %broadcast_in_dim3A_31 : vector<1024x1024xi1>, vector<1024x1024xf32>
    %dot_general3A = arith.constant dense<0.000000e+00> : vector<4x1024xf32>
    %dot_general3A_33 = tpu.matmul %add3A_26, %select_n3A_32, %dot_general3A {dimension_numbers = #tpu.dot_dimension_numbers<[0], [0], [1], [1], [0, 1, 1, 1], [], []>, transpose_lhs_hint = false} : vector<1024x4xf32>, vector<1024x1024xf32>, vector<4x1024xf32> -> vector<4x1024xf32>
    %slice3A = vector.extract_strided_slice %add3A_26 {offsets = [0, 0], sizes = [1024, 1], strides = [1, 1]} : vector<1024x4xf32> to vector<1024x1xf32>
    %slice3A_34 = vector.extract_strided_slice %add3A_26 {offsets = [0, 1], sizes = [1024, 1], strides = [1, 1]} : vector<1024x4xf32> to vector<1024x1xf32>
    %slice3A_35 = vector.extract_strided_slice %add3A_26 {offsets = [0, 2], sizes = [1024, 1], strides = [1, 1]} : vector<1024x4xf32> to vector<1024x1xf32>
    %slice3A_36 = vector.extract_strided_slice %add3A_26 {offsets = [0, 3], sizes = [1024, 1], strides = [1, 1]} : vector<1024x4xf32> to vector<1024x1xf32>
    %slice3A_37 = vector.extract_strided_slice %dot_general3A_33 {offsets = [0, 0], sizes = [1, 1024], strides = [1, 1]} : vector<4x1024xf32> to vector<1x1024xf32>
    %slice3A_38 = vector.extract_strided_slice %dot_general3A_33 {offsets = [1, 0], sizes = [1, 1024], strides = [1, 1]} : vector<4x1024xf32> to vector<1x1024xf32>
    %slice3A_39 = vector.extract_strided_slice %dot_general3A_33 {offsets = [2, 0], sizes = [1, 1024], strides = [1, 1]} : vector<4x1024xf32> to vector<1x1024xf32>
    %slice3A_40 = vector.extract_strided_slice %dot_general3A_33 {offsets = [3, 0], sizes = [1, 1024], strides = [1, 1]} : vector<4x1024xf32> to vector<1x1024xf32>
    %sub3A = arith.subf %slice3A_35, %slice3A : vector<1024x1xf32>
    %max3A = arith.constant 0.000000e+00 : f32
    %max3A_41 = vector.broadcast %max3A : f32 to vector<1024x1xf32>
    %max3A_42 = arith.maximumf %sub3A, %max3A_41 : vector<1024x1xf32>
    %sub3A_43 = arith.subf %slice3A_36, %slice3A_34 : vector<1024x1xf32>
    %max3A_44 = arith.constant 0.000000e+00 : f32
    %max3A_45 = vector.broadcast %max3A_44 : f32 to vector<1024x1xf32>
    %max3A_46 = arith.maximumf %sub3A_43, %max3A_45 : vector<1024x1xf32>
    %mul3A_47 = arith.mulf %max3A_42, %max3A_46 : vector<1024x1xf32>
    %sub3A_48 = arith.subf %slice3A_39, %slice3A_37 : vector<1x1024xf32>
    %max3A_49 = arith.constant 0.000000e+00 : f32
    %max3A_50 = vector.broadcast %max3A_49 : f32 to vector<1x1024xf32>
    %max3A_51 = arith.maximumf %sub3A_48, %max3A_50 : vector<1x1024xf32>
    %sub3A_52 = arith.subf %slice3A_40, %slice3A_38 : vector<1x1024xf32>
    %max3A_53 = arith.constant 0.000000e+00 : f32
    %max3A_54 = vector.broadcast %max3A_53 : f32 to vector<1x1024xf32>
    %max3A_55 = arith.maximumf %sub3A_52, %max3A_54 : vector<1x1024xf32>
    %mul3A_56 = arith.mulf %max3A_51, %max3A_55 : vector<1x1024xf32>
    %max3A_57 = vector.broadcast %slice3A : vector<1024x1xf32> to vector<1024x1024xf32>
    %max3A_58 = vector.broadcast %slice3A_37 : vector<1x1024xf32> to vector<1024x1024xf32>
    %max3A_59 = arith.maximumf %max3A_57, %max3A_58 : vector<1024x1024xf32>
    %max3A_60 = vector.broadcast %slice3A_34 : vector<1024x1xf32> to vector<1024x1024xf32>
    %max3A_61 = vector.broadcast %slice3A_38 : vector<1x1024xf32> to vector<1024x1024xf32>
    %max3A_62 = arith.maximumf %max3A_60, %max3A_61 : vector<1024x1024xf32>
    %min3A = vector.broadcast %slice3A_35 : vector<1024x1xf32> to vector<1024x1024xf32>
    %min3A_63 = vector.broadcast %slice3A_39 : vector<1x1024xf32> to vector<1024x1024xf32>
    %min3A_64 = arith.minimumf %min3A, %min3A_63 : vector<1024x1024xf32>
    %min3A_65 = vector.broadcast %slice3A_36 : vector<1024x1xf32> to vector<1024x1024xf32>
    %min3A_66 = vector.broadcast %slice3A_40 : vector<1x1024xf32> to vector<1024x1024xf32>
    %min3A_67 = arith.minimumf %min3A_65, %min3A_66 : vector<1024x1024xf32>
    %sub3A_68 = arith.subf %min3A_64, %max3A_59 : vector<1024x1024xf32>
    %max3A_69 = arith.constant 0.000000e+00 : f32
    %max3A_70 = vector.broadcast %max3A_69 : f32 to vector<1024x1024xf32>
    %max3A_71 = arith.maximumf %sub3A_68, %max3A_70 : vector<1024x1024xf32>
    %sub3A_72 = arith.subf %min3A_67, %max3A_62 : vector<1024x1024xf32>
    %max3A_73 = arith.constant 0.000000e+00 : f32
    %max3A_74 = vector.broadcast %max3A_73 : f32 to vector<1024x1024xf32>
    %max3A_75 = arith.maximumf %sub3A_72, %max3A_74 : vector<1024x1024xf32>
    %mul3A_76 = arith.mulf %max3A_71, %max3A_75 : vector<1024x1024xf32>
    %add3A_77 = vector.broadcast %mul3A_47 : vector<1024x1xf32> to vector<1024x1024xf32>
    %add3A_78 = vector.broadcast %mul3A_56 : vector<1x1024xf32> to vector<1024x1024xf32>
    %add3A_79 = arith.addf %add3A_77, %add3A_78 : vector<1024x1024xf32>
    %sub3A_80 = arith.subf %add3A_79, %mul3A_76 : vector<1024x1024xf32>
    %max3A_81 = arith.constant 9.99999971E-10 : f32
    %max3A_82 = vector.broadcast %max3A_81 : f32 to vector<1024x1024xf32>
    %max3A_83 = arith.maximumf %sub3A_80, %max3A_82 : vector<1024x1024xf32>
    %div3A = arith.divf %mul3A_76, %max3A_83 : vector<1024x1024xf32>
    %gt3A = arith.constant 5.000000e-01 : f32
    %gt3A_84 = vector.broadcast %gt3A : f32 to vector<1024x1024xf32>
    %gt3A_85 = arith.cmpf ogt, %div3A, %gt3A_84 : vector<1024x1024xf32>
    %gt3A_86 = arith.cmpi sgt, %iota3A_27, %iota3A : vector<1024x1024xi32>
    %and3A_87 = arith.andi %gt3A_85, %gt3A_86 : vector<1024x1024xi1>
    %jit3A_88 = arith.constant 1.000000e+00 : f32
    %jit3A_89 = arith.constant 0.000000e+00 : f32
    %broadcast_in_dim3A_90 = vector.broadcast %jit3A_88 : f32 to vector<1024x1024xf32>
    %broadcast_in_dim3A_91 = vector.broadcast %jit3A_89 : f32 to vector<1024x1024xf32>
    %select_n3A_92 = arith.select %and3A_87, %broadcast_in_dim3A_90, %broadcast_in_dim3A_91 : vector<1024x1024xi1>, vector<1024x1024xf32>
    %swap3A = arith.constant 0 : index
    %swap3A_93 = arith.constant 0 : index
    %swap3A_94 = vector.load %arg7[%swap3A, %swap3A_93] : memref<1024x1024xf32, #tpu.memory_space<vmem>>, vector<1024x1024xf32>
    tpu.vector_store %arg7[%swap3A, %swap3A_93], %select_n3A_92 {strides = array<i32>} : memref<1024x1024xf32, #tpu.memory_space<vmem>>, vector<1024x1024xf32>,
    %get3A_95 = arith.constant 0 : index
    %get3A_96 = arith.constant 0 : index
    %get3A_97 = vector.load %arg0[%get3A_95, %get3A_96] : memref<1x1024xf32, #tpu.memory_space<vmem>>, vector<1x1024xf32>
    %gt3A_98 = arith.constant 5.000000e-02 : f32
    %gt3A_99 = vector.broadcast %gt3A_98 : f32 to vector<1x1024xf32>
    %gt3A_100 = arith.cmpf ogt, %get3A_97, %gt3A_99 : vector<1x1024xf32>
    %jit3A_101 = arith.constant 1.000000e+00 : f32
    %jit3A_102 = arith.constant 0.000000e+00 : f32
    %broadcast_in_dim3A_103 = vector.broadcast %jit3A_101 : f32 to vector<1x1024xf32>
    %broadcast_in_dim3A_104 = vector.broadcast %jit3A_102 : f32 to vector<1x1024xf32>
    %select_n3A_105 = arith.select %gt3A_100, %broadcast_in_dim3A_103, %broadcast_in_dim3A_104 : vector<1x1024xi1>, vector<1x1024xf32>
    %iota3A_106 = tpu.iota {dimensions = array<i32: 1>} : vector<1x1024xi32>
    %lt3A_107 = arith.constant 1000 : i32
    %lt3A_108 = vector.broadcast %lt3A_107 : i32 to vector<1x1024xi32>
    %lt3A_109 = arith.cmpi slt, %iota3A_106, %lt3A_108 : vector<1x1024xi32>
    %jit3A_110 = arith.constant 1.000000e+00 : f32
    %jit3A_111 = arith.constant 0.000000e+00 : f32
    %broadcast_in_dim3A_112 = vector.broadcast %jit3A_110 : f32 to vector<1x1024xf32>
    %broadcast_in_dim3A_113 = vector.broadcast %jit3A_111 : f32 to vector<1x1024xf32>
    %select_n3A_114 = arith.select %lt3A_109, %broadcast_in_dim3A_112, %broadcast_in_dim3A_113 : vector<1x1024xi1>, vector<1x1024xf32>
    %mul3A_115 = arith.mulf %select_n3A_105, %select_n3A_114 : vector<1x1024xf32>
    %while3A = arith.constant true
    %while3A_116:2 = scf.while (%while3A_141 = %mul3A_115, %while3A_142 = %while3A) : (vector<1x1024xf32>, i1) -> (vector<1x1024xf32>, i1) {
      scf.condition(%while3A_142) %while3A_141, %while3A_142 : vector<1x1024xf32>, i1
    } do {
    ^bb0(%while3A_141: vector<1x1024xf32>, %while3A_142: i1):
      %get3A_143 = arith.constant 0 : index
      %get3A_144 = arith.constant 0 : index
      %get3A_145 = vector.load %arg7[%get3A_143, %get3A_144] : memref<1024x1024xf32, #tpu.memory_space<vmem>>, vector<1024x1024xf32>
      %dot_general3A_146 = arith.constant dense<0.000000e+00> : vector<1x1024xf32>
      %dot_general3A_147 = tpu.matmul %while3A_141, %get3A_145, %dot_general3A_146 {dimension_numbers = #tpu.dot_dimension_numbers<[1], [0], [0], [1], [0, 0, 1, 1], [], []>, transpose_lhs_hint = false} : vector<1x1024xf32>, vector<1024x1024xf32>, vector<1x1024xf32> -> vector<1x1024xf32>
      %gt3A_148 = arith.constant 0.000000e+00 : f32
      %gt3A_149 = vector.broadcast %gt3A_148 : f32 to vector<1x1024xf32>
      %gt3A_150 = arith.cmpf ogt, %dot_general3A_147, %gt3A_149 : vector<1x1024xf32>
      %jit3A_151 = arith.constant 0.000000e+00 : f32
      %jit3A_152 = arith.constant 1.000000e+00 : f32
      %broadcast_in_dim3A_153 = vector.broadcast %jit3A_151 : f32 to vector<1x1024xf32>
      %broadcast_in_dim3A_154 = vector.broadcast %jit3A_152 : f32 to vector<1x1024xf32>
      %select_n3A_155 = arith.select %gt3A_150, %broadcast_in_dim3A_153, %broadcast_in_dim3A_154 : vector<1x1024xi1>, vector<1x1024xf32>
      %mul3A_156 = arith.mulf %mul3A_115, %select_n3A_155 : vector<1x1024xf32>
      %sub3A_157 = arith.subf %mul3A_156, %while3A_141 : vector<1x1024xf32>
      %abs3A = math.absf %sub3A_157 : vector<1x1024xf32>
      %reduce_sum3A = vector.shape_cast %abs3A : vector<1x1024xf32> to vector<1x1x1024xf32>
      %reduce_sum3A_158 = arith.constant dense<0.000000e+00> : vector<1xf32>
      %reduce_sum3A_159 = vector.multi_reduction <add>, %reduce_sum3A, %reduce_sum3A_158 [1, 2] : vector<1x1x1024xf32> to vector<1xf32>
      %reduce_sum3A_160 = vector.shape_cast %reduce_sum3A_159 : vector<1xf32> to vector<1x1x1xf32>
      %reduce_sum3A_161 = vector.extract %reduce_sum3A_160[0, 0, 0] : f32 from vector<1x1x1xf32>
      %gt3A_162 = arith.constant 0.000000e+00 : f32
      %gt3A_163 = arith.cmpf ogt, %reduce_sum3A_161, %gt3A_162 : f32
      scf.yield %mul3A_156, %gt3A_163 : vector<1x1024xf32>, i1
    }
    %swap3A_117 = arith.constant 0 : index
    %swap3A_118 = arith.constant 0 : index
    %swap3A_119 = vector.load %arg8[%swap3A_117, %swap3A_118] : memref<1x1024xf32, #tpu.memory_space<vmem>>, vector<1x1024xf32>
    tpu.vector_store %arg8[%swap3A_117, %swap3A_118], %while3A_116#0 {strides = array<i32>} : memref<1x1024xf32, #tpu.memory_space<vmem>>, vector<1x1024xf32>,
    %get3A_120 = arith.constant 0 : index
    %get3A_121 = arith.constant 0 : index
    %get3A_122 = vector.load %arg8[%get3A_120, %get3A_121] : memref<1x1024xf32, #tpu.memory_space<vmem>>, vector<1x1024xf32>
    %dot_general3A_123 = arith.constant dense<0.000000e+00> : vector<1024x1xf32>
    %dot_general3A_124 = tpu.matmul %select_n3A_32, %get3A_122, %dot_general3A_123 {dimension_numbers = #tpu.dot_dimension_numbers<[1], [1], [0], [0], [0, 0, 1, 0], [], []>, transpose_lhs_hint = false} : vector<1024x1024xf32>, vector<1x1024xf32>, vector<1024x1xf32> -> vector<1024x1xf32>
    %get3A_125 = arith.constant 0 : index
    %get3A_126 = arith.constant 0 : index
    %get3A_127 = vector.load %arg6[%get3A_125, %get3A_126] : memref<1024x4xf32, #tpu.memory_space<vmem>>, vector<1000x4xf32>
    %swap3A_128 = arith.constant 0 : index
    %swap3A_129 = arith.constant 0 : index
    %swap3A_130 = vector.load %arg5[%swap3A_128, %swap3A_129] : memref<1000x6xf32, #tpu.memory_space<vmem>>, vector<1000x4xf32>
    tpu.vector_store %arg5[%swap3A_128, %swap3A_129], %get3A_127 {strides = array<i32>} : memref<1000x6xf32, #tpu.memory_space<vmem>>, vector<1000x4xf32>,
    %get3A_131 = arith.constant 0 : index
    %get3A_132 = arith.constant 0 : index
    %get3A_133 = vector.load %arg1[%get3A_131, %get3A_132] : memref<1024x1xf32, #tpu.memory_space<vmem>>, vector<1000x1xf32>
    %swap3A_134 = arith.constant 0 : index
    %swap3A_135 = arith.constant 4 : index
    %swap3A_136 = vector.load %arg5[%swap3A_134, %swap3A_135] : memref<1000x6xf32, #tpu.memory_space<vmem>>, vector<1000x1xf32>
    tpu.vector_store %arg5[%swap3A_134, %swap3A_135], %get3A_133 {strides = array<i32>} : memref<1000x6xf32, #tpu.memory_space<vmem>>, vector<1000x1xf32>,
    %slice3A_137 = vector.extract_strided_slice %dot_general3A_124 {offsets = [0, 0], sizes = [1000, 1], strides = [1, 1]} : vector<1024x1xf32> to vector<1000x1xf32>
    %swap3A_138 = arith.constant 0 : index
    %swap3A_139 = arith.constant 5 : index
    %swap3A_140 = vector.load %arg5[%swap3A_138, %swap3A_139] : memref<1000x6xf32, #tpu.memory_space<vmem>>, vector<1000x1xf32>
    tpu.vector_store %arg5[%swap3A_138, %swap3A_139], %slice3A_137 {strides = array<i32>} : memref<1000x6xf32, #tpu.memory_space<vmem>>, vector<1000x1xf32>,
    return
  }
}

</mosaic_0001>

<sc_bundles>
// kernel: kernel.6.cloned.1.call-start
scs
__scs_entry_jumppad:
0x0: {  	(pc) =	sbr.rel $0x88, $3  }
0x1: {  	(tag) =	ssettag $0x0;
	lr =	simm.s32 $0x1  }
0x2: {  	[smem:$0x3F9E] =	sst lr;
	_ =	strace $0xD0000000  }
0x3: {  	_ = 	snop  }
0x4: {  	_ = 	snop  }
0x5: {  	_ = 	snop  }
0x6: {  	_ = 	snop  }
0x7: {  	_ = 	snop  }
__scs_overlays_trampoline_lowered:
0x8: {  	[smem:$0x3FAD] =	sst s0  }
0x9: {  	[smem:$0x3FAE] =	sst s1  }
0xa: {  	[smem:$0x3FAF] =	sst s2  }
0xb: {  	[smem:$0x3FB0] =	sst s3  }
0xc: {  	[smem:$0x3FB1] =	sst s4  }
0xd: {  	[smem:$0x3FB2] =	sst s5  }
0xe: {  	[smem:$0x3FB3] =	sst s6  }
0xf: {  	[smem:$0x3FB4] =	sst s7  }
0x10: {  	[smem:$0x3FB5] =	sst s8  }
0x11: {  	[smem:$0x3FB6] =	sst s9;
	s0 =	simm.s32 @!p0 $0x0  }
0x12: {  	s1 =	sld [smem:$0x3F9C];
	s0 =	simm.s32 @p0 $0x1  }
0x13: {  	[smem:$0x3FB7] =	sst s0;
	s0 =	simm.s32 @!p1 $0x0  }
0x14: {  	s2 =	sld [smem:$0x3F9B];
	s0 =	simm.s32 @p1 $0x1  }
0x15: {  	[smem:$0x3FB8] =	sst s0;
	s0 =	simm.s32 @!p2 $0x0  }
0x16: {  	s3 =	sld [smem:$0x3FDB];
	s0 =	simm.s32 @p2 $0x1  }
0x17: {  	s4 =	simm.s32 $0x1BF5;
	[smem:$0x3FBA] =	sst s0  }
0x18: {  	s0 =	sld [smem:$0x3F9D];
	_ =	swait.ge [sflag:s4], $0x0  }
0x19: {  	s7 =	sld [smem:$0x3F9E]  }
0x1a: {  	s8 =	sadd.s32 $0xFFFFE003, lr  }
0x1b: {  	s9 =	sadd.s32 $0xFFFFFEF7, lr;
	s5 =	simm.s32 $0xFFFFFFFF;
	p2 =	slt.u32 s8, $0xFFFFF086  }
0x1c: {  	p1 =	slt.u32 s9, $0xF7A;
	s5 =	simm.s32 @!p2 $0x0  }
0x1d: {  	s5 =	simm.s32 @p1 $0x1;
	p0 =	seq.s32 s7, s2  }
0x1e: {  	s7 =	smul.u32 @!p0 $0xF7A, s2;
	p2 =	seq.s32 @!p0 s5, $0x0  }
0x1f: {  	s9 =	smul.u32 $0xF7A, s1;
	s8 =	simm.s32 @!p0 $0x1BF5;
	p2 =	por !p2, p0  }
0x20: {  	[sflag:s8] =	ssyncset.s32 @!p0 $0xFFFFF086;
	s6 =	sadd.s32 @!p0 s3, s7;
	s7 =	simm.s32 @!p0 $0x108  }
0x21: {  	s3 =	sadd.s32 s3, s9;
	s6 =	sadd.s32 @!p0 $0x88, s6;
	s7 =	simm.s32 @p2 $0x1082  }
0x22: {  	[simem:s7], [sflag:s8] =	dma.local @!p0 [hbm:s6], $0xF7A  }
0x23: {  	s9 =	sor.u32 $0xD0000000, s2;
	s6 =	simm.s32 $0x108;
	_ =	swait.ge @!p0 [sflag:s8], $0x0  }
0x24: {  	s3 =	sadd.s32 $0x88, s3;
	s6 =	simm.s32 @!p1 $0x1082;
	[sflag:s4] =	ssyncset.s32 $0xFFFFF086  }
0x25: {  	[simem:s6], [sflag:s4] =	dma.local [hbm:s3], $0xF7A  }
0x26: {  	[smem:$0x3F9E] =	sst s1;
	(tag) =	ssettag s2;
	_ =	strace s9  }
0x27: {  	s1 =	sld [smem:$0x3FAE]  }
0x28: {  	s2 =	sld [smem:$0x3FAF]  }
0x29: {  	s4 =	sld [smem:$0x3FB1]  }
0x2a: {  	p0 =	seq.s32 s5, $0x0;
	s5 =	sld [smem:$0x3FB2]  }
0x2b: {  	s6 =	sld [smem:$0x3FB3]  }
0x2c: {  	s7 =	sld [smem:$0x3FB4]  }
0x2d: {  	s3 =	simm.s32 $0x108;
	s8 =	sld [smem:$0x3FB5]  }
0x2e: {  	s3 =	simm.s32 @!p0 $0x1082;
	s9 =	sld [smem:$0x3FB6]  }
0x2f: {  	lr =	sadd.s32 s0, s3;
	s0 =	sld [smem:$0x3FAD]  }
0x30: {  	s3 =	sld [smem:$0x3FB0]  }
0x31: {  	[smem:$0x3FB9] =	sst s10  }
0x32: {  	s10 =	sld [smem:$0x3FB7];
	_ =	sdelay $0x3  }
0x33: {  	p0 =	seq.s32 s10, $0x1;
	s10 =	sld [smem:$0x3FB9];
	_ =	sdelay $0x3  }
0x34: {  	[smem:$0x3FB9] =	sst s10  }
0x35: {  	s10 =	sld [smem:$0x3FB8];
	_ =	sdelay $0x3  }
0x36: {  	p1 =	seq.s32 s10, $0x1;
	s10 =	sld [smem:$0x3FB9];
	_ =	sdelay $0x3  }
0x37: {  	[smem:$0x3FB9] =	sst s10  }
0x38: {  	s10 =	sld [smem:$0x3FBA]  }
0x39: {  	_ = 	snop;
	(pc) =	sbr.ind lr, $3  }
0x3a: {  	_ = 	snop  }
0x3b: {  	_ = 	snop  }
0x3c: {  	p2 =	seq.s32 s10, $0x1;
	s10 =	sld [smem:$0x3FB9]  }
0x3d: {  	_ =	shalt  }
0x3e: {  	_ =	shalt  }
0x3f: {  	_ =	shalt  }
0x40: {  	_ =	shalt  }
0x41: {  	_ =	shalt  }
0x42: {  	_ =	shalt  }
0x43: {  	_ =	shalt  }
0x44: {  	_ =	shalt  }
0x45: {  	_ =	shalt  }
0x46: {  	_ =	shalt  }
0x47: {  	_ =	shalt  }
0x48: {  	_ =	shalt  }
0x49: {  	_ =	shalt  }
0x4a: {  	_ =	shalt  }
0x4b: {  	_ =	shalt  }
0x4c: {  	_ =	shalt  }
0x4d: {  	_ =	shalt  }
0x4e: {  	_ =	shalt  }
0x4f: {  	_ =	shalt  }
0x50: {  	_ =	shalt  }
0x51: {  	_ =	shalt  }
0x52: {  	_ =	shalt  }
0x53: {  	_ =	shalt  }
0x54: {  	_ =	shalt  }
0x55: {  	_ =	shalt  }
0x56: {  	_ =	shalt  }
0x57: {  	_ =	shalt  }
0x58: {  	_ =	shalt  }
0x59: {  	_ =	shalt  }
0x5a: {  	_ =	shalt  }
0x5b: {  	_ =	shalt  }
0x5c: {  	_ =	shalt  }
0x5d: {  	_ =	shalt  }
0x5e: {  	_ =	shalt  }
0x5f: {  	_ =	shalt  }
0x60: {  	_ =	shalt  }
0x61: {  	_ =	shalt  }
0x62: {  	_ =	shalt  }
0x63: {  	_ =	shalt  }
0x64: {  	_ =	shalt  }
0x65: {  	_ =	shalt  }
0x66: {  	_ =	shalt  }
0x67: {  	_ =	shalt  }
0x68: {  	_ =	shalt  }
0x69: {  	_ =	shalt  }
0x6a: {  	_ =	shalt  }
0x6b: {  	_ =	shalt  }
0x6c: {  	_ =	shalt  }
0x6d: {  	_ =	shalt  }
0x6e: {  	_ =	shalt  }
0x6f: {  	_ =	shalt  }
0x70: {  	_ =	shalt  }
0x71: {  	_ =	shalt  }
0x72: {  	_ =	shalt  }
0x73: {  	_ =	shalt  }
0x74: {  	_ =	shalt  }
0x75: {  	_ =	shalt  }
0x76: {  	_ =	shalt  }
0x77: {  	_ =	shalt  }
0x78: {  	_ =	shalt  }
0x79: {  	_ =	shalt  }
0x7a: {  	_ =	shalt  }
0x7b: {  	_ =	shalt  }
0x7c: {  	_ =	shalt  }
0x7d: {  	_ =	shalt  }
0x7e: {  	_ =	shalt  }
0x7f: {  	_ =	shalt  }
0x80: {  	_ =	shalt  }
0x81: {  	_ =	shalt  }
0x82: {  	_ =	shalt  }
0x83: {  	_ =	shalt  }
0x84: {  	_ =	shalt  }
0x85: {  	_ =	shalt  }
0x86: {  	_ =	shalt  }
0x87: {  	_ =	shalt  }
.Lfunc_end0:
.L_simem_size_0:
called_computation_lowered:
.L_overlay_start_0:
0x88: {  	s2 =	sld [smem:$0x3FD9]  }
0x89: {  	s3 =	sld [smem:$0x3FFE];
	_ =	sdelay $0x1  }
0x8a: {  	s1 =	srdreg.scid  }
0x8b: {  	s0 =	sand.u32 $0x1, s1  }
0x8c: {  	s17 =	sshll.u32 s0, $0xA;
	s2 =	sadd.s32 s3, s2  }
0x8d: {  	s2 =	sadd.s32 s2, s17  }
0x8e: {  	[smem:$0x3FC5] =	sst s2  }
0x8f: {  	_ = 	snop  }
0x90: {  	s2 =	sld [smem:$0x3FD0];
	(tm) =	ssettm $0x1  }
0x91: {  	s18 =	sld [smem:$0x3FFB];
	_ =	sdelay $0x3  }
0x92: {  	_ =	strace s18  }
0x93: {  	s3 =	sld [smem:$0x3FFC];
	_ =	sdelay $0x3  }
0x94: {  	_ =	strace s3  }
0x95: {  	s3 =	sld [smem:$0x3FFD];
	_ =	sdelay $0x3  }
0x96: {  	_ =	strace s3  }
0x97: {  	_ =	strace $0x8FFFFFFF  }
0x98: {  	s19 =	sld [smem:$0x3FDB];
	_ =	sdelay $0x1  }
0x99: {  	s4 =	simm.s32 $_scs_section_size  }
0x9a: {  	s5 =	simm.s32 $_size__tile_overlayer_lowered;
	s6 =	simm.s32 $_tile_overlayer_lowered  }
0x9b: {  	s22 =	simm.s32 $0x1BFF;
	s21 =	sshll.u32 s6, $0x1;
	s3 =	sadd.s32 s4, s19  }
0x9c: {  	s7 =	simm.s32 $0x0;
	s20 =	sshll.u32 s5, $0x1;
	s5 =	sadd.s32 s21, s3  }
0x9d: {  	[timem:s7], [sflag:s22] =	dma.local [hbm:s5], s20  }
0x9e: {  	_ =	swait.ge [sflag:s22], s20  }
0x9f: {  	s4 =	ssub.s32 $0x0, s20;
	[sflag:s22] =	ssyncset.done $0x0  }
0xa0: {  	[sflag:s22] =	ssyncadd.s32 s4;
	_ =	sdelay $0x1  }
0xa1: {  	s23 =	simm.s32 $0x1B8B  }
0xa2: {  	_ =	swait.ge [sflag:s23], $0x1  }
0xa3: {  	[sflag:s23] =	ssyncset.done $0x0  }
0xa4: {  	s25 =	simm.s32 $0x1B8E;
	s24 =	sld [smem:$0x3FFE];
	[sflag:s23] =	ssyncadd.s32 $0xFFFFFFFF  }
0xa5: {  	s26 =	simm.s32 $execute0_lowered;
	[smem:$0x3FD2] =	sst s25  }
0xa6: {  	s5 =	sshll.u32 s26, $0x1;
	_ =	strace $0x80000046;
	[dreg:$0x1] =	wrdreg $0xFFFFFFFF  }
0xa7: {  	s28 =	simm.s32 $_size_execute0_lowered;
	s3 =	sadd.s32 s3, s5;
	[dreg:$0x0] =	wrdreg $0x0  }
0xa8: {  	s5 =	sshll.u32 s28, $0x1;
	[dreg:$0x2] =	wrdreg s3  }
0xa9: {  	[dreg:$0x3] =	wrdreg s5  }
0xaa: {  	[dreg:$0x4] =	wrdreg $0xC0  }
0xab: {  	_ =	task [dreg:s7], $0x5FFFF  }
0xac: {  	[dreg:$0x1] =	wrdreg $0xFFFFFFFF  }
0xad: {  	[dreg:$0x0] =	wrdreg $0x60  }
0xae: {  	[dreg:$0x2] =	wrdreg s24  }
0xaf: {  	[dreg:$0x3] =	wrdreg s2  }
0xb0: {  	[dreg:$0x4] =	wrdreg $0x9  }
0xb1: {  	_ =	task.clear_ibuf [dreg:s7], $0x5FFFF;
	_ =	strace $0x90000046  }
0xb2: {  	s29 =	simm.s32 $0x9;
	_ =	strace $0x80000048  }
0xb3: {  	_ =	swait.ge [sflag:s29], $0x1  }
0xb4: {  	[sflag:s29] =	ssyncadd.s32 $0xFFFFFFFF  }
0xb5: {  	_ =	strace $0x90000048  }
0xb6: {  	_ =	sfence  }
0xb7: {  	s30 =	sld [smem:$0x0];
	_ =	sdelay $0x2  }
0xb8: {  	s31 =	sshll.u32 s1, $0xD;
	s1 =	sshrl.u32 s1, $0x2  }
0xb9: {  	s3 =	sand.u32 $0x4000, s31;
	s1 =	sadd.s32 s1, s30  }
0xba: {  	s0 =	sor.u32 s3, s0;
	s1 =	sshll.u32 s1, $0x11  }
0xbb: {  	s0 =	sor.u32 s1, s0  }
0xbc: {  	s0 =	sadd.s32 $0x8F2B, s0  }
0xbd: {  	[sflag:s0] =	ssyncadd.remote.s32 $0x1  }
0xbe: {  	_ =	sfence.sel $0xFFFF  }
0xbf: {  	[dreg:$0x0] =	wrdreg $0xFFFFFFFF;
	(pc) =	sbr.abs _section_cstart, $3  }
0xc0: {  	[dreg:$0x1] =	wrdreg $0xFFFFFFFF  }
0xc1: {  	_ =	task.clear_ibuf [dreg:s7], $0x2FFFF;
	_ =	strace $0x9FFFFFFF  }
0xc2: {  	(tm) =	ssettm $0x7FFFFFFF  }
0xc3: {  	_ =	shalt  }
tec
execute0_lowered:
.L_overlay_start_1:
0x0: {  	(tag) =	ssettag $0x1  }
0x1: {  	s1 =	srdreg.scid;
	s4 =	rddreg [dreg:$0x0]  }
0x2: {  	s0 =	stileid.u32;
	s7 =	rddreg [dreg:$0x1]  }
0x3: {  	s2 =	simm.s32 $0x0;
	s13 =	simm.s32 $0xC380;
	s14 =	simm.s32 $0xC680  }
0x4: {  	s15 =	simm.s32 $0xC700;
	s16 =	simm.s32 $0xC800;
	s17 =	simm.s32 $0x0  }
0x5: {  	s6 =	sand.u32 $0x1, s1;
	s29 =	sshll.u32 s0, $0x1;
	s1 =	rddreg [dreg:$0x2]  }
0x6: {  	s8 =	sshrl.u32 s0, $0x2;
	[smem:$0x7FF] =	sst s2;
	s30 =	smul.u32 $0x186A0, s0  }
0x7: {  	s3 =	sor.u32 s6, s29;
	s9 =	smul.u32 $0x1800, s8;
	_ =	strace $0x80000047  }
0x8: {  	s8 =	sshll.u32 s8, $0xB;
	s10 =	ssub.s32 $0x2, s6;
	s31 =	smul.u32 $0xC350, s6  }
0x9: {  	s5 =	smul.u32 $0xC350, s3;
	s3 =	sshll.u32 s3, $0x7;
	s11 =	sshrl.u32 s10, $0x1  }
0xa: {  	s3 =	sand.u32 $0x380, s3;
	s10 =	ssub.s32 s10, s11;
	s11 =	simm.s32 $0x80  }
0xb: {  	s5 =	sshrl.u32 s5, $0x3;
	s9 =	sor.u32 s9, s3;
	s8 =	sor.u32 s8, s3  }
.Ltmp0:
0xc: {  	s3 =	sadd.s32 $0x32600, s4;
	s9 =	sshrl.u32 s9, $0x3;
	(pc) =	sbr.rel .LBB2_1-.Ltmp0, $4  }
0xd: {  	s5 =	sadd.s32 s5, s4;
	s8 =	sshrl.u32 s8, $0x3;
	s9 =	sadd.s32 s9, s4  }
0xe: {  	s12 =	sadd.s32 s8, s4;
	s4 =	sadd.s32 $0xC00, s5;
	s6 =	sadd.s32 s7, s8  }
0xf: {  	s8 =	smax.u32 s10, $0x1;
	s10 =	simm.s32 $0x1;
	s5 =	sadd.s32 $0x31A00, s9  }
0x10: {  	v0 =	vimm.f32 $0.0e+00;
	v1 =	vimm.s32 $0x0;
	s7 =	sadd.s32 $0x32800, s12;
	s9 =	sadd.s32 s31, s30;
	s12 =	simm.s32 $0x400  }
.LBB2_7:
0x11: {  	[hbm4b:s6+s11] =	stream.strided.scatter [tilespmem:s15], [sflag:$0x1], $0x100, s12, s11, $0x38;
	[tilespmem:$0xC900] =	vst v63  }
0x12: {  	s17 =	sadd.s32 $0x1, s17;
	_ =	swait.ge [sflag:s10], $0x100  }
0x13: {  	p0 =	sne.s32 s17, s8;
	[sflag:s10] =	ssyncset.done $0x0  }
.Ltmp1:
0x14: {  	[sflag:s10] =	ssyncadd.s32 $0xFFFFFF00;
	(pc) =	sbr.rel @!p0 .LBB2_8-.Ltmp1, $4  }
0x15: {  	[hbm4b:s7+s11] =	stream.strided.scatter [tilespmem:s16], [sflag:$0x1], $0x100, s12, s11, $0x38;
	[tilespmem:$0xC900] =	vst v63  }
0x16: {  	_ =	swait.ge [sflag:s10], $0x100  }
0x17: {  	[sflag:s10] =	ssyncset.done $0x0  }
0x18: {  	[sflag:s10] =	ssyncadd.s32 $0xFFFFFF00  }
.LBB2_1:
0x19: {  	[tilespmem:s2], [sflag:$0x1] =	stream.linear.gather [hbm4b:s4+s2], $0xC350, $0x38;
	[tilespmem:$0xC900] =	vst v63  }
0x1a: {  	_ =	swait.ge [sflag:s10], $0xC350  }
0x1b: {  	[sflag:s10] =	ssyncset.done $0x0  }
0x1c: {  	[sflag:s10] =	ssyncadd.s32 $0xFFFF3CB0  }
0x1d: {  	[tilespmem:s13], [sflag:$0x1] =	stream.strided.gather [hbm4b:s5+s11], $0x300, s12, s11, $0x38;
	[tilespmem:$0xC900] =	vst v63  }
0x1e: {  	_ =	swait.ge [sflag:s10], $0x300  }
0x1f: {  	[sflag:s10] =	ssyncset.done $0x0  }
0x20: {  	[sflag:s10] =	ssyncadd.s32 $0xFFFFFD00  }
0x21: {  	[tilespmem:s14], [sflag:$0x1] =	stream.linear.gather [hbm4b:s3+s2], $0x80, $0x38;
	[tilespmem:$0xC900] =	vst v63  }
0x22: {  	_ =	swait.ge [sflag:s10], $0x80  }
0x23: {  	[sflag:s10] =	ssyncset.done $0x0  }
0x24: {  	[sflag:s10] =	ssyncadd.s32 $0xFFFFFF80  }
0x25: {  	[tilespmem:$0xC700] =	vst v0  }
0x26: {  	[tilespmem:$0xC800] =	vst v1  }
0x27: {  	[tilespmem:$0xC710] =	vst v0  }
0x28: {  	[tilespmem:$0xC810] =	vst v1  }
0x29: {  	[tilespmem:$0xC720] =	vst v0  }
0x2a: {  	[tilespmem:$0xC820] =	vst v1  }
0x2b: {  	[tilespmem:$0xC730] =	vst v0  }
0x2c: {  	[tilespmem:$0xC830] =	vst v1  }
0x2d: {  	[tilespmem:$0xC740] =	vst v0  }
0x2e: {  	[tilespmem:$0xC840] =	vst v1  }
0x2f: {  	[tilespmem:$0xC750] =	vst v0  }
0x30: {  	v2 =	vld [tilespmem:$0xC680];
	[tilespmem:$0xC850] =	vst v1  }
0x31: {  	[tilespmem:$0xC760] =	vst v0  }
0x32: {  	[tilespmem:$0xC860] =	vst v1  }
0x33: {  	[tilespmem:$0xC770] =	vst v0  }
0x34: {  	[tilespmem:$0xC870] =	vst v1  }
0x35: {  	[tilespmem:$0xC780] =	vst v0;
	(v2sf) =	vpush v2, $0x0  }
0x36: {  	[tilespmem:$0xC880] =	vst v1  }
0x37: {  	[tilespmem:$0xC790] =	vst v0  }
0x38: {  	[tilespmem:$0xC890] =	vst v1  }
0x39: {  	[tilespmem:$0xC7A0] =	vst v0  }
0x3a: {  	[tilespmem:$0xC8A0] =	vst v1  }
0x3b: {  	[tilespmem:$0xC7B0] =	vst v0  }
0x3c: {  	[tilespmem:$0xC8B0] =	vst v1  }
0x3d: {  	[tilespmem:$0xC7C0] =	vst v0  }
0x3e: {  	[tilespmem:$0xC8C0] =	vst v1  }
0x3f: {  	[tilespmem:$0xC7D0] =	vst v0  }
.Ltmp2:
0x40: {  	[tilespmem:$0xC8D0] =	vst v1;
	(pc) =	sbr.rel .LBB2_2-.Ltmp2, $4  }
0x41: {  	[tilespmem:$0xC7E0] =	vst v0  }
0x42: {  	[tilespmem:$0xC8E0] =	vst v1  }
0x43: {  	s19 =	smov.u32 s9;
	s20 =	simm.s32 $0x0;
	[tilespmem:$0xC7F0] =	vst v0  }
0x44: {  	s22 =	simm.s32 $0x0;
	s21 =	simm.s32 $0x0;
	[tilespmem:$0xC8F0] =	vst v1;
	s18 =	spop (v2sf)  }
.LBB2_6:
0x45: {  	s21 =	sadd.s32 $0x1, s21  }
0x46: {  	p0 =	sne.s32 s21, $0x271  }
.Ltmp3:
0x47: {  	_ = 	snop;
	(pc) =	sbr.rel @!p0 .LBB2_7-.Ltmp3, $2  }
0x48: {  	_ =	sdelay $0x2  }
0x49: {  	s20 =	sadd.s32 $0x50, s20;
	s19 =	sadd.s32 $0x50, s19  }
.LBB2_2:
0x4a: {  	v3 =	vld [tilespmem:s21+$0xC380];
	_ =	sdelay $0x4  }
0x4b: {  	(v2sf) =	vpush v3, $0x0;
	_ =	sdelay $0xe  }
0x4c: {  	s23 =	spop (v2sf)  }
0x4d: {  	p0 =	sgt.f32 s23, s18  }
.Ltmp4:
0x4e: {  	_ = 	snop;
	(pc) =	sbr.rel @!p0 .LBB2_6-.Ltmp4, $2  }
0x4f: {  	_ =	sdelay $0x2  }
0x50: {  	[smem:$0x0] =	sst s22  }
0x51: {  	s23 =	sadd.s32 $0x0, s20  }
0x52: {  	v5 =	vld [tilespmem:s23+$0x0];
	_ =	sdelay $0x4  }
0x53: {  	vm0 =	vgt.f32 v5, v2  }
0x54: {  	v3 =	vsel vm0, $0x1, v1  }
0x55: {  	(xrf0) =	vadd.scan.msk.s32 $0xffff, v3;
	_ =	sdelay $0x5  }
0x56: {  	v3, _, _ =	vpop (xrf0)  }
0x57: {  	(v2sf) =	vpush v3, $0xF;
	_ =	sdelay $0xe  }
0x58: {  	p0 =	sgt.s32 s22, $0xEF;
	s23 =	spop (v2sf)  }
0x59: {  	p1 =	slt.s32 @!p0 s23, $0x1  }
0x5a: {  	p1 =	por p1, p0  }
0x5b: {  	v4 =	vmov @!p1 s22  }
0x5c: {  	v4 =	vadd.s32 @!p1 $0xFFFFFFFF, v4  }
0x5d: {  	v4 =	vbroadcast @!p1 v4, $0x0  }
0x5e: {  	vm0 =	vgt.f32 @!p1 v5, v2  }
0x5f: {  	v3 =	vadd.s32 @!p1 v3, v4;
	_ =	sdelay $0x1  }
0x60: {  	p0 =	slt.s32 s22, $0xF0  }
0x61: {  	s25 =	simm.s32 $0x80;
	s23 =	simm.s32 @!p0 $0x0  }
0x62: {  	s26 =	simm.s32 $0x10;
	s22 =	sadd.s32 s22, s23;
	s23 =	simm.s32 @!p1 $0xC700;
	v4 =	vlaneseq.u32 @!p1  }
0x63: {  	s28 =	simm.s32 @!p1 $0xC800;
	s24 =	smov.u32 s22;
	v4 =	vor.u32 @!p1 s19, v4;
	[tilespmem:v3+s23+$0x0] =	vst.idx.msk @!p1 vm0, v5;
	s23 =	smov.u32 s19  }
.LBB2_4:
0x64: {  	s29 =	sadd.s32 s26, s20  }
0x65: {  	[tilespmem:v3+s28+$0x0] =	vst.idx.msk @!p1 vm0, v4;
	s23 =	sadd.s32 $0x10, s23;
	s26 =	smov.u32 s25;
	s25 =	sadd.s32 $0x40, s25  }
0x66: {  	p0 =	sne.s32 s25, $0x140;
	v5 =	vld [tilespmem:s29+$0x0];
	_ =	sdelay $0x4  }
0x67: {  	vm0 =	vgt.f32 v5, v2  }
0x68: {  	v3 =	vsel vm0, $0x1, v1  }
0x69: {  	(xrf0) =	vadd.scan.msk.s32 $0xffff, v3;
	_ =	sdelay $0x5  }
0x6a: {  	v3, _, _ =	vpop (xrf0)  }
0x6b: {  	(v2sf) =	vpush v3, $0xF;
	_ =	sdelay $0xe  }
0x6c: {  	p1 =	sgt.s32 s22, $0xEF;
	p2 =	slt.s32 s22, $0xF0;
	s28 =	spop (v2sf)  }
0x6d: {  	p3 =	slt.s32 @!p1 s28, $0x1;
	s28 =	simm.s32 @!p2 $0x0  }
0x6e: {  	p1 =	por p3, p1;
	s22 =	sadd.s32 s22, s28  }
0x6f: {  	v4 =	vmov @!p1 s24;
	v6 =	vlaneseq.u32 @!p1;
	s24 =	smov.u32 s22  }
0x70: {  	v7 =	vadd.s32 @!p1 $0xFFFFFFFF, v4;
	v4 =	vor.u32 @!p1 s23, v6  }
0x71: {  	v6 =	vbroadcast @!p1 v7, $0x0  }
0x72: {  	vm0 =	vgt.f32 @!p1 v5, v2  }
0x73: {  	v3 =	vadd.s32 @!p1 v3, v6  }
.Ltmp5:
0x74: {  	(pc) =	sbr.rel @p0 .LBB2_4-.Ltmp5, $3  }
0x75: {  	_ =	sdelay $0x1  }
0x76: {  	s28 =	simm.s32 @!p1 $0xC700  }
0x77: {  	s26 =	sshra.s32 s26, $0x2;
	[tilespmem:v3+s28+$0x0] =	vst.idx.msk @!p1 vm0, v5;
	s28 =	simm.s32 @!p1 $0xC800  }
0x78: {  	_ =	sdelay $0x4  }
0x79: {  	s25 =	sadd.s32 s26, s20;
	[tilespmem:v3+s28+$0x0] =	vst.idx.msk @!p1 vm0, v4  }
0x7a: {  	v3 =	vld [tilespmem:s25+$0x0];
	_ =	sdelay $0x4  }
0x7b: {  	vm15 =	vgt.f32 v3, v2  }
0x7c: {  	v63 =	vsel vm15, $0x1, v1  }
0x7d: {  	(xrf0) =	vadd.scan.msk.s32 $0xffff, v63;
	_ =	sdelay $0x5  }
0x7e: {  	v4, _, _ =	vpop (xrf0)  }
0x7f: {  	(v2sf) =	vpush v4, $0xF;
	_ =	sdelay $0xe  }
0x80: {  	p0 =	sgt.s32 s22, $0xEF;
	s25 =	spop (v2sf)  }
0x81: {  	p1 =	slt.s32 @!p0 s25, $0x1  }
0x82: {  	p0 =	por p1, p0  }
0x83: {  	v5 =	vmov @!p0 s24  }
0x84: {  	v5 =	vadd.s32 @!p0 $0xFFFFFFFF, v5  }
0x85: {  	v5 =	vbroadcast @!p0 v5, $0x0  }
0x86: {  	vm0 =	vgt.f32 @!p0 v3, v2  }
0x87: {  	v4 =	vadd.s32 @!p0 v4, v5;
	_ =	sdelay $0x1  }
.Ltmp6:
0x88: {  	_ = 	snop;
	(pc) =	sbr.rel .LBB2_6-.Ltmp6, $4  }
0x89: {  	p1 =	slt.s32 s22, $0xF0  }
0x8a: {  	s23 =	sadd.s32 $0x10, s23;
	s25 =	simm.s32 @!p1 $0x0;
	s24 =	simm.s32 @!p0 $0xC700;
	v5 =	vlaneseq.u32 @!p0  }
0x8b: {  	s22 =	sadd.s32 s22, s25;
	v5 =	vor.u32 @!p0 s23, v5;
	s23 =	simm.s32 @!p0 $0xC800;
	[tilespmem:v4+s24+$0x0] =	vst.idx.msk @!p0 vm0, v3  }
0x8c: {  	[smem:$0x0] =	sst s22;
	[tilespmem:v4+s23+$0x0] =	vst.idx.msk @!p0 vm0, v5  }
.LBB2_8:
0x8d: {  	_ =	sfence.sel $0x180000  }
0x8e: {  	[bflag:$0x0] =	sbarrier.arrive $0xFFFF  }
0x8f: {  	p0 =	sne.s32 s0, $0x0;
	_ =	strace $0x90000047  }
0x90: {  	s0 =	sadd.s32 @!p0 $0x100000, s1;
	[bflag:$0x2] =	sbarrier.arrive $0xFFFF  }
0x91: {  	[sflag:s0] =	ssyncadd.tile.s32 @!p0 $0x1;
	_ =	shalt  }
.Lfunc_end2:
_tile_overlayer_lowered:
.L_overlay_start_2:
0x92: {  	(tag) =	ssettag $0x2  }
0x93: {  	s0 =	rddreg [dreg:$0x0];
	s2 =	stileid.u32  }
0x94: {  	s1 =	rddreg [dreg:$0x1];
	p0 =	sne.s32 s2, $0x0  }
0x95: {  	s3 =	rddreg [dreg:$0x2];
	[bflag:$0x3] =	sbarrier.arrive $0xFFFF;
	s2 =	simm.s32 @!p0 $0x1C01  }
0x96: {  	[timem:s3], [sflag:s2] =	dma.local @!p0 [hbm:s0], s1  }
0x97: {  	s0 =	simm.s32 @!p0 $0x1  }
0x98: {  	_ =	swait.ge @!p0 [sflag:s0], s1  }
0x99: {  	s1 =	ssub.s32 @!p0 $0x0, s1;
	[sflag:s0] =	ssyncset.done @!p0 $0x0  }
0x9a: {  	[sflag:s0] =	ssyncadd.s32 @!p0 s1  }
0x9b: {  	[bflag:$0x3] =	sbarrier.arrive $0xFFFF  }
0x9c: {  	_ =	shalt  }

</sc_bundles>
